<compile_context>
chip_gen: v7x
topology: tpu7x:2x2x1
jax: 0.10.2.dev20260603
libtpu: 0.0.44.dev20260713+nightly
codegen_flags: <defaults>
</compile_context>

<pallas_src>
import functools

import jax
import jax.numpy as jnp
import numpy as np
from jax import lax
from jax.experimental import pallas as pl
from jax.experimental.pallas import tpu as pltpu
from jax.experimental.pallas import tpu_sc as plsc

B = 32
P = 1024
_BN = np.float32(1.0 / np.sqrt(1.0 + 1e-5))
_R2_1 = np.float32(np.float64(0.2) * np.float64(0.2))
_R2_2 = np.float32(np.float64(0.4) * np.float64(0.4))


def _relu_bn(x):
    return jnp.maximum(x, 0.0) * _BN


_L = 16


def _fps_level(pn, npoint, xv, yv, zv, dv, cxv, cyv, czv):
    nchunk = pn // _L
    lane = lax.broadcasted_iota(jnp.int32, (_L,), 0)
    m0 = lane == 0
    zero = jnp.zeros((_L,), jnp.int32)
    for j in range(nchunk):
        dv[pl.ds(_L * j, _L)] = jnp.full((_L,), 1e10, jnp.float32)

    lx0 = plsc.load_gather(xv, [zero])
    ly0 = plsc.load_gather(yv, [zero])
    lz0 = plsc.load_gather(zv, [zero])
    plsc.store_scatter(cxv, [zero], lx0, mask=m0)
    plsc.store_scatter(cyv, [zero], ly0, mask=m0)
    plsc.store_scatter(czv, [zero], lz0, mask=m0)

    def outer(i, st):
        lxv, lyv, lzv = st
        vmax = jnp.full((_L,), -1.0, jnp.float32)
        vidx = jnp.zeros((_L,), jnp.int32)
        for j in range(nchunk):
            sl = pl.ds(_L * j, _L)
            dx = xv[sl] - lxv
            dy = yv[sl] - lyv
            dz = zv[sl] - lzv
            dd = (dx * dx + dy * dy) + dz * dz
            dn = jnp.minimum(dv[sl], dd)
            dv[sl] = dn
            better = dn > vmax
            vmax = jnp.where(better, dn, vmax)
            vidx = jnp.where(better, lane + _L * j, vidx)
        gm = jnp.max(vmax)
        biv = jnp.full((_L,), jnp.min(jnp.where(vmax == gm, vidx, pn)))
        nlx = plsc.load_gather(xv, [biv])
        nly = plsc.load_gather(yv, [biv])
        nlz = plsc.load_gather(zv, [biv])
        iv = jnp.full((_L,), i)
        plsc.store_scatter(cxv, [iv], nlx, mask=m0)
        plsc.store_scatter(cyv, [iv], nly, mask=m0)
        plsc.store_scatter(czv, [iv], nlz, mask=m0)
        return nlx, nly, nlz

    lax.fori_loop(1, npoint, outer, (lx0, ly0, lz0))


def _sc_fps_body(pn, n1, n2, x_hbm, y_hbm, z_hbm,
                 o1x_hbm, o1y_hbm, o1z_hbm, o2x_hbm, o2y_hbm, o2z_hbm,
                 xv, yv, zv, dv, c1x, c1y, c1z, d2v, c2x, c2y, c2z):
    wid = lax.axis_index("s") * 2 + lax.axis_index("c")
    pltpu.sync_copy(x_hbm.at[wid], xv)
    pltpu.sync_copy(y_hbm.at[wid], yv)
    pltpu.sync_copy(z_hbm.at[wid], zv)

    _fps_level(pn, n1, xv, yv, zv, dv, c1x, c1y, c1z)
    _fps_level(n1, n2, c1x, c1y, c1z, d2v, c2x, c2y, c2z)

    pltpu.sync_copy(c1x, o1x_hbm.at[wid])
    pltpu.sync_copy(c1y, o1y_hbm.at[wid])
    pltpu.sync_copy(c1z, o1z_hbm.at[wid])
    pltpu.sync_copy(c2x, o2x_hbm.at[wid])
    pltpu.sync_copy(c2y, o2y_hbm.at[wid])
    pltpu.sync_copy(c2z, o2z_hbm.at[wid])


def _fps2(x, y, z, n1, n2):
    pn = x.shape[1]
    out1 = jax.ShapeDtypeStruct((B, n1), jnp.float32)
    out2 = jax.ShapeDtypeStruct((B, n2), jnp.float32)
    mesh = plsc.VectorSubcoreMesh(core_axis_name="c", subcore_axis_name="s")
    fn = pl.kernel(
        functools.partial(_sc_fps_body, pn, n1, n2),
        out_type=(out1, out1, out1, out2, out2, out2),
        mesh=mesh,
        compiler_params=pltpu.CompilerParams(needs_layout_passes=False),
        scratch_types=[
            pltpu.VMEM((pn,), jnp.float32),
            pltpu.VMEM((pn,), jnp.float32),
            pltpu.VMEM((pn,), jnp.float32),
            pltpu.VMEM((pn,), jnp.float32),
            pltpu.VMEM((n1,), jnp.float32),
            pltpu.VMEM((n1,), jnp.float32),
            pltpu.VMEM((n1,), jnp.float32),
            pltpu.VMEM((n1,), jnp.float32),
            pltpu.VMEM((n2,), jnp.float32),
            pltpu.VMEM((n2,), jnp.float32),
            pltpu.VMEM((n2,), jnp.float32),
        ],
    )
    return fn(x, y, z)


def _sa_body(nc, pn, ns, r2, prow_ref, gfeat_ref, cmat_ref, lt_ref,
             wg_ref, wc_ref, b1_ref, w2_ref, b2_ref, w3_ref, b3_ref, out_ref):
    px = prow_ref[0, 0:1, :]
    py = prow_ref[0, 1:2, :]
    pz = prow_ref[0, 2:3, :]
    cm = cmat_ref[0]
    cx = cm[:, 0:1]
    cy = cm[:, 1:2]
    cz = cm[:, 2:3]
    d2 = ((cx - px) ** 2 + (cy - py) ** 2) + (cz - pz) ** 2
    mask = jnp.where(d2 <= r2, 1.0, 0.0)
    rank = jnp.dot(mask, lt_ref[...], preferred_element_type=jnp.float32)
    mrank = rank * mask
    count = rank[:, pn - 1 : pn]

    g_tab = jnp.dot(gfeat_ref[0], wg_ref[...],
                    preferred_element_type=jnp.float32)
    f1 = g_tab.shape[1]

    riota = lax.broadcasted_iota(jnp.int32, (1, ns, 1), 1).astype(
        jnp.float32) + 1.0
    sel = jnp.where(mrank[:, None, :] == riota, 1.0, 0.0)
    gath = jnp.dot(sel.reshape(nc * ns, pn), g_tab,
                   preferred_element_type=jnp.float32)
    g3 = gath.reshape(nc, ns, f1)
    slot = lax.broadcasted_iota(jnp.int32, (nc, ns, 1), 1).astype(jnp.float32)
    g3 = jnp.where(slot < count[:, :, None], g3, g3[:, 0:1, :])

    cc = jnp.dot(cm, wc_ref[...], preferred_element_type=jnp.float32)
    h = _relu_bn(g3 - cc[:, None, :] + b1_ref[...][None])
    h = h.reshape(nc * ns, f1)
    h = _relu_bn(jnp.dot(h, w2_ref[...],
                         preferred_element_type=jnp.float32) + b2_ref[...])
    h = _relu_bn(jnp.dot(h, w3_ref[...],
                         preferred_element_type=jnp.float32) + b3_ref[...])
    f3 = h.shape[1]
    out_ref[0] = jnp.max(h.reshape(nc, ns, f3), axis=1)


def _sa_call(prow, gfeat, cmat, lt, wg, wc, b1, w2, b2, w3, b3,
             nc_block, ns, r2):
    b, pn, cg = gfeat.shape
    ncent = cmat.shape[1]
    nblk = ncent // nc_block
    f3 = w3.shape[1]
    grid = (b, nblk)
    return pl.pallas_call(
        functools.partial(_sa_body, nc_block, pn, ns, r2),
        grid=grid,
        in_specs=[
            pl.BlockSpec((1, 3, pn), lambda i, j: (i, 0, 0)),
            pl.BlockSpec((1, pn, cg), lambda i, j: (i, 0, 0)),
            pl.BlockSpec((1, nc_block, 8), lambda i, j: (i, j, 0)),
            pl.BlockSpec((pn, pn), lambda i, j: (0, 0)),
            pl.BlockSpec(wg.shape, lambda i, j: (0, 0)),
            pl.BlockSpec(wc.shape, lambda i, j: (0, 0)),
            pl.BlockSpec(b1.shape, lambda i, j: (0, 0)),
            pl.BlockSpec(w2.shape, lambda i, j: (0, 0)),
            pl.BlockSpec(b2.shape, lambda i, j: (0, 0)),
            pl.BlockSpec(w3.shape, lambda i, j: (0, 0)),
            pl.BlockSpec(b3.shape, lambda i, j: (0, 0)),
        ],
        out_specs=pl.BlockSpec((1, nc_block, f3), lambda i, j: (i, j, 0)),
        out_shape=jax.ShapeDtypeStruct((b, ncent, f3), jnp.float32),
    )(prow, gfeat, cmat, lt, wg, wc, b1, w2, b2, w3, b3)


def _sa3_body(wx_ref, wr_ref, b1_ref, w2_ref, b2_ref, w3_ref, b3_ref,
              x2_ref, cmat_ref, out_ref):
    h = jnp.dot(x2_ref[0], wx_ref[...], preferred_element_type=jnp.float32)
    h = h + jnp.dot(cmat_ref[0], wr_ref[...],
                    preferred_element_type=jnp.float32)
    h = _relu_bn(h + b1_ref[...])
    h = _relu_bn(jnp.dot(h, w2_ref[...],
                         preferred_element_type=jnp.float32) + b2_ref[...])
    h = _relu_bn(jnp.dot(h, w3_ref[...],
                         preferred_element_type=jnp.float32) + b3_ref[...])
    out_ref[0] = jnp.max(h, axis=0, keepdims=True)


def _sa3_call(x2, cmat, wx, wr, b1, w2, b2, w3, b3):
    b, n2, _ = x2.shape
    return pl.pallas_call(
        _sa3_body,
        grid=(b,),
        in_specs=[
            pl.BlockSpec(wx.shape, lambda i: (0, 0)),
            pl.BlockSpec(wr.shape, lambda i: (0, 0)),
            pl.BlockSpec(b1.shape, lambda i: (0, 0)),
            pl.BlockSpec(w2.shape, lambda i: (0, 0)),
            pl.BlockSpec(b2.shape, lambda i: (0, 0)),
            pl.BlockSpec(w3.shape, lambda i: (0, 0)),
            pl.BlockSpec(b3.shape, lambda i: (0, 0)),
            pl.BlockSpec((1, n2, x2.shape[2]), lambda i: (i, 0, 0)),
            pl.BlockSpec((1, n2, 8), lambda i: (i, 0, 0)),
        ],
        out_specs=pl.BlockSpec((1, 1, 1024), lambda i: (i, 0, 0)),
        out_shape=jax.ShapeDtypeStruct((b, 1, 1024), jnp.float32),
    )(wx, wr, b1, w2, b2, w3, b3, x2, cmat)


def _head_body(g_ref, w1_ref, b1_ref, w2_ref, b2_ref, w3_ref, b3_ref,
               out_ref):
    h = jnp.maximum((jnp.dot(g_ref[...], w1_ref[...],
                             preferred_element_type=jnp.float32)
                     + b1_ref[...]) * _BN, 0.0)
    h = jnp.maximum((jnp.dot(h, w2_ref[...],
                             preferred_element_type=jnp.float32)
                     + b2_ref[...]) * _BN, 0.0)
    z = jnp.dot(h, w3_ref[...], preferred_element_type=jnp.float32) + b3_ref[...]
    m = jnp.max(z, axis=1, keepdims=True)
    s = z - m
    out_ref[...] = s - jnp.log(jnp.sum(jnp.exp(s), axis=1, keepdims=True))


def _head_call(g, w1, b1, w2, b2, w3, b3):
    return pl.pallas_call(
        _head_body,
        out_shape=jax.ShapeDtypeStruct((B, w3.shape[1]), jnp.float32),
    )(g, w1, b1, w2, b2, w3, b3)


def _pad_k(w):
    return jnp.concatenate([w, jnp.zeros((8 - w.shape[0], w.shape[1]),
                                         w.dtype)], axis=0)


def kernel(pos, batch, params):
    p0 = pos.reshape(B, P, 3)
    x0 = p0[:, :, 0]
    y0 = p0[:, :, 1]
    z0 = p0[:, :, 2]

    cx1, cy1, cz1, cx2, cy2, cz2 = _fps2(x0, y0, z0, 512, 128)
    cent1 = jnp.stack([cx1, cy1, cz1], axis=-1)

    prow = jnp.transpose(p0, (0, 2, 1))
    pmat = jnp.concatenate([p0, jnp.zeros((B, P, 5), jnp.float32)], axis=-1)
    cmat1 = jnp.concatenate([cent1, jnp.zeros((B, 512, 5), jnp.float32)],
                            axis=-1)
    lt1 = (jnp.arange(P)[:, None] <= jnp.arange(P)[None, :]).astype(
        jnp.float32)

    (w1a, b1a), (w1b, b1b), (w1c, b1c) = params["sa1"]
    x1 = _sa_call(prow, pmat, cmat1, lt1,
                  _pad_k(w1a), _pad_k(w1a),
                  b1a[None], w1b, b1b[None], w1c, b1c[None],
                  nc_block=512, ns=32, r2=_R2_1)

    cent2 = jnp.stack([cx2, cy2, cz2], axis=-1)
    cmat2 = jnp.concatenate([cent2, jnp.zeros((B, 128, 5), jnp.float32)],
                            axis=-1)
    p1row = jnp.stack([cx1, cy1, cz1], axis=1)
    lt2 = (jnp.arange(512)[:, None] <= jnp.arange(512)[None, :]).astype(
        jnp.float32)

    (w2a, b2a), (w2b, b2b), (w2c, b2c) = params["sa2"]
    wx2 = w2a[:128]
    wr2 = _pad_k(w2a[128:])
    gfeat2 = jnp.concatenate([x1, cmat1], axis=-1)
    wg2 = jnp.concatenate([wx2, wr2], axis=0)
    x2 = _sa_call(p1row, gfeat2, cmat2, lt2,
                  wg2, wr2,
                  b2a[None], w2b, b2b[None], w2c, b2c[None],
                  nc_block=128, ns=64, r2=_R2_2)

    (w3a, b3a), (w3b, b3b), (w3c, b3c) = params["sa3"]
    wx3 = w3a[:256]
    wr3 = _pad_k(w3a[256:])
    g = _sa3_call(x2, cmat2, wx3, wr3, b3a[None], w3b, b3b[None],
                  w3c, b3c[None]).reshape(B, 1024)

    (wl1, bl1) = params["lin1"][0]
    (wl2, bl2) = params["lin2"][0]
    (wl3, bl3) = params["lin3"][0]
    return _head_call(g, wl1, bl1[None], wl2, bl2[None], wl3, bl3[None])

# --- scband reference (transcript-rebuilt; emitter-appended) ---
"""Pipeline reference for scband-point-net2-class-31542239822578 (READ-ONLY COPY).

The authoritative reference and input builder live on the scoring server;
editing this copy changes nothing except your own understanding.
"""

import jax, jax.numpy as jnp
import numpy as np

B = 32
P = 1024
NUM_CLASSES = 40
_BN = 1.0 / np.sqrt(1.0 + 1e-5)  # BatchNorm in eval mode with default running stats (mean=0, var=1, affine=identity)


def _mlp_params(key, dims):
    ps = []
    for i in range(len(dims) - 1):
        key, k1 = jax.random.split(key)
        W = jax.random.normal(k1, (dims[i], dims[i + 1]), dtype=jnp.float32) / np.sqrt(dims[i])
        ps.append((W, jnp.zeros((dims[i + 1],), jnp.float32)))
    return key, ps


def setup_inputs(seed: int = 0):
    key = jax.random.key(seed)
    key, kp = jax.random.split(key)
    pos = jax.random.uniform(kp, (B * P, 3), dtype=jnp.float32) - 0.5
    batch = jnp.repeat(jnp.arange(B), P)
    key, ps1 = _mlp_params(key, [3, 64, 64, 128])
    key, ps2 = _mlp_params(key, [128 + 3, 128, 128, 256])
    key, ps3 = _mlp_params(key, [256 + 3, 256, 512, 1024])
    key, l1 = _mlp_params(key, [1024, 512])
    key, l2 = _mlp_params(key, [512, 256])
    key, l3 = _mlp_params(key, [256, NUM_CLASSES])
    params = {"sa1": ps1, "sa2": ps2, "sa3": ps3, "lin1": l1, "lin2": l2, "lin3": l3}
    return {"pos": pos, "batch": batch, "params": params}


def _fps(pos, npoint):
    Pn = pos.shape[0]

    def body(i, st):
        d, ix = st
        last = pos[ix[i - 1]]
        d = jnp.minimum(d, jnp.sum((pos - last) ** 2, axis=1))
        ix = ix.at[i].set(jnp.argmax(d).astype(jnp.int32))
        return d, ix

    d0 = jnp.full((Pn,), 1e10, jnp.float32)
    ix0 = jnp.zeros((npoint,), jnp.int32)
    _, ix = jax.lax.fori_loop(1, npoint, body, (d0, ix0))
    return ix


def _ball(cent, pos, radius, ns):
    Pn = pos.shape[0]
    d2 = jnp.sum((cent[:, None, :] - pos[None, :, :]) ** 2, axis=-1)
    cand = jnp.where(d2 <= radius * radius, jnp.arange(Pn)[None, :], Pn)
    idx = jnp.sort(cand, axis=1)[:, :ns]
    return jnp.where(idx >= Pn, idx[:, :1], idx)


def _mlp(x, ps):
    for W, b in ps:
        x = jax.nn.relu(x @ W + b) * _BN
    return x


def _sa(x, pos, npoint, radius, ns, ps):
    fi = _fps(pos, npoint)
    cent = pos[fi]
    ni = _ball(cent, pos, radius, ns)
    rel = pos[ni] - cent[:, None, :]
    feat = rel if x is None else jnp.concatenate([x[ni], rel], axis=-1)
    return jnp.max(_mlp(feat, ps), axis=1), cent


def _forward(pos, params):
    p0 = pos.reshape(B, P, 3)
    x1, p1 = jax.vmap(lambda p: _sa(None, p, 512, 0.2, 32, params["sa1"]))(p0)
    x2, p2 = jax.vmap(lambda x, p: _sa(x, p, 128, 0.4, 64, params["sa2"]))(x1, p1)
    g = jnp.max(_mlp(jnp.concatenate([x2, p2], axis=-1), params["sa3"]), axis=1)
    W1, b1 = params["lin1"][0]
    W2, b2 = params["lin2"][0]
    W3, b3 = params["lin3"][0]
    h = jax.nn.relu((g @ W1 + b1) * _BN)
    h = jax.nn.relu((h @ W2 + b2) * _BN)
    return jax.nn.log_softmax(h @ W3 + b3, axis=-1)


def reference(pos, batch, params):
    return _forward(pos, params)

if __name__ == "__main__":
    import jax
    _d = setup_inputs()
    print(jax.jit(kernel)(*tuple(_d.values())))

</pallas_src>

<mosaic_0001>
#map = affine_map<(d0, d1) -> (0, 0)>
module attributes {stable_mosaic.version = 14 : i64} {
  func.func @_sc_fps_body(%arg0: i32, %arg1: i32, %arg2: memref<32x1024xf32, #tpu.memory_space<hbm>>, %arg3: memref<32x1024xf32, #tpu.memory_space<hbm>>, %arg4: memref<32x1024xf32, #tpu.memory_space<hbm>>, %arg5: memref<32x512xf32, #tpu.memory_space<hbm>>, %arg6: memref<32x512xf32, #tpu.memory_space<hbm>>, %arg7: memref<32x512xf32, #tpu.memory_space<hbm>>, %arg8: memref<32x128xf32, #tpu.memory_space<hbm>>, %arg9: memref<32x128xf32, #tpu.memory_space<hbm>>, %arg10: memref<32x128xf32, #tpu.memory_space<hbm>>, %arg11: memref<1024xf32, #tpu.memory_space<vmem>>, %arg12: memref<1024xf32, #tpu.memory_space<vmem>>, %arg13: memref<1024xf32, #tpu.memory_space<vmem>>, %arg14: memref<1024xf32, #tpu.memory_space<vmem>>, %arg15: memref<512xf32, #tpu.memory_space<vmem>>, %arg16: memref<512xf32, #tpu.memory_space<vmem>>, %arg17: memref<512xf32, #tpu.memory_space<vmem>>, %arg18: memref<512xf32, #tpu.memory_space<vmem>>, %arg19: memref<128xf32, #tpu.memory_space<vmem>>, %arg20: memref<128xf32, #tpu.memory_space<vmem>>, %arg21: memref<128xf32, #tpu.memory_space<vmem>>) attributes {dimension_semantics = [#tpu.dimension_semantics<core_parallel>, #tpu.dimension_semantics<subcore_parallel>], iteration_bounds = array<i64: 2, 16>, scalar_prefetch = 0 : i64, scratch_operands = 11 : i64, tpu.core_type = #tpu.core_type<sc_vector_subcore>, window_params = [{transform_indices = #map}, {transform_indices = #map}, {transform_indices = #map}, {transform_indices = #map}, {transform_indices = #map}, {transform_indices = #map}, {transform_indices = #map}, {transform_indices = #map}, {transform_indices = #map}]} {
    %mul3A = arith.constant 2 : i32
    %mul3A_0 = arith.muli %arg1, %mul3A : i32
    %add3A = arith.addi %mul3A_0, %arg0 : i32
    "tpu.region"() ({
      %run_scoped3A = tpu.sem_alloc : memref<!tpu.dma_semaphore, #tpu.memory_space<semaphore_mem>>
      %dma_start3A = arith.constant 0 : i32
      %dma_start3A_409 = tpu.memref_slice %arg2[%add3A, %dma_start3A] : memref<32x1024xf32, #tpu.memory_space<hbm>> -> memref<1x1024xf32, #tpu.memory_space<hbm>>
      %dma_start3A_410 = tpu.memref_squeeze %dma_start3A_409 : memref<1x1024xf32, #tpu.memory_space<hbm>> -> memref<1024xf32, #tpu.memory_space<hbm>>
      %dma_start3A_411 = arith.constant 0 : i32
      %dma_start3A_412 = tpu.memref_slice %arg2[%add3A, %dma_start3A_411] : memref<32x1024xf32, #tpu.memory_space<hbm>> -> memref<1x1024xf32, #tpu.memory_space<hbm>>
      %dma_start3A_413 = tpu.memref_squeeze %dma_start3A_412 : memref<1x1024xf32, #tpu.memory_space<hbm>> -> memref<1024xf32, #tpu.memory_space<hbm>>
      tpu.enqueue_dma source(%dma_start3A_413 : memref<1024xf32, #tpu.memory_space<hbm>>) target(%arg11 : memref<1024xf32, #tpu.memory_space<vmem>>) target_semaphore(%run_scoped3A : memref<!tpu.dma_semaphore, #tpu.memory_space<semaphore_mem>>)
      %dma_wait3A = arith.constant 0 : i32
      %dma_wait3A_414 = tpu.memref_slice %arg2[%add3A, %dma_wait3A] : memref<32x1024xf32, #tpu.memory_space<hbm>> -> memref<1x1024xf32, #tpu.memory_space<hbm>>
      %dma_wait3A_415 = tpu.memref_squeeze %dma_wait3A_414 : memref<1x1024xf32, #tpu.memory_space<hbm>> -> memref<1024xf32, #tpu.memory_space<hbm>>
      %dma_wait3A_416 = arith.constant 0 : i32
      %dma_wait3A_417 = tpu.memref_slice %arg2[%add3A, %dma_wait3A_416] : memref<32x1024xf32, #tpu.memory_space<hbm>> -> memref<1x1024xf32, #tpu.memory_space<hbm>>
      %dma_wait3A_418 = tpu.memref_squeeze %dma_wait3A_417 : memref<1x1024xf32, #tpu.memory_space<hbm>> -> memref<1024xf32, #tpu.memory_space<hbm>>
      tpu.wait_dma2 semaphore(%run_scoped3A : memref<!tpu.dma_semaphore, #tpu.memory_space<semaphore_mem>>) src(%dma_wait3A_418 : memref<1024xf32, #tpu.memory_space<hbm>>) dst(%arg11 : memref<1024xf32, #tpu.memory_space<vmem>>)
      tpu.yield
    }) : () -> ()
    "tpu.region"() ({
      %run_scoped3A = tpu.sem_alloc : memref<!tpu.dma_semaphore, #tpu.memory_space<semaphore_mem>>
      %dma_start3A = arith.constant 0 : i32
      %dma_start3A_409 = tpu.memref_slice %arg3[%add3A, %dma_start3A] : memref<32x1024xf32, #tpu.memory_space<hbm>> -> memref<1x1024xf32, #tpu.memory_space<hbm>>
      %dma_start3A_410 = tpu.memref_squeeze %dma_start3A_409 : memref<1x1024xf32, #tpu.memory_space<hbm>> -> memref<1024xf32, #tpu.memory_space<hbm>>
      %dma_start3A_411 = arith.constant 0 : i32
      %dma_start3A_412 = tpu.memref_slice %arg3[%add3A, %dma_start3A_411] : memref<32x1024xf32, #tpu.memory_space<hbm>> -> memref<1x1024xf32, #tpu.memory_space<hbm>>
      %dma_start3A_413 = tpu.memref_squeeze %dma_start3A_412 : memref<1x1024xf32, #tpu.memory_space<hbm>> -> memref<1024xf32, #tpu.memory_space<hbm>>
      tpu.enqueue_dma source(%dma_start3A_413 : memref<1024xf32, #tpu.memory_space<hbm>>) target(%arg12 : memref<1024xf32, #tpu.memory_space<vmem>>) target_semaphore(%run_scoped3A : memref<!tpu.dma_semaphore, #tpu.memory_space<semaphore_mem>>)
      %dma_wait3A = arith.constant 0 : i32
      %dma_wait3A_414 = tpu.memref_slice %arg3[%add3A, %dma_wait3A] : memref<32x1024xf32, #tpu.memory_space<hbm>> -> memref<1x1024xf32, #tpu.memory_space<hbm>>
      %dma_wait3A_415 = tpu.memref_squeeze %dma_wait3A_414 : memref<1x1024xf32, #tpu.memory_space<hbm>> -> memref<1024xf32, #tpu.memory_space<hbm>>
      %dma_wait3A_416 = arith.constant 0 : i32
      %dma_wait3A_417 = tpu.memref_slice %arg3[%add3A, %dma_wait3A_416] : memref<32x1024xf32, #tpu.memory_space<hbm>> -> memref<1x1024xf32, #tpu.memory_space<hbm>>
      %dma_wait3A_418 = tpu.memref_squeeze %dma_wait3A_417 : memref<1x1024xf32, #tpu.memory_space<hbm>> -> memref<1024xf32, #tpu.memory_space<hbm>>
      tpu.wait_dma2 semaphore(%run_scoped3A : memref<!tpu.dma_semaphore, #tpu.memory_space<semaphore_mem>>) src(%dma_wait3A_418 : memref<1024xf32, #tpu.memory_space<hbm>>) dst(%arg12 : memref<1024xf32, #tpu.memory_space<vmem>>)
      tpu.yield
    }) : () -> ()
    "tpu.region"() ({
      %run_scoped3A = tpu.sem_alloc : memref<!tpu.dma_semaphore, #tpu.memory_space<semaphore_mem>>
      %dma_start3A = arith.constant 0 : i32
      %dma_start3A_409 = tpu.memref_slice %arg4[%add3A, %dma_start3A] : memref<32x1024xf32, #tpu.memory_space<hbm>> -> memref<1x1024xf32, #tpu.memory_space<hbm>>
      %dma_start3A_410 = tpu.memref_squeeze %dma_start3A_409 : memref<1x1024xf32, #tpu.memory_space<hbm>> -> memref<1024xf32, #tpu.memory_space<hbm>>
      %dma_start3A_411 = arith.constant 0 : i32
      %dma_start3A_412 = tpu.memref_slice %arg4[%add3A, %dma_start3A_411] : memref<32x1024xf32, #tpu.memory_space<hbm>> -> memref<1x1024xf32, #tpu.memory_space<hbm>>
      %dma_start3A_413 = tpu.memref_squeeze %dma_start3A_412 : memref<1x1024xf32, #tpu.memory_space<hbm>> -> memref<1024xf32, #tpu.memory_space<hbm>>
      tpu.enqueue_dma source(%dma_start3A_413 : memref<1024xf32, #tpu.memory_space<hbm>>) target(%arg13 : memref<1024xf32, #tpu.memory_space<vmem>>) target_semaphore(%run_scoped3A : memref<!tpu.dma_semaphore, #tpu.memory_space<semaphore_mem>>)
      %dma_wait3A = arith.constant 0 : i32
      %dma_wait3A_414 = tpu.memref_slice %arg4[%add3A, %dma_wait3A] : memref<32x1024xf32, #tpu.memory_space<hbm>> -> memref<1x1024xf32, #tpu.memory_space<hbm>>
      %dma_wait3A_415 = tpu.memref_squeeze %dma_wait3A_414 : memref<1x1024xf32, #tpu.memory_space<hbm>> -> memref<1024xf32, #tpu.memory_space<hbm>>
      %dma_wait3A_416 = arith.constant 0 : i32
      %dma_wait3A_417 = tpu.memref_slice %arg4[%add3A, %dma_wait3A_416] : memref<32x1024xf32, #tpu.memory_space<hbm>> -> memref<1x1024xf32, #tpu.memory_space<hbm>>
      %dma_wait3A_418 = tpu.memref_squeeze %dma_wait3A_417 : memref<1x1024xf32, #tpu.memory_space<hbm>> -> memref<1024xf32, #tpu.memory_space<hbm>>
      tpu.wait_dma2 semaphore(%run_scoped3A : memref<!tpu.dma_semaphore, #tpu.memory_space<semaphore_mem>>) src(%dma_wait3A_418 : memref<1024xf32, #tpu.memory_space<hbm>>) dst(%arg13 : memref<1024xf32, #tpu.memory_space<vmem>>)
      tpu.yield
    }) : () -> ()
    %iota3A = tpu.iota {dimensions = array<i32: 0>} : vector<16xi32>
    %eq3A = arith.constant 0 : i32
    %eq3A_1 = vector.broadcast %eq3A : i32 to vector<16xi32>
    %eq3A_2 = arith.cmpi eq, %iota3A, %eq3A_1 : vector<16xi32>
    %broadcast_in_dim3A = arith.constant 0 : i32
    %broadcast_in_dim3A_3 = vector.broadcast %broadcast_in_dim3A : i32 to vector<16xi32>
    %broadcast_in_dim3A_4 = arith.constant 1.000000e+10 : f32
    %broadcast_in_dim3A_5 = vector.broadcast %broadcast_in_dim3A_4 : f32 to vector<16xf32>
    %swap3A = arith.constant 0 : index
    %swap3A_6 = tpu.vector_load %arg14[%swap3A] {strides = array<i32>} : memref<1024xf32, #tpu.memory_space<vmem>>, vector<16xf32>,
    tpu.vector_store %arg14[%swap3A], %broadcast_in_dim3A_5 {strides = array<i32>} : memref<1024xf32, #tpu.memory_space<vmem>>, vector<16xf32>,
    %broadcast_in_dim3A_7 = arith.constant 1.000000e+10 : f32
    %broadcast_in_dim3A_8 = vector.broadcast %broadcast_in_dim3A_7 : f32 to vector<16xf32>
    %swap3A_9 = arith.constant 16 : index
    %swap3A_10 = tpu.vector_load %arg14[%swap3A_9] {strides = array<i32>} : memref<1024xf32, #tpu.memory_space<vmem>>, vector<16xf32>,
    tpu.vector_store %arg14[%swap3A_9], %broadcast_in_dim3A_8 {strides = array<i32>} : memref<1024xf32, #tpu.memory_space<vmem>>, vector<16xf32>,
    %broadcast_in_dim3A_11 = arith.constant 1.000000e+10 : f32
    %broadcast_in_dim3A_12 = vector.broadcast %broadcast_in_dim3A_11 : f32 to vector<16xf32>
    %swap3A_13 = arith.constant 32 : index
    %swap3A_14 = tpu.vector_load %arg14[%swap3A_13] {strides = array<i32>} : memref<1024xf32, #tpu.memory_space<vmem>>, vector<16xf32>,
    tpu.vector_store %arg14[%swap3A_13], %broadcast_in_dim3A_12 {strides = array<i32>} : memref<1024xf32, #tpu.memory_space<vmem>>, vector<16xf32>,
    %broadcast_in_dim3A_15 = arith.constant 1.000000e+10 : f32
    %broadcast_in_dim3A_16 = vector.broadcast %broadcast_in_dim3A_15 : f32 to vector<16xf32>
    %swap3A_17 = arith.constant 48 : index
    %swap3A_18 = tpu.vector_load %arg14[%swap3A_17] {strides = array<i32>} : memref<1024xf32, #tpu.memory_space<vmem>>, vector<16xf32>,
    tpu.vector_store %arg14[%swap3A_17], %broadcast_in_dim3A_16 {strides = array<i32>} : memref<1024xf32, #tpu.memory_space<vmem>>, vector<16xf32>,
    %broadcast_in_dim3A_19 = arith.constant 1.000000e+10 : f32
    %broadcast_in_dim3A_20 = vector.broadcast %broadcast_in_dim3A_19 : f32 to vector<16xf32>
    %swap3A_21 = arith.constant 64 : index
    %swap3A_22 = tpu.vector_load %arg14[%swap3A_21] {strides = array<i32>} : memref<1024xf32, #tpu.memory_space<vmem>>, vector<16xf32>,
    tpu.vector_store %arg14[%swap3A_21], %broadcast_in_dim3A_20 {strides = array<i32>} : memref<1024xf32, #tpu.memory_space<vmem>>, vector<16xf32>,
    %broadcast_in_dim3A_23 = arith.constant 1.000000e+10 : f32
    %broadcast_in_dim3A_24 = vector.broadcast %broadcast_in_dim3A_23 : f32 to vector<16xf32>
    %swap3A_25 = arith.constant 80 : index
    %swap3A_26 = tpu.vector_load %arg14[%swap3A_25] {strides = array<i32>} : memref<1024xf32, #tpu.memory_space<vmem>>, vector<16xf32>,
    tpu.vector_store %arg14[%swap3A_25], %broadcast_in_dim3A_24 {strides = array<i32>} : memref<1024xf32, #tpu.memory_space<vmem>>, vector<16xf32>,
    %broadcast_in_dim3A_27 = arith.constant 1.000000e+10 : f32
    %broadcast_in_dim3A_28 = vector.broadcast %broadcast_in_dim3A_27 : f32 to vector<16xf32>
    %swap3A_29 = arith.constant 96 : index
    %swap3A_30 = tpu.vector_load %arg14[%swap3A_29] {strides = array<i32>} : memref<1024xf32, #tpu.memory_space<vmem>>, vector<16xf32>,
    tpu.vector_store %arg14[%swap3A_29], %broadcast_in_dim3A_28 {strides = array<i32>} : memref<1024xf32, #tpu.memory_space<vmem>>, vector<16xf32>,
    %broadcast_in_dim3A_31 = arith.constant 1.000000e+10 : f32
    %broadcast_in_dim3A_32 = vector.broadcast %broadcast_in_dim3A_31 : f32 to vector<16xf32>
    %swap3A_33 = arith.constant 112 : index
    %swap3A_34 = tpu.vector_load %arg14[%swap3A_33] {strides = array<i32>} : memref<1024xf32, #tpu.memory_space<vmem>>, vector<16xf32>,
    tpu.vector_store %arg14[%swap3A_33], %broadcast_in_dim3A_32 {strides = array<i32>} : memref<1024xf32, #tpu.memory_space<vmem>>, vector<16xf32>,
    %broadcast_in_dim3A_35 = arith.constant 1.000000e+10 : f32
    %broadcast_in_dim3A_36 = vector.broadcast %broadcast_in_dim3A_35 : f32 to vector<16xf32>
    %swap3A_37 = arith.constant 128 : index
    %swap3A_38 = tpu.vector_load %arg14[%swap3A_37] {strides = array<i32>} : memref<1024xf32, #tpu.memory_space<vmem>>, vector<16xf32>,
    tpu.vector_store %arg14[%swap3A_37], %broadcast_in_dim3A_36 {strides = array<i32>} : memref<1024xf32, #tpu.memory_space<vmem>>, vector<16xf32>,
    %broadcast_in_dim3A_39 = arith.constant 1.000000e+10 : f32
    %broadcast_in_dim3A_40 = vector.broadcast %broadcast_in_dim3A_39 : f32 to vector<16xf32>
    %swap3A_41 = arith.constant 144 : index
    %swap3A_42 = tpu.vector_load %arg14[%swap3A_41] {strides = array<i32>} : memref<1024xf32, #tpu.memory_space<vmem>>, vector<16xf32>,
    tpu.vector_store %arg14[%swap3A_41], %broadcast_in_dim3A_40 {strides = array<i32>} : memref<1024xf32, #tpu.memory_space<vmem>>, vector<16xf32>,
    %broadcast_in_dim3A_43 = arith.constant 1.000000e+10 : f32
    %broadcast_in_dim3A_44 = vector.broadcast %broadcast_in_dim3A_43 : f32 to vector<16xf32>
    %swap3A_45 = arith.constant 160 : index
    %swap3A_46 = tpu.vector_load %arg14[%swap3A_45] {strides = array<i32>} : memref<1024xf32, #tpu.memory_space<vmem>>, vector<16xf32>,
    tpu.vector_store %arg14[%swap3A_45], %broadcast_in_dim3A_44 {strides = array<i32>} : memref<1024xf32, #tpu.memory_space<vmem>>, vector<16xf32>,
    %broadcast_in_dim3A_47 = arith.constant 1.000000e+10 : f32
    %broadcast_in_dim3A_48 = vector.broadcast %broadcast_in_dim3A_47 : f32 to vector<16xf32>
    %swap3A_49 = arith.constant 176 : index
    %swap3A_50 = tpu.vector_load %arg14[%swap3A_49] {strides = array<i32>} : memref<1024xf32, #tpu.memory_space<vmem>>, vector<16xf32>,
    tpu.vector_store %arg14[%swap3A_49], %broadcast_in_dim3A_48 {strides = array<i32>} : memref<1024xf32, #tpu.memory_space<vmem>>, vector<16xf32>,
    %broadcast_in_dim3A_51 = arith.constant 1.000000e+10 : f32
    %broadcast_in_dim3A_52 = vector.broadcast %broadcast_in_dim3A_51 : f32 to vector<16xf32>
    %swap3A_53 = arith.constant 192 : index
    %swap3A_54 = tpu.vector_load %arg14[%swap3A_53] {strides = array<i32>} : memref<1024xf32, #tpu.memory_space<vmem>>, vector<16xf32>,
    tpu.vector_store %arg14[%swap3A_53], %broadcast_in_dim3A_52 {strides = array<i32>} : memref<1024xf32, #tpu.memory_space<vmem>>, vector<16xf32>,
    %broadcast_in_dim3A_55 = arith.constant 1.000000e+10 : f32
    %broadcast_in_dim3A_56 = vector.broadcast %broadcast_in_dim3A_55 : f32 to vector<16xf32>
    %swap3A_57 = arith.constant 208 : index
    %swap3A_58 = tpu.vector_load %arg14[%swap3A_57] {strides = array<i32>} : memref<1024xf32, #tpu.memory_space<vmem>>, vector<16xf32>,
    tpu.vector_store %arg14[%swap3A_57], %broadcast_in_dim3A_56 {strides = array<i32>} : memref<1024xf32, #tpu.memory_space<vmem>>, vector<16xf32>,
    %broadcast_in_dim3A_59 = arith.constant 1.000000e+10 : f32
    %broadcast_in_dim3A_60 = vector.broadcast %broadcast_in_dim3A_59 : f32 to vector<16xf32>
    %swap3A_61 = arith.constant 224 : index
    %swap3A_62 = tpu.vector_load %arg14[%swap3A_61] {strides = array<i32>} : memref<1024xf32, #tpu.memory_space<vmem>>, vector<16xf32>,
    tpu.vector_store %arg14[%swap3A_61], %broadcast_in_dim3A_60 {strides = array<i32>} : memref<1024xf32, #tpu.memory_space<vmem>>, vector<16xf32>,
    %broadcast_in_dim3A_63 = arith.constant 1.000000e+10 : f32
    %broadcast_in_dim3A_64 = vector.broadcast %broadcast_in_dim3A_63 : f32 to vector<16xf32>
    %swap3A_65 = arith.constant 240 : index
    %swap3A_66 = tpu.vector_load %arg14[%swap3A_65] {strides = array<i32>} : memref<1024xf32, #tpu.memory_space<vmem>>, vector<16xf32>,
    tpu.vector_store %arg14[%swap3A_65], %broadcast_in_dim3A_64 {strides = array<i32>} : memref<1024xf32, #tpu.memory_space<vmem>>, vector<16xf32>,
    %broadcast_in_dim3A_67 = arith.constant 1.000000e+10 : f32
    %broadcast_in_dim3A_68 = vector.broadcast %broadcast_in_dim3A_67 : f32 to vector<16xf32>
    %swap3A_69 = arith.constant 256 : index
    %swap3A_70 = tpu.vector_load %arg14[%swap3A_69] {strides = array<i32>} : memref<1024xf32, #tpu.memory_space<vmem>>, vector<16xf32>,
    tpu.vector_store %arg14[%swap3A_69], %broadcast_in_dim3A_68 {strides = array<i32>} : memref<1024xf32, #tpu.memory_space<vmem>>, vector<16xf32>,
    %broadcast_in_dim3A_71 = arith.constant 1.000000e+10 : f32
    %broadcast_in_dim3A_72 = vector.broadcast %broadcast_in_dim3A_71 : f32 to vector<16xf32>
    %swap3A_73 = arith.constant 272 : index
    %swap3A_74 = tpu.vector_load %arg14[%swap3A_73] {strides = array<i32>} : memref<1024xf32, #tpu.memory_space<vmem>>, vector<16xf32>,
    tpu.vector_store %arg14[%swap3A_73], %broadcast_in_dim3A_72 {strides = array<i32>} : memref<1024xf32, #tpu.memory_space<vmem>>, vector<16xf32>,
    %broadcast_in_dim3A_75 = arith.constant 1.000000e+10 : f32
    %broadcast_in_dim3A_76 = vector.broadcast %broadcast_in_dim3A_75 : f32 to vector<16xf32>
    %swap3A_77 = arith.constant 288 : index
    %swap3A_78 = tpu.vector_load %arg14[%swap3A_77] {strides = array<i32>} : memref<1024xf32, #tpu.memory_space<vmem>>, vector<16xf32>,
    tpu.vector_store %arg14[%swap3A_77], %broadcast_in_dim3A_76 {strides = array<i32>} : memref<1024xf32, #tpu.memory_space<vmem>>, vector<16xf32>,
    %broadcast_in_dim3A_79 = arith.constant 1.000000e+10 : f32
    %broadcast_in_dim3A_80 = vector.broadcast %broadcast_in_dim3A_79 : f32 to vector<16xf32>
    %swap3A_81 = arith.constant 304 : index
    %swap3A_82 = tpu.vector_load %arg14[%swap3A_81] {strides = array<i32>} : memref<1024xf32, #tpu.memory_space<vmem>>, vector<16xf32>,
    tpu.vector_store %arg14[%swap3A_81], %broadcast_in_dim3A_80 {strides = array<i32>} : memref<1024xf32, #tpu.memory_space<vmem>>, vector<16xf32>,
    %broadcast_in_dim3A_83 = arith.constant 1.000000e+10 : f32
    %broadcast_in_dim3A_84 = vector.broadcast %broadcast_in_dim3A_83 : f32 to vector<16xf32>
    %swap3A_85 = arith.constant 320 : index
    %swap3A_86 = tpu.vector_load %arg14[%swap3A_85] {strides = array<i32>} : memref<1024xf32, #tpu.memory_space<vmem>>, vector<16xf32>,
    tpu.vector_store %arg14[%swap3A_85], %broadcast_in_dim3A_84 {strides = array<i32>} : memref<1024xf32, #tpu.memory_space<vmem>>, vector<16xf32>,
    %broadcast_in_dim3A_87 = arith.constant 1.000000e+10 : f32
    %broadcast_in_dim3A_88 = vector.broadcast %broadcast_in_dim3A_87 : f32 to vector<16xf32>
    %swap3A_89 = arith.constant 336 : index
    %swap3A_90 = tpu.vector_load %arg14[%swap3A_89] {strides = array<i32>} : memref<1024xf32, #tpu.memory_space<vmem>>, vector<16xf32>,
    tpu.vector_store %arg14[%swap3A_89], %broadcast_in_dim3A_88 {strides = array<i32>} : memref<1024xf32, #tpu.memory_space<vmem>>, vector<16xf32>,
    %broadcast_in_dim3A_91 = arith.constant 1.000000e+10 : f32
    %broadcast_in_dim3A_92 = vector.broadcast %broadcast_in_dim3A_91 : f32 to vector<16xf32>
    %swap3A_93 = arith.constant 352 : index
    %swap3A_94 = tpu.vector_load %arg14[%swap3A_93] {strides = array<i32>} : memref<1024xf32, #tpu.memory_space<vmem>>, vector<16xf32>,
    tpu.vector_store %arg14[%swap3A_93], %broadcast_in_dim3A_92 {strides = array<i32>} : memref<1024xf32, #tpu.memory_space<vmem>>, vector<16xf32>,
    %broadcast_in_dim3A_95 = arith.constant 1.000000e+10 : f32
    %broadcast_in_dim3A_96 = vector.broadcast %broadcast_in_dim3A_95 : f32 to vector<16xf32>
    %swap3A_97 = arith.constant 368 : index
    %swap3A_98 = tpu.vector_load %arg14[%swap3A_97] {strides = array<i32>} : memref<1024xf32, #tpu.memory_space<vmem>>, vector<16xf32>,
    tpu.vector_store %arg14[%swap3A_97], %broadcast_in_dim3A_96 {strides = array<i32>} : memref<1024xf32, #tpu.memory_space<vmem>>, vector<16xf32>,
    %broadcast_in_dim3A_99 = arith.constant 1.000000e+10 : f32
    %broadcast_in_dim3A_100 = vector.broadcast %broadcast_in_dim3A_99 : f32 to vector<16xf32>
    %swap3A_101 = arith.constant 384 : index
    %swap3A_102 = tpu.vector_load %arg14[%swap3A_101] {strides = array<i32>} : memref<1024xf32, #tpu.memory_space<vmem>>, vector<16xf32>,
    tpu.vector_store %arg14[%swap3A_101], %broadcast_in_dim3A_100 {strides = array<i32>} : memref<1024xf32, #tpu.memory_space<vmem>>, vector<16xf32>,
    %broadcast_in_dim3A_103 = arith.constant 1.000000e+10 : f32
    %broadcast_in_dim3A_104 = vector.broadcast %broadcast_in_dim3A_103 : f32 to vector<16xf32>
    %swap3A_105 = arith.constant 400 : index
    %swap3A_106 = tpu.vector_load %arg14[%swap3A_105] {strides = array<i32>} : memref<1024xf32, #tpu.memory_space<vmem>>, vector<16xf32>,
    tpu.vector_store %arg14[%swap3A_105], %broadcast_in_dim3A_104 {strides = array<i32>} : memref<1024xf32, #tpu.memory_space<vmem>>, vector<16xf32>,
    %broadcast_in_dim3A_107 = arith.constant 1.000000e+10 : f32
    %broadcast_in_dim3A_108 = vector.broadcast %broadcast_in_dim3A_107 : f32 to vector<16xf32>
    %swap3A_109 = arith.constant 416 : index
    %swap3A_110 = tpu.vector_load %arg14[%swap3A_109] {strides = array<i32>} : memref<1024xf32, #tpu.memory_space<vmem>>, vector<16xf32>,
    tpu.vector_store %arg14[%swap3A_109], %broadcast_in_dim3A_108 {strides = array<i32>} : memref<1024xf32, #tpu.memory_space<vmem>>, vector<16xf32>,
    %broadcast_in_dim3A_111 = arith.constant 1.000000e+10 : f32
    %broadcast_in_dim3A_112 = vector.broadcast %broadcast_in_dim3A_111 : f32 to vector<16xf32>
    %swap3A_113 = arith.constant 432 : index
    %swap3A_114 = tpu.vector_load %arg14[%swap3A_113] {strides = array<i32>} : memref<1024xf32, #tpu.memory_space<vmem>>, vector<16xf32>,
    tpu.vector_store %arg14[%swap3A_113], %broadcast_in_dim3A_112 {strides = array<i32>} : memref<1024xf32, #tpu.memory_space<vmem>>, vector<16xf32>,
    %broadcast_in_dim3A_115 = arith.constant 1.000000e+10 : f32
    %broadcast_in_dim3A_116 = vector.broadcast %broadcast_in_dim3A_115 : f32 to vector<16xf32>
    %swap3A_117 = arith.constant 448 : index
    %swap3A_118 = tpu.vector_load %arg14[%swap3A_117] {strides = array<i32>} : memref<1024xf32, #tpu.memory_space<vmem>>, vector<16xf32>,
    tpu.vector_store %arg14[%swap3A_117], %broadcast_in_dim3A_116 {strides = array<i32>} : memref<1024xf32, #tpu.memory_space<vmem>>, vector<16xf32>,
    %broadcast_in_dim3A_119 = arith.constant 1.000000e+10 : f32
    %broadcast_in_dim3A_120 = vector.broadcast %broadcast_in_dim3A_119 : f32 to vector<16xf32>
    %swap3A_121 = arith.constant 464 : index
    %swap3A_122 = tpu.vector_load %arg14[%swap3A_121] {strides = array<i32>} : memref<1024xf32, #tpu.memory_space<vmem>>, vector<16xf32>,
    tpu.vector_store %arg14[%swap3A_121], %broadcast_in_dim3A_120 {strides = array<i32>} : memref<1024xf32, #tpu.memory_space<vmem>>, vector<16xf32>,
    %broadcast_in_dim3A_123 = arith.constant 1.000000e+10 : f32
    %broadcast_in_dim3A_124 = vector.broadcast %broadcast_in_dim3A_123 : f32 to vector<16xf32>
    %swap3A_125 = arith.constant 480 : index
    %swap3A_126 = tpu.vector_load %arg14[%swap3A_125] {strides = array<i32>} : memref<1024xf32, #tpu.memory_space<vmem>>, vector<16xf32>,
    tpu.vector_store %arg14[%swap3A_125], %broadcast_in_dim3A_124 {strides = array<i32>} : memref<1024xf32, #tpu.memory_space<vmem>>, vector<16xf32>,
    %broadcast_in_dim3A_127 = arith.constant 1.000000e+10 : f32
    %broadcast_in_dim3A_128 = vector.broadcast %broadcast_in_dim3A_127 : f32 to vector<16xf32>
    %swap3A_129 = arith.constant 496 : index
    %swap3A_130 = tpu.vector_load %arg14[%swap3A_129] {strides = array<i32>} : memref<1024xf32, #tpu.memory_space<vmem>>, vector<16xf32>,
    tpu.vector_store %arg14[%swap3A_129], %broadcast_in_dim3A_128 {strides = array<i32>} : memref<1024xf32, #tpu.memory_space<vmem>>, vector<16xf32>,
    %broadcast_in_dim3A_131 = arith.constant 1.000000e+10 : f32
    %broadcast_in_dim3A_132 = vector.broadcast %broadcast_in_dim3A_131 : f32 to vector<16xf32>
    %swap3A_133 = arith.constant 512 : index
    %swap3A_134 = tpu.vector_load %arg14[%swap3A_133] {strides = array<i32>} : memref<1024xf32, #tpu.memory_space<vmem>>, vector<16xf32>,
    tpu.vector_store %arg14[%swap3A_133], %broadcast_in_dim3A_132 {strides = array<i32>} : memref<1024xf32, #tpu.memory_space<vmem>>, vector<16xf32>,
    %broadcast_in_dim3A_135 = arith.constant 1.000000e+10 : f32
    %broadcast_in_dim3A_136 = vector.broadcast %broadcast_in_dim3A_135 : f32 to vector<16xf32>
    %swap3A_137 = arith.constant 528 : index
    %swap3A_138 = tpu.vector_load %arg14[%swap3A_137] {strides = array<i32>} : memref<1024xf32, #tpu.memory_space<vmem>>, vector<16xf32>,
    tpu.vector_store %arg14[%swap3A_137], %broadcast_in_dim3A_136 {strides = array<i32>} : memref<1024xf32, #tpu.memory_space<vmem>>, vector<16xf32>,
    %broadcast_in_dim3A_139 = arith.constant 1.000000e+10 : f32
    %broadcast_in_dim3A_140 = vector.broadcast %broadcast_in_dim3A_139 : f32 to vector<16xf32>
    %swap3A_141 = arith.constant 544 : index
    %swap3A_142 = tpu.vector_load %arg14[%swap3A_141] {strides = array<i32>} : memref<1024xf32, #tpu.memory_space<vmem>>, vector<16xf32>,
    tpu.vector_store %arg14[%swap3A_141], %broadcast_in_dim3A_140 {strides = array<i32>} : memref<1024xf32, #tpu.memory_space<vmem>>, vector<16xf32>,
    %broadcast_in_dim3A_143 = arith.constant 1.000000e+10 : f32
    %broadcast_in_dim3A_144 = vector.broadcast %broadcast_in_dim3A_143 : f32 to vector<16xf32>
    %swap3A_145 = arith.constant 560 : index
    %swap3A_146 = tpu.vector_load %arg14[%swap3A_145] {strides = array<i32>} : memref<1024xf32, #tpu.memory_space<vmem>>, vector<16xf32>,
    tpu.vector_store %arg14[%swap3A_145], %broadcast_in_dim3A_144 {strides = array<i32>} : memref<1024xf32, #tpu.memory_space<vmem>>, vector<16xf32>,
    %broadcast_in_dim3A_147 = arith.constant 1.000000e+10 : f32
    %broadcast_in_dim3A_148 = vector.broadcast %broadcast_in_dim3A_147 : f32 to vector<16xf32>
    %swap3A_149 = arith.constant 576 : index
    %swap3A_150 = tpu.vector_load %arg14[%swap3A_149] {strides = array<i32>} : memref<1024xf32, #tpu.memory_space<vmem>>, vector<16xf32>,
    tpu.vector_store %arg14[%swap3A_149], %broadcast_in_dim3A_148 {strides = array<i32>} : memref<1024xf32, #tpu.memory_space<vmem>>, vector<16xf32>,
    %broadcast_in_dim3A_151 = arith.constant 1.000000e+10 : f32
    %broadcast_in_dim3A_152 = vector.broadcast %broadcast_in_dim3A_151 : f32 to vector<16xf32>
    %swap3A_153 = arith.constant 592 : index
    %swap3A_154 = tpu.vector_load %arg14[%swap3A_153] {strides = array<i32>} : memref<1024xf32, #tpu.memory_space<vmem>>, vector<16xf32>,
    tpu.vector_store %arg14[%swap3A_153], %broadcast_in_dim3A_152 {strides = array<i32>} : memref<1024xf32, #tpu.memory_space<vmem>>, vector<16xf32>,
    %broadcast_in_dim3A_155 = arith.constant 1.000000e+10 : f32
    %broadcast_in_dim3A_156 = vector.broadcast %broadcast_in_dim3A_155 : f32 to vector<16xf32>
    %swap3A_157 = arith.constant 608 : index
    %swap3A_158 = tpu.vector_load %arg14[%swap3A_157] {strides = array<i32>} : memref<1024xf32, #tpu.memory_space<vmem>>, vector<16xf32>,
    tpu.vector_store %arg14[%swap3A_157], %broadcast_in_dim3A_156 {strides = array<i32>} : memref<1024xf32, #tpu.memory_space<vmem>>, vector<16xf32>,
    %broadcast_in_dim3A_159 = arith.constant 1.000000e+10 : f32
    %broadcast_in_dim3A_160 = vector.broadcast %broadcast_in_dim3A_159 : f32 to vector<16xf32>
    %swap3A_161 = arith.constant 624 : index
    %swap3A_162 = tpu.vector_load %arg14[%swap3A_161] {strides = array<i32>} : memref<1024xf32, #tpu.memory_space<vmem>>, vector<16xf32>,
    tpu.vector_store %arg14[%swap3A_161], %broadcast_in_dim3A_160 {strides = array<i32>} : memref<1024xf32, #tpu.memory_space<vmem>>, vector<16xf32>,
    %broadcast_in_dim3A_163 = arith.constant 1.000000e+10 : f32
    %broadcast_in_dim3A_164 = vector.broadcast %broadcast_in_dim3A_163 : f32 to vector<16xf32>
    %swap3A_165 = arith.constant 640 : index
    %swap3A_166 = tpu.vector_load %arg14[%swap3A_165] {strides = array<i32>} : memref<1024xf32, #tpu.memory_space<vmem>>, vector<16xf32>,
    tpu.vector_store %arg14[%swap3A_165], %broadcast_in_dim3A_164 {strides = array<i32>} : memref<1024xf32, #tpu.memory_space<vmem>>, vector<16xf32>,
    %broadcast_in_dim3A_167 = arith.constant 1.000000e+10 : f32
    %broadcast_in_dim3A_168 = vector.broadcast %broadcast_in_dim3A_167 : f32 to vector<16xf32>
    %swap3A_169 = arith.constant 656 : index
    %swap3A_170 = tpu.vector_load %arg14[%swap3A_169] {strides = array<i32>} : memref<1024xf32, #tpu.memory_space<vmem>>, vector<16xf32>,
    tpu.vector_store %arg14[%swap3A_169], %broadcast_in_dim3A_168 {strides = array<i32>} : memref<1024xf32, #tpu.memory_space<vmem>>, vector<16xf32>,
    %broadcast_in_dim3A_171 = arith.constant 1.000000e+10 : f32
    %broadcast_in_dim3A_172 = vector.broadcast %broadcast_in_dim3A_171 : f32 to vector<16xf32>
    %swap3A_173 = arith.constant 672 : index
    %swap3A_174 = tpu.vector_load %arg14[%swap3A_173] {strides = array<i32>} : memref<1024xf32, #tpu.memory_space<vmem>>, vector<16xf32>,
    tpu.vector_store %arg14[%swap3A_173], %broadcast_in_dim3A_172 {strides = array<i32>} : memref<1024xf32, #tpu.memory_space<vmem>>, vector<16xf32>,
    %broadcast_in_dim3A_175 = arith.constant 1.000000e+10 : f32
    %broadcast_in_dim3A_176 = vector.broadcast %broadcast_in_dim3A_175 : f32 to vector<16xf32>
    %swap3A_177 = arith.constant 688 : index
    %swap3A_178 = tpu.vector_load %arg14[%swap3A_177] {strides = array<i32>} : memref<1024xf32, #tpu.memory_space<vmem>>, vector<16xf32>,
    tpu.vector_store %arg14[%swap3A_177], %broadcast_in_dim3A_176 {strides = array<i32>} : memref<1024xf32, #tpu.memory_space<vmem>>, vector<16xf32>,
    %broadcast_in_dim3A_179 = arith.constant 1.000000e+10 : f32
    %broadcast_in_dim3A_180 = vector.broadcast %broadcast_in_dim3A_179 : f32 to vector<16xf32>
    %swap3A_181 = arith.constant 704 : index
    %swap3A_182 = tpu.vector_load %arg14[%swap3A_181] {strides = array<i32>} : memref<1024xf32, #tpu.memory_space<vmem>>, vector<16xf32>,
    tpu.vector_store %arg14[%swap3A_181], %broadcast_in_dim3A_180 {strides = array<i32>} : memref<1024xf32, #tpu.memory_space<vmem>>, vector<16xf32>,
    %broadcast_in_dim3A_183 = arith.constant 1.000000e+10 : f32
    %broadcast_in_dim3A_184 = vector.broadcast %broadcast_in_dim3A_183 : f32 to vector<16xf32>
    %swap3A_185 = arith.constant 720 : index
    %swap3A_186 = tpu.vector_load %arg14[%swap3A_185] {strides = array<i32>} : memref<1024xf32, #tpu.memory_space<vmem>>, vector<16xf32>,
    tpu.vector_store %arg14[%swap3A_185], %broadcast_in_dim3A_184 {strides = array<i32>} : memref<1024xf32, #tpu.memory_space<vmem>>, vector<16xf32>,
    %broadcast_in_dim3A_187 = arith.constant 1.000000e+10 : f32
    %broadcast_in_dim3A_188 = vector.broadcast %broadcast_in_dim3A_187 : f32 to vector<16xf32>
    %swap3A_189 = arith.constant 736 : index
    %swap3A_190 = tpu.vector_load %arg14[%swap3A_189] {strides = array<i32>} : memref<1024xf32, #tpu.memory_space<vmem>>, vector<16xf32>,
    tpu.vector_store %arg14[%swap3A_189], %broadcast_in_dim3A_188 {strides = array<i32>} : memref<1024xf32, #tpu.memory_space<vmem>>, vector<16xf32>,
    %broadcast_in_dim3A_191 = arith.constant 1.000000e+10 : f32
    %broadcast_in_dim3A_192 = vector.broadcast %broadcast_in_dim3A_191 : f32 to vector<16xf32>
    %swap3A_193 = arith.constant 752 : index
    %swap3A_194 = tpu.vector_load %arg14[%swap3A_193] {strides = array<i32>} : memref<1024xf32, #tpu.memory_space<vmem>>, vector<16xf32>,
    tpu.vector_store %arg14[%swap3A_193], %broadcast_in_dim3A_192 {strides = array<i32>} : memref<1024xf32, #tpu.memory_space<vmem>>, vector<16xf32>,
    %broadcast_in_dim3A_195 = arith.constant 1.000000e+10 : f32
    %broadcast_in_dim3A_196 = vector.broadcast %broadcast_in_dim3A_195 : f32 to vector<16xf32>
    %swap3A_197 = arith.constant 768 : index
    %swap3A_198 = tpu.vector_load %arg14[%swap3A_197] {strides = array<i32>} : memref<1024xf32, #tpu.memory_space<vmem>>, vector<16xf32>,
    tpu.vector_store %arg14[%swap3A_197], %broadcast_in_dim3A_196 {strides = array<i32>} : memref<1024xf32, #tpu.memory_space<vmem>>, vector<16xf32>,
    %broadcast_in_dim3A_199 = arith.constant 1.000000e+10 : f32
    %broadcast_in_dim3A_200 = vector.broadcast %broadcast_in_dim3A_199 : f32 to vector<16xf32>
    %swap3A_201 = arith.constant 784 : index
    %swap3A_202 = tpu.vector_load %arg14[%swap3A_201] {strides = array<i32>} : memref<1024xf32, #tpu.memory_space<vmem>>, vector<16xf32>,
    tpu.vector_store %arg14[%swap3A_201], %broadcast_in_dim3A_200 {strides = array<i32>} : memref<1024xf32, #tpu.memory_space<vmem>>, vector<16xf32>,
    %broadcast_in_dim3A_203 = arith.constant 1.000000e+10 : f32
    %broadcast_in_dim3A_204 = vector.broadcast %broadcast_in_dim3A_203 : f32 to vector<16xf32>
    %swap3A_205 = arith.constant 800 : index
    %swap3A_206 = tpu.vector_load %arg14[%swap3A_205] {strides = array<i32>} : memref<1024xf32, #tpu.memory_space<vmem>>, vector<16xf32>,
    tpu.vector_store %arg14[%swap3A_205], %broadcast_in_dim3A_204 {strides = array<i32>} : memref<1024xf32, #tpu.memory_space<vmem>>, vector<16xf32>,
    %broadcast_in_dim3A_207 = arith.constant 1.000000e+10 : f32
    %broadcast_in_dim3A_208 = vector.broadcast %broadcast_in_dim3A_207 : f32 to vector<16xf32>
    %swap3A_209 = arith.constant 816 : index
    %swap3A_210 = tpu.vector_load %arg14[%swap3A_209] {strides = array<i32>} : memref<1024xf32, #tpu.memory_space<vmem>>, vector<16xf32>,
    tpu.vector_store %arg14[%swap3A_209], %broadcast_in_dim3A_208 {strides = array<i32>} : memref<1024xf32, #tpu.memory_space<vmem>>, vector<16xf32>,
    %broadcast_in_dim3A_211 = arith.constant 1.000000e+10 : f32
    %broadcast_in_dim3A_212 = vector.broadcast %broadcast_in_dim3A_211 : f32 to vector<16xf32>
    %swap3A_213 = arith.constant 832 : index
    %swap3A_214 = tpu.vector_load %arg14[%swap3A_213] {strides = array<i32>} : memref<1024xf32, #tpu.memory_space<vmem>>, vector<16xf32>,
    tpu.vector_store %arg14[%swap3A_213], %broadcast_in_dim3A_212 {strides = array<i32>} : memref<1024xf32, #tpu.memory_space<vmem>>, vector<16xf32>,
    %broadcast_in_dim3A_215 = arith.constant 1.000000e+10 : f32
    %broadcast_in_dim3A_216 = vector.broadcast %broadcast_in_dim3A_215 : f32 to vector<16xf32>
    %swap3A_217 = arith.constant 848 : index
    %swap3A_218 = tpu.vector_load %arg14[%swap3A_217] {strides = array<i32>} : memref<1024xf32, #tpu.memory_space<vmem>>, vector<16xf32>,
    tpu.vector_store %arg14[%swap3A_217], %broadcast_in_dim3A_216 {strides = array<i32>} : memref<1024xf32, #tpu.memory_space<vmem>>, vector<16xf32>,
    %broadcast_in_dim3A_219 = arith.constant 1.000000e+10 : f32
    %broadcast_in_dim3A_220 = vector.broadcast %broadcast_in_dim3A_219 : f32 to vector<16xf32>
    %swap3A_221 = arith.constant 864 : index
    %swap3A_222 = tpu.vector_load %arg14[%swap3A_221] {strides = array<i32>} : memref<1024xf32, #tpu.memory_space<vmem>>, vector<16xf32>,
    tpu.vector_store %arg14[%swap3A_221], %broadcast_in_dim3A_220 {strides = array<i32>} : memref<1024xf32, #tpu.memory_space<vmem>>, vector<16xf32>,
    %broadcast_in_dim3A_223 = arith.constant 1.000000e+10 : f32
    %broadcast_in_dim3A_224 = vector.broadcast %broadcast_in_dim3A_223 : f32 to vector<16xf32>
    %swap3A_225 = arith.constant 880 : index
    %swap3A_226 = tpu.vector_load %arg14[%swap3A_225] {strides = array<i32>} : memref<1024xf32, #tpu.memory_space<vmem>>, vector<16xf32>,
    tpu.vector_store %arg14[%swap3A_225], %broadcast_in_dim3A_224 {strides = array<i32>} : memref<1024xf32, #tpu.memory_space<vmem>>, vector<16xf32>,
    %broadcast_in_dim3A_227 = arith.constant 1.000000e+10 : f32
    %broadcast_in_dim3A_228 = vector.broadcast %broadcast_in_dim3A_227 : f32 to vector<16xf32>
    %swap3A_229 = arith.constant 896 : index
    %swap3A_230 = tpu.vector_load %arg14[%swap3A_229] {strides = array<i32>} : memref<1024xf32, #tpu.memory_space<vmem>>, vector<16xf32>,
    tpu.vector_store %arg14[%swap3A_229], %broadcast_in_dim3A_228 {strides = array<i32>} : memref<1024xf32, #tpu.memory_space<vmem>>, vector<16xf32>,
    %broadcast_in_dim3A_231 = arith.constant 1.000000e+10 : f32
    %broadcast_in_dim3A_232 = vector.broadcast %broadcast_in_dim3A_231 : f32 to vector<16xf32>
    %swap3A_233 = arith.constant 912 : index
    %swap3A_234 = tpu.vector_load %arg14[%swap3A_233] {strides = array<i32>} : memref<1024xf32, #tpu.memory_space<vmem>>, vector<16xf32>,
    tpu.vector_store %arg14[%swap3A_233], %broadcast_in_dim3A_232 {strides = array<i32>} : memref<1024xf32, #tpu.memory_space<vmem>>, vector<16xf32>,
    %broadcast_in_dim3A_235 = arith.constant 1.000000e+10 : f32
    %broadcast_in_dim3A_236 = vector.broadcast %broadcast_in_dim3A_235 : f32 to vector<16xf32>
    %swap3A_237 = arith.constant 928 : index
    %swap3A_238 = tpu.vector_load %arg14[%swap3A_237] {strides = array<i32>} : memref<1024xf32, #tpu.memory_space<vmem>>, vector<16xf32>,
    tpu.vector_store %arg14[%swap3A_237], %broadcast_in_dim3A_236 {strides = array<i32>} : memref<1024xf32, #tpu.memory_space<vmem>>, vector<16xf32>,
    %broadcast_in_dim3A_239 = arith.constant 1.000000e+10 : f32
    %broadcast_in_dim3A_240 = vector.broadcast %broadcast_in_dim3A_239 : f32 to vector<16xf32>
    %swap3A_241 = arith.constant 944 : index
    %swap3A_242 = tpu.vector_load %arg14[%swap3A_241] {strides = array<i32>} : memref<1024xf32, #tpu.memory_space<vmem>>, vector<16xf32>,
    tpu.vector_store %arg14[%swap3A_241], %broadcast_in_dim3A_240 {strides = array<i32>} : memref<1024xf32, #tpu.memory_space<vmem>>, vector<16xf32>,
    %broadcast_in_dim3A_243 = arith.constant 1.000000e+10 : f32
    %broadcast_in_dim3A_244 = vector.broadcast %broadcast_in_dim3A_243 : f32 to vector<16xf32>
    %swap3A_245 = arith.constant 960 : index
    %swap3A_246 = tpu.vector_load %arg14[%swap3A_245] {strides = array<i32>} : memref<1024xf32, #tpu.memory_space<vmem>>, vector<16xf32>,
    tpu.vector_store %arg14[%swap3A_245], %broadcast_in_dim3A_244 {strides = array<i32>} : memref<1024xf32, #tpu.memory_space<vmem>>, vector<16xf32>,
    %broadcast_in_dim3A_247 = arith.constant 1.000000e+10 : f32
    %broadcast_in_dim3A_248 = vector.broadcast %broadcast_in_dim3A_247 : f32 to vector<16xf32>
    %swap3A_249 = arith.constant 976 : index
    %swap3A_250 = tpu.vector_load %arg14[%swap3A_249] {strides = array<i32>} : memref<1024xf32, #tpu.memory_space<vmem>>, vector<16xf32>,
    tpu.vector_store %arg14[%swap3A_249], %broadcast_in_dim3A_248 {strides = array<i32>} : memref<1024xf32, #tpu.memory_space<vmem>>, vector<16xf32>,
    %broadcast_in_dim3A_251 = arith.constant 1.000000e+10 : f32
    %broadcast_in_dim3A_252 = vector.broadcast %broadcast_in_dim3A_251 : f32 to vector<16xf32>
    %swap3A_253 = arith.constant 992 : index
    %swap3A_254 = tpu.vector_load %arg14[%swap3A_253] {strides = array<i32>} : memref<1024xf32, #tpu.memory_space<vmem>>, vector<16xf32>,
    tpu.vector_store %arg14[%swap3A_253], %broadcast_in_dim3A_252 {strides = array<i32>} : memref<1024xf32, #tpu.memory_space<vmem>>, vector<16xf32>,
    %broadcast_in_dim3A_255 = arith.constant 1.000000e+10 : f32
    %broadcast_in_dim3A_256 = vector.broadcast %broadcast_in_dim3A_255 : f32 to vector<16xf32>
    %swap3A_257 = arith.constant 1008 : index
    %swap3A_258 = tpu.vector_load %arg14[%swap3A_257] {strides = array<i32>} : memref<1024xf32, #tpu.memory_space<vmem>>, vector<16xf32>,
    tpu.vector_store %arg14[%swap3A_257], %broadcast_in_dim3A_256 {strides = array<i32>} : memref<1024xf32, #tpu.memory_space<vmem>>, vector<16xf32>,
    %gather3A = tpu.vector_load_idx %arg11[%broadcast_in_dim3A_3] : memref<1024xf32, #tpu.memory_space<vmem>>[vector<16xi32>], vector<16xf32>,
    %gather3A_259 = tpu.vector_load_idx %arg12[%broadcast_in_dim3A_3] : memref<1024xf32, #tpu.memory_space<vmem>>[vector<16xi32>], vector<16xf32>,
    %gather3A_260 = tpu.vector_load_idx %arg13[%broadcast_in_dim3A_3] : memref<1024xf32, #tpu.memory_space<vmem>>[vector<16xi32>], vector<16xf32>,
    tpu.vector_store_idx %arg15[%broadcast_in_dim3A_3], %gather3A masked %eq3A_2 : memref<512xf32, #tpu.memory_space<vmem>>[vector<16xi32>], vector<16xf32>, vector<16xi1>
    tpu.vector_store_idx %arg16[%broadcast_in_dim3A_3], %gather3A_259 masked %eq3A_2 : memref<512xf32, #tpu.memory_space<vmem>>[vector<16xi32>], vector<16xf32>, vector<16xi1>
    tpu.vector_store_idx %arg17[%broadcast_in_dim3A_3], %gather3A_260 masked %eq3A_2 : memref<512xf32, #tpu.memory_space<vmem>>[vector<16xi32>], vector<16xf32>, vector<16xi1>
    %scan3A = arith.constant 1 : i32
    %scan3A_261 = arith.constant 511 : i32
    %scan3A_262 = arith.addi %scan3A, %scan3A_261 : i32
    %scan3A_263 = arith.constant 1 : i32
    %scan3A_264:3 = scf.for %scan3A_409 = %scan3A to %scan3A_262 step %scan3A_263 iter_args(%scan3A_410 = %gather3A, %scan3A_411 = %gather3A_259, %scan3A_412 = %gather3A_260) -> (vector<16xf32>, vector<16xf32>, vector<16xf32>)  : i32 {
      %broadcast_in_dim3A_413 = arith.constant -1.000000e+00 : f32
      %broadcast_in_dim3A_414 = vector.broadcast %broadcast_in_dim3A_413 : f32 to vector<16xf32>
      %broadcast_in_dim3A_415 = arith.constant 0 : i32
      %broadcast_in_dim3A_416 = vector.broadcast %broadcast_in_dim3A_415 : i32 to vector<16xi32>
      %get3A = arith.constant 0 : index
      %get3A_417 = tpu.vector_load %arg11[%get3A] {strides = array<i32>} : memref<1024xf32, #tpu.memory_space<vmem>>, vector<16xf32>,
      %sub3A = arith.subf %get3A_417, %scan3A_410 : vector<16xf32>
      %get3A_418 = arith.constant 0 : index
      %get3A_419 = tpu.vector_load %arg12[%get3A_418] {strides = array<i32>} : memref<1024xf32, #tpu.memory_space<vmem>>, vector<16xf32>,
      %sub3A_420 = arith.subf %get3A_419, %scan3A_411 : vector<16xf32>
      %get3A_421 = arith.constant 0 : index
      %get3A_422 = tpu.vector_load %arg13[%get3A_421] {strides = array<i32>} : memref<1024xf32, #tpu.memory_space<vmem>>, vector<16xf32>,
      %sub3A_423 = arith.subf %get3A_422, %scan3A_412 : vector<16xf32>
      %mul3A_424 = arith.mulf %sub3A, %sub3A : vector<16xf32>
      %mul3A_425 = arith.mulf %sub3A_420, %sub3A_420 : vector<16xf32>
      %add3A_426 = arith.addf %mul3A_424, %mul3A_425 : vector<16xf32>
      %mul3A_427 = arith.mulf %sub3A_423, %sub3A_423 : vector<16xf32>
      %add3A_428 = arith.addf %add3A_426, %mul3A_427 : vector<16xf32>
      %get3A_429 = arith.constant 0 : index
      %get3A_430 = tpu.vector_load %arg14[%get3A_429] {strides = array<i32>} : memref<1024xf32, #tpu.memory_space<vmem>>, vector<16xf32>,
      %min3A = arith.minimumf %get3A_430, %add3A_428 : vector<16xf32>
      %swap3A_431 = arith.constant 0 : index
      %swap3A_432 = tpu.vector_load %arg14[%swap3A_431] {strides = array<i32>} : memref<1024xf32, #tpu.memory_space<vmem>>, vector<16xf32>,
      tpu.vector_store %arg14[%swap3A_431], %min3A {strides = array<i32>} : memref<1024xf32, #tpu.memory_space<vmem>>, vector<16xf32>,
      %gt3A = arith.cmpf ogt, %min3A, %broadcast_in_dim3A_414 : vector<16xf32>
      %select_n3A = arith.select %gt3A, %min3A, %broadcast_in_dim3A_414 : vector<16xi1>, vector<16xf32>
      %add3A_433 = arith.constant 0 : i32
      %add3A_434 = vector.broadcast %add3A_433 : i32 to vector<16xi32>
      %add3A_435 = arith.addi %iota3A, %add3A_434 : vector<16xi32>
      %select_n3A_436 = arith.select %gt3A, %add3A_435, %broadcast_in_dim3A_416 : vector<16xi1>, vector<16xi32>
      %get3A_437 = arith.constant 16 : index
      %get3A_438 = tpu.vector_load %arg11[%get3A_437] {strides = array<i32>} : memref<1024xf32, #tpu.memory_space<vmem>>, vector<16xf32>,
      %sub3A_439 = arith.subf %get3A_438, %scan3A_410 : vector<16xf32>
      %get3A_440 = arith.constant 16 : index
      %get3A_441 = tpu.vector_load %arg12[%get3A_440] {strides = array<i32>} : memref<1024xf32, #tpu.memory_space<vmem>>, vector<16xf32>,
      %sub3A_442 = arith.subf %get3A_441, %scan3A_411 : vector<16xf32>
      %get3A_443 = arith.constant 16 : index
      %get3A_444 = tpu.vector_load %arg13[%get3A_443] {strides = array<i32>} : memref<1024xf32, #tpu.memory_space<vmem>>, vector<16xf32>,
      %sub3A_445 = arith.subf %get3A_444, %scan3A_412 : vector<16xf32>
      %mul3A_446 = arith.mulf %sub3A_439, %sub3A_439 : vector<16xf32>
      %mul3A_447 = arith.mulf %sub3A_442, %sub3A_442 : vector<16xf32>
      %add3A_448 = arith.addf %mul3A_446, %mul3A_447 : vector<16xf32>
      %mul3A_449 = arith.mulf %sub3A_445, %sub3A_445 : vector<16xf32>
      %add3A_450 = arith.addf %add3A_448, %mul3A_449 : vector<16xf32>
      %get3A_451 = arith.constant 16 : index
      %get3A_452 = tpu.vector_load %arg14[%get3A_451] {strides = array<i32>} : memref<1024xf32, #tpu.memory_space<vmem>>, vector<16xf32>,
      %min3A_453 = arith.minimumf %get3A_452, %add3A_450 : vector<16xf32>
      %swap3A_454 = arith.constant 16 : index
      %swap3A_455 = tpu.vector_load %arg14[%swap3A_454] {strides = array<i32>} : memref<1024xf32, #tpu.memory_space<vmem>>, vector<16xf32>,
      tpu.vector_store %arg14[%swap3A_454], %min3A_453 {strides = array<i32>} : memref<1024xf32, #tpu.memory_space<vmem>>, vector<16xf32>,
      %gt3A_456 = arith.cmpf ogt, %min3A_453, %select_n3A : vector<16xf32>
      %select_n3A_457 = arith.select %gt3A_456, %min3A_453, %select_n3A : vector<16xi1>, vector<16xf32>
      %add3A_458 = arith.constant 16 : i32
      %add3A_459 = vector.broadcast %add3A_458 : i32 to vector<16xi32>
      %add3A_460 = arith.addi %iota3A, %add3A_459 : vector<16xi32>
      %select_n3A_461 = arith.select %gt3A_456, %add3A_460, %select_n3A_436 : vector<16xi1>, vector<16xi32>
      %get3A_462 = arith.constant 32 : index
      %get3A_463 = tpu.vector_load %arg11[%get3A_462] {strides = array<i32>} : memref<1024xf32, #tpu.memory_space<vmem>>, vector<16xf32>,
      %sub3A_464 = arith.subf %get3A_463, %scan3A_410 : vector<16xf32>
      %get3A_465 = arith.constant 32 : index
      %get3A_466 = tpu.vector_load %arg12[%get3A_465] {strides = array<i32>} : memref<1024xf32, #tpu.memory_space<vmem>>, vector<16xf32>,
      %sub3A_467 = arith.subf %get3A_466, %scan3A_411 : vector<16xf32>
      %get3A_468 = arith.constant 32 : index
      %get3A_469 = tpu.vector_load %arg13[%get3A_468] {strides = array<i32>} : memref<1024xf32, #tpu.memory_space<vmem>>, vector<16xf32>,
      %sub3A_470 = arith.subf %get3A_469, %scan3A_412 : vector<16xf32>
      %mul3A_471 = arith.mulf %sub3A_464, %sub3A_464 : vector<16xf32>
      %mul3A_472 = arith.mulf %sub3A_467, %sub3A_467 : vector<16xf32>
      %add3A_473 = arith.addf %mul3A_471, %mul3A_472 : vector<16xf32>
      %mul3A_474 = arith.mulf %sub3A_470, %sub3A_470 : vector<16xf32>
      %add3A_475 = arith.addf %add3A_473, %mul3A_474 : vector<16xf32>
      %get3A_476 = arith.constant 32 : index
      %get3A_477 = tpu.vector_load %arg14[%get3A_476] {strides = array<i32>} : memref<1024xf32, #tpu.memory_space<vmem>>, vector<16xf32>,
      %min3A_478 = arith.minimumf %get3A_477, %add3A_475 : vector<16xf32>
      %swap3A_479 = arith.constant 32 : index
      %swap3A_480 = tpu.vector_load %arg14[%swap3A_479] {strides = array<i32>} : memref<1024xf32, #tpu.memory_space<vmem>>, vector<16xf32>,
      tpu.vector_store %arg14[%swap3A_479], %min3A_478 {strides = array<i32>} : memref<1024xf32, #tpu.memory_space<vmem>>, vector<16xf32>,
      %gt3A_481 = arith.cmpf ogt, %min3A_478, %select_n3A_457 : vector<16xf32>
      %select_n3A_482 = arith.select %gt3A_481, %min3A_478, %select_n3A_457 : vector<16xi1>, vector<16xf32>
      %add3A_483 = arith.constant 32 : i32
      %add3A_484 = vector.broadcast %add3A_483 : i32 to vector<16xi32>
      %add3A_485 = arith.addi %iota3A, %add3A_484 : vector<16xi32>
      %select_n3A_486 = arith.select %gt3A_481, %add3A_485, %select_n3A_461 : vector<16xi1>, vector<16xi32>
      %get3A_487 = arith.constant 48 : index
      %get3A_488 = tpu.vector_load %arg11[%get3A_487] {strides = array<i32>} : memref<1024xf32, #tpu.memory_space<vmem>>, vector<16xf32>,
      %sub3A_489 = arith.subf %get3A_488, %scan3A_410 : vector<16xf32>
      %get3A_490 = arith.constant 48 : index
      %get3A_491 = tpu.vector_load %arg12[%get3A_490] {strides = array<i32>} : memref<1024xf32, #tpu.memory_space<vmem>>, vector<16xf32>,
      %sub3A_492 = arith.subf %get3A_491, %scan3A_411 : vector<16xf32>
      %get3A_493 = arith.constant 48 : index
      %get3A_494 = tpu.vector_load %arg13[%get3A_493] {strides = array<i32>} : memref<1024xf32, #tpu.memory_space<vmem>>, vector<16xf32>,
      %sub3A_495 = arith.subf %get3A_494, %scan3A_412 : vector<16xf32>
      %mul3A_496 = arith.mulf %sub3A_489, %sub3A_489 : vector<16xf32>
      %mul3A_497 = arith.mulf %sub3A_492, %sub3A_492 : vector<16xf32>
      %add3A_498 = arith.addf %mul3A_496, %mul3A_497 : vector<16xf32>
      %mul3A_499 = arith.mulf %sub3A_495, %sub3A_495 : vector<16xf32>
      %add3A_500 = arith.addf %add3A_498, %mul3A_499 : vector<16xf32>
      %get3A_501 = arith.constant 48 : index
      %get3A_502 = tpu.vector_load %arg14[%get3A_501] {strides = array<i32>} : memref<1024xf32, #tpu.memory_space<vmem>>, vector<16xf32>,
      %min3A_503 = arith.minimumf %get3A_502, %add3A_500 : vector<16xf32>
      %swap3A_504 = arith.constant 48 : index
      %swap3A_505 = tpu.vector_load %arg14[%swap3A_504] {strides = array<i32>} : memref<1024xf32, #tpu.memory_space<vmem>>, vector<16xf32>,
      tpu.vector_store %arg14[%swap3A_504], %min3A_503 {strides = array<i32>} : memref<1024xf32, #tpu.memory_space<vmem>>, vector<16xf32>,
      %gt3A_506 = arith.cmpf ogt, %min3A_503, %select_n3A_482 : vector<16xf32>
      %select_n3A_507 = arith.select %gt3A_506, %min3A_503, %select_n3A_482 : vector<16xi1>, vector<16xf32>
      %add3A_508 = arith.constant 48 : i32
      %add3A_509 = vector.broadcast %add3A_508 : i32 to vector<16xi32>
      %add3A_510 = arith.addi %iota3A, %add3A_509 : vector<16xi32>
      %select_n3A_511 = arith.select %gt3A_506, %add3A_510, %select_n3A_486 : vector<16xi1>, vector<16xi32>
      %get3A_512 = arith.constant 64 : index
      %get3A_513 = tpu.vector_load %arg11[%get3A_512] {strides = array<i32>} : memref<1024xf32, #tpu.memory_space<vmem>>, vector<16xf32>,
      %sub3A_514 = arith.subf %get3A_513, %scan3A_410 : vector<16xf32>
      %get3A_515 = arith.constant 64 : index
      %get3A_516 = tpu.vector_load %arg12[%get3A_515] {strides = array<i32>} : memref<1024xf32, #tpu.memory_space<vmem>>, vector<16xf32>,
      %sub3A_517 = arith.subf %get3A_516, %scan3A_411 : vector<16xf32>
      %get3A_518 = arith.constant 64 : index
      %get3A_519 = tpu.vector_load %arg13[%get3A_518] {strides = array<i32>} : memref<1024xf32, #tpu.memory_space<vmem>>, vector<16xf32>,
      %sub3A_520 = arith.subf %get3A_519, %scan3A_412 : vector<16xf32>
      %mul3A_521 = arith.mulf %sub3A_514, %sub3A_514 : vector<16xf32>
      %mul3A_522 = arith.mulf %sub3A_517, %sub3A_517 : vector<16xf32>
      %add3A_523 = arith.addf %mul3A_521, %mul3A_522 : vector<16xf32>
      %mul3A_524 = arith.mulf %sub3A_520, %sub3A_520 : vector<16xf32>
      %add3A_525 = arith.addf %add3A_523, %mul3A_524 : vector<16xf32>
      %get3A_526 = arith.constant 64 : index
      %get3A_527 = tpu.vector_load %arg14[%get3A_526] {strides = array<i32>} : memref<1024xf32, #tpu.memory_space<vmem>>, vector<16xf32>,
      %min3A_528 = arith.minimumf %get3A_527, %add3A_525 : vector<16xf32>
      %swap3A_529 = arith.constant 64 : index
      %swap3A_530 = tpu.vector_load %arg14[%swap3A_529] {strides = array<i32>} : memref<1024xf32, #tpu.memory_space<vmem>>, vector<16xf32>,
      tpu.vector_store %arg14[%swap3A_529], %min3A_528 {strides = array<i32>} : memref<1024xf32, #tpu.memory_space<vmem>>, vector<16xf32>,
      %gt3A_531 = arith.cmpf ogt, %min3A_528, %select_n3A_507 : vector<16xf32>
      %select_n3A_532 = arith.select %gt3A_531, %min3A_528, %select_n3A_507 : vector<16xi1>, vector<16xf32>
      %add3A_533 = arith.constant 64 : i32
      %add3A_534 = vector.broadcast %add3A_533 : i32 to vector<16xi32>
      %add3A_535 = arith.addi %iota3A, %add3A_534 : vector<16xi32>
      %select_n3A_536 = arith.select %gt3A_531, %add3A_535, %select_n3A_511 : vector<16xi1>, vector<16xi32>
      %get3A_537 = arith.constant 80 : index
      %get3A_538 = tpu.vector_load %arg11[%get3A_537] {strides = array<i32>} : memref<1024xf32, #tpu.memory_space<vmem>>, vector<16xf32>,
      %sub3A_539 = arith.subf %get3A_538, %scan3A_410 : vector<16xf32>
      %get3A_540 = arith.constant 80 : index
      %get3A_541 = tpu.vector_load %arg12[%get3A_540] {strides = array<i32>} : memref<1024xf32, #tpu.memory_space<vmem>>, vector<16xf32>,
      %sub3A_542 = arith.subf %get3A_541, %scan3A_411 : vector<16xf32>
      %get3A_543 = arith.constant 80 : index
      %get3A_544 = tpu.vector_load %arg13[%get3A_543] {strides = array<i32>} : memref<1024xf32, #tpu.memory_space<vmem>>, vector<16xf32>,
      %sub3A_545 = arith.subf %get3A_544, %scan3A_412 : vector<16xf32>
      %mul3A_546 = arith.mulf %sub3A_539, %sub3A_539 : vector<16xf32>
      %mul3A_547 = arith.mulf %sub3A_542, %sub3A_542 : vector<16xf32>
      %add3A_548 = arith.addf %mul3A_546, %mul3A_547 : vector<16xf32>
      %mul3A_549 = arith.mulf %sub3A_545, %sub3A_545 : vector<16xf32>
      %add3A_550 = arith.addf %add3A_548, %mul3A_549 : vector<16xf32>
      %get3A_551 = arith.constant 80 : index
      %get3A_552 = tpu.vector_load %arg14[%get3A_551] {strides = array<i32>} : memref<1024xf32, #tpu.memory_space<vmem>>, vector<16xf32>,
      %min3A_553 = arith.minimumf %get3A_552, %add3A_550 : vector<16xf32>
      %swap3A_554 = arith.constant 80 : index
      %swap3A_555 = tpu.vector_load %arg14[%swap3A_554] {strides = array<i32>} : memref<1024xf32, #tpu.memory_space<vmem>>, vector<16xf32>,
      tpu.vector_store %arg14[%swap3A_554], %min3A_553 {strides = array<i32>} : memref<1024xf32, #tpu.memory_space<vmem>>, vector<16xf32>,
      %gt3A_556 = arith.cmpf ogt, %min3A_553, %select_n3A_532 : vector<16xf32>
      %select_n3A_557 = arith.select %gt3A_556, %min3A_553, %select_n3A_532 : vector<16xi1>, vector<16xf32>
      %add3A_558 = arith.constant 80 : i32
      %add3A_559 = vector.broadcast %add3A_558 : i32 to vector<16xi32>
      %add3A_560 = arith.addi %iota3A, %add3A_559 : vector<16xi32>
      %select_n3A_561 = arith.select %gt3A_556, %add3A_560, %select_n3A_536 : vector<16xi1>, vector<16xi32>
      %get3A_562 = arith.constant 96 : index
      %get3A_563 = tpu.vector_load %arg11[%get3A_562] {strides = array<i32>} : memref<1024xf32, #tpu.memory_space<vmem>>, vector<16xf32>,
      %sub3A_564 = arith.subf %get3A_563, %scan3A_410 : vector<16xf32>
      %get3A_565 = arith.constant 96 : index
      %get3A_566 = tpu.vector_load %arg12[%get3A_565] {strides = array<i32>} : memref<1024xf32, #tpu.memory_space<vmem>>, vector<16xf32>,
      %sub3A_567 = arith.subf %get3A_566, %scan3A_411 : vector<16xf32>
      %get3A_568 = arith.constant 96 : index
      %get3A_569 = tpu.vector_load %arg13[%get3A_568] {strides = array<i32>} : memref<1024xf32, #tpu.memory_space<vmem>>, vector<16xf32>,
      %sub3A_570 = arith.subf %get3A_569, %scan3A_412 : vector<16xf32>
      %mul3A_571 = arith.mulf %sub3A_564, %sub3A_564 : vector<16xf32>
      %mul3A_572 = arith.mulf %sub3A_567, %sub3A_567 : vector<16xf32>
      %add3A_573 = arith.addf %mul3A_571, %mul3A_572 : vector<16xf32>
      %mul3A_574 = arith.mulf %sub3A_570, %sub3A_570 : vector<16xf32>
      %add3A_575 = arith.addf %add3A_573, %mul3A_574 : vector<16xf32>
      %get3A_576 = arith.constant 96 : index
      %get3A_577 = tpu.vector_load %arg14[%get3A_576] {strides = array<i32>} : memref<1024xf32, #tpu.memory_space<vmem>>, vector<16xf32>,
      %min3A_578 = arith.minimumf %get3A_577, %add3A_575 : vector<16xf32>
      %swap3A_579 = arith.constant 96 : index
      %swap3A_580 = tpu.vector_load %arg14[%swap3A_579] {strides = array<i32>} : memref<1024xf32, #tpu.memory_space<vmem>>, vector<16xf32>,
      tpu.vector_store %arg14[%swap3A_579], %min3A_578 {strides = array<i32>} : memref<1024xf32, #tpu.memory_space<vmem>>, vector<16xf32>,
      %gt3A_581 = arith.cmpf ogt, %min3A_578, %select_n3A_557 : vector<16xf32>
      %select_n3A_582 = arith.select %gt3A_581, %min3A_578, %select_n3A_557 : vector<16xi1>, vector<16xf32>
      %add3A_583 = arith.constant 96 : i32
      %add3A_584 = vector.broadcast %add3A_583 : i32 to vector<16xi32>
      %add3A_585 = arith.addi %iota3A, %add3A_584 : vector<16xi32>
      %select_n3A_586 = arith.select %gt3A_581, %add3A_585, %select_n3A_561 : vector<16xi1>, vector<16xi32>
      %get3A_587 = arith.constant 112 : index
      %get3A_588 = tpu.vector_load %arg11[%get3A_587] {strides = array<i32>} : memref<1024xf32, #tpu.memory_space<vmem>>, vector<16xf32>,
      %sub3A_589 = arith.subf %get3A_588, %scan3A_410 : vector<16xf32>
      %get3A_590 = arith.constant 112 : index
      %get3A_591 = tpu.vector_load %arg12[%get3A_590] {strides = array<i32>} : memref<1024xf32, #tpu.memory_space<vmem>>, vector<16xf32>,
      %sub3A_592 = arith.subf %get3A_591, %scan3A_411 : vector<16xf32>
      %get3A_593 = arith.constant 112 : index
      %get3A_594 = tpu.vector_load %arg13[%get3A_593] {strides = array<i32>} : memref<1024xf32, #tpu.memory_space<vmem>>, vector<16xf32>,
      %sub3A_595 = arith.subf %get3A_594, %scan3A_412 : vector<16xf32>
      %mul3A_596 = arith.mulf %sub3A_589, %sub3A_589 : vector<16xf32>
      %mul3A_597 = arith.mulf %sub3A_592, %sub3A_592 : vector<16xf32>
      %add3A_598 = arith.addf %mul3A_596, %mul3A_597 : vector<16xf32>
      %mul3A_599 = arith.mulf %sub3A_595, %sub3A_595 : vector<16xf32>
      %add3A_600 = arith.addf %add3A_598, %mul3A_599 : vector<16xf32>
      %get3A_601 = arith.constant 112 : index
      %get3A_602 = tpu.vector_load %arg14[%get3A_601] {strides = array<i32>} : memref<1024xf32, #tpu.memory_space<vmem>>, vector<16xf32>,
      %min3A_603 = arith.minimumf %get3A_602, %add3A_600 : vector<16xf32>
      %swap3A_604 = arith.constant 112 : index
      %swap3A_605 = tpu.vector_load %arg14[%swap3A_604] {strides = array<i32>} : memref<1024xf32, #tpu.memory_space<vmem>>, vector<16xf32>,
      tpu.vector_store %arg14[%swap3A_604], %min3A_603 {strides = array<i32>} : memref<1024xf32, #tpu.memory_space<vmem>>, vector<16xf32>,
      %gt3A_606 = arith.cmpf ogt, %min3A_603, %select_n3A_582 : vector<16xf32>
      %select_n3A_607 = arith.select %gt3A_606, %min3A_603, %select_n3A_582 : vector<16xi1>, vector<16xf32>
      %add3A_608 = arith.constant 112 : i32
      %add3A_609 = vector.broadcast %add3A_608 : i32 to vector<16xi32>
      %add3A_610 = arith.addi %iota3A, %add3A_609 : vector<16xi32>
      %select_n3A_611 = arith.select %gt3A_606, %add3A_610, %select_n3A_586 : vector<16xi1>, vector<16xi32>
      %get3A_612 = arith.constant 128 : index
      %get3A_613 = tpu.vector_load %arg11[%get3A_612] {strides = array<i32>} : memref<1024xf32, #tpu.memory_space<vmem>>, vector<16xf32>,
      %sub3A_614 = arith.subf %get3A_613, %scan3A_410 : vector<16xf32>
      %get3A_615 = arith.constant 128 : index
      %get3A_616 = tpu.vector_load %arg12[%get3A_615] {strides = array<i32>} : memref<1024xf32, #tpu.memory_space<vmem>>, vector<16xf32>,
      %sub3A_617 = arith.subf %get3A_616, %scan3A_411 : vector<16xf32>
      %get3A_618 = arith.constant 128 : index
      %get3A_619 = tpu.vector_load %arg13[%get3A_618] {strides = array<i32>} : memref<1024xf32, #tpu.memory_space<vmem>>, vector<16xf32>,
      %sub3A_620 = arith.subf %get3A_619, %scan3A_412 : vector<16xf32>
      %mul3A_621 = arith.mulf %sub3A_614, %sub3A_614 : vector<16xf32>
      %mul3A_622 = arith.mulf %sub3A_617, %sub3A_617 : vector<16xf32>
      %add3A_623 = arith.addf %mul3A_621, %mul3A_622 : vector<16xf32>
      %mul3A_624 = arith.mulf %sub3A_620, %sub3A_620 : vector<16xf32>
      %add3A_625 = arith.addf %add3A_623, %mul3A_624 : vector<16xf32>
      %get3A_626 = arith.constant 128 : index
      %get3A_627 = tpu.vector_load %arg14[%get3A_626] {strides = array<i32>} : memref<1024xf32, #tpu.memory_space<vmem>>, vector<16xf32>,
      %min3A_628 = arith.minimumf %get3A_627, %add3A_625 : vector<16xf32>
      %swap3A_629 = arith.constant 128 : index
      %swap3A_630 = tpu.vector_load %arg14[%swap3A_629] {strides = array<i32>} : memref<1024xf32, #tpu.memory_space<vmem>>, vector<16xf32>,
      tpu.vector_store %arg14[%swap3A_629], %min3A_628 {strides = array<i32>} : memref<1024xf32, #tpu.memory_space<vmem>>, vector<16xf32>,
      %gt3A_631 = arith.cmpf ogt, %min3A_628, %select_n3A_607 : vector<16xf32>
      %select_n3A_632 = arith.select %gt3A_631, %min3A_628, %select_n3A_607 : vector<16xi1>, vector<16xf32>
      %add3A_633 = arith.constant 128 : i32
      %add3A_634 = vector.broadcast %add3A_633 : i32 to vector<16xi32>
      %add3A_635 = arith.addi %iota3A, %add3A_634 : vector<16xi32>
      %select_n3A_636 = arith.select %gt3A_631, %add3A_635, %select_n3A_611 : vector<16xi1>, vector<16xi32>
      %get3A_637 = arith.constant 144 : index
      %get3A_638 = tpu.vector_load %arg11[%get3A_637] {strides = array<i32>} : memref<1024xf32, #tpu.memory_space<vmem>>, vector<16xf32>,
      %sub3A_639 = arith.subf %get3A_638, %scan3A_410 : vector<16xf32>
      %get3A_640 = arith.constant 144 : index
      %get3A_641 = tpu.vector_load %arg12[%get3A_640] {strides = array<i32>} : memref<1024xf32, #tpu.memory_space<vmem>>, vector<16xf32>,
      %sub3A_642 = arith.subf %get3A_641, %scan3A_411 : vector<16xf32>
      %get3A_643 = arith.constant 144 : index
      %get3A_644 = tpu.vector_load %arg13[%get3A_643] {strides = array<i32>} : memref<1024xf32, #tpu.memory_space<vmem>>, vector<16xf32>,
      %sub3A_645 = arith.subf %get3A_644, %scan3A_412 : vector<16xf32>
      %mul3A_646 = arith.mulf %sub3A_639, %sub3A_639 : vector<16xf32>
      %mul3A_647 = arith.mulf %sub3A_642, %sub3A_642 : vector<16xf32>
      %add3A_648 = arith.addf %mul3A_646, %mul3A_647 : vector<16xf32>
      %mul3A_649 = arith.mulf %sub3A_645, %sub3A_645 : vector<16xf32>
      %add3A_650 = arith.addf %add3A_648, %mul3A_649 : vector<16xf32>
      %get3A_651 = arith.constant 144 : index
      %get3A_652 = tpu.vector_load %arg14[%get3A_651] {strides = array<i32>} : memref<1024xf32, #tpu.memory_space<vmem>>, vector<16xf32>,
      %min3A_653 = arith.minimumf %get3A_652, %add3A_650 : vector<16xf32>
      %swap3A_654 = arith.constant 144 : index
      %swap3A_655 = tpu.vector_load %arg14[%swap3A_654] {strides = array<i32>} : memref<1024xf32, #tpu.memory_space<vmem>>, vector<16xf32>,
      tpu.vector_store %arg14[%swap3A_654], %min3A_653 {strides = array<i32>} : memref<1024xf32, #tpu.memory_space<vmem>>, vector<16xf32>,
      %gt3A_656 = arith.cmpf ogt, %min3A_653, %select_n3A_632 : vector<16xf32>
      %select_n3A_657 = arith.select %gt3A_656, %min3A_653, %select_n3A_632 : vector<16xi1>, vector<16xf32>
      %add3A_658 = arith.constant 144 : i32
      %add3A_659 = vector.broadcast %add3A_658 : i32 to vector<16xi32>
      %add3A_660 = arith.addi %iota3A, %add3A_659 : vector<16xi32>
      %select_n3A_661 = arith.select %gt3A_656, %add3A_660, %select_n3A_636 : vector<16xi1>, vector<16xi32>
      %get3A_662 = arith.constant 160 : index
      %get3A_663 = tpu.vector_load %arg11[%get3A_662] {strides = array<i32>} : memref<1024xf32, #tpu.memory_space<vmem>>, vector<16xf32>,
      %sub3A_664 = arith.subf %get3A_663, %scan3A_410 : vector<16xf32>
      %get3A_665 = arith.constant 160 : index
      %get3A_666 = tpu.vector_load %arg12[%get3A_665] {strides = array<i32>} : memref<1024xf32, #tpu.memory_space<vmem>>, vector<16xf32>,
      %sub3A_667 = arith.subf %get3A_666, %scan3A_411 : vector<16xf32>
      %get3A_668 = arith.constant 160 : index
      %get3A_669 = tpu.vector_load %arg13[%get3A_668] {strides = array<i32>} : memref<1024xf32, #tpu.memory_space<vmem>>, vector<16xf32>,
      %sub3A_670 = arith.subf %get3A_669, %scan3A_412 : vector<16xf32>
      %mul3A_671 = arith.mulf %sub3A_664, %sub3A_664 : vector<16xf32>
      %mul3A_672 = arith.mulf %sub3A_667, %sub3A_667 : vector<16xf32>
      %add3A_673 = arith.addf %mul3A_671, %mul3A_672 : vector<16xf32>
      %mul3A_674 = arith.mulf %sub3A_670, %sub3A_670 : vector<16xf32>
      %add3A_675 = arith.addf %add3A_673, %mul3A_674 : vector<16xf32>
      %get3A_676 = arith.constant 160 : index
      %get3A_677 = tpu.vector_load %arg14[%get3A_676] {strides = array<i32>} : memref<1024xf32, #tpu.memory_space<vmem>>, vector<16xf32>,
      %min3A_678 = arith.minimumf %get3A_677, %add3A_675 : vector<16xf32>
      %swap3A_679 = arith.constant 160 : index
      %swap3A_680 = tpu.vector_load %arg14[%swap3A_679] {strides = array<i32>} : memref<1024xf32, #tpu.memory_space<vmem>>, vector<16xf32>,
      tpu.vector_store %arg14[%swap3A_679], %min3A_678 {strides = array<i32>} : memref<1024xf32, #tpu.memory_space<vmem>>, vector<16xf32>,
      %gt3A_681 = arith.cmpf ogt, %min3A_678, %select_n3A_657 : vector<16xf32>
      %select_n3A_682 = arith.select %gt3A_681, %min3A_678, %select_n3A_657 : vector<16xi1>, vector<16xf32>
      %add3A_683 = arith.constant 160 : i32
      %add3A_684 = vector.broadcast %add3A_683 : i32 to vector<16xi32>
      %add3A_685 = arith.addi %iota3A, %add3A_684 : vector<16xi32>
      %select_n3A_686 = arith.select %gt3A_681, %add3A_685, %select_n3A_661 : vector<16xi1>, vector<16xi32>
      %get3A_687 = arith.constant 176 : index
      %get3A_688 = tpu.vector_load %arg11[%get3A_687] {strides = array<i32>} : memref<1024xf32, #tpu.memory_space<vmem>>, vector<16xf32>,
      %sub3A_689 = arith.subf %get3A_688, %scan3A_410 : vector<16xf32>
      %get3A_690 = arith.constant 176 : index
      %get3A_691 = tpu.vector_load %arg12[%get3A_690] {strides = array<i32>} : memref<1024xf32, #tpu.memory_space<vmem>>, vector<16xf32>,
      %sub3A_692 = arith.subf %get3A_691, %scan3A_411 : vector<16xf32>
      %get3A_693 = arith.constant 176 : index
      %get3A_694 = tpu.vector_load %arg13[%get3A_693] {strides = array<i32>} : memref<1024xf32, #tpu.memory_space<vmem>>, vector<16xf32>,
      %sub3A_695 = arith.subf %get3A_694, %scan3A_412 : vector<16xf32>
      %mul3A_696 = arith.mulf %sub3A_689, %sub3A_689 : vector<16xf32>
      %mul3A_697 = arith.mulf %sub3A_692, %sub3A_692 : vector<16xf32>
      %add3A_698 = arith.addf %mul3A_696, %mul3A_697 : vector<16xf32>
      %mul3A_699 = arith.mulf %sub3A_695, %sub3A_695 : vector<16xf32>
      %add3A_700 = arith.addf %add3A_698, %mul3A_699 : vector<16xf32>
      %get3A_701 = arith.constant 176 : index
      %get3A_702 = tpu.vector_load %arg14[%get3A_701] {strides = array<i32>} : memref<1024xf32, #tpu.memory_space<vmem>>, vector<16xf32>,
      %min3A_703 = arith.minimumf %get3A_702, %add3A_700 : vector<16xf32>
      %swap3A_704 = arith.constant 176 : index
      %swap3A_705 = tpu.vector_load %arg14[%swap3A_704] {strides = array<i32>} : memref<1024xf32, #tpu.memory_space<vmem>>, vector<16xf32>,
      tpu.vector_store %arg14[%swap3A_704], %min3A_703 {strides = array<i32>} : memref<1024xf32, #tpu.memory_space<vmem>>, vector<16xf32>,
      %gt3A_706 = arith.cmpf ogt, %min3A_703, %select_n3A_682 : vector<16xf32>
      %select_n3A_707 = arith.select %gt3A_706, %min3A_703, %select_n3A_682 : vector<16xi1>, vector<16xf32>
      %add3A_708 = arith.constant 176 : i32
      %add3A_709 = vector.broadcast %add3A_708 : i32 to vector<16xi32>
      %add3A_710 = arith.addi %iota3A, %add3A_709 : vector<16xi32>
      %select_n3A_711 = arith.select %gt3A_706, %add3A_710, %select_n3A_686 : vector<16xi1>, vector<16xi32>
      %get3A_712 = arith.constant 192 : index
      %get3A_713 = tpu.vector_load %arg11[%get3A_712] {strides = array<i32>} : memref<1024xf32, #tpu.memory_space<vmem>>, vector<16xf32>,
      %sub3A_714 = arith.subf %get3A_713, %scan3A_410 : vector<16xf32>
      %get3A_715 = arith.constant 192 : index
      %get3A_716 = tpu.vector_load %arg12[%get3A_715] {strides = array<i32>} : memref<1024xf32, #tpu.memory_space<vmem>>, vector<16xf32>,
      %sub3A_717 = arith.subf %get3A_716, %scan3A_411 : vector<16xf32>
      %get3A_718 = arith.constant 192 : index
      %get3A_719 = tpu.vector_load %arg13[%get3A_718] {strides = array<i32>} : memref<1024xf32, #tpu.memory_space<vmem>>, vector<16xf32>,
      %sub3A_720 = arith.subf %get3A_719, %scan3A_412 : vector<16xf32>
      %mul3A_721 = arith.mulf %sub3A_714, %sub3A_714 : vector<16xf32>
      %mul3A_722 = arith.mulf %sub3A_717, %sub3A_717 : vector<16xf32>
      %add3A_723 = arith.addf %mul3A_721, %mul3A_722 : vector<16xf32>
      %mul3A_724 = arith.mulf %sub3A_720, %sub3A_720 : vector<16xf32>
      %add3A_725 = arith.addf %add3A_723, %mul3A_724 : vector<16xf32>
      %get3A_726 = arith.constant 192 : index
      %get3A_727 = tpu.vector_load %arg14[%get3A_726] {strides = array<i32>} : memref<1024xf32, #tpu.memory_space<vmem>>, vector<16xf32>,
      %min3A_728 = arith.minimumf %get3A_727, %add3A_725 : vector<16xf32>
      %swap3A_729 = arith.constant 192 : index
      %swap3A_730 = tpu.vector_load %arg14[%swap3A_729] {strides = array<i32>} : memref<1024xf32, #tpu.memory_space<vmem>>, vector<16xf32>,
      tpu.vector_store %arg14[%swap3A_729], %min3A_728 {strides = array<i32>} : memref<1024xf32, #tpu.memory_space<vmem>>, vector<16xf32>,
      %gt3A_731 = arith.cmpf ogt, %min3A_728, %select_n3A_707 : vector<16xf32>
      %select_n3A_732 = arith.select %gt3A_731, %min3A_728, %select_n3A_707 : vector<16xi1>, vector<16xf32>
      %add3A_733 = arith.constant 192 : i32
      %add3A_734 = vector.broadcast %add3A_733 : i32 to vector<16xi32>
      %add3A_735 = arith.addi %iota3A, %add3A_734 : vector<16xi32>
      %select_n3A_736 = arith.select %gt3A_731, %add3A_735, %select_n3A_711 : vector<16xi1>, vector<16xi32>
      %get3A_737 = arith.constant 208 : index
      %get3A_738 = tpu.vector_load %arg11[%get3A_737] {strides = array<i32>} : memref<1024xf32, #tpu.memory_space<vmem>>, vector<16xf32>,
      %sub3A_739 = arith.subf %get3A_738, %scan3A_410 : vector<16xf32>
      %get3A_740 = arith.constant 208 : index
      %get3A_741 = tpu.vector_load %arg12[%get3A_740] {strides = array<i32>} : memref<1024xf32, #tpu.memory_space<vmem>>, vector<16xf32>,
      %sub3A_742 = arith.subf %get3A_741, %scan3A_411 : vector<16xf32>
      %get3A_743 = arith.constant 208 : index
      %get3A_744 = tpu.vector_load %arg13[%get3A_743] {strides = array<i32>} : memref<1024xf32, #tpu.memory_space<vmem>>, vector<16xf32>,
      %sub3A_745 = arith.subf %get3A_744, %scan3A_412 : vector<16xf32>
      %mul3A_746 = arith.mulf %sub3A_739, %sub3A_739 : vector<16xf32>
      %mul3A_747 = arith.mulf %sub3A_742, %sub3A_742 : vector<16xf32>
      %add3A_748 = arith.addf %mul3A_746, %mul3A_747 : vector<16xf32>
      %mul3A_749 = arith.mulf %sub3A_745, %sub3A_745 : vector<16xf32>
      %add3A_750 = arith.addf %add3A_748, %mul3A_749 : vector<16xf32>
      %get3A_751 = arith.constant 208 : index
      %get3A_752 = tpu.vector_load %arg14[%get3A_751] {strides = array<i32>} : memref<1024xf32, #tpu.memory_space<vmem>>, vector<16xf32>,
      %min3A_753 = arith.minimumf %get3A_752, %add3A_750 : vector<16xf32>
      %swap3A_754 = arith.constant 208 : index
      %swap3A_755 = tpu.vector_load %arg14[%swap3A_754] {strides = array<i32>} : memref<1024xf32, #tpu.memory_space<vmem>>, vector<16xf32>,
      tpu.vector_store %arg14[%swap3A_754], %min3A_753 {strides = array<i32>} : memref<1024xf32, #tpu.memory_space<vmem>>, vector<16xf32>,
      %gt3A_756 = arith.cmpf ogt, %min3A_753, %select_n3A_732 : vector<16xf32>
      %select_n3A_757 = arith.select %gt3A_756, %min3A_753, %select_n3A_732 : vector<16xi1>, vector<16xf32>
      %add3A_758 = arith.constant 208 : i32
      %add3A_759 = vector.broadcast %add3A_758 : i32 to vector<16xi32>
      %add3A_760 = arith.addi %iota3A, %add3A_759 : vector<16xi32>
      %select_n3A_761 = arith.select %gt3A_756, %add3A_760, %select_n3A_736 : vector<16xi1>, vector<16xi32>
      %get3A_762 = arith.constant 224 : index
      %get3A_763 = tpu.vector_load %arg11[%get3A_762] {strides = array<i32>} : memref<1024xf32, #tpu.memory_space<vmem>>, vector<16xf32>,
      %sub3A_764 = arith.subf %get3A_763, %scan3A_410 : vector<16xf32>
      %get3A_765 = arith.constant 224 : index
      %get3A_766 = tpu.vector_load %arg12[%get3A_765] {strides = array<i32>} : memref<1024xf32, #tpu.memory_space<vmem>>, vector<16xf32>,
      %sub3A_767 = arith.subf %get3A_766, %scan3A_411 : vector<16xf32>
      %get3A_768 = arith.constant 224 : index
      %get3A_769 = tpu.vector_load %arg13[%get3A_768] {strides = array<i32>} : memref<1024xf32, #tpu.memory_space<vmem>>, vector<16xf32>,
      %sub3A_770 = arith.subf %get3A_769, %scan3A_412 : vector<16xf32>
      %mul3A_771 = arith.mulf %sub3A_764, %sub3A_764 : vector<16xf32>
      %mul3A_772 = arith.mulf %sub3A_767, %sub3A_767 : vector<16xf32>
      %add3A_773 = arith.addf %mul3A_771, %mul3A_772 : vector<16xf32>
      %mul3A_774 = arith.mulf %sub3A_770, %sub3A_770 : vector<16xf32>
      %add3A_775 = arith.addf %add3A_773, %mul3A_774 : vector<16xf32>
      %get3A_776 = arith.constant 224 : index
      %get3A_777 = tpu.vector_load %arg14[%get3A_776] {strides = array<i32>} : memref<1024xf32, #tpu.memory_space<vmem>>, vector<16xf32>,
      %min3A_778 = arith.minimumf %get3A_777, %add3A_775 : vector<16xf32>
      %swap3A_779 = arith.constant 224 : index
      %swap3A_780 = tpu.vector_load %arg14[%swap3A_779] {strides = array<i32>} : memref<1024xf32, #tpu.memory_space<vmem>>, vector<16xf32>,
      tpu.vector_store %arg14[%swap3A_779], %min3A_778 {strides = array<i32>} : memref<1024xf32, #tpu.memory_space<vmem>>, vector<16xf32>,
      %gt3A_781 = arith.cmpf ogt, %min3A_778, %select_n3A_757 : vector<16xf32>
      %select_n3A_782 = arith.select %gt3A_781, %min3A_778, %select_n3A_757 : vector<16xi1>, vector<16xf32>
      %add3A_783 = arith.constant 224 : i32
      %add3A_784 = vector.broadcast %add3A_783 : i32 to vector<16xi32>
      %add3A_785 = arith.addi %iota3A, %add3A_784 : vector<16xi32>
      %select_n3A_786 = arith.select %gt3A_781, %add3A_785, %select_n3A_761 : vector<16xi1>, vector<16xi32>
      %get3A_787 = arith.constant 240 : index
      %get3A_788 = tpu.vector_load %arg11[%get3A_787] {strides = array<i32>} : memref<1024xf32, #tpu.memory_space<vmem>>, vector<16xf32>,
      %sub3A_789 = arith.subf %get3A_788, %scan3A_410 : vector<16xf32>
      %get3A_790 = arith.constant 240 : index
      %get3A_791 = tpu.vector_load %arg12[%get3A_790] {strides = array<i32>} : memref<1024xf32, #tpu.memory_space<vmem>>, vector<16xf32>,
      %sub3A_792 = arith.subf %get3A_791, %scan3A_411 : vector<16xf32>
      %get3A_793 = arith.constant 240 : index
      %get3A_794 = tpu.vector_load %arg13[%get3A_793] {strides = array<i32>} : memref<1024xf32, #tpu.memory_space<vmem>>, vector<16xf32>,
      %sub3A_795 = arith.subf %get3A_794, %scan3A_412 : vector<16xf32>
      %mul3A_796 = arith.mulf %sub3A_789, %sub3A_789 : vector<16xf32>
      %mul3A_797 = arith.mulf %sub3A_792, %sub3A_792 : vector<16xf32>
      %add3A_798 = arith.addf %mul3A_796, %mul3A_797 : vector<16xf32>
      %mul3A_799 = arith.mulf %sub3A_795, %sub3A_795 : vector<16xf32>
      %add3A_800 = arith.addf %add3A_798, %mul3A_799 : vector<16xf32>
      %get3A_801 = arith.constant 240 : index
      %get3A_802 = tpu.vector_load %arg14[%get3A_801] {strides = array<i32>} : memref<1024xf32, #tpu.memory_space<vmem>>, vector<16xf32>,
      %min3A_803 = arith.minimumf %get3A_802, %add3A_800 : vector<16xf32>
      %swap3A_804 = arith.constant 240 : index
      %swap3A_805 = tpu.vector_load %arg14[%swap3A_804] {strides = array<i32>} : memref<1024xf32, #tpu.memory_space<vmem>>, vector<16xf32>,
      tpu.vector_store %arg14[%swap3A_804], %min3A_803 {strides = array<i32>} : memref<1024xf32, #tpu.memory_space<vmem>>, vector<16xf32>,
      %gt3A_806 = arith.cmpf ogt, %min3A_803, %select_n3A_782 : vector<16xf32>
      %select_n3A_807 = arith.select %gt3A_806, %min3A_803, %select_n3A_782 : vector<16xi1>, vector<16xf32>
      %add3A_808 = arith.constant 240 : i32
      %add3A_809 = vector.broadcast %add3A_808 : i32 to vector<16xi32>
      %add3A_810 = arith.addi %iota3A, %add3A_809 : vector<16xi32>
      %select_n3A_811 = arith.select %gt3A_806, %add3A_810, %select_n3A_786 : vector<16xi1>, vector<16xi32>
      %get3A_812 = arith.constant 256 : index
      %get3A_813 = tpu.vector_load %arg11[%get3A_812] {strides = array<i32>} : memref<1024xf32, #tpu.memory_space<vmem>>, vector<16xf32>,
      %sub3A_814 = arith.subf %get3A_813, %scan3A_410 : vector<16xf32>
      %get3A_815 = arith.constant 256 : index
      %get3A_816 = tpu.vector_load %arg12[%get3A_815] {strides = array<i32>} : memref<1024xf32, #tpu.memory_space<vmem>>, vector<16xf32>,
      %sub3A_817 = arith.subf %get3A_816, %scan3A_411 : vector<16xf32>
      %get3A_818 = arith.constant 256 : index
      %get3A_819 = tpu.vector_load %arg13[%get3A_818] {strides = array<i32>} : memref<1024xf32, #tpu.memory_space<vmem>>, vector<16xf32>,
      %sub3A_820 = arith.subf %get3A_819, %scan3A_412 : vector<16xf32>
      %mul3A_821 = arith.mulf %sub3A_814, %sub3A_814 : vector<16xf32>
      %mul3A_822 = arith.mulf %sub3A_817, %sub3A_817 : vector<16xf32>
      %add3A_823 = arith.addf %mul3A_821, %mul3A_822 : vector<16xf32>
      %mul3A_824 = arith.mulf %sub3A_820, %sub3A_820 : vector<16xf32>
      %add3A_825 = arith.addf %add3A_823, %mul3A_824 : vector<16xf32>
      %get3A_826 = arith.constant 256 : index
      %get3A_827 = tpu.vector_load %arg14[%get3A_826] {strides = array<i32>} : memref<1024xf32, #tpu.memory_space<vmem>>, vector<16xf32>,
      %min3A_828 = arith.minimumf %get3A_827, %add3A_825 : vector<16xf32>
      %swap3A_829 = arith.constant 256 : index
      %swap3A_830 = tpu.vector_load %arg14[%swap3A_829] {strides = array<i32>} : memref<1024xf32, #tpu.memory_space<vmem>>, vector<16xf32>,
      tpu.vector_store %arg14[%swap3A_829], %min3A_828 {strides = array<i32>} : memref<1024xf32, #tpu.memory_space<vmem>>, vector<16xf32>,
      %gt3A_831 = arith.cmpf ogt, %min3A_828, %select_n3A_807 : vector<16xf32>
      %select_n3A_832 = arith.select %gt3A_831, %min3A_828, %select_n3A_807 : vector<16xi1>, vector<16xf32>
      %add3A_833 = arith.constant 256 : i32
      %add3A_834 = vector.broadcast %add3A_833 : i32 to vector<16xi32>
      %add3A_835 = arith.addi %iota3A, %add3A_834 : vector<16xi32>
      %select_n3A_836 = arith.select %gt3A_831, %add3A_835, %select_n3A_811 : vector<16xi1>, vector<16xi32>
      %get3A_837 = arith.constant 272 : index
      %get3A_838 = tpu.vector_load %arg11[%get3A_837] {strides = array<i32>} : memref<1024xf32, #tpu.memory_space<vmem>>, vector<16xf32>,
      %sub3A_839 = arith.subf %get3A_838, %scan3A_410 : vector<16xf32>
      %get3A_840 = arith.constant 272 : index
      %get3A_841 = tpu.vector_load %arg12[%get3A_840] {strides = array<i32>} : memref<1024xf32, #tpu.memory_space<vmem>>, vector<16xf32>,
      %sub3A_842 = arith.subf %get3A_841, %scan3A_411 : vector<16xf32>
      %get3A_843 = arith.constant 272 : index
      %get3A_844 = tpu.vector_load %arg13[%get3A_843] {strides = array<i32>} : memref<1024xf32, #tpu.memory_space<vmem>>, vector<16xf32>,
      %sub3A_845 = arith.subf %get3A_844, %scan3A_412 : vector<16xf32>
      %mul3A_846 = arith.mulf %sub3A_839, %sub3A_839 : vector<16xf32>
      %mul3A_847 = arith.mulf %sub3A_842, %sub3A_842 : vector<16xf32>
      %add3A_848 = arith.addf %mul3A_846, %mul3A_847 : vector<16xf32>
      %mul3A_849 = arith.mulf %sub3A_845, %sub3A_845 : vector<16xf32>
      %add3A_850 = arith.addf %add3A_848, %mul3A_849 : vector<16xf32>
      %get3A_851 = arith.constant 272 : index
      %get3A_852 = tpu.vector_load %arg14[%get3A_851] {strides = array<i32>} : memref<1024xf32, #tpu.memory_space<vmem>>, vector<16xf32>,
      %min3A_853 = arith.minimumf %get3A_852, %add3A_850 : vector<16xf32>
      %swap3A_854 = arith.constant 272 : index
      %swap3A_855 = tpu.vector_load %arg14[%swap3A_854] {strides = array<i32>} : memref<1024xf32, #tpu.memory_space<vmem>>, vector<16xf32>,
      tpu.vector_store %arg14[%swap3A_854], %min3A_853 {strides = array<i32>} : memref<1024xf32, #tpu.memory_space<vmem>>, vector<16xf32>,
      %gt3A_856 = arith.cmpf ogt, %min3A_853, %select_n3A_832 : vector<16xf32>
      %select_n3A_857 = arith.select %gt3A_856, %min3A_853, %select_n3A_832 : vector<16xi1>, vector<16xf32>
      %add3A_858 = arith.constant 272 : i32
      %add3A_859 = vector.broadcast %add3A_858 : i32 to vector<16xi32>
      %add3A_860 = arith.addi %iota3A, %add3A_859 : vector<16xi32>
      %select_n3A_861 = arith.select %gt3A_856, %add3A_860, %select_n3A_836 : vector<16xi1>, vector<16xi32>
      %get3A_862 = arith.constant 288 : index
      %get3A_863 = tpu.vector_load %arg11[%get3A_862] {strides = array<i32>} : memref<1024xf32, #tpu.memory_space<vmem>>, vector<16xf32>,
      %sub3A_864 = arith.subf %get3A_863, %scan3A_410 : vector<16xf32>
      %get3A_865 = arith.constant 288 : index
      %get3A_866 = tpu.vector_load %arg12[%get3A_865] {strides = array<i32>} : memref<1024xf32, #tpu.memory_space<vmem>>, vector<16xf32>,
      %sub3A_867 = arith.subf %get3A_866, %scan3A_411 : vector<16xf32>
      %get3A_868 = arith.constant 288 : index
      %get3A_869 = tpu.vector_load %arg13[%get3A_868] {strides = array<i32>} : memref<1024xf32, #tpu.memory_space<vmem>>, vector<16xf32>,
      %sub3A_870 = arith.subf %get3A_869, %scan3A_412 : vector<16xf32>
      %mul3A_871 = arith.mulf %sub3A_864, %sub3A_864 : vector<16xf32>
      %mul3A_872 = arith.mulf %sub3A_867, %sub3A_867 : vector<16xf32>
      %add3A_873 = arith.addf %mul3A_871, %mul3A_872 : vector<16xf32>
      %mul3A_874 = arith.mulf %sub3A_870, %sub3A_870 : vector<16xf32>
      %add3A_875 = arith.addf %add3A_873, %mul3A_874 : vector<16xf32>
      %get3A_876 = arith.constant 288 : index
      %get3A_877 = tpu.vector_load %arg14[%get3A_876] {strides = array<i32>} : memref<1024xf32, #tpu.memory_space<vmem>>, vector<16xf32>,
      %min3A_878 = arith.minimumf %get3A_877, %add3A_875 : vector<16xf32>
      %swap3A_879 = arith.constant 288 : index
      %swap3A_880 = tpu.vector_load %arg14[%swap3A_879] {strides = array<i32>} : memref<1024xf32, #tpu.memory_space<vmem>>, vector<16xf32>,
      tpu.vector_store %arg14[%swap3A_879], %min3A_878 {strides = array<i32>} : memref<1024xf32, #tpu.memory_space<vmem>>, vector<16xf32>,
      %gt3A_881 = arith.cmpf ogt, %min3A_878, %select_n3A_857 : vector<16xf32>
      %select_n3A_882 = arith.select %gt3A_881, %min3A_878, %select_n3A_857 : vector<16xi1>, vector<16xf32>
      %add3A_883 = arith.constant 288 : i32
      %add3A_884 = vector.broadcast %add3A_883 : i32 to vector<16xi32>
      %add3A_885 = arith.addi %iota3A, %add3A_884 : vector<16xi32>
      %select_n3A_886 = arith.select %gt3A_881, %add3A_885, %select_n3A_861 : vector<16xi1>, vector<16xi32>
      %get3A_887 = arith.constant 304 : index
      %get3A_888 = tpu.vector_load %arg11[%get3A_887] {strides = array<i32>} : memref<1024xf32, #tpu.memory_space<vmem>>, vector<16xf32>,
      %sub3A_889 = arith.subf %get3A_888, %scan3A_410 : vector<16xf32>
      %get3A_890 = arith.constant 304 : index
      %get3A_891 = tpu.vector_load %arg12[%get3A_890] {strides = array<i32>} : memref<1024xf32, #tpu.memory_space<vmem>>, vector<16xf32>,
      %sub3A_892 = arith.subf %get3A_891, %scan3A_411 : vector<16xf32>
      %get3A_893 = arith.constant 304 : index
      %get3A_894 = tpu.vector_load %arg13[%get3A_893] {strides = array<i32>} : memref<1024xf32, #tpu.memory_space<vmem>>, vector<16xf32>,
      %sub3A_895 = arith.subf %get3A_894, %scan3A_412 : vector<16xf32>
      %mul3A_896 = arith.mulf %sub3A_889, %sub3A_889 : vector<16xf32>
      %mul3A_897 = arith.mulf %sub3A_892, %sub3A_892 : vector<16xf32>
      %add3A_898 = arith.addf %mul3A_896, %mul3A_897 : vector<16xf32>
      %mul3A_899 = arith.mulf %sub3A_895, %sub3A_895 : vector<16xf32>
      %add3A_900 = arith.addf %add3A_898, %mul3A_899 : vector<16xf32>
      %get3A_901 = arith.constant 304 : index
      %get3A_902 = tpu.vector_load %arg14[%get3A_901] {strides = array<i32>} : memref<1024xf32, #tpu.memory_space<vmem>>, vector<16xf32>,
      %min3A_903 = arith.minimumf %get3A_902, %add3A_900 : vector<16xf32>
      %swap3A_904 = arith.constant 304 : index
      %swap3A_905 = tpu.vector_load %arg14[%swap3A_904] {strides = array<i32>} : memref<1024xf32, #tpu.memory_space<vmem>>, vector<16xf32>,
      tpu.vector_store %arg14[%swap3A_904], %min3A_903 {strides = array<i32>} : memref<1024xf32, #tpu.memory_space<vmem>>, vector<16xf32>,
      %gt3A_906 = arith.cmpf ogt, %min3A_903, %select_n3A_882 : vector<16xf32>
      %select_n3A_907 = arith.select %gt3A_906, %min3A_903, %select_n3A_882 : vector<16xi1>, vector<16xf32>
      %add3A_908 = arith.constant 304 : i32
      %add3A_909 = vector.broadcast %add3A_908 : i32 to vector<16xi32>
      %add3A_910 = arith.addi %iota3A, %add3A_909 : vector<16xi32>
      %select_n3A_911 = arith.select %gt3A_906, %add3A_910, %select_n3A_886 : vector<16xi1>, vector<16xi32>
      %get3A_912 = arith.constant 320 : index
      %get3A_913 = tpu.vector_load %arg11[%get3A_912] {strides = array<i32>} : memref<1024xf32, #tpu.memory_space<vmem>>, vector<16xf32>,
      %sub3A_914 = arith.subf %get3A_913, %scan3A_410 : vector<16xf32>
      %get3A_915 = arith.constant 320 : index
      %get3A_916 = tpu.vector_load %arg12[%get3A_915] {strides = array<i32>} : memref<1024xf32, #tpu.memory_space<vmem>>, vector<16xf32>,
      %sub3A_917 = arith.subf %get3A_916, %scan3A_411 : vector<16xf32>
      %get3A_918 = arith.constant 320 : index
      %get3A_919 = tpu.vector_load %arg13[%get3A_918] {strides = array<i32>} : memref<1024xf32, #tpu.memory_space<vmem>>, vector<16xf32>,
      %sub3A_920 = arith.subf %get3A_919, %scan3A_412 : vector<16xf32>
      %mul3A_921 = arith.mulf %sub3A_914, %sub3A_914 : vector<16xf32>
      %mul3A_922 = arith.mulf %sub3A_917, %sub3A_917 : vector<16xf32>
      %add3A_923 = arith.addf %mul3A_921, %mul3A_922 : vector<16xf32>
      %mul3A_924 = arith.mulf %sub3A_920, %sub3A_920 : vector<16xf32>
      %add3A_925 = arith.addf %add3A_923, %mul3A_924 : vector<16xf32>
      %get3A_926 = arith.constant 320 : index
      %get3A_927 = tpu.vector_load %arg14[%get3A_926] {strides = array<i32>} : memref<1024xf32, #tpu.memory_space<vmem>>, vector<16xf32>,
      %min3A_928 = arith.minimumf %get3A_927, %add3A_925 : vector<16xf32>
      %swap3A_929 = arith.constant 320 : index
      %swap3A_930 = tpu.vector_load %arg14[%swap3A_929] {strides = array<i32>} : memref<1024xf32, #tpu.memory_space<vmem>>, vector<16xf32>,
      tpu.vector_store %arg14[%swap3A_929], %min3A_928 {strides = array<i32>} : memref<1024xf32, #tpu.memory_space<vmem>>, vector<16xf32>,
      %gt3A_931 = arith.cmpf ogt, %min3A_928, %select_n3A_907 : vector<16xf32>
      %select_n3A_932 = arith.select %gt3A_931, %min3A_928, %select_n3A_907 : vector<16xi1>, vector<16xf32>
      %add3A_933 = arith.constant 320 : i32
      %add3A_934 = vector.broadcast %add3A_933 : i32 to vector<16xi32>
      %add3A_935 = arith.addi %iota3A, %add3A_934 : vector<16xi32>
      %select_n3A_936 = arith.select %gt3A_931, %add3A_935, %select_n3A_911 : vector<16xi1>, vector<16xi32>
      %get3A_937 = arith.constant 336 : index
      %get3A_938 = tpu.vector_load %arg11[%get3A_937] {strides = array<i32>} : memref<1024xf32, #tpu.memory_space<vmem>>, vector<16xf32>,
      %sub3A_939 = arith.subf %get3A_938, %scan3A_410 : vector<16xf32>
      %get3A_940 = arith.constant 336 : index
      %get3A_941 = tpu.vector_load %arg12[%get3A_940] {strides = array<i32>} : memref<1024xf32, #tpu.memory_space<vmem>>, vector<16xf32>,
      %sub3A_942 = arith.subf %get3A_941, %scan3A_411 : vector<16xf32>
      %get3A_943 = arith.constant 336 : index
      %get3A_944 = tpu.vector_load %arg13[%get3A_943] {strides = array<i32>} : memref<1024xf32, #tpu.memory_space<vmem>>, vector<16xf32>,
      %sub3A_945 = arith.subf %get3A_944, %scan3A_412 : vector<16xf32>
      %mul3A_946 = arith.mulf %sub3A_939, %sub3A_939 : vector<16xf32>
      %mul3A_947 = arith.mulf %sub3A_942, %sub3A_942 : vector<16xf32>
      %add3A_948 = arith.addf %mul3A_946, %mul3A_947 : vector<16xf32>
      %mul3A_949 = arith.mulf %sub3A_945, %sub3A_945 : vector<16xf32>
      %add3A_950 = arith.addf %add3A_948, %mul3A_949 : vector<16xf32>
      %get3A_951 = arith.constant 336 : index
      %get3A_952 = tpu.vector_load %arg14[%get3A_951] {strides = array<i32>} : memref<1024xf32, #tpu.memory_space<vmem>>, vector<16xf32>,
      %min3A_953 = arith.minimumf %get3A_952, %add3A_950 : vector<16xf32>
      %swap3A_954 = arith.constant 336 : index
      %swap3A_955 = tpu.vector_load %arg14[%swap3A_954] {strides = array<i32>} : memref<1024xf32, #tpu.memory_space<vmem>>, vector<16xf32>,
      tpu.vector_store %arg14[%swap3A_954], %min3A_953 {strides = array<i32>} : memref<1024xf32, #tpu.memory_space<vmem>>, vector<16xf32>,
      %gt3A_956 = arith.cmpf ogt, %min3A_953, %select_n3A_932 : vector<16xf32>
      %select_n3A_957 = arith.select %gt3A_956, %min3A_953, %select_n3A_932 : vector<16xi1>, vector<16xf32>
      %add3A_958 = arith.constant 336 : i32
      %add3A_959 = vector.broadcast %add3A_958 : i32 to vector<16xi32>
      %add3A_960 = arith.addi %iota3A, %add3A_959 : vector<16xi32>
      %select_n3A_961 = arith.select %gt3A_956, %add3A_960, %select_n3A_936 : vector<16xi1>, vector<16xi32>
      %get3A_962 = arith.constant 352 : index
      %get3A_963 = tpu.vector_load %arg11[%get3A_962] {strides = array<i32>} : memref<1024xf32, #tpu.memory_space<vmem>>, vector<16xf32>,
      %sub3A_964 = arith.subf %get3A_963, %scan3A_410 : vector<16xf32>
      %get3A_965 = arith.constant 352 : index
      %get3A_966 = tpu.vector_load %arg12[%get3A_965] {strides = array<i32>} : memref<1024xf32, #tpu.memory_space<vmem>>, vector<16xf32>,
      %sub3A_967 = arith.subf %get3A_966, %scan3A_411 : vector<16xf32>
      %get3A_968 = arith.constant 352 : index
      %get3A_969 = tpu.vector_load %arg13[%get3A_968] {strides = array<i32>} : memref<1024xf32, #tpu.memory_space<vmem>>, vector<16xf32>,
      %sub3A_970 = arith.subf %get3A_969, %scan3A_412 : vector<16xf32>
      %mul3A_971 = arith.mulf %sub3A_964, %sub3A_964 : vector<16xf32>
      %mul3A_972 = arith.mulf %sub3A_967, %sub3A_967 : vector<16xf32>
      %add3A_973 = arith.addf %mul3A_971, %mul3A_972 : vector<16xf32>
      %mul3A_974 = arith.mulf %sub3A_970, %sub3A_970 : vector<16xf32>
      %add3A_975 = arith.addf %add3A_973, %mul3A_974 : vector<16xf32>
      %get3A_976 = arith.constant 352 : index
      %get3A_977 = tpu.vector_load %arg14[%get3A_976] {strides = array<i32>} : memref<1024xf32, #tpu.memory_space<vmem>>, vector<16xf32>,
      %min3A_978 = arith.minimumf %get3A_977, %add3A_975 : vector<16xf32>
      %swap3A_979 = arith.constant 352 : index
      %swap3A_980 = tpu.vector_load %arg14[%swap3A_979] {strides = array<i32>} : memref<1024xf32, #tpu.memory_space<vmem>>, vector<16xf32>,
      tpu.vector_store %arg14[%swap3A_979], %min3A_978 {strides = array<i32>} : memref<1024xf32, #tpu.memory_space<vmem>>, vector<16xf32>,
      %gt3A_981 = arith.cmpf ogt, %min3A_978, %select_n3A_957 : vector<16xf32>
      %select_n3A_982 = arith.select %gt3A_981, %min3A_978, %select_n3A_957 : vector<16xi1>, vector<16xf32>
      %add3A_983 = arith.constant 352 : i32
      %add3A_984 = vector.broadcast %add3A_983 : i32 to vector<16xi32>
      %add3A_985 = arith.addi %iota3A, %add3A_984 : vector<16xi32>
      %select_n3A_986 = arith.select %gt3A_981, %add3A_985, %select_n3A_961 : vector<16xi1>, vector<16xi32>
      %get3A_987 = arith.constant 368 : index
      %get3A_988 = tpu.vector_load %arg11[%get3A_987] {strides = array<i32>} : memref<1024xf32, #tpu.memory_space<vmem>>, vector<16xf32>,
      %sub3A_989 = arith.subf %get3A_988, %scan3A_410 : vector<16xf32>
      %get3A_990 = arith.constant 368 : index
      %get3A_991 = tpu.vector_load %arg12[%get3A_990] {strides = array<i32>} : memref<1024xf32, #tpu.memory_space<vmem>>, vector<16xf32>,
      %sub3A_992 = arith.subf %get3A_991, %scan3A_411 : vector<16xf32>
      %get3A_993 = arith.constant 368 : index
      %get3A_994 = tpu.vector_load %arg13[%get3A_993] {strides = array<i32>} : memref<1024xf32, #tpu.memory_space<vmem>>, vector<16xf32>,
      %sub3A_995 = arith.subf %get3A_994, %scan3A_412 : vector<16xf32>
      %mul3A_996 = arith.mulf %sub3A_989, %sub3A_989 : vector<16xf32>
      %mul3A_997 = arith.mulf %sub3A_992, %sub3A_992 : vector<16xf32>
      %add3A_998 = arith.addf %mul3A_996, %mul3A_997 : vector<16xf32>
      %mul3A_999 = arith.mulf %sub3A_995, %sub3A_995 : vector<16xf32>
      %add3A_1000 = arith.addf %add3A_998, %mul3A_999 : vector<16xf32>
      %get3A_1001 = arith.constant 368 : index
      %get3A_1002 = tpu.vector_load %arg14[%get3A_1001] {strides = array<i32>} : memref<1024xf32, #tpu.memory_space<vmem>>, vector<16xf32>,
      %min3A_1003 = arith.minimumf %get3A_1002, %add3A_1000 : vector<16xf32>
      %swap3A_1004 = arith.constant 368 : index
      %swap3A_1005 = tpu.vector_load %arg14[%swap3A_1004] {strides = array<i32>} : memref<1024xf32, #tpu.memory_space<vmem>>, vector<16xf32>,
      tpu.vector_store %arg14[%swap3A_1004], %min3A_1003 {strides = array<i32>} : memref<1024xf32, #tpu.memory_space<vmem>>, vector<16xf32>,
      %gt3A_1006 = arith.cmpf ogt, %min3A_1003, %select_n3A_982 : vector<16xf32>
      %select_n3A_1007 = arith.select %gt3A_1006, %min3A_1003, %select_n3A_982 : vector<16xi1>, vector<16xf32>
      %add3A_1008 = arith.constant 368 : i32
      %add3A_1009 = vector.broadcast %add3A_1008 : i32 to vector<16xi32>
      %add3A_1010 = arith.addi %iota3A, %add3A_1009 : vector<16xi32>
      %select_n3A_1011 = arith.select %gt3A_1006, %add3A_1010, %select_n3A_986 : vector<16xi1>, vector<16xi32>
      %get3A_1012 = arith.constant 384 : index
      %get3A_1013 = tpu.vector_load %arg11[%get3A_1012] {strides = array<i32>} : memref<1024xf32, #tpu.memory_space<vmem>>, vector<16xf32>,
      %sub3A_1014 = arith.subf %get3A_1013, %scan3A_410 : vector<16xf32>
      %get3A_1015 = arith.constant 384 : index
      %get3A_1016 = tpu.vector_load %arg12[%get3A_1015] {strides = array<i32>} : memref<1024xf32, #tpu.memory_space<vmem>>, vector<16xf32>,
      %sub3A_1017 = arith.subf %get3A_1016, %scan3A_411 : vector<16xf32>
      %get3A_1018 = arith.constant 384 : index
      %get3A_1019 = tpu.vector_load %arg13[%get3A_1018] {strides = array<i32>} : memref<1024xf32, #tpu.memory_space<vmem>>, vector<16xf32>,
      %sub3A_1020 = arith.subf %get3A_1019, %scan3A_412 : vector<16xf32>
      %mul3A_1021 = arith.mulf %sub3A_1014, %sub3A_1014 : vector<16xf32>
      %mul3A_1022 = arith.mulf %sub3A_1017, %sub3A_1017 : vector<16xf32>
      %add3A_1023 = arith.addf %mul3A_1021, %mul3A_1022 : vector<16xf32>
      %mul3A_1024 = arith.mulf %sub3A_1020, %sub3A_1020 : vector<16xf32>
      %add3A_1025 = arith.addf %add3A_1023, %mul3A_1024 : vector<16xf32>
      %get3A_1026 = arith.constant 384 : index
      %get3A_1027 = tpu.vector_load %arg14[%get3A_1026] {strides = array<i32>} : memref<1024xf32, #tpu.memory_space<vmem>>, vector<16xf32>,
      %min3A_1028 = arith.minimumf %get3A_1027, %add3A_1025 : vector<16xf32>
      %swap3A_1029 = arith.constant 384 : index
      %swap3A_1030 = tpu.vector_load %arg14[%swap3A_1029] {strides = array<i32>} : memref<1024xf32, #tpu.memory_space<vmem>>, vector<16xf32>,
      tpu.vector_store %arg14[%swap3A_1029], %min3A_1028 {strides = array<i32>} : memref<1024xf32, #tpu.memory_space<vmem>>, vector<16xf32>,
      %gt3A_1031 = arith.cmpf ogt, %min3A_1028, %select_n3A_1007 : vector<16xf32>
      %select_n3A_1032 = arith.select %gt3A_1031, %min3A_1028, %select_n3A_1007 : vector<16xi1>, vector<16xf32>
      %add3A_1033 = arith.constant 384 : i32
      %add3A_1034 = vector.broadcast %add3A_1033 : i32 to vector<16xi32>
      %add3A_1035 = arith.addi %iota3A, %add3A_1034 : vector<16xi32>
      %select_n3A_1036 = arith.select %gt3A_1031, %add3A_1035, %select_n3A_1011 : vector<16xi1>, vector<16xi32>
      %get3A_1037 = arith.constant 400 : index
      %get3A_1038 = tpu.vector_load %arg11[%get3A_1037] {strides = array<i32>} : memref<1024xf32, #tpu.memory_space<vmem>>, vector<16xf32>,
      %sub3A_1039 = arith.subf %get3A_1038, %scan3A_410 : vector<16xf32>
      %get3A_1040 = arith.constant 400 : index
      %get3A_1041 = tpu.vector_load %arg12[%get3A_1040] {strides = array<i32>} : memref<1024xf32, #tpu.memory_space<vmem>>, vector<16xf32>,
      %sub3A_1042 = arith.subf %get3A_1041, %scan3A_411 : vector<16xf32>
      %get3A_1043 = arith.constant 400 : index
      %get3A_1044 = tpu.vector_load %arg13[%get3A_1043] {strides = array<i32>} : memref<1024xf32, #tpu.memory_space<vmem>>, vector<16xf32>,
      %sub3A_1045 = arith.subf %get3A_1044, %scan3A_412 : vector<16xf32>
      %mul3A_1046 = arith.mulf %sub3A_1039, %sub3A_1039 : vector<16xf32>
      %mul3A_1047 = arith.mulf %sub3A_1042, %sub3A_1042 : vector<16xf32>
      %add3A_1048 = arith.addf %mul3A_1046, %mul3A_1047 : vector<16xf32>
      %mul3A_1049 = arith.mulf %sub3A_1045, %sub3A_1045 : vector<16xf32>
      %add3A_1050 = arith.addf %add3A_1048, %mul3A_1049 : vector<16xf32>
      %get3A_1051 = arith.constant 400 : index
      %get3A_1052 = tpu.vector_load %arg14[%get3A_1051] {strides = array<i32>} : memref<1024xf32, #tpu.memory_space<vmem>>, vector<16xf32>,
      %min3A_1053 = arith.minimumf %get3A_1052, %add3A_1050 : vector<16xf32>
      %swap3A_1054 = arith.constant 400 : index
      %swap3A_1055 = tpu.vector_load %arg14[%swap3A_1054] {strides = array<i32>} : memref<1024xf32, #tpu.memory_space<vmem>>, vector<16xf32>,
      tpu.vector_store %arg14[%swap3A_1054], %min3A_1053 {strides = array<i32>} : memref<1024xf32, #tpu.memory_space<vmem>>, vector<16xf32>,
      %gt3A_1056 = arith.cmpf ogt, %min3A_1053, %select_n3A_1032 : vector<16xf32>
      %select_n3A_1057 = arith.select %gt3A_1056, %min3A_1053, %select_n3A_1032 : vector<16xi1>, vector<16xf32>
      %add3A_1058 = arith.constant 400 : i32
      %add3A_1059 = vector.broadcast %add3A_1058 : i32 to vector<16xi32>
      %add3A_1060 = arith.addi %iota3A, %add3A_1059 : vector<16xi32>
      %select_n3A_1061 = arith.select %gt3A_1056, %add3A_1060, %select_n3A_1036 : vector<16xi1>, vector<16xi32>
      %get3A_1062 = arith.constant 416 : index
      %get3A_1063 = tpu.vector_load %arg11[%get3A_1062] {strides = array<i32>} : memref<1024xf32, #tpu.memory_space<vmem>>, vector<16xf32>,
      %sub3A_1064 = arith.subf %get3A_1063, %scan3A_410 : vector<16xf32>
      %get3A_1065 = arith.constant 416 : index
      %get3A_1066 = tpu.vector_load %arg12[%get3A_1065] {strides = array<i32>} : memref<1024xf32, #tpu.memory_space<vmem>>, vector<16xf32>,
      %sub3A_1067 = arith.subf %get3A_1066, %scan3A_411 : vector<16xf32>
      %get3A_1068 = arith.constant 416 : index
      %get3A_1069 = tpu.vector_load %arg13[%get3A_1068] {strides = array<i32>} : memref<1024xf32, #tpu.memory_space<vmem>>, vector<16xf32>,
      %sub3A_1070 = arith.subf %get3A_1069, %scan3A_412 : vector<16xf32>
      %mul3A_1071 = arith.mulf %sub3A_1064, %sub3A_1064 : vector<16xf32>
      %mul3A_1072 = arith.mulf %sub3A_1067, %sub3A_1067 : vector<16xf32>
      %add3A_1073 = arith.addf %mul3A_1071, %mul3A_1072 : vector<16xf32>
      %mul3A_1074 = arith.mulf %sub3A_1070, %sub3A_1070 : vector<16xf32>
      %add3A_1075 = arith.addf %add3A_1073, %mul3A_1074 : vector<16xf32>
      %get3A_1076 = arith.constant 416 : index
      %get3A_1077 = tpu.vector_load %arg14[%get3A_1076] {strides = array<i32>} : memref<1024xf32, #tpu.memory_space<vmem>>, vector<16xf32>,
      %min3A_1078 = arith.minimumf %get3A_1077, %add3A_1075 : vector<16xf32>
      %swap3A_1079 = arith.constant 416 : index
      %swap3A_1080 = tpu.vector_load %arg14[%swap3A_1079] {strides = array<i32>} : memref<1024xf32, #tpu.memory_space<vmem>>, vector<16xf32>,
      tpu.vector_store %arg14[%swap3A_1079], %min3A_1078 {strides = array<i32>} : memref<1024xf32, #tpu.memory_space<vmem>>, vector<16xf32>,
      %gt3A_1081 = arith.cmpf ogt, %min3A_1078, %select_n3A_1057 : vector<16xf32>
      %select_n3A_1082 = arith.select %gt3A_1081, %min3A_1078, %select_n3A_1057 : vector<16xi1>, vector<16xf32>
      %add3A_1083 = arith.constant 416 : i32
      %add3A_1084 = vector.broadcast %add3A_1083 : i32 to vector<16xi32>
      %add3A_1085 = arith.addi %iota3A, %add3A_1084 : vector<16xi32>
      %select_n3A_1086 = arith.select %gt3A_1081, %add3A_1085, %select_n3A_1061 : vector<16xi1>, vector<16xi32>
      %get3A_1087 = arith.constant 432 : index
      %get3A_1088 = tpu.vector_load %arg11[%get3A_1087] {strides = array<i32>} : memref<1024xf32, #tpu.memory_space<vmem>>, vector<16xf32>,
      %sub3A_1089 = arith.subf %get3A_1088, %scan3A_410 : vector<16xf32>
      %get3A_1090 = arith.constant 432 : index
      %get3A_1091 = tpu.vector_load %arg12[%get3A_1090] {strides = array<i32>} : memref<1024xf32, #tpu.memory_space<vmem>>, vector<16xf32>,
      %sub3A_1092 = arith.subf %get3A_1091, %scan3A_411 : vector<16xf32>
      %get3A_1093 = arith.constant 432 : index
      %get3A_1094 = tpu.vector_load %arg13[%get3A_1093] {strides = array<i32>} : memref<1024xf32, #tpu.memory_space<vmem>>, vector<16xf32>,
      %sub3A_1095 = arith.subf %get3A_1094, %scan3A_412 : vector<16xf32>
      %mul3A_1096 = arith.mulf %sub3A_1089, %sub3A_1089 : vector<16xf32>
      %mul3A_1097 = arith.mulf %sub3A_1092, %sub3A_1092 : vector<16xf32>
      %add3A_1098 = arith.addf %mul3A_1096, %mul3A_1097 : vector<16xf32>
      %mul3A_1099 = arith.mulf %sub3A_1095, %sub3A_1095 : vector<16xf32>
      %add3A_1100 = arith.addf %add3A_1098, %mul3A_1099 : vector<16xf32>
      %get3A_1101 = arith.constant 432 : index
      %get3A_1102 = tpu.vector_load %arg14[%get3A_1101] {strides = array<i32>} : memref<1024xf32, #tpu.memory_space<vmem>>, vector<16xf32>,
      %min3A_1103 = arith.minimumf %get3A_1102, %add3A_1100 : vector<16xf32>
      %swap3A_1104 = arith.constant 432 : index
      %swap3A_1105 = tpu.vector_load %arg14[%swap3A_1104] {strides = array<i32>} : memref<1024xf32, #tpu.memory_space<vmem>>, vector<16xf32>,
      tpu.vector_store %arg14[%swap3A_1104], %min3A_1103 {strides = array<i32>} : memref<1024xf32, #tpu.memory_space<vmem>>, vector<16xf32>,
      %gt3A_1106 = arith.cmpf ogt, %min3A_1103, %select_n3A_1082 : vector<16xf32>
      %select_n3A_1107 = arith.select %gt3A_1106, %min3A_1103, %select_n3A_1082 : vector<16xi1>, vector<16xf32>
      %add3A_1108 = arith.constant 432 : i32
      %add3A_1109 = vector.broadcast %add3A_1108 : i32 to vector<16xi32>
      %add3A_1110 = arith.addi %iota3A, %add3A_1109 : vector<16xi32>
      %select_n3A_1111 = arith.select %gt3A_1106, %add3A_1110, %select_n3A_1086 : vector<16xi1>, vector<16xi32>
      %get3A_1112 = arith.constant 448 : index
      %get3A_1113 = tpu.vector_load %arg11[%get3A_1112] {strides = array<i32>} : memref<1024xf32, #tpu.memory_space<vmem>>, vector<16xf32>,
      %sub3A_1114 = arith.subf %get3A_1113, %scan3A_410 : vector<16xf32>
      %get3A_1115 = arith.constant 448 : index
      %get3A_1116 = tpu.vector_load %arg12[%get3A_1115] {strides = array<i32>} : memref<1024xf32, #tpu.memory_space<vmem>>, vector<16xf32>,
      %sub3A_1117 = arith.subf %get3A_1116, %scan3A_411 : vector<16xf32>
      %get3A_1118 = arith.constant 448 : index
      %get3A_1119 = tpu.vector_load %arg13[%get3A_1118] {strides = array<i32>} : memref<1024xf32, #tpu.memory_space<vmem>>, vector<16xf32>,
      %sub3A_1120 = arith.subf %get3A_1119, %scan3A_412 : vector<16xf32>
      %mul3A_1121 = arith.mulf %sub3A_1114, %sub3A_1114 : vector<16xf32>
      %mul3A_1122 = arith.mulf %sub3A_1117, %sub3A_1117 : vector<16xf32>
      %add3A_1123 = arith.addf %mul3A_1121, %mul3A_1122 : vector<16xf32>
      %mul3A_1124 = arith.mulf %sub3A_1120, %sub3A_1120 : vector<16xf32>
      %add3A_1125 = arith.addf %add3A_1123, %mul3A_1124 : vector<16xf32>
      %get3A_1126 = arith.constant 448 : index
      %get3A_1127 = tpu.vector_load %arg14[%get3A_1126] {strides = array<i32>} : memref<1024xf32, #tpu.memory_space<vmem>>, vector<16xf32>,
      %min3A_1128 = arith.minimumf %get3A_1127, %add3A_1125 : vector<16xf32>
      %swap3A_1129 = arith.constant 448 : index
      %swap3A_1130 = tpu.vector_load %arg14[%swap3A_1129] {strides = array<i32>} : memref<1024xf32, #tpu.memory_space<vmem>>, vector<16xf32>,
      tpu.vector_store %arg14[%swap3A_1129], %min3A_1128 {strides = array<i32>} : memref<1024xf32, #tpu.memory_space<vmem>>, vector<16xf32>,
      %gt3A_1131 = arith.cmpf ogt, %min3A_1128, %select_n3A_1107 : vector<16xf32>
      %select_n3A_1132 = arith.select %gt3A_1131, %min3A_1128, %select_n3A_1107 : vector<16xi1>, vector<16xf32>
      %add3A_1133 = arith.constant 448 : i32
      %add3A_1134 = vector.broadcast %add3A_1133 : i32 to vector<16xi32>
      %add3A_1135 = arith.addi %iota3A, %add3A_1134 : vector<16xi32>
      %select_n3A_1136 = arith.select %gt3A_1131, %add3A_1135, %select_n3A_1111 : vector<16xi1>, vector<16xi32>
      %get3A_1137 = arith.constant 464 : index
      %get3A_1138 = tpu.vector_load %arg11[%get3A_1137] {strides = array<i32>} : memref<1024xf32, #tpu.memory_space<vmem>>, vector<16xf32>,
      %sub3A_1139 = arith.subf %get3A_1138, %scan3A_410 : vector<16xf32>
      %get3A_1140 = arith.constant 464 : index
      %get3A_1141 = tpu.vector_load %arg12[%get3A_1140] {strides = array<i32>} : memref<1024xf32, #tpu.memory_space<vmem>>, vector<16xf32>,
      %sub3A_1142 = arith.subf %get3A_1141, %scan3A_411 : vector<16xf32>
      %get3A_1143 = arith.constant 464 : index
      %get3A_1144 = tpu.vector_load %arg13[%get3A_1143] {strides = array<i32>} : memref<1024xf32, #tpu.memory_space<vmem>>, vector<16xf32>,
      %sub3A_1145 = arith.subf %get3A_1144, %scan3A_412 : vector<16xf32>
      %mul3A_1146 = arith.mulf %sub3A_1139, %sub3A_1139 : vector<16xf32>
      %mul3A_1147 = arith.mulf %sub3A_1142, %sub3A_1142 : vector<16xf32>
      %add3A_1148 = arith.addf %mul3A_1146, %mul3A_1147 : vector<16xf32>
      %mul3A_1149 = arith.mulf %sub3A_1145, %sub3A_1145 : vector<16xf32>
      %add3A_1150 = arith.addf %add3A_1148, %mul3A_1149 : vector<16xf32>
      %get3A_1151 = arith.constant 464 : index
      %get3A_1152 = tpu.vector_load %arg14[%get3A_1151] {strides = array<i32>} : memref<1024xf32, #tpu.memory_space<vmem>>, vector<16xf32>,
      %min3A_1153 = arith.minimumf %get3A_1152, %add3A_1150 : vector<16xf32>
      %swap3A_1154 = arith.constant 464 : index
      %swap3A_1155 = tpu.vector_load %arg14[%swap3A_1154] {strides = array<i32>} : memref<1024xf32, #tpu.memory_space<vmem>>, vector<16xf32>,
      tpu.vector_store %arg14[%swap3A_1154], %min3A_1153 {strides = array<i32>} : memref<1024xf32, #tpu.memory_space<vmem>>, vector<16xf32>,
      %gt3A_1156 = arith.cmpf ogt, %min3A_1153, %select_n3A_1132 : vector<16xf32>
      %select_n3A_1157 = arith.select %gt3A_1156, %min3A_1153, %select_n3A_1132 : vector<16xi1>, vector<16xf32>
      %add3A_1158 = arith.constant 464 : i32
      %add3A_1159 = vector.broadcast %add3A_1158 : i32 to vector<16xi32>
      %add3A_1160 = arith.addi %iota3A, %add3A_1159 : vector<16xi32>
      %select_n3A_1161 = arith.select %gt3A_1156, %add3A_1160, %select_n3A_1136 : vector<16xi1>, vector<16xi32>
      %get3A_1162 = arith.constant 480 : index
      %get3A_1163 = tpu.vector_load %arg11[%get3A_1162] {strides = array<i32>} : memref<1024xf32, #tpu.memory_space<vmem>>, vector<16xf32>,
      %sub3A_1164 = arith.subf %get3A_1163, %scan3A_410 : vector<16xf32>
      %get3A_1165 = arith.constant 480 : index
      %get3A_1166 = tpu.vector_load %arg12[%get3A_1165] {strides = array<i32>} : memref<1024xf32, #tpu.memory_space<vmem>>, vector<16xf32>,
      %sub3A_1167 = arith.subf %get3A_1166, %scan3A_411 : vector<16xf32>
      %get3A_1168 = arith.constant 480 : index
      %get3A_1169 = tpu.vector_load %arg13[%get3A_1168] {strides = array<i32>} : memref<1024xf32, #tpu.memory_space<vmem>>, vector<16xf32>,
      %sub3A_1170 = arith.subf %get3A_1169, %scan3A_412 : vector<16xf32>
      %mul3A_1171 = arith.mulf %sub3A_1164, %sub3A_1164 : vector<16xf32>
      %mul3A_1172 = arith.mulf %sub3A_1167, %sub3A_1167 : vector<16xf32>
      %add3A_1173 = arith.addf %mul3A_1171, %mul3A_1172 : vector<16xf32>
      %mul3A_1174 = arith.mulf %sub3A_1170, %sub3A_1170 : vector<16xf32>
      %add3A_1175 = arith.addf %add3A_1173, %mul3A_1174 : vector<16xf32>
      %get3A_1176 = arith.constant 480 : index
      %get3A_1177 = tpu.vector_load %arg14[%get3A_1176] {strides = array<i32>} : memref<1024xf32, #tpu.memory_space<vmem>>, vector<16xf32>,
      %min3A_1178 = arith.minimumf %get3A_1177, %add3A_1175 : vector<16xf32>
      %swap3A_1179 = arith.constant 480 : index
      %swap3A_1180 = tpu.vector_load %arg14[%swap3A_1179] {strides = array<i32>} : memref<1024xf32, #tpu.memory_space<vmem>>, vector<16xf32>,
      tpu.vector_store %arg14[%swap3A_1179], %min3A_1178 {strides = array<i32>} : memref<1024xf32, #tpu.memory_space<vmem>>, vector<16xf32>,
      %gt3A_1181 = arith.cmpf ogt, %min3A_1178, %select_n3A_1157 : vector<16xf32>
      %select_n3A_1182 = arith.select %gt3A_1181, %min3A_1178, %select_n3A_1157 : vector<16xi1>, vector<16xf32>
      %add3A_1183 = arith.constant 480 : i32
      %add3A_1184 = vector.broadcast %add3A_1183 : i32 to vector<16xi32>
      %add3A_1185 = arith.addi %iota3A, %add3A_1184 : vector<16xi32>
      %select_n3A_1186 = arith.select %gt3A_1181, %add3A_1185, %select_n3A_1161 : vector<16xi1>, vector<16xi32>
      %get3A_1187 = arith.constant 496 : index
      %get3A_1188 = tpu.vector_load %arg11[%get3A_1187] {strides = array<i32>} : memref<1024xf32, #tpu.memory_space<vmem>>, vector<16xf32>,
      %sub3A_1189 = arith.subf %get3A_1188, %scan3A_410 : vector<16xf32>
      %get3A_1190 = arith.constant 496 : index
      %get3A_1191 = tpu.vector_load %arg12[%get3A_1190] {strides = array<i32>} : memref<1024xf32, #tpu.memory_space<vmem>>, vector<16xf32>,
      %sub3A_1192 = arith.subf %get3A_1191, %scan3A_411 : vector<16xf32>
      %get3A_1193 = arith.constant 496 : index
      %get3A_1194 = tpu.vector_load %arg13[%get3A_1193] {strides = array<i32>} : memref<1024xf32, #tpu.memory_space<vmem>>, vector<16xf32>,
      %sub3A_1195 = arith.subf %get3A_1194, %scan3A_412 : vector<16xf32>
      %mul3A_1196 = arith.mulf %sub3A_1189, %sub3A_1189 : vector<16xf32>
      %mul3A_1197 = arith.mulf %sub3A_1192, %sub3A_1192 : vector<16xf32>
      %add3A_1198 = arith.addf %mul3A_1196, %mul3A_1197 : vector<16xf32>
      %mul3A_1199 = arith.mulf %sub3A_1195, %sub3A_1195 : vector<16xf32>
      %add3A_1200 = arith.addf %add3A_1198, %mul3A_1199 : vector<16xf32>
      %get3A_1201 = arith.constant 496 : index
      %get3A_1202 = tpu.vector_load %arg14[%get3A_1201] {strides = array<i32>} : memref<1024xf32, #tpu.memory_space<vmem>>, vector<16xf32>,
      %min3A_1203 = arith.minimumf %get3A_1202, %add3A_1200 : vector<16xf32>
      %swap3A_1204 = arith.constant 496 : index
      %swap3A_1205 = tpu.vector_load %arg14[%swap3A_1204] {strides = array<i32>} : memref<1024xf32, #tpu.memory_space<vmem>>, vector<16xf32>,
      tpu.vector_store %arg14[%swap3A_1204], %min3A_1203 {strides = array<i32>} : memref<1024xf32, #tpu.memory_space<vmem>>, vector<16xf32>,
      %gt3A_1206 = arith.cmpf ogt, %min3A_1203, %select_n3A_1182 : vector<16xf32>
      %select_n3A_1207 = arith.select %gt3A_1206, %min3A_1203, %select_n3A_1182 : vector<16xi1>, vector<16xf32>
      %add3A_1208 = arith.constant 496 : i32
      %add3A_1209 = vector.broadcast %add3A_1208 : i32 to vector<16xi32>
      %add3A_1210 = arith.addi %iota3A, %add3A_1209 : vector<16xi32>
      %select_n3A_1211 = arith.select %gt3A_1206, %add3A_1210, %select_n3A_1186 : vector<16xi1>, vector<16xi32>
      %get3A_1212 = arith.constant 512 : index
      %get3A_1213 = tpu.vector_load %arg11[%get3A_1212] {strides = array<i32>} : memref<1024xf32, #tpu.memory_space<vmem>>, vector<16xf32>,
      %sub3A_1214 = arith.subf %get3A_1213, %scan3A_410 : vector<16xf32>
      %get3A_1215 = arith.constant 512 : index
      %get3A_1216 = tpu.vector_load %arg12[%get3A_1215] {strides = array<i32>} : memref<1024xf32, #tpu.memory_space<vmem>>, vector<16xf32>,
      %sub3A_1217 = arith.subf %get3A_1216, %scan3A_411 : vector<16xf32>
      %get3A_1218 = arith.constant 512 : index
      %get3A_1219 = tpu.vector_load %arg13[%get3A_1218] {strides = array<i32>} : memref<1024xf32, #tpu.memory_space<vmem>>, vector<16xf32>,
      %sub3A_1220 = arith.subf %get3A_1219, %scan3A_412 : vector<16xf32>
      %mul3A_1221 = arith.mulf %sub3A_1214, %sub3A_1214 : vector<16xf32>
      %mul3A_1222 = arith.mulf %sub3A_1217, %sub3A_1217 : vector<16xf32>
      %add3A_1223 = arith.addf %mul3A_1221, %mul3A_1222 : vector<16xf32>
      %mul3A_1224 = arith.mulf %sub3A_1220, %sub3A_1220 : vector<16xf32>
      %add3A_1225 = arith.addf %add3A_1223, %mul3A_1224 : vector<16xf32>
      %get3A_1226 = arith.constant 512 : index
      %get3A_1227 = tpu.vector_load %arg14[%get3A_1226] {strides = array<i32>} : memref<1024xf32, #tpu.memory_space<vmem>>, vector<16xf32>,
      %min3A_1228 = arith.minimumf %get3A_1227, %add3A_1225 : vector<16xf32>
      %swap3A_1229 = arith.constant 512 : index
      %swap3A_1230 = tpu.vector_load %arg14[%swap3A_1229] {strides = array<i32>} : memref<1024xf32, #tpu.memory_space<vmem>>, vector<16xf32>,
      tpu.vector_store %arg14[%swap3A_1229], %min3A_1228 {strides = array<i32>} : memref<1024xf32, #tpu.memory_space<vmem>>, vector<16xf32>,
      %gt3A_1231 = arith.cmpf ogt, %min3A_1228, %select_n3A_1207 : vector<16xf32>
      %select_n3A_1232 = arith.select %gt3A_1231, %min3A_1228, %select_n3A_1207 : vector<16xi1>, vector<16xf32>
      %add3A_1233 = arith.constant 512 : i32
      %add3A_1234 = vector.broadcast %add3A_1233 : i32 to vector<16xi32>
      %add3A_1235 = arith.addi %iota3A, %add3A_1234 : vector<16xi32>
      %select_n3A_1236 = arith.select %gt3A_1231, %add3A_1235, %select_n3A_1211 : vector<16xi1>, vector<16xi32>
      %get3A_1237 = arith.constant 528 : index
      %get3A_1238 = tpu.vector_load %arg11[%get3A_1237] {strides = array<i32>} : memref<1024xf32, #tpu.memory_space<vmem>>, vector<16xf32>,
      %sub3A_1239 = arith.subf %get3A_1238, %scan3A_410 : vector<16xf32>
      %get3A_1240 = arith.constant 528 : index
      %get3A_1241 = tpu.vector_load %arg12[%get3A_1240] {strides = array<i32>} : memref<1024xf32, #tpu.memory_space<vmem>>, vector<16xf32>,
      %sub3A_1242 = arith.subf %get3A_1241, %scan3A_411 : vector<16xf32>
      %get3A_1243 = arith.constant 528 : index
      %get3A_1244 = tpu.vector_load %arg13[%get3A_1243] {strides = array<i32>} : memref<1024xf32, #tpu.memory_space<vmem>>, vector<16xf32>,
      %sub3A_1245 = arith.subf %get3A_1244, %scan3A_412 : vector<16xf32>
      %mul3A_1246 = arith.mulf %sub3A_1239, %sub3A_1239 : vector<16xf32>
      %mul3A_1247 = arith.mulf %sub3A_1242, %sub3A_1242 : vector<16xf32>
      %add3A_1248 = arith.addf %mul3A_1246, %mul3A_1247 : vector<16xf32>
      %mul3A_1249 = arith.mulf %sub3A_1245, %sub3A_1245 : vector<16xf32>
      %add3A_1250 = arith.addf %add3A_1248, %mul3A_1249 : vector<16xf32>
      %get3A_1251 = arith.constant 528 : index
      %get3A_1252 = tpu.vector_load %arg14[%get3A_1251] {strides = array<i32>} : memref<1024xf32, #tpu.memory_space<vmem>>, vector<16xf32>,
      %min3A_1253 = arith.minimumf %get3A_1252, %add3A_1250 : vector<16xf32>
      %swap3A_1254 = arith.constant 528 : index
      %swap3A_1255 = tpu.vector_load %arg14[%swap3A_1254] {strides = array<i32>} : memref<1024xf32, #tpu.memory_space<vmem>>, vector<16xf32>,
      tpu.vector_store %arg14[%swap3A_1254], %min3A_1253 {strides = array<i32>} : memref<1024xf32, #tpu.memory_space<vmem>>, vector<16xf32>,
      %gt3A_1256 = arith.cmpf ogt, %min3A_1253, %select_n3A_1232 : vector<16xf32>
      %select_n3A_1257 = arith.select %gt3A_1256, %min3A_1253, %select_n3A_1232 : vector<16xi1>, vector<16xf32>
      %add3A_1258 = arith.constant 528 : i32
      %add3A_1259 = vector.broadcast %add3A_1258 : i32 to vector<16xi32>
      %add3A_1260 = arith.addi %iota3A, %add3A_1259 : vector<16xi32>
      %select_n3A_1261 = arith.select %gt3A_1256, %add3A_1260, %select_n3A_1236 : vector<16xi1>, vector<16xi32>
      %get3A_1262 = arith.constant 544 : index
      %get3A_1263 = tpu.vector_load %arg11[%get3A_1262] {strides = array<i32>} : memref<1024xf32, #tpu.memory_space<vmem>>, vector<16xf32>,
      %sub3A_1264 = arith.subf %get3A_1263, %scan3A_410 : vector<16xf32>
      %get3A_1265 = arith.constant 544 : index
      %get3A_1266 = tpu.vector_load %arg12[%get3A_1265] {strides = array<i32>} : memref<1024xf32, #tpu.memory_space<vmem>>, vector<16xf32>,
      %sub3A_1267 = arith.subf %get3A_1266, %scan3A_411 : vector<16xf32>
      %get3A_1268 = arith.constant 544 : index
      %get3A_1269 = tpu.vector_load %arg13[%get3A_1268] {strides = array<i32>} : memref<1024xf32, #tpu.memory_space<vmem>>, vector<16xf32>,
      %sub3A_1270 = arith.subf %get3A_1269, %scan3A_412 : vector<16xf32>
      %mul3A_1271 = arith.mulf %sub3A_1264, %sub3A_1264 : vector<16xf32>
      %mul3A_1272 = arith.mulf %sub3A_1267, %sub3A_1267 : vector<16xf32>
      %add3A_1273 = arith.addf %mul3A_1271, %mul3A_1272 : vector<16xf32>
      %mul3A_1274 = arith.mulf %sub3A_1270, %sub3A_1270 : vector<16xf32>
      %add3A_1275 = arith.addf %add3A_1273, %mul3A_1274 : vector<16xf32>
      %get3A_1276 = arith.constant 544 : index
      %get3A_1277 = tpu.vector_load %arg14[%get3A_1276] {strides = array<i32>} : memref<1024xf32, #tpu.memory_space<vmem>>, vector<16xf32>,
      %min3A_1278 = arith.minimumf %get3A_1277, %add3A_1275 : vector<16xf32>
      %swap3A_1279 = arith.constant 544 : index
      %swap3A_1280 = tpu.vector_load %arg14[%swap3A_1279] {strides = array<i32>} : memref<1024xf32, #tpu.memory_space<vmem>>, vector<16xf32>,
      tpu.vector_store %arg14[%swap3A_1279], %min3A_1278 {strides = array<i32>} : memref<1024xf32, #tpu.memory_space<vmem>>, vector<16xf32>,
      %gt3A_1281 = arith.cmpf ogt, %min3A_1278, %select_n3A_1257 : vector<16xf32>
      %select_n3A_1282 = arith.select %gt3A_1281, %min3A_1278, %select_n3A_1257 : vector<16xi1>, vector<16xf32>
      %add3A_1283 = arith.constant 544 : i32
      %add3A_1284 = vector.broadcast %add3A_1283 : i32 to vector<16xi32>
      %add3A_1285 = arith.addi %iota3A, %add3A_1284 : vector<16xi32>
      %select_n3A_1286 = arith.select %gt3A_1281, %add3A_1285, %select_n3A_1261 : vector<16xi1>, vector<16xi32>
      %get3A_1287 = arith.constant 560 : index
      %get3A_1288 = tpu.vector_load %arg11[%get3A_1287] {strides = array<i32>} : memref<1024xf32, #tpu.memory_space<vmem>>, vector<16xf32>,
      %sub3A_1289 = arith.subf %get3A_1288, %scan3A_410 : vector<16xf32>
      %get3A_1290 = arith.constant 560 : index
      %get3A_1291 = tpu.vector_load %arg12[%get3A_1290] {strides = array<i32>} : memref<1024xf32, #tpu.memory_space<vmem>>, vector<16xf32>,
      %sub3A_1292 = arith.subf %get3A_1291, %scan3A_411 : vector<16xf32>
      %get3A_1293 = arith.constant 560 : index
      %get3A_1294 = tpu.vector_load %arg13[%get3A_1293] {strides = array<i32>} : memref<1024xf32, #tpu.memory_space<vmem>>, vector<16xf32>,
      %sub3A_1295 = arith.subf %get3A_1294, %scan3A_412 : vector<16xf32>
      %mul3A_1296 = arith.mulf %sub3A_1289, %sub3A_1289 : vector<16xf32>
      %mul3A_1297 = arith.mulf %sub3A_1292, %sub3A_1292 : vector<16xf32>
      %add3A_1298 = arith.addf %mul3A_1296, %mul3A_1297 : vector<16xf32>
      %mul3A_1299 = arith.mulf %sub3A_1295, %sub3A_1295 : vector<16xf32>
      %add3A_1300 = arith.addf %add3A_1298, %mul3A_1299 : vector<16xf32>
      %get3A_1301 = arith.constant 560 : index
      %get3A_1302 = tpu.vector_load %arg14[%get3A_1301] {strides = array<i32>} : memref<1024xf32, #tpu.memory_space<vmem>>, vector<16xf32>,
      %min3A_1303 = arith.minimumf %get3A_1302, %add3A_1300 : vector<16xf32>
      %swap3A_1304 = arith.constant 560 : index
      %swap3A_1305 = tpu.vector_load %arg14[%swap3A_1304] {strides = array<i32>} : memref<1024xf32, #tpu.memory_space<vmem>>, vector<16xf32>,
      tpu.vector_store %arg14[%swap3A_1304], %min3A_1303 {strides = array<i32>} : memref<1024xf32, #tpu.memory_space<vmem>>, vector<16xf32>,
      %gt3A_1306 = arith.cmpf ogt, %min3A_1303, %select_n3A_1282 : vector<16xf32>
      %select_n3A_1307 = arith.select %gt3A_1306, %min3A_1303, %select_n3A_1282 : vector<16xi1>, vector<16xf32>
      %add3A_1308 = arith.constant 560 : i32
      %add3A_1309 = vector.broadcast %add3A_1308 : i32 to vector<16xi32>
      %add3A_1310 = arith.addi %iota3A, %add3A_1309 : vector<16xi32>
      %select_n3A_1311 = arith.select %gt3A_1306, %add3A_1310, %select_n3A_1286 : vector<16xi1>, vector<16xi32>
      %get3A_1312 = arith.constant 576 : index
      %get3A_1313 = tpu.vector_load %arg11[%get3A_1312] {strides = array<i32>} : memref<1024xf32, #tpu.memory_space<vmem>>, vector<16xf32>,
      %sub3A_1314 = arith.subf %get3A_1313, %scan3A_410 : vector<16xf32>
      %get3A_1315 = arith.constant 576 : index
      %get3A_1316 = tpu.vector_load %arg12[%get3A_1315] {strides = array<i32>} : memref<1024xf32, #tpu.memory_space<vmem>>, vector<16xf32>,
      %sub3A_1317 = arith.subf %get3A_1316, %scan3A_411 : vector<16xf32>
      %get3A_1318 = arith.constant 576 : index
      %get3A_1319 = tpu.vector_load %arg13[%get3A_1318] {strides = array<i32>} : memref<1024xf32, #tpu.memory_space<vmem>>, vector<16xf32>,
      %sub3A_1320 = arith.subf %get3A_1319, %scan3A_412 : vector<16xf32>
      %mul3A_1321 = arith.mulf %sub3A_1314, %sub3A_1314 : vector<16xf32>
      %mul3A_1322 = arith.mulf %sub3A_1317, %sub3A_1317 : vector<16xf32>
      %add3A_1323 = arith.addf %mul3A_1321, %mul3A_1322 : vector<16xf32>
      %mul3A_1324 = arith.mulf %sub3A_1320, %sub3A_1320 : vector<16xf32>
      %add3A_1325 = arith.addf %add3A_1323, %mul3A_1324 : vector<16xf32>
      %get3A_1326 = arith.constant 576 : index
      %get3A_1327 = tpu.vector_load %arg14[%get3A_1326] {strides = array<i32>} : memref<1024xf32, #tpu.memory_space<vmem>>, vector<16xf32>,
      %min3A_1328 = arith.minimumf %get3A_1327, %add3A_1325 : vector<16xf32>
      %swap3A_1329 = arith.constant 576 : index
      %swap3A_1330 = tpu.vector_load %arg14[%swap3A_1329] {strides = array<i32>} : memref<1024xf32, #tpu.memory_space<vmem>>, vector<16xf32>,
      tpu.vector_store %arg14[%swap3A_1329], %min3A_1328 {strides = array<i32>} : memref<1024xf32, #tpu.memory_space<vmem>>, vector<16xf32>,
      %gt3A_1331 = arith.cmpf ogt, %min3A_1328, %select_n3A_1307 : vector<16xf32>
      %select_n3A_1332 = arith.select %gt3A_1331, %min3A_1328, %select_n3A_1307 : vector<16xi1>, vector<16xf32>
      %add3A_1333 = arith.constant 576 : i32
      %add3A_1334 = vector.broadcast %add3A_1333 : i32 to vector<16xi32>
      %add3A_1335 = arith.addi %iota3A, %add3A_1334 : vector<16xi32>
      %select_n3A_1336 = arith.select %gt3A_1331, %add3A_1335, %select_n3A_1311 : vector<16xi1>, vector<16xi32>
      %get3A_1337 = arith.constant 592 : index
      %get3A_1338 = tpu.vector_load %arg11[%get3A_1337] {strides = array<i32>} : memref<1024xf32, #tpu.memory_space<vmem>>, vector<16xf32>,
      %sub3A_1339 = arith.subf %get3A_1338, %scan3A_410 : vector<16xf32>
      %get3A_1340 = arith.constant 592 : index
      %get3A_1341 = tpu.vector_load %arg12[%get3A_1340] {strides = array<i32>} : memref<1024xf32, #tpu.memory_space<vmem>>, vector<16xf32>,
      %sub3A_1342 = arith.subf %get3A_1341, %scan3A_411 : vector<16xf32>
      %get3A_1343 = arith.constant 592 : index
      %get3A_1344 = tpu.vector_load %arg13[%get3A_1343] {strides = array<i32>} : memref<1024xf32, #tpu.memory_space<vmem>>, vector<16xf32>,
      %sub3A_1345 = arith.subf %get3A_1344, %scan3A_412 : vector<16xf32>
      %mul3A_1346 = arith.mulf %sub3A_1339, %sub3A_1339 : vector<16xf32>
      %mul3A_1347 = arith.mulf %sub3A_1342, %sub3A_1342 : vector<16xf32>
      %add3A_1348 = arith.addf %mul3A_1346, %mul3A_1347 : vector<16xf32>
      %mul3A_1349 = arith.mulf %sub3A_1345, %sub3A_1345 : vector<16xf32>
      %add3A_1350 = arith.addf %add3A_1348, %mul3A_1349 : vector<16xf32>
      %get3A_1351 = arith.constant 592 : index
      %get3A_1352 = tpu.vector_load %arg14[%get3A_1351] {strides = array<i32>} : memref<1024xf32, #tpu.memory_space<vmem>>, vector<16xf32>,
      %min3A_1353 = arith.minimumf %get3A_1352, %add3A_1350 : vector<16xf32>
      %swap3A_1354 = arith.constant 592 : index
      %swap3A_1355 = tpu.vector_load %arg14[%swap3A_1354] {strides = array<i32>} : memref<1024xf32, #tpu.memory_space<vmem>>, vector<16xf32>,
      tpu.vector_store %arg14[%swap3A_1354], %min3A_1353 {strides = array<i32>} : memref<1024xf32, #tpu.memory_space<vmem>>, vector<16xf32>,
      %gt3A_1356 = arith.cmpf ogt, %min3A_1353, %select_n3A_1332 : vector<16xf32>
      %select_n3A_1357 = arith.select %gt3A_1356, %min3A_1353, %select_n3A_1332 : vector<16xi1>, vector<16xf32>
      %add3A_1358 = arith.constant 592 : i32
      %add3A_1359 = vector.broadcast %add3A_1358 : i32 to vector<16xi32>
      %add3A_1360 = arith.addi %iota3A, %add3A_1359 : vector<16xi32>
      %select_n3A_1361 = arith.select %gt3A_1356, %add3A_1360, %select_n3A_1336 : vector<16xi1>, vector<16xi32>
      %get3A_1362 = arith.constant 608 : index
      %get3A_1363 = tpu.vector_load %arg11[%get3A_1362] {strides = array<i32>} : memref<1024xf32, #tpu.memory_space<vmem>>, vector<16xf32>,
      %sub3A_1364 = arith.subf %get3A_1363, %scan3A_410 : vector<16xf32>
      %get3A_1365 = arith.constant 608 : index
      %get3A_1366 = tpu.vector_load %arg12[%get3A_1365] {strides = array<i32>} : memref<1024xf32, #tpu.memory_space<vmem>>, vector<16xf32>,
      %sub3A_1367 = arith.subf %get3A_1366, %scan3A_411 : vector<16xf32>
      %get3A_1368 = arith.constant 608 : index
      %get3A_1369 = tpu.vector_load %arg13[%get3A_1368] {strides = array<i32>} : memref<1024xf32, #tpu.memory_space<vmem>>, vector<16xf32>,
      %sub3A_1370 = arith.subf %get3A_1369, %scan3A_412 : vector<16xf32>
      %mul3A_1371 = arith.mulf %sub3A_1364, %sub3A_1364 : vector<16xf32>
      %mul3A_1372 = arith.mulf %sub3A_1367, %sub3A_1367 : vector<16xf32>
      %add3A_1373 = arith.addf %mul3A_1371, %mul3A_1372 : vector<16xf32>
      %mul3A_1374 = arith.mulf %sub3A_1370, %sub3A_1370 : vector<16xf32>
      %add3A_1375 = arith.addf %add3A_1373, %mul3A_1374 : vector<16xf32>
      %get3A_1376 = arith.constant 608 : index
      %get3A_1377 = tpu.vector_load %arg14[%get3A_1376] {strides = array<i32>} : memref<1024xf32, #tpu.memory_space<vmem>>, vector<16xf32>,
      %min3A_1378 = arith.minimumf %get3A_1377, %add3A_1375 : vector<16xf32>
      %swap3A_1379 = arith.constant 608 : index
      %swap3A_1380 = tpu.vector_load %arg14[%swap3A_1379] {strides = array<i32>} : memref<1024xf32, #tpu.memory_space<vmem>>, vector<16xf32>,
      tpu.vector_store %arg14[%swap3A_1379], %min3A_1378 {strides = array<i32>} : memref<1024xf32, #tpu.memory_space<vmem>>, vector<16xf32>,
      %gt3A_1381 = arith.cmpf ogt, %min3A_1378, %select_n3A_1357 : vector<16xf32>
      %select_n3A_1382 = arith.select %gt3A_1381, %min3A_1378, %select_n3A_1357 : vector<16xi1>, vector<16xf32>
      %add3A_1383 = arith.constant 608 : i32
      %add3A_1384 = vector.broadcast %add3A_1383 : i32 to vector<16xi32>
      %add3A_1385 = arith.addi %iota3A, %add3A_1384 : vector<16xi32>
      %select_n3A_1386 = arith.select %gt3A_1381, %add3A_1385, %select_n3A_1361 : vector<16xi1>, vector<16xi32>
      %get3A_1387 = arith.constant 624 : index
      %get3A_1388 = tpu.vector_load %arg11[%get3A_1387] {strides = array<i32>} : memref<1024xf32, #tpu.memory_space<vmem>>, vector<16xf32>,
      %sub3A_1389 = arith.subf %get3A_1388, %scan3A_410 : vector<16xf32>
      %get3A_1390 = arith.constant 624 : index
      %get3A_1391 = tpu.vector_load %arg12[%get3A_1390] {strides = array<i32>} : memref<1024xf32, #tpu.memory_space<vmem>>, vector<16xf32>,
      %sub3A_1392 = arith.subf %get3A_1391, %scan3A_411 : vector<16xf32>
      %get3A_1393 = arith.constant 624 : index
      %get3A_1394 = tpu.vector_load %arg13[%get3A_1393] {strides = array<i32>} : memref<1024xf32, #tpu.memory_space<vmem>>, vector<16xf32>,
      %sub3A_1395 = arith.subf %get3A_1394, %scan3A_412 : vector<16xf32>
      %mul3A_1396 = arith.mulf %sub3A_1389, %sub3A_1389 : vector<16xf32>
      %mul3A_1397 = arith.mulf %sub3A_1392, %sub3A_1392 : vector<16xf32>
      %add3A_1398 = arith.addf %mul3A_1396, %mul3A_1397 : vector<16xf32>
      %mul3A_1399 = arith.mulf %sub3A_1395, %sub3A_1395 : vector<16xf32>
      %add3A_1400 = arith.addf %add3A_1398, %mul3A_1399 : vector<16xf32>
      %get3A_1401 = arith.constant 624 : index
      %get3A_1402 = tpu.vector_load %arg14[%get3A_1401] {strides = array<i32>} : memref<1024xf32, #tpu.memory_space<vmem>>, vector<16xf32>,
      %min3A_1403 = arith.minimumf %get3A_1402, %add3A_1400 : vector<16xf32>
      %swap3A_1404 = arith.constant 624 : index
      %swap3A_1405 = tpu.vector_load %arg14[%swap3A_1404] {strides = array<i32>} : memref<1024xf32, #tpu.memory_space<vmem>>, vector<16xf32>,
      tpu.vector_store %arg14[%swap3A_1404], %min3A_1403 {strides = array<i32>} : memref<1024xf32, #tpu.memory_space<vmem>>, vector<16xf32>,
      %gt3A_1406 = arith.cmpf ogt, %min3A_1403, %select_n3A_1382 : vector<16xf32>
      %select_n3A_1407 = arith.select %gt3A_1406, %min3A_1403, %select_n3A_1382 : vector<16xi1>, vector<16xf32>
      %add3A_1408 = arith.constant 624 : i32
      %add3A_1409 = vector.broadcast %add3A_1408 : i32 to vector<16xi32>
      %add3A_1410 = arith.addi %iota3A, %add3A_1409 : vector<16xi32>
      %select_n3A_1411 = arith.select %gt3A_1406, %add3A_1410, %select_n3A_1386 : vector<16xi1>, vector<16xi32>
      %get3A_1412 = arith.constant 640 : index
      %get3A_1413 = tpu.vector_load %arg11[%get3A_1412] {strides = array<i32>} : memref<1024xf32, #tpu.memory_space<vmem>>, vector<16xf32>,
      %sub3A_1414 = arith.subf %get3A_1413, %scan3A_410 : vector<16xf32>
      %get3A_1415 = arith.constant 640 : index
      %get3A_1416 = tpu.vector_load %arg12[%get3A_1415] {strides = array<i32>} : memref<1024xf32, #tpu.memory_space<vmem>>, vector<16xf32>,
      %sub3A_1417 = arith.subf %get3A_1416, %scan3A_411 : vector<16xf32>
      %get3A_1418 = arith.constant 640 : index
      %get3A_1419 = tpu.vector_load %arg13[%get3A_1418] {strides = array<i32>} : memref<1024xf32, #tpu.memory_space<vmem>>, vector<16xf32>,
      %sub3A_1420 = arith.subf %get3A_1419, %scan3A_412 : vector<16xf32>
      %mul3A_1421 = arith.mulf %sub3A_1414, %sub3A_1414 : vector<16xf32>
      %mul3A_1422 = arith.mulf %sub3A_1417, %sub3A_1417 : vector<16xf32>
      %add3A_1423 = arith.addf %mul3A_1421, %mul3A_1422 : vector<16xf32>
      %mul3A_1424 = arith.mulf %sub3A_1420, %sub3A_1420 : vector<16xf32>
      %add3A_1425 = arith.addf %add3A_1423, %mul3A_1424 : vector<16xf32>
      %get3A_1426 = arith.constant 640 : index
      %get3A_1427 = tpu.vector_load %arg14[%get3A_1426] {strides = array<i32>} : memref<1024xf32, #tpu.memory_space<vmem>>, vector<16xf32>,
      %min3A_1428 = arith.minimumf %get3A_1427, %add3A_1425 : vector<16xf32>
      %swap3A_1429 = arith.constant 640 : index
      %swap3A_1430 = tpu.vector_load %arg14[%swap3A_1429] {strides = array<i32>} : memref<1024xf32, #tpu.memory_space<vmem>>, vector<16xf32>,
      tpu.vector_store %arg14[%swap3A_1429], %min3A_1428 {strides = array<i32>} : memref<1024xf32, #tpu.memory_space<vmem>>, vector<16xf32>,
      %gt3A_1431 = arith.cmpf ogt, %min3A_1428, %select_n3A_1407 : vector<16xf32>
      %select_n3A_1432 = arith.select %gt3A_1431, %min3A_1428, %select_n3A_1407 : vector<16xi1>, vector<16xf32>
      %add3A_1433 = arith.constant 640 : i32
      %add3A_1434 = vector.broadcast %add3A_1433 : i32 to vector<16xi32>
      %add3A_1435 = arith.addi %iota3A, %add3A_1434 : vector<16xi32>
      %select_n3A_1436 = arith.select %gt3A_1431, %add3A_1435, %select_n3A_1411 : vector<16xi1>, vector<16xi32>
      %get3A_1437 = arith.constant 656 : index
      %get3A_1438 = tpu.vector_load %arg11[%get3A_1437] {strides = array<i32>} : memref<1024xf32, #tpu.memory_space<vmem>>, vector<16xf32>,
      %sub3A_1439 = arith.subf %get3A_1438, %scan3A_410 : vector<16xf32>
      %get3A_1440 = arith.constant 656 : index
      %get3A_1441 = tpu.vector_load %arg12[%get3A_1440] {strides = array<i32>} : memref<1024xf32, #tpu.memory_space<vmem>>, vector<16xf32>,
      %sub3A_1442 = arith.subf %get3A_1441, %scan3A_411 : vector<16xf32>
      %get3A_1443 = arith.constant 656 : index
      %get3A_1444 = tpu.vector_load %arg13[%get3A_1443] {strides = array<i32>} : memref<1024xf32, #tpu.memory_space<vmem>>, vector<16xf32>,
      %sub3A_1445 = arith.subf %get3A_1444, %scan3A_412 : vector<16xf32>
      %mul3A_1446 = arith.mulf %sub3A_1439, %sub3A_1439 : vector<16xf32>
      %mul3A_1447 = arith.mulf %sub3A_1442, %sub3A_1442 : vector<16xf32>
      %add3A_1448 = arith.addf %mul3A_1446, %mul3A_1447 : vector<16xf32>
      %mul3A_1449 = arith.mulf %sub3A_1445, %sub3A_1445 : vector<16xf32>
      %add3A_1450 = arith.addf %add3A_1448, %mul3A_1449 : vector<16xf32>
      %get3A_1451 = arith.constant 656 : index
      %get3A_1452 = tpu.vector_load %arg14[%get3A_1451] {strides = array<i32>} : memref<1024xf32, #tpu.memory_space<vmem>>, vector<16xf32>,
      %min3A_1453 = arith.minimumf %get3A_1452, %add3A_1450 : vector<16xf32>
      %swap3A_1454 = arith.constant 656 : index
      %swap3A_1455 = tpu.vector_load %arg14[%swap3A_1454] {strides = array<i32>} : memref<1024xf32, #tpu.memory_space<vmem>>, vector<16xf32>,
      tpu.vector_store %arg14[%swap3A_1454], %min3A_1453 {strides = array<i32>} : memref<1024xf32, #tpu.memory_space<vmem>>, vector<16xf32>,
      %gt3A_1456 = arith.cmpf ogt, %min3A_1453, %select_n3A_1432 : vector<16xf32>
      %select_n3A_1457 = arith.select %gt3A_1456, %min3A_1453, %select_n3A_1432 : vector<16xi1>, vector<16xf32>
      %add3A_1458 = arith.constant 656 : i32
      %add3A_1459 = vector.broadcast %add3A_1458 : i32 to vector<16xi32>
      %add3A_1460 = arith.addi %iota3A, %add3A_1459 : vector<16xi32>
      %select_n3A_1461 = arith.select %gt3A_1456, %add3A_1460, %select_n3A_1436 : vector<16xi1>, vector<16xi32>
      %get3A_1462 = arith.constant 672 : index
      %get3A_1463 = tpu.vector_load %arg11[%get3A_1462] {strides = array<i32>} : memref<1024xf32, #tpu.memory_space<vmem>>, vector<16xf32>,
      %sub3A_1464 = arith.subf %get3A_1463, %scan3A_410 : vector<16xf32>
      %get3A_1465 = arith.constant 672 : index
      %get3A_1466 = tpu.vector_load %arg12[%get3A_1465] {strides = array<i32>} : memref<1024xf32, #tpu.memory_space<vmem>>, vector<16xf32>,
      %sub3A_1467 = arith.subf %get3A_1466, %scan3A_411 : vector<16xf32>
      %get3A_1468 = arith.constant 672 : index
      %get3A_1469 = tpu.vector_load %arg13[%get3A_1468] {strides = array<i32>} : memref<1024xf32, #tpu.memory_space<vmem>>, vector<16xf32>,
      %sub3A_1470 = arith.subf %get3A_1469, %scan3A_412 : vector<16xf32>
      %mul3A_1471 = arith.mulf %sub3A_1464, %sub3A_1464 : vector<16xf32>
      %mul3A_1472 = arith.mulf %sub3A_1467, %sub3A_1467 : vector<16xf32>
      %add3A_1473 = arith.addf %mul3A_1471, %mul3A_1472 : vector<16xf32>
      %mul3A_1474 = arith.mulf %sub3A_1470, %sub3A_1470 : vector<16xf32>
      %add3A_1475 = arith.addf %add3A_1473, %mul3A_1474 : vector<16xf32>
      %get3A_1476 = arith.constant 672 : index
      %get3A_1477 = tpu.vector_load %arg14[%get3A_1476] {strides = array<i32>} : memref<1024xf32, #tpu.memory_space<vmem>>, vector<16xf32>,
      %min3A_1478 = arith.minimumf %get3A_1477, %add3A_1475 : vector<16xf32>
      %swap3A_1479 = arith.constant 672 : index
      %swap3A_1480 = tpu.vector_load %arg14[%swap3A_1479] {strides = array<i32>} : memref<1024xf32, #tpu.memory_space<vmem>>, vector<16xf32>,
      tpu.vector_store %arg14[%swap3A_1479], %min3A_1478 {strides = array<i32>} : memref<1024xf32, #tpu.memory_space<vmem>>, vector<16xf32>,
      %gt3A_1481 = arith.cmpf ogt, %min3A_1478, %select_n3A_1457 : vector<16xf32>
      %select_n3A_1482 = arith.select %gt3A_1481, %min3A_1478, %select_n3A_1457 : vector<16xi1>, vector<16xf32>
      %add3A_1483 = arith.constant 672 : i32
      %add3A_1484 = vector.broadcast %add3A_1483 : i32 to vector<16xi32>
      %add3A_1485 = arith.addi %iota3A, %add3A_1484 : vector<16xi32>
      %select_n3A_1486 = arith.select %gt3A_1481, %add3A_1485, %select_n3A_1461 : vector<16xi1>, vector<16xi32>
      %get3A_1487 = arith.constant 688 : index
      %get3A_1488 = tpu.vector_load %arg11[%get3A_1487] {strides = array<i32>} : memref<1024xf32, #tpu.memory_space<vmem>>, vector<16xf32>,
      %sub3A_1489 = arith.subf %get3A_1488, %scan3A_410 : vector<16xf32>
      %get3A_1490 = arith.constant 688 : index
      %get3A_1491 = tpu.vector_load %arg12[%get3A_1490] {strides = array<i32>} : memref<1024xf32, #tpu.memory_space<vmem>>, vector<16xf32>,
      %sub3A_1492 = arith.subf %get3A_1491, %scan3A_411 : vector<16xf32>
      %get3A_1493 = arith.constant 688 : index
      %get3A_1494 = tpu.vector_load %arg13[%get3A_1493] {strides = array<i32>} : memref<1024xf32, #tpu.memory_space<vmem>>, vector<16xf32>,
      %sub3A_1495 = arith.subf %get3A_1494, %scan3A_412 : vector<16xf32>
      %mul3A_1496 = arith.mulf %sub3A_1489, %sub3A_1489 : vector<16xf32>
      %mul3A_1497 = arith.mulf %sub3A_1492, %sub3A_1492 : vector<16xf32>
      %add3A_1498 = arith.addf %mul3A_1496, %mul3A_1497 : vector<16xf32>
      %mul3A_1499 = arith.mulf %sub3A_1495, %sub3A_1495 : vector<16xf32>
      %add3A_1500 = arith.addf %add3A_1498, %mul3A_1499 : vector<16xf32>
      %get3A_1501 = arith.constant 688 : index
      %get3A_1502 = tpu.vector_load %arg14[%get3A_1501] {strides = array<i32>} : memref<1024xf32, #tpu.memory_space<vmem>>, vector<16xf32>,
      %min3A_1503 = arith.minimumf %get3A_1502, %add3A_1500 : vector<16xf32>
      %swap3A_1504 = arith.constant 688 : index
      %swap3A_1505 = tpu.vector_load %arg14[%swap3A_1504] {strides = array<i32>} : memref<1024xf32, #tpu.memory_space<vmem>>, vector<16xf32>,
      tpu.vector_store %arg14[%swap3A_1504], %min3A_1503 {strides = array<i32>} : memref<1024xf32, #tpu.memory_space<vmem>>, vector<16xf32>,
      %gt3A_1506 = arith.cmpf ogt, %min3A_1503, %select_n3A_1482 : vector<16xf32>
      %select_n3A_1507 = arith.select %gt3A_1506, %min3A_1503, %select_n3A_1482 : vector<16xi1>, vector<16xf32>
      %add3A_1508 = arith.constant 688 : i32
      %add3A_1509 = vector.broadcast %add3A_1508 : i32 to vector<16xi32>
      %add3A_1510 = arith.addi %iota3A, %add3A_1509 : vector<16xi32>
      %select_n3A_1511 = arith.select %gt3A_1506, %add3A_1510, %select_n3A_1486 : vector<16xi1>, vector<16xi32>
      %get3A_1512 = arith.constant 704 : index
      %get3A_1513 = tpu.vector_load %arg11[%get3A_1512] {strides = array<i32>} : memref<1024xf32, #tpu.memory_space<vmem>>, vector<16xf32>,
      %sub3A_1514 = arith.subf %get3A_1513, %scan3A_410 : vector<16xf32>
      %get3A_1515 = arith.constant 704 : index
      %get3A_1516 = tpu.vector_load %arg12[%get3A_1515] {strides = array<i32>} : memref<1024xf32, #tpu.memory_space<vmem>>, vector<16xf32>,
      %sub3A_1517 = arith.subf %get3A_1516, %scan3A_411 : vector<16xf32>
      %get3A_1518 = arith.constant 704 : index
      %get3A_1519 = tpu.vector_load %arg13[%get3A_1518] {strides = array<i32>} : memref<1024xf32, #tpu.memory_space<vmem>>, vector<16xf32>,
      %sub3A_1520 = arith.subf %get3A_1519, %scan3A_412 : vector<16xf32>
      %mul3A_1521 = arith.mulf %sub3A_1514, %sub3A_1514 : vector<16xf32>
      %mul3A_1522 = arith.mulf %sub3A_1517, %sub3A_1517 : vector<16xf32>
      %add3A_1523 = arith.addf %mul3A_1521, %mul3A_1522 : vector<16xf32>
      %mul3A_1524 = arith.mulf %sub3A_1520, %sub3A_1520 : vector<16xf32>
      %add3A_1525 = arith.addf %add3A_1523, %mul3A_1524 : vector<16xf32>
      %get3A_1526 = arith.constant 704 : index
      %get3A_1527 = tpu.vector_load %arg14[%get3A_1526] {strides = array<i32>} : memref<1024xf32, #tpu.memory_space<vmem>>, vector<16xf32>,
      %min3A_1528 = arith.minimumf %get3A_1527, %add3A_1525 : vector<16xf32>
      %swap3A_1529 = arith.constant 704 : index
      %swap3A_1530 = tpu.vector_load %arg14[%swap3A_1529] {strides = array<i32>} : memref<1024xf32, #tpu.memory_space<vmem>>, vector<16xf32>,
      tpu.vector_store %arg14[%swap3A_1529], %min3A_1528 {strides = array<i32>} : memref<1024xf32, #tpu.memory_space<vmem>>, vector<16xf32>,
      %gt3A_1531 = arith.cmpf ogt, %min3A_1528, %select_n3A_1507 : vector<16xf32>
      %select_n3A_1532 = arith.select %gt3A_1531, %min3A_1528, %select_n3A_1507 : vector<16xi1>, vector<16xf32>
      %add3A_1533 = arith.constant 704 : i32
      %add3A_1534 = vector.broadcast %add3A_1533 : i32 to vector<16xi32>
      %add3A_1535 = arith.addi %iota3A, %add3A_1534 : vector<16xi32>
      %select_n3A_1536 = arith.select %gt3A_1531, %add3A_1535, %select_n3A_1511 : vector<16xi1>, vector<16xi32>
      %get3A_1537 = arith.constant 720 : index
      %get3A_1538 = tpu.vector_load %arg11[%get3A_1537] {strides = array<i32>} : memref<1024xf32, #tpu.memory_space<vmem>>, vector<16xf32>,
      %sub3A_1539 = arith.subf %get3A_1538, %scan3A_410 : vector<16xf32>
      %get3A_1540 = arith.constant 720 : index
      %get3A_1541 = tpu.vector_load %arg12[%get3A_1540] {strides = array<i32>} : memref<1024xf32, #tpu.memory_space<vmem>>, vector<16xf32>,
      %sub3A_1542 = arith.subf %get3A_1541, %scan3A_411 : vector<16xf32>
      %get3A_1543 = arith.constant 720 : index
      %get3A_1544 = tpu.vector_load %arg13[%get3A_1543] {strides = array<i32>} : memref<1024xf32, #tpu.memory_space<vmem>>, vector<16xf32>,
      %sub3A_1545 = arith.subf %get3A_1544, %scan3A_412 : vector<16xf32>
      %mul3A_1546 = arith.mulf %sub3A_1539, %sub3A_1539 : vector<16xf32>
      %mul3A_1547 = arith.mulf %sub3A_1542, %sub3A_1542 : vector<16xf32>
      %add3A_1548 = arith.addf %mul3A_1546, %mul3A_1547 : vector<16xf32>
      %mul3A_1549 = arith.mulf %sub3A_1545, %sub3A_1545 : vector<16xf32>
      %add3A_1550 = arith.addf %add3A_1548, %mul3A_1549 : vector<16xf32>
      %get3A_1551 = arith.constant 720 : index
      %get3A_1552 = tpu.vector_load %arg14[%get3A_1551] {strides = array<i32>} : memref<1024xf32, #tpu.memory_space<vmem>>, vector<16xf32>,
      %min3A_1553 = arith.minimumf %get3A_1552, %add3A_1550 : vector<16xf32>
      %swap3A_1554 = arith.constant 720 : index
      %swap3A_1555 = tpu.vector_load %arg14[%swap3A_1554] {strides = array<i32>} : memref<1024xf32, #tpu.memory_space<vmem>>, vector<16xf32>,
      tpu.vector_store %arg14[%swap3A_1554], %min3A_1553 {strides = array<i32>} : memref<1024xf32, #tpu.memory_space<vmem>>, vector<16xf32>,
      %gt3A_1556 = arith.cmpf ogt, %min3A_1553, %select_n3A_1532 : vector<16xf32>
      %select_n3A_1557 = arith.select %gt3A_1556, %min3A_1553, %select_n3A_1532 : vector<16xi1>, vector<16xf32>
      %add3A_1558 = arith.constant 720 : i32
      %add3A_1559 = vector.broadcast %add3A_1558 : i32 to vector<16xi32>
      %add3A_1560 = arith.addi %iota3A, %add3A_1559 : vector<16xi32>
      %select_n3A_1561 = arith.select %gt3A_1556, %add3A_1560, %select_n3A_1536 : vector<16xi1>, vector<16xi32>
      %get3A_1562 = arith.constant 736 : index
      %get3A_1563 = tpu.vector_load %arg11[%get3A_1562] {strides = array<i32>} : memref<1024xf32, #tpu.memory_space<vmem>>, vector<16xf32>,
      %sub3A_1564 = arith.subf %get3A_1563, %scan3A_410 : vector<16xf32>
      %get3A_1565 = arith.constant 736 : index
      %get3A_1566 = tpu.vector_load %arg12[%get3A_1565] {strides = array<i32>} : memref<1024xf32, #tpu.memory_space<vmem>>, vector<16xf32>,
      %sub3A_1567 = arith.subf %get3A_1566, %scan3A_411 : vector<16xf32>
      %get3A_1568 = arith.constant 736 : index
      %get3A_1569 = tpu.vector_load %arg13[%get3A_1568] {strides = array<i32>} : memref<1024xf32, #tpu.memory_space<vmem>>, vector<16xf32>,
      %sub3A_1570 = arith.subf %get3A_1569, %scan3A_412 : vector<16xf32>
      %mul3A_1571 = arith.mulf %sub3A_1564, %sub3A_1564 : vector<16xf32>
      %mul3A_1572 = arith.mulf %sub3A_1567, %sub3A_1567 : vector<16xf32>
      %add3A_1573 = arith.addf %mul3A_1571, %mul3A_1572 : vector<16xf32>
      %mul3A_1574 = arith.mulf %sub3A_1570, %sub3A_1570 : vector<16xf32>
      %add3A_1575 = arith.addf %add3A_1573, %mul3A_1574 : vector<16xf32>
      %get3A_1576 = arith.constant 736 : index
      %get3A_1577 = tpu.vector_load %arg14[%get3A_1576] {strides = array<i32>} : memref<1024xf32, #tpu.memory_space<vmem>>, vector<16xf32>,
      %min3A_1578 = arith.minimumf %get3A_1577, %add3A_1575 : vector<16xf32>
      %swap3A_1579 = arith.constant 736 : index
      %swap3A_1580 = tpu.vector_load %arg14[%swap3A_1579] {strides = array<i32>} : memref<1024xf32, #tpu.memory_space<vmem>>, vector<16xf32>,
      tpu.vector_store %arg14[%swap3A_1579], %min3A_1578 {strides = array<i32>} : memref<1024xf32, #tpu.memory_space<vmem>>, vector<16xf32>,
      %gt3A_1581 = arith.cmpf ogt, %min3A_1578, %select_n3A_1557 : vector<16xf32>
      %select_n3A_1582 = arith.select %gt3A_1581, %min3A_1578, %select_n3A_1557 : vector<16xi1>, vector<16xf32>
      %add3A_1583 = arith.constant 736 : i32
      %add3A_1584 = vector.broadcast %add3A_1583 : i32 to vector<16xi32>
      %add3A_1585 = arith.addi %iota3A, %add3A_1584 : vector<16xi32>
      %select_n3A_1586 = arith.select %gt3A_1581, %add3A_1585, %select_n3A_1561 : vector<16xi1>, vector<16xi32>
      %get3A_1587 = arith.constant 752 : index
      %get3A_1588 = tpu.vector_load %arg11[%get3A_1587] {strides = array<i32>} : memref<1024xf32, #tpu.memory_space<vmem>>, vector<16xf32>,
      %sub3A_1589 = arith.subf %get3A_1588, %scan3A_410 : vector<16xf32>
      %get3A_1590 = arith.constant 752 : index
      %get3A_1591 = tpu.vector_load %arg12[%get3A_1590] {strides = array<i32>} : memref<1024xf32, #tpu.memory_space<vmem>>, vector<16xf32>,
      %sub3A_1592 = arith.subf %get3A_1591, %scan3A_411 : vector<16xf32>
      %get3A_1593 = arith.constant 752 : index
      %get3A_1594 = tpu.vector_load %arg13[%get3A_1593] {strides = array<i32>} : memref<1024xf32, #tpu.memory_space<vmem>>, vector<16xf32>,
      %sub3A_1595 = arith.subf %get3A_1594, %scan3A_412 : vector<16xf32>
      %mul3A_1596 = arith.mulf %sub3A_1589, %sub3A_1589 : vector<16xf32>
      %mul3A_1597 = arith.mulf %sub3A_1592, %sub3A_1592 : vector<16xf32>
      %add3A_1598 = arith.addf %mul3A_1596, %mul3A_1597 : vector<16xf32>
      %mul3A_1599 = arith.mulf %sub3A_1595, %sub3A_1595 : vector<16xf32>
      %add3A_1600 = arith.addf %add3A_1598, %mul3A_1599 : vector<16xf32>
      %get3A_1601 = arith.constant 752 : index
      %get3A_1602 = tpu.vector_load %arg14[%get3A_1601] {strides = array<i32>} : memref<1024xf32, #tpu.memory_space<vmem>>, vector<16xf32>,
      %min3A_1603 = arith.minimumf %get3A_1602, %add3A_1600 : vector<16xf32>
      %swap3A_1604 = arith.constant 752 : index
      %swap3A_1605 = tpu.vector_load %arg14[%swap3A_1604] {strides = array<i32>} : memref<1024xf32, #tpu.memory_space<vmem>>, vector<16xf32>,
      tpu.vector_store %arg14[%swap3A_1604], %min3A_1603 {strides = array<i32>} : memref<1024xf32, #tpu.memory_space<vmem>>, vector<16xf32>,
      %gt3A_1606 = arith.cmpf ogt, %min3A_1603, %select_n3A_1582 : vector<16xf32>
      %select_n3A_1607 = arith.select %gt3A_1606, %min3A_1603, %select_n3A_1582 : vector<16xi1>, vector<16xf32>
      %add3A_1608 = arith.constant 752 : i32
      %add3A_1609 = vector.broadcast %add3A_1608 : i32 to vector<16xi32>
      %add3A_1610 = arith.addi %iota3A, %add3A_1609 : vector<16xi32>
      %select_n3A_1611 = arith.select %gt3A_1606, %add3A_1610, %select_n3A_1586 : vector<16xi1>, vector<16xi32>
      %get3A_1612 = arith.constant 768 : index
      %get3A_1613 = tpu.vector_load %arg11[%get3A_1612] {strides = array<i32>} : memref<1024xf32, #tpu.memory_space<vmem>>, vector<16xf32>,
      %sub3A_1614 = arith.subf %get3A_1613, %scan3A_410 : vector<16xf32>
      %get3A_1615 = arith.constant 768 : index
      %get3A_1616 = tpu.vector_load %arg12[%get3A_1615] {strides = array<i32>} : memref<1024xf32, #tpu.memory_space<vmem>>, vector<16xf32>,
      %sub3A_1617 = arith.subf %get3A_1616, %scan3A_411 : vector<16xf32>
      %get3A_1618 = arith.constant 768 : index
      %get3A_1619 = tpu.vector_load %arg13[%get3A_1618] {strides = array<i32>} : memref<1024xf32, #tpu.memory_space<vmem>>, vector<16xf32>,
      %sub3A_1620 = arith.subf %get3A_1619, %scan3A_412 : vector<16xf32>
      %mul3A_1621 = arith.mulf %sub3A_1614, %sub3A_1614 : vector<16xf32>
      %mul3A_1622 = arith.mulf %sub3A_1617, %sub3A_1617 : vector<16xf32>
      %add3A_1623 = arith.addf %mul3A_1621, %mul3A_1622 : vector<16xf32>
      %mul3A_1624 = arith.mulf %sub3A_1620, %sub3A_1620 : vector<16xf32>
      %add3A_1625 = arith.addf %add3A_1623, %mul3A_1624 : vector<16xf32>
      %get3A_1626 = arith.constant 768 : index
      %get3A_1627 = tpu.vector_load %arg14[%get3A_1626] {strides = array<i32>} : memref<1024xf32, #tpu.memory_space<vmem>>, vector<16xf32>,
      %min3A_1628 = arith.minimumf %get3A_1627, %add3A_1625 : vector<16xf32>
      %swap3A_1629 = arith.constant 768 : index
      %swap3A_1630 = tpu.vector_load %arg14[%swap3A_1629] {strides = array<i32>} : memref<1024xf32, #tpu.memory_space<vmem>>, vector<16xf32>,
      tpu.vector_store %arg14[%swap3A_1629], %min3A_1628 {strides = array<i32>} : memref<1024xf32, #tpu.memory_space<vmem>>, vector<16xf32>,
      %gt3A_1631 = arith.cmpf ogt, %min3A_1628, %select_n3A_1607 : vector<16xf32>
      %select_n3A_1632 = arith.select %gt3A_1631, %min3A_1628, %select_n3A_1607 : vector<16xi1>, vector<16xf32>
      %add3A_1633 = arith.constant 768 : i32
      %add3A_1634 = vector.broadcast %add3A_1633 : i32 to vector<16xi32>
      %add3A_1635 = arith.addi %iota3A, %add3A_1634 : vector<16xi32>
      %select_n3A_1636 = arith.select %gt3A_1631, %add3A_1635, %select_n3A_1611 : vector<16xi1>, vector<16xi32>
      %get3A_1637 = arith.constant 784 : index
      %get3A_1638 = tpu.vector_load %arg11[%get3A_1637] {strides = array<i32>} : memref<1024xf32, #tpu.memory_space<vmem>>, vector<16xf32>,
      %sub3A_1639 = arith.subf %get3A_1638, %scan3A_410 : vector<16xf32>
      %get3A_1640 = arith.constant 784 : index
      %get3A_1641 = tpu.vector_load %arg12[%get3A_1640] {strides = array<i32>} : memref<1024xf32, #tpu.memory_space<vmem>>, vector<16xf32>,
      %sub3A_1642 = arith.subf %get3A_1641, %scan3A_411 : vector<16xf32>
      %get3A_1643 = arith.constant 784 : index
      %get3A_1644 = tpu.vector_load %arg13[%get3A_1643] {strides = array<i32>} : memref<1024xf32, #tpu.memory_space<vmem>>, vector<16xf32>,
      %sub3A_1645 = arith.subf %get3A_1644, %scan3A_412 : vector<16xf32>
      %mul3A_1646 = arith.mulf %sub3A_1639, %sub3A_1639 : vector<16xf32>
      %mul3A_1647 = arith.mulf %sub3A_1642, %sub3A_1642 : vector<16xf32>
      %add3A_1648 = arith.addf %mul3A_1646, %mul3A_1647 : vector<16xf32>
      %mul3A_1649 = arith.mulf %sub3A_1645, %sub3A_1645 : vector<16xf32>
      %add3A_1650 = arith.addf %add3A_1648, %mul3A_1649 : vector<16xf32>
      %get3A_1651 = arith.constant 784 : index
      %get3A_1652 = tpu.vector_load %arg14[%get3A_1651] {strides = array<i32>} : memref<1024xf32, #tpu.memory_space<vmem>>, vector<16xf32>,
      %min3A_1653 = arith.minimumf %get3A_1652, %add3A_1650 : vector<16xf32>
      %swap3A_1654 = arith.constant 784 : index
      %swap3A_1655 = tpu.vector_load %arg14[%swap3A_1654] {strides = array<i32>} : memref<1024xf32, #tpu.memory_space<vmem>>, vector<16xf32>,
      tpu.vector_store %arg14[%swap3A_1654], %min3A_1653 {strides = array<i32>} : memref<1024xf32, #tpu.memory_space<vmem>>, vector<16xf32>,
      %gt3A_1656 = arith.cmpf ogt, %min3A_1653, %select_n3A_1632 : vector<16xf32>
      %select_n3A_1657 = arith.select %gt3A_1656, %min3A_1653, %select_n3A_1632 : vector<16xi1>, vector<16xf32>
      %add3A_1658 = arith.constant 784 : i32
      %add3A_1659 = vector.broadcast %add3A_1658 : i32 to vector<16xi32>
      %add3A_1660 = arith.addi %iota3A, %add3A_1659 : vector<16xi32>
      %select_n3A_1661 = arith.select %gt3A_1656, %add3A_1660, %select_n3A_1636 : vector<16xi1>, vector<16xi32>
      %get3A_1662 = arith.constant 800 : index
      %get3A_1663 = tpu.vector_load %arg11[%get3A_1662] {strides = array<i32>} : memref<1024xf32, #tpu.memory_space<vmem>>, vector<16xf32>,
      %sub3A_1664 = arith.subf %get3A_1663, %scan3A_410 : vector<16xf32>
      %get3A_1665 = arith.constant 800 : index
      %get3A_1666 = tpu.vector_load %arg12[%get3A_1665] {strides = array<i32>} : memref<1024xf32, #tpu.memory_space<vmem>>, vector<16xf32>,
      %sub3A_1667 = arith.subf %get3A_1666, %scan3A_411 : vector<16xf32>
      %get3A_1668 = arith.constant 800 : index
      %get3A_1669 = tpu.vector_load %arg13[%get3A_1668] {strides = array<i32>} : memref<1024xf32, #tpu.memory_space<vmem>>, vector<16xf32>,
      %sub3A_1670 = arith.subf %get3A_1669, %scan3A_412 : vector<16xf32>
      %mul3A_1671 = arith.mulf %sub3A_1664, %sub3A_1664 : vector<16xf32>
      %mul3A_1672 = arith.mulf %sub3A_1667, %sub3A_1667 : vector<16xf32>
      %add3A_1673 = arith.addf %mul3A_1671, %mul3A_1672 : vector<16xf32>
      %mul3A_1674 = arith.mulf %sub3A_1670, %sub3A_1670 : vector<16xf32>
      %add3A_1675 = arith.addf %add3A_1673, %mul3A_1674 : vector<16xf32>
      %get3A_1676 = arith.constant 800 : index
      %get3A_1677 = tpu.vector_load %arg14[%get3A_1676] {strides = array<i32>} : memref<1024xf32, #tpu.memory_space<vmem>>, vector<16xf32>,
      %min3A_1678 = arith.minimumf %get3A_1677, %add3A_1675 : vector<16xf32>
      %swap3A_1679 = arith.constant 800 : index
      %swap3A_1680 = tpu.vector_load %arg14[%swap3A_1679] {strides = array<i32>} : memref<1024xf32, #tpu.memory_space<vmem>>, vector<16xf32>,
      tpu.vector_store %arg14[%swap3A_1679], %min3A_1678 {strides = array<i32>} : memref<1024xf32, #tpu.memory_space<vmem>>, vector<16xf32>,
      %gt3A_1681 = arith.cmpf ogt, %min3A_1678, %select_n3A_1657 : vector<16xf32>
      %select_n3A_1682 = arith.select %gt3A_1681, %min3A_1678, %select_n3A_1657 : vector<16xi1>, vector<16xf32>
      %add3A_1683 = arith.constant 800 : i32
      %add3A_1684 = vector.broadcast %add3A_1683 : i32 to vector<16xi32>
      %add3A_1685 = arith.addi %iota3A, %add3A_1684 : vector<16xi32>
      %select_n3A_1686 = arith.select %gt3A_1681, %add3A_1685, %select_n3A_1661 : vector<16xi1>, vector<16xi32>
      %get3A_1687 = arith.constant 816 : index
      %get3A_1688 = tpu.vector_load %arg11[%get3A_1687] {strides = array<i32>} : memref<1024xf32, #tpu.memory_space<vmem>>, vector<16xf32>,
      %sub3A_1689 = arith.subf %get3A_1688, %scan3A_410 : vector<16xf32>
      %get3A_1690 = arith.constant 816 : index
      %get3A_1691 = tpu.vector_load %arg12[%get3A_1690] {strides = array<i32>} : memref<1024xf32, #tpu.memory_space<vmem>>, vector<16xf32>,
      %sub3A_1692 = arith.subf %get3A_1691, %scan3A_411 : vector<16xf32>
      %get3A_1693 = arith.constant 816 : index
      %get3A_1694 = tpu.vector_load %arg13[%get3A_1693] {strides = array<i32>} : memref<1024xf32, #tpu.memory_space<vmem>>, vector<16xf32>,
      %sub3A_1695 = arith.subf %get3A_1694, %scan3A_412 : vector<16xf32>
      %mul3A_1696 = arith.mulf %sub3A_1689, %sub3A_1689 : vector<16xf32>
      %mul3A_1697 = arith.mulf %sub3A_1692, %sub3A_1692 : vector<16xf32>
      %add3A_1698 = arith.addf %mul3A_1696, %mul3A_1697 : vector<16xf32>
      %mul3A_1699 = arith.mulf %sub3A_1695, %sub3A_1695 : vector<16xf32>
      %add3A_1700 = arith.addf %add3A_1698, %mul3A_1699 : vector<16xf32>
      %get3A_1701 = arith.constant 816 : index
      %get3A_1702 = tpu.vector_load %arg14[%get3A_1701] {strides = array<i32>} : memref<1024xf32, #tpu.memory_space<vmem>>, vector<16xf32>,
      %min3A_1703 = arith.minimumf %get3A_1702, %add3A_1700 : vector<16xf32>
      %swap3A_1704 = arith.constant 816 : index
      %swap3A_1705 = tpu.vector_load %arg14[%swap3A_1704] {strides = array<i32>} : memref<1024xf32, #tpu.memory_space<vmem>>, vector<16xf32>,
      tpu.vector_store %arg14[%swap3A_1704], %min3A_1703 {strides = array<i32>} : memref<1024xf32, #tpu.memory_space<vmem>>, vector<16xf32>,
      %gt3A_1706 = arith.cmpf ogt, %min3A_1703, %select_n3A_1682 : vector<16xf32>
      %select_n3A_1707 = arith.select %gt3A_1706, %min3A_1703, %select_n3A_1682 : vector<16xi1>, vector<16xf32>
      %add3A_1708 = arith.constant 816 : i32
      %add3A_1709 = vector.broadcast %add3A_1708 : i32 to vector<16xi32>
      %add3A_1710 = arith.addi %iota3A, %add3A_1709 : vector<16xi32>
      %select_n3A_1711 = arith.select %gt3A_1706, %add3A_1710, %select_n3A_1686 : vector<16xi1>, vector<16xi32>
      %get3A_1712 = arith.constant 832 : index
      %get3A_1713 = tpu.vector_load %arg11[%get3A_1712] {strides = array<i32>} : memref<1024xf32, #tpu.memory_space<vmem>>, vector<16xf32>,
      %sub3A_1714 = arith.subf %get3A_1713, %scan3A_410 : vector<16xf32>
      %get3A_1715 = arith.constant 832 : index
      %get3A_1716 = tpu.vector_load %arg12[%get3A_1715] {strides = array<i32>} : memref<1024xf32, #tpu.memory_space<vmem>>, vector<16xf32>,
      %sub3A_1717 = arith.subf %get3A_1716, %scan3A_411 : vector<16xf32>
      %get3A_1718 = arith.constant 832 : index
      %get3A_1719 = tpu.vector_load %arg13[%get3A_1718] {strides = array<i32>} : memref<1024xf32, #tpu.memory_space<vmem>>, vector<16xf32>,
      %sub3A_1720 = arith.subf %get3A_1719, %scan3A_412 : vector<16xf32>
      %mul3A_1721 = arith.mulf %sub3A_1714, %sub3A_1714 : vector<16xf32>
      %mul3A_1722 = arith.mulf %sub3A_1717, %sub3A_1717 : vector<16xf32>
      %add3A_1723 = arith.addf %mul3A_1721, %mul3A_1722 : vector<16xf32>
      %mul3A_1724 = arith.mulf %sub3A_1720, %sub3A_1720 : vector<16xf32>
      %add3A_1725 = arith.addf %add3A_1723, %mul3A_1724 : vector<16xf32>
      %get3A_1726 = arith.constant 832 : index
      %get3A_1727 = tpu.vector_load %arg14[%get3A_1726] {strides = array<i32>} : memref<1024xf32, #tpu.memory_space<vmem>>, vector<16xf32>,
      %min3A_1728 = arith.minimumf %get3A_1727, %add3A_1725 : vector<16xf32>
      %swap3A_1729 = arith.constant 832 : index
      %swap3A_1730 = tpu.vector_load %arg14[%swap3A_1729] {strides = array<i32>} : memref<1024xf32, #tpu.memory_space<vmem>>, vector<16xf32>,
      tpu.vector_store %arg14[%swap3A_1729], %min3A_1728 {strides = array<i32>} : memref<1024xf32, #tpu.memory_space<vmem>>, vector<16xf32>,
      %gt3A_1731 = arith.cmpf ogt, %min3A_1728, %select_n3A_1707 : vector<16xf32>
      %select_n3A_1732 = arith.select %gt3A_1731, %min3A_1728, %select_n3A_1707 : vector<16xi1>, vector<16xf32>
      %add3A_1733 = arith.constant 832 : i32
      %add3A_1734 = vector.broadcast %add3A_1733 : i32 to vector<16xi32>
      %add3A_1735 = arith.addi %iota3A, %add3A_1734 : vector<16xi32>
      %select_n3A_1736 = arith.select %gt3A_1731, %add3A_1735, %select_n3A_1711 : vector<16xi1>, vector<16xi32>
      %get3A_1737 = arith.constant 848 : index
      %get3A_1738 = tpu.vector_load %arg11[%get3A_1737] {strides = array<i32>} : memref<1024xf32, #tpu.memory_space<vmem>>, vector<16xf32>,
      %sub3A_1739 = arith.subf %get3A_1738, %scan3A_410 : vector<16xf32>
      %get3A_1740 = arith.constant 848 : index
      %get3A_1741 = tpu.vector_load %arg12[%get3A_1740] {strides = array<i32>} : memref<1024xf32, #tpu.memory_space<vmem>>, vector<16xf32>,
      %sub3A_1742 = arith.subf %get3A_1741, %scan3A_411 : vector<16xf32>
      %get3A_1743 = arith.constant 848 : index
      %get3A_1744 = tpu.vector_load %arg13[%get3A_1743] {strides = array<i32>} : memref<1024xf32, #tpu.memory_space<vmem>>, vector<16xf32>,
      %sub3A_1745 = arith.subf %get3A_1744, %scan3A_412 : vector<16xf32>
      %mul3A_1746 = arith.mulf %sub3A_1739, %sub3A_1739 : vector<16xf32>
      %mul3A_1747 = arith.mulf %sub3A_1742, %sub3A_1742 : vector<16xf32>
      %add3A_1748 = arith.addf %mul3A_1746, %mul3A_1747 : vector<16xf32>
      %mul3A_1749 = arith.mulf %sub3A_1745, %sub3A_1745 : vector<16xf32>
      %add3A_1750 = arith.addf %add3A_1748, %mul3A_1749 : vector<16xf32>
      %get3A_1751 = arith.constant 848 : index
      %get3A_1752 = tpu.vector_load %arg14[%get3A_1751] {strides = array<i32>} : memref<1024xf32, #tpu.memory_space<vmem>>, vector<16xf32>,
      %min3A_1753 = arith.minimumf %get3A_1752, %add3A_1750 : vector<16xf32>
      %swap3A_1754 = arith.constant 848 : index
      %swap3A_1755 = tpu.vector_load %arg14[%swap3A_1754] {strides = array<i32>} : memref<1024xf32, #tpu.memory_space<vmem>>, vector<16xf32>,
      tpu.vector_store %arg14[%swap3A_1754], %min3A_1753 {strides = array<i32>} : memref<1024xf32, #tpu.memory_space<vmem>>, vector<16xf32>,
      %gt3A_1756 = arith.cmpf ogt, %min3A_1753, %select_n3A_1732 : vector<16xf32>
      %select_n3A_1757 = arith.select %gt3A_1756, %min3A_1753, %select_n3A_1732 : vector<16xi1>, vector<16xf32>
      %add3A_1758 = arith.constant 848 : i32
      %add3A_1759 = vector.broadcast %add3A_1758 : i32 to vector<16xi32>
      %add3A_1760 = arith.addi %iota3A, %add3A_1759 : vector<16xi32>
      %select_n3A_1761 = arith.select %gt3A_1756, %add3A_1760, %select_n3A_1736 : vector<16xi1>, vector<16xi32>
      %get3A_1762 = arith.constant 864 : index
      %get3A_1763 = tpu.vector_load %arg11[%get3A_1762] {strides = array<i32>} : memref<1024xf32, #tpu.memory_space<vmem>>, vector<16xf32>,
      %sub3A_1764 = arith.subf %get3A_1763, %scan3A_410 : vector<16xf32>
      %get3A_1765 = arith.constant 864 : index
      %get3A_1766 = tpu.vector_load %arg12[%get3A_1765] {strides = array<i32>} : memref<1024xf32, #tpu.memory_space<vmem>>, vector<16xf32>,
      %sub3A_1767 = arith.subf %get3A_1766, %scan3A_411 : vector<16xf32>
      %get3A_1768 = arith.constant 864 : index
      %get3A_1769 = tpu.vector_load %arg13[%get3A_1768] {strides = array<i32>} : memref<1024xf32, #tpu.memory_space<vmem>>, vector<16xf32>,
      %sub3A_1770 = arith.subf %get3A_1769, %scan3A_412 : vector<16xf32>
      %mul3A_1771 = arith.mulf %sub3A_1764, %sub3A_1764 : vector<16xf32>
      %mul3A_1772 = arith.mulf %sub3A_1767, %sub3A_1767 : vector<16xf32>
      %add3A_1773 = arith.addf %mul3A_1771, %mul3A_1772 : vector<16xf32>
      %mul3A_1774 = arith.mulf %sub3A_1770, %sub3A_1770 : vector<16xf32>
      %add3A_1775 = arith.addf %add3A_1773, %mul3A_1774 : vector<16xf32>
      %get3A_1776 = arith.constant 864 : index
      %get3A_1777 = tpu.vector_load %arg14[%get3A_1776] {strides = array<i32>} : memref<1024xf32, #tpu.memory_space<vmem>>, vector<16xf32>,
      %min3A_1778 = arith.minimumf %get3A_1777, %add3A_1775 : vector<16xf32>
      %swap3A_1779 = arith.constant 864 : index
      %swap3A_1780 = tpu.vector_load %arg14[%swap3A_1779] {strides = array<i32>} : memref<1024xf32, #tpu.memory_space<vmem>>, vector<16xf32>,
      tpu.vector_store %arg14[%swap3A_1779], %min3A_1778 {strides = array<i32>} : memref<1024xf32, #tpu.memory_space<vmem>>, vector<16xf32>,
      %gt3A_1781 = arith.cmpf ogt, %min3A_1778, %select_n3A_1757 : vector<16xf32>
      %select_n3A_1782 = arith.select %gt3A_1781, %min3A_1778, %select_n3A_1757 : vector<16xi1>, vector<16xf32>
      %add3A_1783 = arith.constant 864 : i32
      %add3A_1784 = vector.broadcast %add3A_1783 : i32 to vector<16xi32>
      %add3A_1785 = arith.addi %iota3A, %add3A_1784 : vector<16xi32>
      %select_n3A_1786 = arith.select %gt3A_1781, %add3A_1785, %select_n3A_1761 : vector<16xi1>, vector<16xi32>
      %get3A_1787 = arith.constant 880 : index
      %get3A_1788 = tpu.vector_load %arg11[%get3A_1787] {strides = array<i32>} : memref<1024xf32, #tpu.memory_space<vmem>>, vector<16xf32>,
      %sub3A_1789 = arith.subf %get3A_1788, %scan3A_410 : vector<16xf32>
      %get3A_1790 = arith.constant 880 : index
      %get3A_1791 = tpu.vector_load %arg12[%get3A_1790] {strides = array<i32>} : memref<1024xf32, #tpu.memory_space<vmem>>, vector<16xf32>,
      %sub3A_1792 = arith.subf %get3A_1791, %scan3A_411 : vector<16xf32>
      %get3A_1793 = arith.constant 880 : index
      %get3A_1794 = tpu.vector_load %arg13[%get3A_1793] {strides = array<i32>} : memref<1024xf32, #tpu.memory_space<vmem>>, vector<16xf32>,
      %sub3A_1795 = arith.subf %get3A_1794, %scan3A_412 : vector<16xf32>
      %mul3A_1796 = arith.mulf %sub3A_1789, %sub3A_1789 : vector<16xf32>
      %mul3A_1797 = arith.mulf %sub3A_1792, %sub3A_1792 : vector<16xf32>
      %add3A_1798 = arith.addf %mul3A_1796, %mul3A_1797 : vector<16xf32>
      %mul3A_1799 = arith.mulf %sub3A_1795, %sub3A_1795 : vector<16xf32>
      %add3A_1800 = arith.addf %add3A_1798, %mul3A_1799 : vector<16xf32>
      %get3A_1801 = arith.constant 880 : index
      %get3A_1802 = tpu.vector_load %arg14[%get3A_1801] {strides = array<i32>} : memref<1024xf32, #tpu.memory_space<vmem>>, vector<16xf32>,
      %min3A_1803 = arith.minimumf %get3A_1802, %add3A_1800 : vector<16xf32>
      %swap3A_1804 = arith.constant 880 : index
      %swap3A_1805 = tpu.vector_load %arg14[%swap3A_1804] {strides = array<i32>} : memref<1024xf32, #tpu.memory_space<vmem>>, vector<16xf32>,
      tpu.vector_store %arg14[%swap3A_1804], %min3A_1803 {strides = array<i32>} : memref<1024xf32, #tpu.memory_space<vmem>>, vector<16xf32>,
      %gt3A_1806 = arith.cmpf ogt, %min3A_1803, %select_n3A_1782 : vector<16xf32>
      %select_n3A_1807 = arith.select %gt3A_1806, %min3A_1803, %select_n3A_1782 : vector<16xi1>, vector<16xf32>
      %add3A_1808 = arith.constant 880 : i32
      %add3A_1809 = vector.broadcast %add3A_1808 : i32 to vector<16xi32>
      %add3A_1810 = arith.addi %iota3A, %add3A_1809 : vector<16xi32>
      %select_n3A_1811 = arith.select %gt3A_1806, %add3A_1810, %select_n3A_1786 : vector<16xi1>, vector<16xi32>
      %get3A_1812 = arith.constant 896 : index
      %get3A_1813 = tpu.vector_load %arg11[%get3A_1812] {strides = array<i32>} : memref<1024xf32, #tpu.memory_space<vmem>>, vector<16xf32>,
      %sub3A_1814 = arith.subf %get3A_1813, %scan3A_410 : vector<16xf32>
      %get3A_1815 = arith.constant 896 : index
      %get3A_1816 = tpu.vector_load %arg12[%get3A_1815] {strides = array<i32>} : memref<1024xf32, #tpu.memory_space<vmem>>, vector<16xf32>,
      %sub3A_1817 = arith.subf %get3A_1816, %scan3A_411 : vector<16xf32>
      %get3A_1818 = arith.constant 896 : index
      %get3A_1819 = tpu.vector_load %arg13[%get3A_1818] {strides = array<i32>} : memref<1024xf32, #tpu.memory_space<vmem>>, vector<16xf32>,
      %sub3A_1820 = arith.subf %get3A_1819, %scan3A_412 : vector<16xf32>
      %mul3A_1821 = arith.mulf %sub3A_1814, %sub3A_1814 : vector<16xf32>
      %mul3A_1822 = arith.mulf %sub3A_1817, %sub3A_1817 : vector<16xf32>
      %add3A_1823 = arith.addf %mul3A_1821, %mul3A_1822 : vector<16xf32>
      %mul3A_1824 = arith.mulf %sub3A_1820, %sub3A_1820 : vector<16xf32>
      %add3A_1825 = arith.addf %add3A_1823, %mul3A_1824 : vector<16xf32>
      %get3A_1826 = arith.constant 896 : index
      %get3A_1827 = tpu.vector_load %arg14[%get3A_1826] {strides = array<i32>} : memref<1024xf32, #tpu.memory_space<vmem>>, vector<16xf32>,
      %min3A_1828 = arith.minimumf %get3A_1827, %add3A_1825 : vector<16xf32>
      %swap3A_1829 = arith.constant 896 : index
      %swap3A_1830 = tpu.vector_load %arg14[%swap3A_1829] {strides = array<i32>} : memref<1024xf32, #tpu.memory_space<vmem>>, vector<16xf32>,
      tpu.vector_store %arg14[%swap3A_1829], %min3A_1828 {strides = array<i32>} : memref<1024xf32, #tpu.memory_space<vmem>>, vector<16xf32>,
      %gt3A_1831 = arith.cmpf ogt, %min3A_1828, %select_n3A_1807 : vector<16xf32>
      %select_n3A_1832 = arith.select %gt3A_1831, %min3A_1828, %select_n3A_1807 : vector<16xi1>, vector<16xf32>
      %add3A_1833 = arith.constant 896 : i32
      %add3A_1834 = vector.broadcast %add3A_1833 : i32 to vector<16xi32>
      %add3A_1835 = arith.addi %iota3A, %add3A_1834 : vector<16xi32>
      %select_n3A_1836 = arith.select %gt3A_1831, %add3A_1835, %select_n3A_1811 : vector<16xi1>, vector<16xi32>
      %get3A_1837 = arith.constant 912 : index
      %get3A_1838 = tpu.vector_load %arg11[%get3A_1837] {strides = array<i32>} : memref<1024xf32, #tpu.memory_space<vmem>>, vector<16xf32>,
      %sub3A_1839 = arith.subf %get3A_1838, %scan3A_410 : vector<16xf32>
      %get3A_1840 = arith.constant 912 : index
      %get3A_1841 = tpu.vector_load %arg12[%get3A_1840] {strides = array<i32>} : memref<1024xf32, #tpu.memory_space<vmem>>, vector<16xf32>,
      %sub3A_1842 = arith.subf %get3A_1841, %scan3A_411 : vector<16xf32>
      %get3A_1843 = arith.constant 912 : index
      %get3A_1844 = tpu.vector_load %arg13[%get3A_1843] {strides = array<i32>} : memref<1024xf32, #tpu.memory_space<vmem>>, vector<16xf32>,
      %sub3A_1845 = arith.subf %get3A_1844, %scan3A_412 : vector<16xf32>
      %mul3A_1846 = arith.mulf %sub3A_1839, %sub3A_1839 : vector<16xf32>
      %mul3A_1847 = arith.mulf %sub3A_1842, %sub3A_1842 : vector<16xf32>
      %add3A_1848 = arith.addf %mul3A_1846, %mul3A_1847 : vector<16xf32>
      %mul3A_1849 = arith.mulf %sub3A_1845, %sub3A_1845 : vector<16xf32>
      %add3A_1850 = arith.addf %add3A_1848, %mul3A_1849 : vector<16xf32>
      %get3A_1851 = arith.constant 912 : index
      %get3A_1852 = tpu.vector_load %arg14[%get3A_1851] {strides = array<i32>} : memref<1024xf32, #tpu.memory_space<vmem>>, vector<16xf32>,
      %min3A_1853 = arith.minimumf %get3A_1852, %add3A_1850 : vector<16xf32>
      %swap3A_1854 = arith.constant 912 : index
      %swap3A_1855 = tpu.vector_load %arg14[%swap3A_1854] {strides = array<i32>} : memref<1024xf32, #tpu.memory_space<vmem>>, vector<16xf32>,
      tpu.vector_store %arg14[%swap3A_1854], %min3A_1853 {strides = array<i32>} : memref<1024xf32, #tpu.memory_space<vmem>>, vector<16xf32>,
      %gt3A_1856 = arith.cmpf ogt, %min3A_1853, %select_n3A_1832 : vector<16xf32>
      %select_n3A_1857 = arith.select %gt3A_1856, %min3A_1853, %select_n3A_1832 : vector<16xi1>, vector<16xf32>
      %add3A_1858 = arith.constant 912 : i32
      %add3A_1859 = vector.broadcast %add3A_1858 : i32 to vector<16xi32>
      %add3A_1860 = arith.addi %iota3A, %add3A_1859 : vector<16xi32>
      %select_n3A_1861 = arith.select %gt3A_1856, %add3A_1860, %select_n3A_1836 : vector<16xi1>, vector<16xi32>
      %get3A_1862 = arith.constant 928 : index
      %get3A_1863 = tpu.vector_load %arg11[%get3A_1862] {strides = array<i32>} : memref<1024xf32, #tpu.memory_space<vmem>>, vector<16xf32>,
      %sub3A_1864 = arith.subf %get3A_1863, %scan3A_410 : vector<16xf32>
      %get3A_1865 = arith.constant 928 : index
      %get3A_1866 = tpu.vector_load %arg12[%get3A_1865] {strides = array<i32>} : memref<1024xf32, #tpu.memory_space<vmem>>, vector<16xf32>,
      %sub3A_1867 = arith.subf %get3A_1866, %scan3A_411 : vector<16xf32>
      %get3A_1868 = arith.constant 928 : index
      %get3A_1869 = tpu.vector_load %arg13[%get3A_1868] {strides = array<i32>} : memref<1024xf32, #tpu.memory_space<vmem>>, vector<16xf32>,
      %sub3A_1870 = arith.subf %get3A_1869, %scan3A_412 : vector<16xf32>
      %mul3A_1871 = arith.mulf %sub3A_1864, %sub3A_1864 : vector<16xf32>
      %mul3A_1872 = arith.mulf %sub3A_1867, %sub3A_1867 : vector<16xf32>
      %add3A_1873 = arith.addf %mul3A_1871, %mul3A_1872 : vector<16xf32>
      %mul3A_1874 = arith.mulf %sub3A_1870, %sub3A_1870 : vector<16xf32>
      %add3A_1875 = arith.addf %add3A_1873, %mul3A_1874 : vector<16xf32>
      %get3A_1876 = arith.constant 928 : index
      %get3A_1877 = tpu.vector_load %arg14[%get3A_1876] {strides = array<i32>} : memref<1024xf32, #tpu.memory_space<vmem>>, vector<16xf32>,
      %min3A_1878 = arith.minimumf %get3A_1877, %add3A_1875 : vector<16xf32>
      %swap3A_1879 = arith.constant 928 : index
      %swap3A_1880 = tpu.vector_load %arg14[%swap3A_1879] {strides = array<i32>} : memref<1024xf32, #tpu.memory_space<vmem>>, vector<16xf32>,
      tpu.vector_store %arg14[%swap3A_1879], %min3A_1878 {strides = array<i32>} : memref<1024xf32, #tpu.memory_space<vmem>>, vector<16xf32>,
      %gt3A_1881 = arith.cmpf ogt, %min3A_1878, %select_n3A_1857 : vector<16xf32>
      %select_n3A_1882 = arith.select %gt3A_1881, %min3A_1878, %select_n3A_1857 : vector<16xi1>, vector<16xf32>
      %add3A_1883 = arith.constant 928 : i32
      %add3A_1884 = vector.broadcast %add3A_1883 : i32 to vector<16xi32>
      %add3A_1885 = arith.addi %iota3A, %add3A_1884 : vector<16xi32>
      %select_n3A_1886 = arith.select %gt3A_1881, %add3A_1885, %select_n3A_1861 : vector<16xi1>, vector<16xi32>
      %get3A_1887 = arith.constant 944 : index
      %get3A_1888 = tpu.vector_load %arg11[%get3A_1887] {strides = array<i32>} : memref<1024xf32, #tpu.memory_space<vmem>>, vector<16xf32>,
      %sub3A_1889 = arith.subf %get3A_1888, %scan3A_410 : vector<16xf32>
      %get3A_1890 = arith.constant 944 : index
      %get3A_1891 = tpu.vector_load %arg12[%get3A_1890] {strides = array<i32>} : memref<1024xf32, #tpu.memory_space<vmem>>, vector<16xf32>,
      %sub3A_1892 = arith.subf %get3A_1891, %scan3A_411 : vector<16xf32>
      %get3A_1893 = arith.constant 944 : index
      %get3A_1894 = tpu.vector_load %arg13[%get3A_1893] {strides = array<i32>} : memref<1024xf32, #tpu.memory_space<vmem>>, vector<16xf32>,
      %sub3A_1895 = arith.subf %get3A_1894, %scan3A_412 : vector<16xf32>
      %mul3A_1896 = arith.mulf %sub3A_1889, %sub3A_1889 : vector<16xf32>
      %mul3A_1897 = arith.mulf %sub3A_1892, %sub3A_1892 : vector<16xf32>
      %add3A_1898 = arith.addf %mul3A_1896, %mul3A_1897 : vector<16xf32>
      %mul3A_1899 = arith.mulf %sub3A_1895, %sub3A_1895 : vector<16xf32>
      %add3A_1900 = arith.addf %add3A_1898, %mul3A_1899 : vector<16xf32>
      %get3A_1901 = arith.constant 944 : index
      %get3A_1902 = tpu.vector_load %arg14[%get3A_1901] {strides = array<i32>} : memref<1024xf32, #tpu.memory_space<vmem>>, vector<16xf32>,
      %min3A_1903 = arith.minimumf %get3A_1902, %add3A_1900 : vector<16xf32>
      %swap3A_1904 = arith.constant 944 : index
      %swap3A_1905 = tpu.vector_load %arg14[%swap3A_1904] {strides = array<i32>} : memref<1024xf32, #tpu.memory_space<vmem>>, vector<16xf32>,
      tpu.vector_store %arg14[%swap3A_1904], %min3A_1903 {strides = array<i32>} : memref<1024xf32, #tpu.memory_space<vmem>>, vector<16xf32>,
      %gt3A_1906 = arith.cmpf ogt, %min3A_1903, %select_n3A_1882 : vector<16xf32>
      %select_n3A_1907 = arith.select %gt3A_1906, %min3A_1903, %select_n3A_1882 : vector<16xi1>, vector<16xf32>
      %add3A_1908 = arith.constant 944 : i32
      %add3A_1909 = vector.broadcast %add3A_1908 : i32 to vector<16xi32>
      %add3A_1910 = arith.addi %iota3A, %add3A_1909 : vector<16xi32>
      %select_n3A_1911 = arith.select %gt3A_1906, %add3A_1910, %select_n3A_1886 : vector<16xi1>, vector<16xi32>
      %get3A_1912 = arith.constant 960 : index
      %get3A_1913 = tpu.vector_load %arg11[%get3A_1912] {strides = array<i32>} : memref<1024xf32, #tpu.memory_space<vmem>>, vector<16xf32>,
      %sub3A_1914 = arith.subf %get3A_1913, %scan3A_410 : vector<16xf32>
      %get3A_1915 = arith.constant 960 : index
      %get3A_1916 = tpu.vector_load %arg12[%get3A_1915] {strides = array<i32>} : memref<1024xf32, #tpu.memory_space<vmem>>, vector<16xf32>,
      %sub3A_1917 = arith.subf %get3A_1916, %scan3A_411 : vector<16xf32>
      %get3A_1918 = arith.constant 960 : index
      %get3A_1919 = tpu.vector_load %arg13[%get3A_1918] {strides = array<i32>} : memref<1024xf32, #tpu.memory_space<vmem>>, vector<16xf32>,
      %sub3A_1920 = arith.subf %get3A_1919, %scan3A_412 : vector<16xf32>
      %mul3A_1921 = arith.mulf %sub3A_1914, %sub3A_1914 : vector<16xf32>
      %mul3A_1922 = arith.mulf %sub3A_1917, %sub3A_1917 : vector<16xf32>
      %add3A_1923 = arith.addf %mul3A_1921, %mul3A_1922 : vector<16xf32>
      %mul3A_1924 = arith.mulf %sub3A_1920, %sub3A_1920 : vector<16xf32>
      %add3A_1925 = arith.addf %add3A_1923, %mul3A_1924 : vector<16xf32>
      %get3A_1926 = arith.constant 960 : index
      %get3A_1927 = tpu.vector_load %arg14[%get3A_1926] {strides = array<i32>} : memref<1024xf32, #tpu.memory_space<vmem>>, vector<16xf32>,
      %min3A_1928 = arith.minimumf %get3A_1927, %add3A_1925 : vector<16xf32>
      %swap3A_1929 = arith.constant 960 : index
      %swap3A_1930 = tpu.vector_load %arg14[%swap3A_1929] {strides = array<i32>} : memref<1024xf32, #tpu.memory_space<vmem>>, vector<16xf32>,
      tpu.vector_store %arg14[%swap3A_1929], %min3A_1928 {strides = array<i32>} : memref<1024xf32, #tpu.memory_space<vmem>>, vector<16xf32>,
      %gt3A_1931 = arith.cmpf ogt, %min3A_1928, %select_n3A_1907 : vector<16xf32>
      %select_n3A_1932 = arith.select %gt3A_1931, %min3A_1928, %select_n3A_1907 : vector<16xi1>, vector<16xf32>
      %add3A_1933 = arith.constant 960 : i32
      %add3A_1934 = vector.broadcast %add3A_1933 : i32 to vector<16xi32>
      %add3A_1935 = arith.addi %iota3A, %add3A_1934 : vector<16xi32>
      %select_n3A_1936 = arith.select %gt3A_1931, %add3A_1935, %select_n3A_1911 : vector<16xi1>, vector<16xi32>
      %get3A_1937 = arith.constant 976 : index
      %get3A_1938 = tpu.vector_load %arg11[%get3A_1937] {strides = array<i32>} : memref<1024xf32, #tpu.memory_space<vmem>>, vector<16xf32>,
      %sub3A_1939 = arith.subf %get3A_1938, %scan3A_410 : vector<16xf32>
      %get3A_1940 = arith.constant 976 : index
      %get3A_1941 = tpu.vector_load %arg12[%get3A_1940] {strides = array<i32>} : memref<1024xf32, #tpu.memory_space<vmem>>, vector<16xf32>,
      %sub3A_1942 = arith.subf %get3A_1941, %scan3A_411 : vector<16xf32>
      %get3A_1943 = arith.constant 976 : index
      %get3A_1944 = tpu.vector_load %arg13[%get3A_1943] {strides = array<i32>} : memref<1024xf32, #tpu.memory_space<vmem>>, vector<16xf32>,
      %sub3A_1945 = arith.subf %get3A_1944, %scan3A_412 : vector<16xf32>
      %mul3A_1946 = arith.mulf %sub3A_1939, %sub3A_1939 : vector<16xf32>
      %mul3A_1947 = arith.mulf %sub3A_1942, %sub3A_1942 : vector<16xf32>
      %add3A_1948 = arith.addf %mul3A_1946, %mul3A_1947 : vector<16xf32>
      %mul3A_1949 = arith.mulf %sub3A_1945, %sub3A_1945 : vector<16xf32>
      %add3A_1950 = arith.addf %add3A_1948, %mul3A_1949 : vector<16xf32>
      %get3A_1951 = arith.constant 976 : index
      %get3A_1952 = tpu.vector_load %arg14[%get3A_1951] {strides = array<i32>} : memref<1024xf32, #tpu.memory_space<vmem>>, vector<16xf32>,
      %min3A_1953 = arith.minimumf %get3A_1952, %add3A_1950 : vector<16xf32>
      %swap3A_1954 = arith.constant 976 : index
      %swap3A_1955 = tpu.vector_load %arg14[%swap3A_1954] {strides = array<i32>} : memref<1024xf32, #tpu.memory_space<vmem>>, vector<16xf32>,
      tpu.vector_store %arg14[%swap3A_1954], %min3A_1953 {strides = array<i32>} : memref<1024xf32, #tpu.memory_space<vmem>>, vector<16xf32>,
      %gt3A_1956 = arith.cmpf ogt, %min3A_1953, %select_n3A_1932 : vector<16xf32>
      %select_n3A_1957 = arith.select %gt3A_1956, %min3A_1953, %select_n3A_1932 : vector<16xi1>, vector<16xf32>
      %add3A_1958 = arith.constant 976 : i32
      %add3A_1959 = vector.broadcast %add3A_1958 : i32 to vector<16xi32>
      %add3A_1960 = arith.addi %iota3A, %add3A_1959 : vector<16xi32>
      %select_n3A_1961 = arith.select %gt3A_1956, %add3A_1960, %select_n3A_1936 : vector<16xi1>, vector<16xi32>
      %get3A_1962 = arith.constant 992 : index
      %get3A_1963 = tpu.vector_load %arg11[%get3A_1962] {strides = array<i32>} : memref<1024xf32, #tpu.memory_space<vmem>>, vector<16xf32>,
      %sub3A_1964 = arith.subf %get3A_1963, %scan3A_410 : vector<16xf32>
      %get3A_1965 = arith.constant 992 : index
      %get3A_1966 = tpu.vector_load %arg12[%get3A_1965] {strides = array<i32>} : memref<1024xf32, #tpu.memory_space<vmem>>, vector<16xf32>,
      %sub3A_1967 = arith.subf %get3A_1966, %scan3A_411 : vector<16xf32>
      %get3A_1968 = arith.constant 992 : index
      %get3A_1969 = tpu.vector_load %arg13[%get3A_1968] {strides = array<i32>} : memref<1024xf32, #tpu.memory_space<vmem>>, vector<16xf32>,
      %sub3A_1970 = arith.subf %get3A_1969, %scan3A_412 : vector<16xf32>
      %mul3A_1971 = arith.mulf %sub3A_1964, %sub3A_1964 : vector<16xf32>
      %mul3A_1972 = arith.mulf %sub3A_1967, %sub3A_1967 : vector<16xf32>
      %add3A_1973 = arith.addf %mul3A_1971, %mul3A_1972 : vector<16xf32>
      %mul3A_1974 = arith.mulf %sub3A_1970, %sub3A_1970 : vector<16xf32>
      %add3A_1975 = arith.addf %add3A_1973, %mul3A_1974 : vector<16xf32>
      %get3A_1976 = arith.constant 992 : index
      %get3A_1977 = tpu.vector_load %arg14[%get3A_1976] {strides = array<i32>} : memref<1024xf32, #tpu.memory_space<vmem>>, vector<16xf32>,
      %min3A_1978 = arith.minimumf %get3A_1977, %add3A_1975 : vector<16xf32>
      %swap3A_1979 = arith.constant 992 : index
      %swap3A_1980 = tpu.vector_load %arg14[%swap3A_1979] {strides = array<i32>} : memref<1024xf32, #tpu.memory_space<vmem>>, vector<16xf32>,
      tpu.vector_store %arg14[%swap3A_1979], %min3A_1978 {strides = array<i32>} : memref<1024xf32, #tpu.memory_space<vmem>>, vector<16xf32>,
      %gt3A_1981 = arith.cmpf ogt, %min3A_1978, %select_n3A_1957 : vector<16xf32>
      %select_n3A_1982 = arith.select %gt3A_1981, %min3A_1978, %select_n3A_1957 : vector<16xi1>, vector<16xf32>
      %add3A_1983 = arith.constant 992 : i32
      %add3A_1984 = vector.broadcast %add3A_1983 : i32 to vector<16xi32>
      %add3A_1985 = arith.addi %iota3A, %add3A_1984 : vector<16xi32>
      %select_n3A_1986 = arith.select %gt3A_1981, %add3A_1985, %select_n3A_1961 : vector<16xi1>, vector<16xi32>
      %get3A_1987 = arith.constant 1008 : index
      %get3A_1988 = tpu.vector_load %arg11[%get3A_1987] {strides = array<i32>} : memref<1024xf32, #tpu.memory_space<vmem>>, vector<16xf32>,
      %sub3A_1989 = arith.subf %get3A_1988, %scan3A_410 : vector<16xf32>
      %get3A_1990 = arith.constant 1008 : index
      %get3A_1991 = tpu.vector_load %arg12[%get3A_1990] {strides = array<i32>} : memref<1024xf32, #tpu.memory_space<vmem>>, vector<16xf32>,
      %sub3A_1992 = arith.subf %get3A_1991, %scan3A_411 : vector<16xf32>
      %get3A_1993 = arith.constant 1008 : index
      %get3A_1994 = tpu.vector_load %arg13[%get3A_1993] {strides = array<i32>} : memref<1024xf32, #tpu.memory_space<vmem>>, vector<16xf32>,
      %sub3A_1995 = arith.subf %get3A_1994, %scan3A_412 : vector<16xf32>
      %mul3A_1996 = arith.mulf %sub3A_1989, %sub3A_1989 : vector<16xf32>
      %mul3A_1997 = arith.mulf %sub3A_1992, %sub3A_1992 : vector<16xf32>
      %add3A_1998 = arith.addf %mul3A_1996, %mul3A_1997 : vector<16xf32>
      %mul3A_1999 = arith.mulf %sub3A_1995, %sub3A_1995 : vector<16xf32>
      %add3A_2000 = arith.addf %add3A_1998, %mul3A_1999 : vector<16xf32>
      %get3A_2001 = arith.constant 1008 : index
      %get3A_2002 = tpu.vector_load %arg14[%get3A_2001] {strides = array<i32>} : memref<1024xf32, #tpu.memory_space<vmem>>, vector<16xf32>,
      %min3A_2003 = arith.minimumf %get3A_2002, %add3A_2000 : vector<16xf32>
      %swap3A_2004 = arith.constant 1008 : index
      %swap3A_2005 = tpu.vector_load %arg14[%swap3A_2004] {strides = array<i32>} : memref<1024xf32, #tpu.memory_space<vmem>>, vector<16xf32>,
      tpu.vector_store %arg14[%swap3A_2004], %min3A_2003 {strides = array<i32>} : memref<1024xf32, #tpu.memory_space<vmem>>, vector<16xf32>,
      %gt3A_2006 = arith.cmpf ogt, %min3A_2003, %select_n3A_1982 : vector<16xf32>
      %select_n3A_2007 = arith.select %gt3A_2006, %min3A_2003, %select_n3A_1982 : vector<16xi1>, vector<16xf32>
      %add3A_2008 = arith.constant 1008 : i32
      %add3A_2009 = vector.broadcast %add3A_2008 : i32 to vector<16xi32>
      %add3A_2010 = arith.addi %iota3A, %add3A_2009 : vector<16xi32>
      %select_n3A_2011 = arith.select %gt3A_2006, %add3A_2010, %select_n3A_1986 : vector<16xi1>, vector<16xi32>
      %reduce_max3A = arith.constant true
      %reduce_max3A_2012 = vector.broadcast %reduce_max3A : i1 to vector<16xi1>
      %reduce_max3A_2013 = tpu.scan <max>, %select_n3A_2007 masked %reduce_max3A_2012 : vector<16xf32>, vector<16xi1> -> vector<16xf32>
      %reduce_max3A_2014 = vector.extract %reduce_max3A_2013[15] : f32 from vector<16xf32>
      %eq3A_2015 = vector.broadcast %reduce_max3A_2014 : f32 to vector<16xf32>
      %eq3A_2016 = arith.cmpf oeq, %select_n3A_2007, %eq3A_2015 : vector<16xf32>
      %jit3A = arith.constant 1024 : i32
      %broadcast_in_dim3A_2017 = vector.broadcast %jit3A : i32 to vector<16xi32>
      %select_n3A_2018 = arith.select %eq3A_2016, %select_n3A_2011, %broadcast_in_dim3A_2017 : vector<16xi1>, vector<16xi32>
      %reduce_min3A = arith.constant true
      %reduce_min3A_2019 = vector.broadcast %reduce_min3A : i1 to vector<16xi1>
      %reduce_min3A_2020 = arith.constant -2147483648 : i32
      %reduce_min3A_2021 = vector.broadcast %reduce_min3A_2020 : i32 to vector<16xi32>
      %reduce_min3A_2022 = arith.xori %select_n3A_2018, %reduce_min3A_2021 : vector<16xi32>
      %reduce_min3A_2023 = tpu.scan <min>, %reduce_min3A_2022 masked %reduce_min3A_2019 : vector<16xi32>, vector<16xi1> -> vector<16xi32>
      %reduce_min3A_2024 = arith.xori %reduce_min3A_2023, %reduce_min3A_2021 : vector<16xi32>
      %reduce_min3A_2025 = vector.extract %reduce_min3A_2024[15] : i32 from vector<16xi32>
      %broadcast_in_dim3A_2026 = vector.broadcast %reduce_min3A_2025 : i32 to vector<16xi32>
      %gather3A_2027 = tpu.vector_load_idx %arg11[%broadcast_in_dim3A_2026] : memref<1024xf32, #tpu.memory_space<vmem>>[vector<16xi32>], vector<16xf32>,
      %gather3A_2028 = tpu.vector_load_idx %arg12[%broadcast_in_dim3A_2026] : memref<1024xf32, #tpu.memory_space<vmem>>[vector<16xi32>], vector<16xf32>,
      %gather3A_2029 = tpu.vector_load_idx %arg13[%broadcast_in_dim3A_2026] : memref<1024xf32, #tpu.memory_space<vmem>>[vector<16xi32>], vector<16xf32>,
      %broadcast_in_dim3A_2030 = vector.broadcast %scan3A_409 : i32 to vector<16xi32>
      tpu.vector_store_idx %arg15[%broadcast_in_dim3A_2030], %gather3A_2027 masked %eq3A_2 : memref<512xf32, #tpu.memory_space<vmem>>[vector<16xi32>], vector<16xf32>, vector<16xi1>
      tpu.vector_store_idx %arg16[%broadcast_in_dim3A_2030], %gather3A_2028 masked %eq3A_2 : memref<512xf32, #tpu.memory_space<vmem>>[vector<16xi32>], vector<16xf32>, vector<16xi1>
      tpu.vector_store_idx %arg17[%broadcast_in_dim3A_2030], %gather3A_2029 masked %eq3A_2 : memref<512xf32, #tpu.memory_space<vmem>>[vector<16xi32>], vector<16xf32>, vector<16xi1>
      scf.yield %gather3A_2027, %gather3A_2028, %gather3A_2029 : vector<16xf32>, vector<16xf32>, vector<16xf32>
    }
    %scan3A_265 = arith.constant 511 : i32
    %iota3A_266 = tpu.iota {dimensions = array<i32: 0>} : vector<16xi32>
    %eq3A_267 = arith.constant 0 : i32
    %eq3A_268 = vector.broadcast %eq3A_267 : i32 to vector<16xi32>
    %eq3A_269 = arith.cmpi eq, %iota3A_266, %eq3A_268 : vector<16xi32>
    %broadcast_in_dim3A_270 = arith.constant 0 : i32
    %broadcast_in_dim3A_271 = vector.broadcast %broadcast_in_dim3A_270 : i32 to vector<16xi32>
    %broadcast_in_dim3A_272 = arith.constant 1.000000e+10 : f32
    %broadcast_in_dim3A_273 = vector.broadcast %broadcast_in_dim3A_272 : f32 to vector<16xf32>
    %swap3A_274 = arith.constant 0 : index
    %swap3A_275 = tpu.vector_load %arg18[%swap3A_274] {strides = array<i32>} : memref<512xf32, #tpu.memory_space<vmem>>, vector<16xf32>,
    tpu.vector_store %arg18[%swap3A_274], %broadcast_in_dim3A_273 {strides = array<i32>} : memref<512xf32, #tpu.memory_space<vmem>>, vector<16xf32>,
    %broadcast_in_dim3A_276 = arith.constant 1.000000e+10 : f32
    %broadcast_in_dim3A_277 = vector.broadcast %broadcast_in_dim3A_276 : f32 to vector<16xf32>
    %swap3A_278 = arith.constant 16 : index
    %swap3A_279 = tpu.vector_load %arg18[%swap3A_278] {strides = array<i32>} : memref<512xf32, #tpu.memory_space<vmem>>, vector<16xf32>,
    tpu.vector_store %arg18[%swap3A_278], %broadcast_in_dim3A_277 {strides = array<i32>} : memref<512xf32, #tpu.memory_space<vmem>>, vector<16xf32>,
    %broadcast_in_dim3A_280 = arith.constant 1.000000e+10 : f32
    %broadcast_in_dim3A_281 = vector.broadcast %broadcast_in_dim3A_280 : f32 to vector<16xf32>
    %swap3A_282 = arith.constant 32 : index
    %swap3A_283 = tpu.vector_load %arg18[%swap3A_282] {strides = array<i32>} : memref<512xf32, #tpu.memory_space<vmem>>, vector<16xf32>,
    tpu.vector_store %arg18[%swap3A_282], %broadcast_in_dim3A_281 {strides = array<i32>} : memref<512xf32, #tpu.memory_space<vmem>>, vector<16xf32>,
    %broadcast_in_dim3A_284 = arith.constant 1.000000e+10 : f32
    %broadcast_in_dim3A_285 = vector.broadcast %broadcast_in_dim3A_284 : f32 to vector<16xf32>
    %swap3A_286 = arith.constant 48 : index
    %swap3A_287 = tpu.vector_load %arg18[%swap3A_286] {strides = array<i32>} : memref<512xf32, #tpu.memory_space<vmem>>, vector<16xf32>,
    tpu.vector_store %arg18[%swap3A_286], %broadcast_in_dim3A_285 {strides = array<i32>} : memref<512xf32, #tpu.memory_space<vmem>>, vector<16xf32>,
    %broadcast_in_dim3A_288 = arith.constant 1.000000e+10 : f32
    %broadcast_in_dim3A_289 = vector.broadcast %broadcast_in_dim3A_288 : f32 to vector<16xf32>
    %swap3A_290 = arith.constant 64 : index
    %swap3A_291 = tpu.vector_load %arg18[%swap3A_290] {strides = array<i32>} : memref<512xf32, #tpu.memory_space<vmem>>, vector<16xf32>,
    tpu.vector_store %arg18[%swap3A_290], %broadcast_in_dim3A_289 {strides = array<i32>} : memref<512xf32, #tpu.memory_space<vmem>>, vector<16xf32>,
    %broadcast_in_dim3A_292 = arith.constant 1.000000e+10 : f32
    %broadcast_in_dim3A_293 = vector.broadcast %broadcast_in_dim3A_292 : f32 to vector<16xf32>
    %swap3A_294 = arith.constant 80 : index
    %swap3A_295 = tpu.vector_load %arg18[%swap3A_294] {strides = array<i32>} : memref<512xf32, #tpu.memory_space<vmem>>, vector<16xf32>,
    tpu.vector_store %arg18[%swap3A_294], %broadcast_in_dim3A_293 {strides = array<i32>} : memref<512xf32, #tpu.memory_space<vmem>>, vector<16xf32>,
    %broadcast_in_dim3A_296 = arith.constant 1.000000e+10 : f32
    %broadcast_in_dim3A_297 = vector.broadcast %broadcast_in_dim3A_296 : f32 to vector<16xf32>
    %swap3A_298 = arith.constant 96 : index
    %swap3A_299 = tpu.vector_load %arg18[%swap3A_298] {strides = array<i32>} : memref<512xf32, #tpu.memory_space<vmem>>, vector<16xf32>,
    tpu.vector_store %arg18[%swap3A_298], %broadcast_in_dim3A_297 {strides = array<i32>} : memref<512xf32, #tpu.memory_space<vmem>>, vector<16xf32>,
    %broadcast_in_dim3A_300 = arith.constant 1.000000e+10 : f32
    %broadcast_in_dim3A_301 = vector.broadcast %broadcast_in_dim3A_300 : f32 to vector<16xf32>
    %swap3A_302 = arith.constant 112 : index
    %swap3A_303 = tpu.vector_load %arg18[%swap3A_302] {strides = array<i32>} : memref<512xf32, #tpu.memory_space<vmem>>, vector<16xf32>,
    tpu.vector_store %arg18[%swap3A_302], %broadcast_in_dim3A_301 {strides = array<i32>} : memref<512xf32, #tpu.memory_space<vmem>>, vector<16xf32>,
    %broadcast_in_dim3A_304 = arith.constant 1.000000e+10 : f32
    %broadcast_in_dim3A_305 = vector.broadcast %broadcast_in_dim3A_304 : f32 to vector<16xf32>
    %swap3A_306 = arith.constant 128 : index
    %swap3A_307 = tpu.vector_load %arg18[%swap3A_306] {strides = array<i32>} : memref<512xf32, #tpu.memory_space<vmem>>, vector<16xf32>,
    tpu.vector_store %arg18[%swap3A_306], %broadcast_in_dim3A_305 {strides = array<i32>} : memref<512xf32, #tpu.memory_space<vmem>>, vector<16xf32>,
    %broadcast_in_dim3A_308 = arith.constant 1.000000e+10 : f32
    %broadcast_in_dim3A_309 = vector.broadcast %broadcast_in_dim3A_308 : f32 to vector<16xf32>
    %swap3A_310 = arith.constant 144 : index
    %swap3A_311 = tpu.vector_load %arg18[%swap3A_310] {strides = array<i32>} : memref<512xf32, #tpu.memory_space<vmem>>, vector<16xf32>,
    tpu.vector_store %arg18[%swap3A_310], %broadcast_in_dim3A_309 {strides = array<i32>} : memref<512xf32, #tpu.memory_space<vmem>>, vector<16xf32>,
    %broadcast_in_dim3A_312 = arith.constant 1.000000e+10 : f32
    %broadcast_in_dim3A_313 = vector.broadcast %broadcast_in_dim3A_312 : f32 to vector<16xf32>
    %swap3A_314 = arith.constant 160 : index
    %swap3A_315 = tpu.vector_load %arg18[%swap3A_314] {strides = array<i32>} : memref<512xf32, #tpu.memory_space<vmem>>, vector<16xf32>,
    tpu.vector_store %arg18[%swap3A_314], %broadcast_in_dim3A_313 {strides = array<i32>} : memref<512xf32, #tpu.memory_space<vmem>>, vector<16xf32>,
    %broadcast_in_dim3A_316 = arith.constant 1.000000e+10 : f32
    %broadcast_in_dim3A_317 = vector.broadcast %broadcast_in_dim3A_316 : f32 to vector<16xf32>
    %swap3A_318 = arith.constant 176 : index
    %swap3A_319 = tpu.vector_load %arg18[%swap3A_318] {strides = array<i32>} : memref<512xf32, #tpu.memory_space<vmem>>, vector<16xf32>,
    tpu.vector_store %arg18[%swap3A_318], %broadcast_in_dim3A_317 {strides = array<i32>} : memref<512xf32, #tpu.memory_space<vmem>>, vector<16xf32>,
    %broadcast_in_dim3A_320 = arith.constant 1.000000e+10 : f32
    %broadcast_in_dim3A_321 = vector.broadcast %broadcast_in_dim3A_320 : f32 to vector<16xf32>
    %swap3A_322 = arith.constant 192 : index
    %swap3A_323 = tpu.vector_load %arg18[%swap3A_322] {strides = array<i32>} : memref<512xf32, #tpu.memory_space<vmem>>, vector<16xf32>,
    tpu.vector_store %arg18[%swap3A_322], %broadcast_in_dim3A_321 {strides = array<i32>} : memref<512xf32, #tpu.memory_space<vmem>>, vector<16xf32>,
    %broadcast_in_dim3A_324 = arith.constant 1.000000e+10 : f32
    %broadcast_in_dim3A_325 = vector.broadcast %broadcast_in_dim3A_324 : f32 to vector<16xf32>
    %swap3A_326 = arith.constant 208 : index
    %swap3A_327 = tpu.vector_load %arg18[%swap3A_326] {strides = array<i32>} : memref<512xf32, #tpu.memory_space<vmem>>, vector<16xf32>,
    tpu.vector_store %arg18[%swap3A_326], %broadcast_in_dim3A_325 {strides = array<i32>} : memref<512xf32, #tpu.memory_space<vmem>>, vector<16xf32>,
    %broadcast_in_dim3A_328 = arith.constant 1.000000e+10 : f32
    %broadcast_in_dim3A_329 = vector.broadcast %broadcast_in_dim3A_328 : f32 to vector<16xf32>
    %swap3A_330 = arith.constant 224 : index
    %swap3A_331 = tpu.vector_load %arg18[%swap3A_330] {strides = array<i32>} : memref<512xf32, #tpu.memory_space<vmem>>, vector<16xf32>,
    tpu.vector_store %arg18[%swap3A_330], %broadcast_in_dim3A_329 {strides = array<i32>} : memref<512xf32, #tpu.memory_space<vmem>>, vector<16xf32>,
    %broadcast_in_dim3A_332 = arith.constant 1.000000e+10 : f32
    %broadcast_in_dim3A_333 = vector.broadcast %broadcast_in_dim3A_332 : f32 to vector<16xf32>
    %swap3A_334 = arith.constant 240 : index
    %swap3A_335 = tpu.vector_load %arg18[%swap3A_334] {strides = array<i32>} : memref<512xf32, #tpu.memory_space<vmem>>, vector<16xf32>,
    tpu.vector_store %arg18[%swap3A_334], %broadcast_in_dim3A_333 {strides = array<i32>} : memref<512xf32, #tpu.memory_space<vmem>>, vector<16xf32>,
    %broadcast_in_dim3A_336 = arith.constant 1.000000e+10 : f32
    %broadcast_in_dim3A_337 = vector.broadcast %broadcast_in_dim3A_336 : f32 to vector<16xf32>
    %swap3A_338 = arith.constant 256 : index
    %swap3A_339 = tpu.vector_load %arg18[%swap3A_338] {strides = array<i32>} : memref<512xf32, #tpu.memory_space<vmem>>, vector<16xf32>,
    tpu.vector_store %arg18[%swap3A_338], %broadcast_in_dim3A_337 {strides = array<i32>} : memref<512xf32, #tpu.memory_space<vmem>>, vector<16xf32>,
    %broadcast_in_dim3A_340 = arith.constant 1.000000e+10 : f32
    %broadcast_in_dim3A_341 = vector.broadcast %broadcast_in_dim3A_340 : f32 to vector<16xf32>
    %swap3A_342 = arith.constant 272 : index
    %swap3A_343 = tpu.vector_load %arg18[%swap3A_342] {strides = array<i32>} : memref<512xf32, #tpu.memory_space<vmem>>, vector<16xf32>,
    tpu.vector_store %arg18[%swap3A_342], %broadcast_in_dim3A_341 {strides = array<i32>} : memref<512xf32, #tpu.memory_space<vmem>>, vector<16xf32>,
    %broadcast_in_dim3A_344 = arith.constant 1.000000e+10 : f32
    %broadcast_in_dim3A_345 = vector.broadcast %broadcast_in_dim3A_344 : f32 to vector<16xf32>
    %swap3A_346 = arith.constant 288 : index
    %swap3A_347 = tpu.vector_load %arg18[%swap3A_346] {strides = array<i32>} : memref<512xf32, #tpu.memory_space<vmem>>, vector<16xf32>,
    tpu.vector_store %arg18[%swap3A_346], %broadcast_in_dim3A_345 {strides = array<i32>} : memref<512xf32, #tpu.memory_space<vmem>>, vector<16xf32>,
    %broadcast_in_dim3A_348 = arith.constant 1.000000e+10 : f32
    %broadcast_in_dim3A_349 = vector.broadcast %broadcast_in_dim3A_348 : f32 to vector<16xf32>
    %swap3A_350 = arith.constant 304 : index
    %swap3A_351 = tpu.vector_load %arg18[%swap3A_350] {strides = array<i32>} : memref<512xf32, #tpu.memory_space<vmem>>, vector<16xf32>,
    tpu.vector_store %arg18[%swap3A_350], %broadcast_in_dim3A_349 {strides = array<i32>} : memref<512xf32, #tpu.memory_space<vmem>>, vector<16xf32>,
    %broadcast_in_dim3A_352 = arith.constant 1.000000e+10 : f32
    %broadcast_in_dim3A_353 = vector.broadcast %broadcast_in_dim3A_352 : f32 to vector<16xf32>
    %swap3A_354 = arith.constant 320 : index
    %swap3A_355 = tpu.vector_load %arg18[%swap3A_354] {strides = array<i32>} : memref<512xf32, #tpu.memory_space<vmem>>, vector<16xf32>,
    tpu.vector_store %arg18[%swap3A_354], %broadcast_in_dim3A_353 {strides = array<i32>} : memref<512xf32, #tpu.memory_space<vmem>>, vector<16xf32>,
    %broadcast_in_dim3A_356 = arith.constant 1.000000e+10 : f32
    %broadcast_in_dim3A_357 = vector.broadcast %broadcast_in_dim3A_356 : f32 to vector<16xf32>
    %swap3A_358 = arith.constant 336 : index
    %swap3A_359 = tpu.vector_load %arg18[%swap3A_358] {strides = array<i32>} : memref<512xf32, #tpu.memory_space<vmem>>, vector<16xf32>,
    tpu.vector_store %arg18[%swap3A_358], %broadcast_in_dim3A_357 {strides = array<i32>} : memref<512xf32, #tpu.memory_space<vmem>>, vector<16xf32>,
    %broadcast_in_dim3A_360 = arith.constant 1.000000e+10 : f32
    %broadcast_in_dim3A_361 = vector.broadcast %broadcast_in_dim3A_360 : f32 to vector<16xf32>
    %swap3A_362 = arith.constant 352 : index
    %swap3A_363 = tpu.vector_load %arg18[%swap3A_362] {strides = array<i32>} : memref<512xf32, #tpu.memory_space<vmem>>, vector<16xf32>,
    tpu.vector_store %arg18[%swap3A_362], %broadcast_in_dim3A_361 {strides = array<i32>} : memref<512xf32, #tpu.memory_space<vmem>>, vector<16xf32>,
    %broadcast_in_dim3A_364 = arith.constant 1.000000e+10 : f32
    %broadcast_in_dim3A_365 = vector.broadcast %broadcast_in_dim3A_364 : f32 to vector<16xf32>
    %swap3A_366 = arith.constant 368 : index
    %swap3A_367 = tpu.vector_load %arg18[%swap3A_366] {strides = array<i32>} : memref<512xf32, #tpu.memory_space<vmem>>, vector<16xf32>,
    tpu.vector_store %arg18[%swap3A_366], %broadcast_in_dim3A_365 {strides = array<i32>} : memref<512xf32, #tpu.memory_space<vmem>>, vector<16xf32>,
    %broadcast_in_dim3A_368 = arith.constant 1.000000e+10 : f32
    %broadcast_in_dim3A_369 = vector.broadcast %broadcast_in_dim3A_368 : f32 to vector<16xf32>
    %swap3A_370 = arith.constant 384 : index
    %swap3A_371 = tpu.vector_load %arg18[%swap3A_370] {strides = array<i32>} : memref<512xf32, #tpu.memory_space<vmem>>, vector<16xf32>,
    tpu.vector_store %arg18[%swap3A_370], %broadcast_in_dim3A_369 {strides = array<i32>} : memref<512xf32, #tpu.memory_space<vmem>>, vector<16xf32>,
    %broadcast_in_dim3A_372 = arith.constant 1.000000e+10 : f32
    %broadcast_in_dim3A_373 = vector.broadcast %broadcast_in_dim3A_372 : f32 to vector<16xf32>
    %swap3A_374 = arith.constant 400 : index
    %swap3A_375 = tpu.vector_load %arg18[%swap3A_374] {strides = array<i32>} : memref<512xf32, #tpu.memory_space<vmem>>, vector<16xf32>,
    tpu.vector_store %arg18[%swap3A_374], %broadcast_in_dim3A_373 {strides = array<i32>} : memref<512xf32, #tpu.memory_space<vmem>>, vector<16xf32>,
    %broadcast_in_dim3A_376 = arith.constant 1.000000e+10 : f32
    %broadcast_in_dim3A_377 = vector.broadcast %broadcast_in_dim3A_376 : f32 to vector<16xf32>
    %swap3A_378 = arith.constant 416 : index
    %swap3A_379 = tpu.vector_load %arg18[%swap3A_378] {strides = array<i32>} : memref<512xf32, #tpu.memory_space<vmem>>, vector<16xf32>,
    tpu.vector_store %arg18[%swap3A_378], %broadcast_in_dim3A_377 {strides = array<i32>} : memref<512xf32, #tpu.memory_space<vmem>>, vector<16xf32>,
    %broadcast_in_dim3A_380 = arith.constant 1.000000e+10 : f32
    %broadcast_in_dim3A_381 = vector.broadcast %broadcast_in_dim3A_380 : f32 to vector<16xf32>
    %swap3A_382 = arith.constant 432 : index
    %swap3A_383 = tpu.vector_load %arg18[%swap3A_382] {strides = array<i32>} : memref<512xf32, #tpu.memory_space<vmem>>, vector<16xf32>,
    tpu.vector_store %arg18[%swap3A_382], %broadcast_in_dim3A_381 {strides = array<i32>} : memref<512xf32, #tpu.memory_space<vmem>>, vector<16xf32>,
    %broadcast_in_dim3A_384 = arith.constant 1.000000e+10 : f32
    %broadcast_in_dim3A_385 = vector.broadcast %broadcast_in_dim3A_384 : f32 to vector<16xf32>
    %swap3A_386 = arith.constant 448 : index
    %swap3A_387 = tpu.vector_load %arg18[%swap3A_386] {strides = array<i32>} : memref<512xf32, #tpu.memory_space<vmem>>, vector<16xf32>,
    tpu.vector_store %arg18[%swap3A_386], %broadcast_in_dim3A_385 {strides = array<i32>} : memref<512xf32, #tpu.memory_space<vmem>>, vector<16xf32>,
    %broadcast_in_dim3A_388 = arith.constant 1.000000e+10 : f32
    %broadcast_in_dim3A_389 = vector.broadcast %broadcast_in_dim3A_388 : f32 to vector<16xf32>
    %swap3A_390 = arith.constant 464 : index
    %swap3A_391 = tpu.vector_load %arg18[%swap3A_390] {strides = array<i32>} : memref<512xf32, #tpu.memory_space<vmem>>, vector<16xf32>,
    tpu.vector_store %arg18[%swap3A_390], %broadcast_in_dim3A_389 {strides = array<i32>} : memref<512xf32, #tpu.memory_space<vmem>>, vector<16xf32>,
    %broadcast_in_dim3A_392 = arith.constant 1.000000e+10 : f32
    %broadcast_in_dim3A_393 = vector.broadcast %broadcast_in_dim3A_392 : f32 to vector<16xf32>
    %swap3A_394 = arith.constant 480 : index
    %swap3A_395 = tpu.vector_load %arg18[%swap3A_394] {strides = array<i32>} : memref<512xf32, #tpu.memory_space<vmem>>, vector<16xf32>,
    tpu.vector_store %arg18[%swap3A_394], %broadcast_in_dim3A_393 {strides = array<i32>} : memref<512xf32, #tpu.memory_space<vmem>>, vector<16xf32>,
    %broadcast_in_dim3A_396 = arith.constant 1.000000e+10 : f32
    %broadcast_in_dim3A_397 = vector.broadcast %broadcast_in_dim3A_396 : f32 to vector<16xf32>
    %swap3A_398 = arith.constant 496 : index
    %swap3A_399 = tpu.vector_load %arg18[%swap3A_398] {strides = array<i32>} : memref<512xf32, #tpu.memory_space<vmem>>, vector<16xf32>,
    tpu.vector_store %arg18[%swap3A_398], %broadcast_in_dim3A_397 {strides = array<i32>} : memref<512xf32, #tpu.memory_space<vmem>>, vector<16xf32>,
    %gather3A_400 = tpu.vector_load_idx %arg15[%broadcast_in_dim3A_271] : memref<512xf32, #tpu.memory_space<vmem>>[vector<16xi32>], vector<16xf32>,
    %gather3A_401 = tpu.vector_load_idx %arg16[%broadcast_in_dim3A_271] : memref<512xf32, #tpu.memory_space<vmem>>[vector<16xi32>], vector<16xf32>,
    %gather3A_402 = tpu.vector_load_idx %arg17[%broadcast_in_dim3A_271] : memref<512xf32, #tpu.memory_space<vmem>>[vector<16xi32>], vector<16xf32>,
    tpu.vector_store_idx %arg19[%broadcast_in_dim3A_271], %gather3A_400 masked %eq3A_269 : memref<128xf32, #tpu.memory_space<vmem>>[vector<16xi32>], vector<16xf32>, vector<16xi1>
    tpu.vector_store_idx %arg20[%broadcast_in_dim3A_271], %gather3A_401 masked %eq3A_269 : memref<128xf32, #tpu.memory_space<vmem>>[vector<16xi32>], vector<16xf32>, vector<16xi1>
    tpu.vector_store_idx %arg21[%broadcast_in_dim3A_271], %gather3A_402 masked %eq3A_269 : memref<128xf32, #tpu.memory_space<vmem>>[vector<16xi32>], vector<16xf32>, vector<16xi1>
    %scan3A_403 = arith.constant 1 : i32
    %scan3A_404 = arith.constant 127 : i32
    %scan3A_405 = arith.addi %scan3A_403, %scan3A_404 : i32
    %scan3A_406 = arith.constant 1 : i32
    %scan3A_407:3 = scf.for %scan3A_409 = %scan3A_403 to %scan3A_405 step %scan3A_406 iter_args(%scan3A_410 = %gather3A_400, %scan3A_411 = %gather3A_401, %scan3A_412 = %gather3A_402) -> (vector<16xf32>, vector<16xf32>, vector<16xf32>)  : i32 {
      %broadcast_in_dim3A_413 = arith.constant -1.000000e+00 : f32
      %broadcast_in_dim3A_414 = vector.broadcast %broadcast_in_dim3A_413 : f32 to vector<16xf32>
      %broadcast_in_dim3A_415 = arith.constant 0 : i32
      %broadcast_in_dim3A_416 = vector.broadcast %broadcast_in_dim3A_415 : i32 to vector<16xi32>
      %get3A = arith.constant 0 : index
      %get3A_417 = tpu.vector_load %arg15[%get3A] {strides = array<i32>} : memref<512xf32, #tpu.memory_space<vmem>>, vector<16xf32>,
      %sub3A = arith.subf %get3A_417, %scan3A_410 : vector<16xf32>
      %get3A_418 = arith.constant 0 : index
      %get3A_419 = tpu.vector_load %arg16[%get3A_418] {strides = array<i32>} : memref<512xf32, #tpu.memory_space<vmem>>, vector<16xf32>,
      %sub3A_420 = arith.subf %get3A_419, %scan3A_411 : vector<16xf32>
      %get3A_421 = arith.constant 0 : index
      %get3A_422 = tpu.vector_load %arg17[%get3A_421] {strides = array<i32>} : memref<512xf32, #tpu.memory_space<vmem>>, vector<16xf32>,
      %sub3A_423 = arith.subf %get3A_422, %scan3A_412 : vector<16xf32>
      %mul3A_424 = arith.mulf %sub3A, %sub3A : vector<16xf32>
      %mul3A_425 = arith.mulf %sub3A_420, %sub3A_420 : vector<16xf32>
      %add3A_426 = arith.addf %mul3A_424, %mul3A_425 : vector<16xf32>
      %mul3A_427 = arith.mulf %sub3A_423, %sub3A_423 : vector<16xf32>
      %add3A_428 = arith.addf %add3A_426, %mul3A_427 : vector<16xf32>
      %get3A_429 = arith.constant 0 : index
      %get3A_430 = tpu.vector_load %arg18[%get3A_429] {strides = array<i32>} : memref<512xf32, #tpu.memory_space<vmem>>, vector<16xf32>,
      %min3A = arith.minimumf %get3A_430, %add3A_428 : vector<16xf32>
      %swap3A_431 = arith.constant 0 : index
      %swap3A_432 = tpu.vector_load %arg18[%swap3A_431] {strides = array<i32>} : memref<512xf32, #tpu.memory_space<vmem>>, vector<16xf32>,
      tpu.vector_store %arg18[%swap3A_431], %min3A {strides = array<i32>} : memref<512xf32, #tpu.memory_space<vmem>>, vector<16xf32>,
      %gt3A = arith.cmpf ogt, %min3A, %broadcast_in_dim3A_414 : vector<16xf32>
      %select_n3A = arith.select %gt3A, %min3A, %broadcast_in_dim3A_414 : vector<16xi1>, vector<16xf32>
      %add3A_433 = arith.constant 0 : i32
      %add3A_434 = vector.broadcast %add3A_433 : i32 to vector<16xi32>
      %add3A_435 = arith.addi %iota3A_266, %add3A_434 : vector<16xi32>
      %select_n3A_436 = arith.select %gt3A, %add3A_435, %broadcast_in_dim3A_416 : vector<16xi1>, vector<16xi32>
      %get3A_437 = arith.constant 16 : index
      %get3A_438 = tpu.vector_load %arg15[%get3A_437] {strides = array<i32>} : memref<512xf32, #tpu.memory_space<vmem>>, vector<16xf32>,
      %sub3A_439 = arith.subf %get3A_438, %scan3A_410 : vector<16xf32>
      %get3A_440 = arith.constant 16 : index
      %get3A_441 = tpu.vector_load %arg16[%get3A_440] {strides = array<i32>} : memref<512xf32, #tpu.memory_space<vmem>>, vector<16xf32>,
      %sub3A_442 = arith.subf %get3A_441, %scan3A_411 : vector<16xf32>
      %get3A_443 = arith.constant 16 : index
      %get3A_444 = tpu.vector_load %arg17[%get3A_443] {strides = array<i32>} : memref<512xf32, #tpu.memory_space<vmem>>, vector<16xf32>,
      %sub3A_445 = arith.subf %get3A_444, %scan3A_412 : vector<16xf32>
      %mul3A_446 = arith.mulf %sub3A_439, %sub3A_439 : vector<16xf32>
      %mul3A_447 = arith.mulf %sub3A_442, %sub3A_442 : vector<16xf32>
      %add3A_448 = arith.addf %mul3A_446, %mul3A_447 : vector<16xf32>
      %mul3A_449 = arith.mulf %sub3A_445, %sub3A_445 : vector<16xf32>
      %add3A_450 = arith.addf %add3A_448, %mul3A_449 : vector<16xf32>
      %get3A_451 = arith.constant 16 : index
      %get3A_452 = tpu.vector_load %arg18[%get3A_451] {strides = array<i32>} : memref<512xf32, #tpu.memory_space<vmem>>, vector<16xf32>,
      %min3A_453 = arith.minimumf %get3A_452, %add3A_450 : vector<16xf32>
      %swap3A_454 = arith.constant 16 : index
      %swap3A_455 = tpu.vector_load %arg18[%swap3A_454] {strides = array<i32>} : memref<512xf32, #tpu.memory_space<vmem>>, vector<16xf32>,
      tpu.vector_store %arg18[%swap3A_454], %min3A_453 {strides = array<i32>} : memref<512xf32, #tpu.memory_space<vmem>>, vector<16xf32>,
      %gt3A_456 = arith.cmpf ogt, %min3A_453, %select_n3A : vector<16xf32>
      %select_n3A_457 = arith.select %gt3A_456, %min3A_453, %select_n3A : vector<16xi1>, vector<16xf32>
      %add3A_458 = arith.constant 16 : i32
      %add3A_459 = vector.broadcast %add3A_458 : i32 to vector<16xi32>
      %add3A_460 = arith.addi %iota3A_266, %add3A_459 : vector<16xi32>
      %select_n3A_461 = arith.select %gt3A_456, %add3A_460, %select_n3A_436 : vector<16xi1>, vector<16xi32>
      %get3A_462 = arith.constant 32 : index
      %get3A_463 = tpu.vector_load %arg15[%get3A_462] {strides = array<i32>} : memref<512xf32, #tpu.memory_space<vmem>>, vector<16xf32>,
      %sub3A_464 = arith.subf %get3A_463, %scan3A_410 : vector<16xf32>
      %get3A_465 = arith.constant 32 : index
      %get3A_466 = tpu.vector_load %arg16[%get3A_465] {strides = array<i32>} : memref<512xf32, #tpu.memory_space<vmem>>, vector<16xf32>,
      %sub3A_467 = arith.subf %get3A_466, %scan3A_411 : vector<16xf32>
      %get3A_468 = arith.constant 32 : index
      %get3A_469 = tpu.vector_load %arg17[%get3A_468] {strides = array<i32>} : memref<512xf32, #tpu.memory_space<vmem>>, vector<16xf32>,
      %sub3A_470 = arith.subf %get3A_469, %scan3A_412 : vector<16xf32>
      %mul3A_471 = arith.mulf %sub3A_464, %sub3A_464 : vector<16xf32>
      %mul3A_472 = arith.mulf %sub3A_467, %sub3A_467 : vector<16xf32>
      %add3A_473 = arith.addf %mul3A_471, %mul3A_472 : vector<16xf32>
      %mul3A_474 = arith.mulf %sub3A_470, %sub3A_470 : vector<16xf32>
      %add3A_475 = arith.addf %add3A_473, %mul3A_474 : vector<16xf32>
      %get3A_476 = arith.constant 32 : index
      %get3A_477 = tpu.vector_load %arg18[%get3A_476] {strides = array<i32>} : memref<512xf32, #tpu.memory_space<vmem>>, vector<16xf32>,
      %min3A_478 = arith.minimumf %get3A_477, %add3A_475 : vector<16xf32>
      %swap3A_479 = arith.constant 32 : index
      %swap3A_480 = tpu.vector_load %arg18[%swap3A_479] {strides = array<i32>} : memref<512xf32, #tpu.memory_space<vmem>>, vector<16xf32>,
      tpu.vector_store %arg18[%swap3A_479], %min3A_478 {strides = array<i32>} : memref<512xf32, #tpu.memory_space<vmem>>, vector<16xf32>,
      %gt3A_481 = arith.cmpf ogt, %min3A_478, %select_n3A_457 : vector<16xf32>
      %select_n3A_482 = arith.select %gt3A_481, %min3A_478, %select_n3A_457 : vector<16xi1>, vector<16xf32>
      %add3A_483 = arith.constant 32 : i32
      %add3A_484 = vector.broadcast %add3A_483 : i32 to vector<16xi32>
      %add3A_485 = arith.addi %iota3A_266, %add3A_484 : vector<16xi32>
      %select_n3A_486 = arith.select %gt3A_481, %add3A_485, %select_n3A_461 : vector<16xi1>, vector<16xi32>
      %get3A_487 = arith.constant 48 : index
      %get3A_488 = tpu.vector_load %arg15[%get3A_487] {strides = array<i32>} : memref<512xf32, #tpu.memory_space<vmem>>, vector<16xf32>,
      %sub3A_489 = arith.subf %get3A_488, %scan3A_410 : vector<16xf32>
      %get3A_490 = arith.constant 48 : index
      %get3A_491 = tpu.vector_load %arg16[%get3A_490] {strides = array<i32>} : memref<512xf32, #tpu.memory_space<vmem>>, vector<16xf32>,
      %sub3A_492 = arith.subf %get3A_491, %scan3A_411 : vector<16xf32>
      %get3A_493 = arith.constant 48 : index
      %get3A_494 = tpu.vector_load %arg17[%get3A_493] {strides = array<i32>} : memref<512xf32, #tpu.memory_space<vmem>>, vector<16xf32>,
      %sub3A_495 = arith.subf %get3A_494, %scan3A_412 : vector<16xf32>
      %mul3A_496 = arith.mulf %sub3A_489, %sub3A_489 : vector<16xf32>
      %mul3A_497 = arith.mulf %sub3A_492, %sub3A_492 : vector<16xf32>
      %add3A_498 = arith.addf %mul3A_496, %mul3A_497 : vector<16xf32>
      %mul3A_499 = arith.mulf %sub3A_495, %sub3A_495 : vector<16xf32>
      %add3A_500 = arith.addf %add3A_498, %mul3A_499 : vector<16xf32>
      %get3A_501 = arith.constant 48 : index
      %get3A_502 = tpu.vector_load %arg18[%get3A_501] {strides = array<i32>} : memref<512xf32, #tpu.memory_space<vmem>>, vector<16xf32>,
      %min3A_503 = arith.minimumf %get3A_502, %add3A_500 : vector<16xf32>
      %swap3A_504 = arith.constant 48 : index
      %swap3A_505 = tpu.vector_load %arg18[%swap3A_504] {strides = array<i32>} : memref<512xf32, #tpu.memory_space<vmem>>, vector<16xf32>,
      tpu.vector_store %arg18[%swap3A_504], %min3A_503 {strides = array<i32>} : memref<512xf32, #tpu.memory_space<vmem>>, vector<16xf32>,
      %gt3A_506 = arith.cmpf ogt, %min3A_503, %select_n3A_482 : vector<16xf32>
      %select_n3A_507 = arith.select %gt3A_506, %min3A_503, %select_n3A_482 : vector<16xi1>, vector<16xf32>
      %add3A_508 = arith.constant 48 : i32
      %add3A_509 = vector.broadcast %add3A_508 : i32 to vector<16xi32>
      %add3A_510 = arith.addi %iota3A_266, %add3A_509 : vector<16xi32>
      %select_n3A_511 = arith.select %gt3A_506, %add3A_510, %select_n3A_486 : vector<16xi1>, vector<16xi32>
      %get3A_512 = arith.constant 64 : index
      %get3A_513 = tpu.vector_load %arg15[%get3A_512] {strides = array<i32>} : memref<512xf32, #tpu.memory_space<vmem>>, vector<16xf32>,
      %sub3A_514 = arith.subf %get3A_513, %scan3A_410 : vector<16xf32>
      %get3A_515 = arith.constant 64 : index
      %get3A_516 = tpu.vector_load %arg16[%get3A_515] {strides = array<i32>} : memref<512xf32, #tpu.memory_space<vmem>>, vector<16xf32>,
      %sub3A_517 = arith.subf %get3A_516, %scan3A_411 : vector<16xf32>
      %get3A_518 = arith.constant 64 : index
      %get3A_519 = tpu.vector_load %arg17[%get3A_518] {strides = array<i32>} : memref<512xf32, #tpu.memory_space<vmem>>, vector<16xf32>,
      %sub3A_520 = arith.subf %get3A_519, %scan3A_412 : vector<16xf32>
      %mul3A_521 = arith.mulf %sub3A_514, %sub3A_514 : vector<16xf32>
      %mul3A_522 = arith.mulf %sub3A_517, %sub3A_517 : vector<16xf32>
      %add3A_523 = arith.addf %mul3A_521, %mul3A_522 : vector<16xf32>
      %mul3A_524 = arith.mulf %sub3A_520, %sub3A_520 : vector<16xf32>
      %add3A_525 = arith.addf %add3A_523, %mul3A_524 : vector<16xf32>
      %get3A_526 = arith.constant 64 : index
      %get3A_527 = tpu.vector_load %arg18[%get3A_526] {strides = array<i32>} : memref<512xf32, #tpu.memory_space<vmem>>, vector<16xf32>,
      %min3A_528 = arith.minimumf %get3A_527, %add3A_525 : vector<16xf32>
      %swap3A_529 = arith.constant 64 : index
      %swap3A_530 = tpu.vector_load %arg18[%swap3A_529] {strides = array<i32>} : memref<512xf32, #tpu.memory_space<vmem>>, vector<16xf32>,
      tpu.vector_store %arg18[%swap3A_529], %min3A_528 {strides = array<i32>} : memref<512xf32, #tpu.memory_space<vmem>>, vector<16xf32>,
      %gt3A_531 = arith.cmpf ogt, %min3A_528, %select_n3A_507 : vector<16xf32>
      %select_n3A_532 = arith.select %gt3A_531, %min3A_528, %select_n3A_507 : vector<16xi1>, vector<16xf32>
      %add3A_533 = arith.constant 64 : i32
      %add3A_534 = vector.broadcast %add3A_533 : i32 to vector<16xi32>
      %add3A_535 = arith.addi %iota3A_266, %add3A_534 : vector<16xi32>
      %select_n3A_536 = arith.select %gt3A_531, %add3A_535, %select_n3A_511 : vector<16xi1>, vector<16xi32>
      %get3A_537 = arith.constant 80 : index
      %get3A_538 = tpu.vector_load %arg15[%get3A_537] {strides = array<i32>} : memref<512xf32, #tpu.memory_space<vmem>>, vector<16xf32>,
      %sub3A_539 = arith.subf %get3A_538, %scan3A_410 : vector<16xf32>
      %get3A_540 = arith.constant 80 : index
      %get3A_541 = tpu.vector_load %arg16[%get3A_540] {strides = array<i32>} : memref<512xf32, #tpu.memory_space<vmem>>, vector<16xf32>,
      %sub3A_542 = arith.subf %get3A_541, %scan3A_411 : vector<16xf32>
      %get3A_543 = arith.constant 80 : index
      %get3A_544 = tpu.vector_load %arg17[%get3A_543] {strides = array<i32>} : memref<512xf32, #tpu.memory_space<vmem>>, vector<16xf32>,
      %sub3A_545 = arith.subf %get3A_544, %scan3A_412 : vector<16xf32>
      %mul3A_546 = arith.mulf %sub3A_539, %sub3A_539 : vector<16xf32>
      %mul3A_547 = arith.mulf %sub3A_542, %sub3A_542 : vector<16xf32>
      %add3A_548 = arith.addf %mul3A_546, %mul3A_547 : vector<16xf32>
      %mul3A_549 = arith.mulf %sub3A_545, %sub3A_545 : vector<16xf32>
      %add3A_550 = arith.addf %add3A_548, %mul3A_549 : vector<16xf32>
      %get3A_551 = arith.constant 80 : index
      %get3A_552 = tpu.vector_load %arg18[%get3A_551] {strides = array<i32>} : memref<512xf32, #tpu.memory_space<vmem>>, vector<16xf32>,
      %min3A_553 = arith.minimumf %get3A_552, %add3A_550 : vector<16xf32>
      %swap3A_554 = arith.constant 80 : index
      %swap3A_555 = tpu.vector_load %arg18[%swap3A_554] {strides = array<i32>} : memref<512xf32, #tpu.memory_space<vmem>>, vector<16xf32>,
      tpu.vector_store %arg18[%swap3A_554], %min3A_553 {strides = array<i32>} : memref<512xf32, #tpu.memory_space<vmem>>, vector<16xf32>,
      %gt3A_556 = arith.cmpf ogt, %min3A_553, %select_n3A_532 : vector<16xf32>
      %select_n3A_557 = arith.select %gt3A_556, %min3A_553, %select_n3A_532 : vector<16xi1>, vector<16xf32>
      %add3A_558 = arith.constant 80 : i32
      %add3A_559 = vector.broadcast %add3A_558 : i32 to vector<16xi32>
      %add3A_560 = arith.addi %iota3A_266, %add3A_559 : vector<16xi32>
      %select_n3A_561 = arith.select %gt3A_556, %add3A_560, %select_n3A_536 : vector<16xi1>, vector<16xi32>
      %get3A_562 = arith.constant 96 : index
      %get3A_563 = tpu.vector_load %arg15[%get3A_562] {strides = array<i32>} : memref<512xf32, #tpu.memory_space<vmem>>, vector<16xf32>,
      %sub3A_564 = arith.subf %get3A_563, %scan3A_410 : vector<16xf32>
      %get3A_565 = arith.constant 96 : index
      %get3A_566 = tpu.vector_load %arg16[%get3A_565] {strides = array<i32>} : memref<512xf32, #tpu.memory_space<vmem>>, vector<16xf32>,
      %sub3A_567 = arith.subf %get3A_566, %scan3A_411 : vector<16xf32>
      %get3A_568 = arith.constant 96 : index
      %get3A_569 = tpu.vector_load %arg17[%get3A_568] {strides = array<i32>} : memref<512xf32, #tpu.memory_space<vmem>>, vector<16xf32>,
      %sub3A_570 = arith.subf %get3A_569, %scan3A_412 : vector<16xf32>
      %mul3A_571 = arith.mulf %sub3A_564, %sub3A_564 : vector<16xf32>
      %mul3A_572 = arith.mulf %sub3A_567, %sub3A_567 : vector<16xf32>
      %add3A_573 = arith.addf %mul3A_571, %mul3A_572 : vector<16xf32>
      %mul3A_574 = arith.mulf %sub3A_570, %sub3A_570 : vector<16xf32>
      %add3A_575 = arith.addf %add3A_573, %mul3A_574 : vector<16xf32>
      %get3A_576 = arith.constant 96 : index
      %get3A_577 = tpu.vector_load %arg18[%get3A_576] {strides = array<i32>} : memref<512xf32, #tpu.memory_space<vmem>>, vector<16xf32>,
      %min3A_578 = arith.minimumf %get3A_577, %add3A_575 : vector<16xf32>
      %swap3A_579 = arith.constant 96 : index
      %swap3A_580 = tpu.vector_load %arg18[%swap3A_579] {strides = array<i32>} : memref<512xf32, #tpu.memory_space<vmem>>, vector<16xf32>,
      tpu.vector_store %arg18[%swap3A_579], %min3A_578 {strides = array<i32>} : memref<512xf32, #tpu.memory_space<vmem>>, vector<16xf32>,
      %gt3A_581 = arith.cmpf ogt, %min3A_578, %select_n3A_557 : vector<16xf32>
      %select_n3A_582 = arith.select %gt3A_581, %min3A_578, %select_n3A_557 : vector<16xi1>, vector<16xf32>
      %add3A_583 = arith.constant 96 : i32
      %add3A_584 = vector.broadcast %add3A_583 : i32 to vector<16xi32>
      %add3A_585 = arith.addi %iota3A_266, %add3A_584 : vector<16xi32>
      %select_n3A_586 = arith.select %gt3A_581, %add3A_585, %select_n3A_561 : vector<16xi1>, vector<16xi32>
      %get3A_587 = arith.constant 112 : index
      %get3A_588 = tpu.vector_load %arg15[%get3A_587] {strides = array<i32>} : memref<512xf32, #tpu.memory_space<vmem>>, vector<16xf32>,
      %sub3A_589 = arith.subf %get3A_588, %scan3A_410 : vector<16xf32>
      %get3A_590 = arith.constant 112 : index
      %get3A_591 = tpu.vector_load %arg16[%get3A_590] {strides = array<i32>} : memref<512xf32, #tpu.memory_space<vmem>>, vector<16xf32>,
      %sub3A_592 = arith.subf %get3A_591, %scan3A_411 : vector<16xf32>
      %get3A_593 = arith.constant 112 : index
      %get3A_594 = tpu.vector_load %arg17[%get3A_593] {strides = array<i32>} : memref<512xf32, #tpu.memory_space<vmem>>, vector<16xf32>,
      %sub3A_595 = arith.subf %get3A_594, %scan3A_412 : vector<16xf32>
      %mul3A_596 = arith.mulf %sub3A_589, %sub3A_589 : vector<16xf32>
      %mul3A_597 = arith.mulf %sub3A_592, %sub3A_592 : vector<16xf32>
      %add3A_598 = arith.addf %mul3A_596, %mul3A_597 : vector<16xf32>
      %mul3A_599 = arith.mulf %sub3A_595, %sub3A_595 : vector<16xf32>
      %add3A_600 = arith.addf %add3A_598, %mul3A_599 : vector<16xf32>
      %get3A_601 = arith.constant 112 : index
      %get3A_602 = tpu.vector_load %arg18[%get3A_601] {strides = array<i32>} : memref<512xf32, #tpu.memory_space<vmem>>, vector<16xf32>,
      %min3A_603 = arith.minimumf %get3A_602, %add3A_600 : vector<16xf32>
      %swap3A_604 = arith.constant 112 : index
      %swap3A_605 = tpu.vector_load %arg18[%swap3A_604] {strides = array<i32>} : memref<512xf32, #tpu.memory_space<vmem>>, vector<16xf32>,
      tpu.vector_store %arg18[%swap3A_604], %min3A_603 {strides = array<i32>} : memref<512xf32, #tpu.memory_space<vmem>>, vector<16xf32>,
      %gt3A_606 = arith.cmpf ogt, %min3A_603, %select_n3A_582 : vector<16xf32>
      %select_n3A_607 = arith.select %gt3A_606, %min3A_603, %select_n3A_582 : vector<16xi1>, vector<16xf32>
      %add3A_608 = arith.constant 112 : i32
      %add3A_609 = vector.broadcast %add3A_608 : i32 to vector<16xi32>
      %add3A_610 = arith.addi %iota3A_266, %add3A_609 : vector<16xi32>
      %select_n3A_611 = arith.select %gt3A_606, %add3A_610, %select_n3A_586 : vector<16xi1>, vector<16xi32>
      %get3A_612 = arith.constant 128 : index
      %get3A_613 = tpu.vector_load %arg15[%get3A_612] {strides = array<i32>} : memref<512xf32, #tpu.memory_space<vmem>>, vector<16xf32>,
      %sub3A_614 = arith.subf %get3A_613, %scan3A_410 : vector<16xf32>
      %get3A_615 = arith.constant 128 : index
      %get3A_616 = tpu.vector_load %arg16[%get3A_615] {strides = array<i32>} : memref<512xf32, #tpu.memory_space<vmem>>, vector<16xf32>,
      %sub3A_617 = arith.subf %get3A_616, %scan3A_411 : vector<16xf32>
      %get3A_618 = arith.constant 128 : index
      %get3A_619 = tpu.vector_load %arg17[%get3A_618] {strides = array<i32>} : memref<512xf32, #tpu.memory_space<vmem>>, vector<16xf32>,
      %sub3A_620 = arith.subf %get3A_619, %scan3A_412 : vector<16xf32>
      %mul3A_621 = arith.mulf %sub3A_614, %sub3A_614 : vector<16xf32>
      %mul3A_622 = arith.mulf %sub3A_617, %sub3A_617 : vector<16xf32>
      %add3A_623 = arith.addf %mul3A_621, %mul3A_622 : vector<16xf32>
      %mul3A_624 = arith.mulf %sub3A_620, %sub3A_620 : vector<16xf32>
      %add3A_625 = arith.addf %add3A_623, %mul3A_624 : vector<16xf32>
      %get3A_626 = arith.constant 128 : index
      %get3A_627 = tpu.vector_load %arg18[%get3A_626] {strides = array<i32>} : memref<512xf32, #tpu.memory_space<vmem>>, vector<16xf32>,
      %min3A_628 = arith.minimumf %get3A_627, %add3A_625 : vector<16xf32>
      %swap3A_629 = arith.constant 128 : index
      %swap3A_630 = tpu.vector_load %arg18[%swap3A_629] {strides = array<i32>} : memref<512xf32, #tpu.memory_space<vmem>>, vector<16xf32>,
      tpu.vector_store %arg18[%swap3A_629], %min3A_628 {strides = array<i32>} : memref<512xf32, #tpu.memory_space<vmem>>, vector<16xf32>,
      %gt3A_631 = arith.cmpf ogt, %min3A_628, %select_n3A_607 : vector<16xf32>
      %select_n3A_632 = arith.select %gt3A_631, %min3A_628, %select_n3A_607 : vector<16xi1>, vector<16xf32>
      %add3A_633 = arith.constant 128 : i32
      %add3A_634 = vector.broadcast %add3A_633 : i32 to vector<16xi32>
      %add3A_635 = arith.addi %iota3A_266, %add3A_634 : vector<16xi32>
      %select_n3A_636 = arith.select %gt3A_631, %add3A_635, %select_n3A_611 : vector<16xi1>, vector<16xi32>
      %get3A_637 = arith.constant 144 : index
      %get3A_638 = tpu.vector_load %arg15[%get3A_637] {strides = array<i32>} : memref<512xf32, #tpu.memory_space<vmem>>, vector<16xf32>,
      %sub3A_639 = arith.subf %get3A_638, %scan3A_410 : vector<16xf32>
      %get3A_640 = arith.constant 144 : index
      %get3A_641 = tpu.vector_load %arg16[%get3A_640] {strides = array<i32>} : memref<512xf32, #tpu.memory_space<vmem>>, vector<16xf32>,
      %sub3A_642 = arith.subf %get3A_641, %scan3A_411 : vector<16xf32>
      %get3A_643 = arith.constant 144 : index
      %get3A_644 = tpu.vector_load %arg17[%get3A_643] {strides = array<i32>} : memref<512xf32, #tpu.memory_space<vmem>>, vector<16xf32>,
      %sub3A_645 = arith.subf %get3A_644, %scan3A_412 : vector<16xf32>
      %mul3A_646 = arith.mulf %sub3A_639, %sub3A_639 : vector<16xf32>
      %mul3A_647 = arith.mulf %sub3A_642, %sub3A_642 : vector<16xf32>
      %add3A_648 = arith.addf %mul3A_646, %mul3A_647 : vector<16xf32>
      %mul3A_649 = arith.mulf %sub3A_645, %sub3A_645 : vector<16xf32>
      %add3A_650 = arith.addf %add3A_648, %mul3A_649 : vector<16xf32>
      %get3A_651 = arith.constant 144 : index
      %get3A_652 = tpu.vector_load %arg18[%get3A_651] {strides = array<i32>} : memref<512xf32, #tpu.memory_space<vmem>>, vector<16xf32>,
      %min3A_653 = arith.minimumf %get3A_652, %add3A_650 : vector<16xf32>
      %swap3A_654 = arith.constant 144 : index
      %swap3A_655 = tpu.vector_load %arg18[%swap3A_654] {strides = array<i32>} : memref<512xf32, #tpu.memory_space<vmem>>, vector<16xf32>,
      tpu.vector_store %arg18[%swap3A_654], %min3A_653 {strides = array<i32>} : memref<512xf32, #tpu.memory_space<vmem>>, vector<16xf32>,
      %gt3A_656 = arith.cmpf ogt, %min3A_653, %select_n3A_632 : vector<16xf32>
      %select_n3A_657 = arith.select %gt3A_656, %min3A_653, %select_n3A_632 : vector<16xi1>, vector<16xf32>
      %add3A_658 = arith.constant 144 : i32
      %add3A_659 = vector.broadcast %add3A_658 : i32 to vector<16xi32>
      %add3A_660 = arith.addi %iota3A_266, %add3A_659 : vector<16xi32>
      %select_n3A_661 = arith.select %gt3A_656, %add3A_660, %select_n3A_636 : vector<16xi1>, vector<16xi32>
      %get3A_662 = arith.constant 160 : index
      %get3A_663 = tpu.vector_load %arg15[%get3A_662] {strides = array<i32>} : memref<512xf32, #tpu.memory_space<vmem>>, vector<16xf32>,
      %sub3A_664 = arith.subf %get3A_663, %scan3A_410 : vector<16xf32>
      %get3A_665 = arith.constant 160 : index
      %get3A_666 = tpu.vector_load %arg16[%get3A_665] {strides = array<i32>} : memref<512xf32, #tpu.memory_space<vmem>>, vector<16xf32>,
      %sub3A_667 = arith.subf %get3A_666, %scan3A_411 : vector<16xf32>
      %get3A_668 = arith.constant 160 : index
      %get3A_669 = tpu.vector_load %arg17[%get3A_668] {strides = array<i32>} : memref<512xf32, #tpu.memory_space<vmem>>, vector<16xf32>,
      %sub3A_670 = arith.subf %get3A_669, %scan3A_412 : vector<16xf32>
      %mul3A_671 = arith.mulf %sub3A_664, %sub3A_664 : vector<16xf32>
      %mul3A_672 = arith.mulf %sub3A_667, %sub3A_667 : vector<16xf32>
      %add3A_673 = arith.addf %mul3A_671, %mul3A_672 : vector<16xf32>
      %mul3A_674 = arith.mulf %sub3A_670, %sub3A_670 : vector<16xf32>
      %add3A_675 = arith.addf %add3A_673, %mul3A_674 : vector<16xf32>
      %get3A_676 = arith.constant 160 : index
      %get3A_677 = tpu.vector_load %arg18[%get3A_676] {strides = array<i32>} : memref<512xf32, #tpu.memory_space<vmem>>, vector<16xf32>,
      %min3A_678 = arith.minimumf %get3A_677, %add3A_675 : vector<16xf32>
      %swap3A_679 = arith.constant 160 : index
      %swap3A_680 = tpu.vector_load %arg18[%swap3A_679] {strides = array<i32>} : memref<512xf32, #tpu.memory_space<vmem>>, vector<16xf32>,
      tpu.vector_store %arg18[%swap3A_679], %min3A_678 {strides = array<i32>} : memref<512xf32, #tpu.memory_space<vmem>>, vector<16xf32>,
      %gt3A_681 = arith.cmpf ogt, %min3A_678, %select_n3A_657 : vector<16xf32>
      %select_n3A_682 = arith.select %gt3A_681, %min3A_678, %select_n3A_657 : vector<16xi1>, vector<16xf32>
      %add3A_683 = arith.constant 160 : i32
      %add3A_684 = vector.broadcast %add3A_683 : i32 to vector<16xi32>
      %add3A_685 = arith.addi %iota3A_266, %add3A_684 : vector<16xi32>
      %select_n3A_686 = arith.select %gt3A_681, %add3A_685, %select_n3A_661 : vector<16xi1>, vector<16xi32>
      %get3A_687 = arith.constant 176 : index
      %get3A_688 = tpu.vector_load %arg15[%get3A_687] {strides = array<i32>} : memref<512xf32, #tpu.memory_space<vmem>>, vector<16xf32>,
      %sub3A_689 = arith.subf %get3A_688, %scan3A_410 : vector<16xf32>
      %get3A_690 = arith.constant 176 : index
      %get3A_691 = tpu.vector_load %arg16[%get3A_690] {strides = array<i32>} : memref<512xf32, #tpu.memory_space<vmem>>, vector<16xf32>,
      %sub3A_692 = arith.subf %get3A_691, %scan3A_411 : vector<16xf32>
      %get3A_693 = arith.constant 176 : index
      %get3A_694 = tpu.vector_load %arg17[%get3A_693] {strides = array<i32>} : memref<512xf32, #tpu.memory_space<vmem>>, vector<16xf32>,
      %sub3A_695 = arith.subf %get3A_694, %scan3A_412 : vector<16xf32>
      %mul3A_696 = arith.mulf %sub3A_689, %sub3A_689 : vector<16xf32>
      %mul3A_697 = arith.mulf %sub3A_692, %sub3A_692 : vector<16xf32>
      %add3A_698 = arith.addf %mul3A_696, %mul3A_697 : vector<16xf32>
      %mul3A_699 = arith.mulf %sub3A_695, %sub3A_695 : vector<16xf32>
      %add3A_700 = arith.addf %add3A_698, %mul3A_699 : vector<16xf32>
      %get3A_701 = arith.constant 176 : index
      %get3A_702 = tpu.vector_load %arg18[%get3A_701] {strides = array<i32>} : memref<512xf32, #tpu.memory_space<vmem>>, vector<16xf32>,
      %min3A_703 = arith.minimumf %get3A_702, %add3A_700 : vector<16xf32>
      %swap3A_704 = arith.constant 176 : index
      %swap3A_705 = tpu.vector_load %arg18[%swap3A_704] {strides = array<i32>} : memref<512xf32, #tpu.memory_space<vmem>>, vector<16xf32>,
      tpu.vector_store %arg18[%swap3A_704], %min3A_703 {strides = array<i32>} : memref<512xf32, #tpu.memory_space<vmem>>, vector<16xf32>,
      %gt3A_706 = arith.cmpf ogt, %min3A_703, %select_n3A_682 : vector<16xf32>
      %select_n3A_707 = arith.select %gt3A_706, %min3A_703, %select_n3A_682 : vector<16xi1>, vector<16xf32>
      %add3A_708 = arith.constant 176 : i32
      %add3A_709 = vector.broadcast %add3A_708 : i32 to vector<16xi32>
      %add3A_710 = arith.addi %iota3A_266, %add3A_709 : vector<16xi32>
      %select_n3A_711 = arith.select %gt3A_706, %add3A_710, %select_n3A_686 : vector<16xi1>, vector<16xi32>
      %get3A_712 = arith.constant 192 : index
      %get3A_713 = tpu.vector_load %arg15[%get3A_712] {strides = array<i32>} : memref<512xf32, #tpu.memory_space<vmem>>, vector<16xf32>,
      %sub3A_714 = arith.subf %get3A_713, %scan3A_410 : vector<16xf32>
      %get3A_715 = arith.constant 192 : index
      %get3A_716 = tpu.vector_load %arg16[%get3A_715] {strides = array<i32>} : memref<512xf32, #tpu.memory_space<vmem>>, vector<16xf32>,
      %sub3A_717 = arith.subf %get3A_716, %scan3A_411 : vector<16xf32>
      %get3A_718 = arith.constant 192 : index
      %get3A_719 = tpu.vector_load %arg17[%get3A_718] {strides = array<i32>} : memref<512xf32, #tpu.memory_space<vmem>>, vector<16xf32>,
      %sub3A_720 = arith.subf %get3A_719, %scan3A_412 : vector<16xf32>
      %mul3A_721 = arith.mulf %sub3A_714, %sub3A_714 : vector<16xf32>
      %mul3A_722 = arith.mulf %sub3A_717, %sub3A_717 : vector<16xf32>
      %add3A_723 = arith.addf %mul3A_721, %mul3A_722 : vector<16xf32>
      %mul3A_724 = arith.mulf %sub3A_720, %sub3A_720 : vector<16xf32>
      %add3A_725 = arith.addf %add3A_723, %mul3A_724 : vector<16xf32>
      %get3A_726 = arith.constant 192 : index
      %get3A_727 = tpu.vector_load %arg18[%get3A_726] {strides = array<i32>} : memref<512xf32, #tpu.memory_space<vmem>>, vector<16xf32>,
      %min3A_728 = arith.minimumf %get3A_727, %add3A_725 : vector<16xf32>
      %swap3A_729 = arith.constant 192 : index
      %swap3A_730 = tpu.vector_load %arg18[%swap3A_729] {strides = array<i32>} : memref<512xf32, #tpu.memory_space<vmem>>, vector<16xf32>,
      tpu.vector_store %arg18[%swap3A_729], %min3A_728 {strides = array<i32>} : memref<512xf32, #tpu.memory_space<vmem>>, vector<16xf32>,
      %gt3A_731 = arith.cmpf ogt, %min3A_728, %select_n3A_707 : vector<16xf32>
      %select_n3A_732 = arith.select %gt3A_731, %min3A_728, %select_n3A_707 : vector<16xi1>, vector<16xf32>
      %add3A_733 = arith.constant 192 : i32
      %add3A_734 = vector.broadcast %add3A_733 : i32 to vector<16xi32>
      %add3A_735 = arith.addi %iota3A_266, %add3A_734 : vector<16xi32>
      %select_n3A_736 = arith.select %gt3A_731, %add3A_735, %select_n3A_711 : vector<16xi1>, vector<16xi32>
      %get3A_737 = arith.constant 208 : index
      %get3A_738 = tpu.vector_load %arg15[%get3A_737] {strides = array<i32>} : memref<512xf32, #tpu.memory_space<vmem>>, vector<16xf32>,
      %sub3A_739 = arith.subf %get3A_738, %scan3A_410 : vector<16xf32>
      %get3A_740 = arith.constant 208 : index
      %get3A_741 = tpu.vector_load %arg16[%get3A_740] {strides = array<i32>} : memref<512xf32, #tpu.memory_space<vmem>>, vector<16xf32>,
      %sub3A_742 = arith.subf %get3A_741, %scan3A_411 : vector<16xf32>
      %get3A_743 = arith.constant 208 : index
      %get3A_744 = tpu.vector_load %arg17[%get3A_743] {strides = array<i32>} : memref<512xf32, #tpu.memory_space<vmem>>, vector<16xf32>,
      %sub3A_745 = arith.subf %get3A_744, %scan3A_412 : vector<16xf32>
      %mul3A_746 = arith.mulf %sub3A_739, %sub3A_739 : vector<16xf32>
      %mul3A_747 = arith.mulf %sub3A_742, %sub3A_742 : vector<16xf32>
      %add3A_748 = arith.addf %mul3A_746, %mul3A_747 : vector<16xf32>
      %mul3A_749 = arith.mulf %sub3A_745, %sub3A_745 : vector<16xf32>
      %add3A_750 = arith.addf %add3A_748, %mul3A_749 : vector<16xf32>
      %get3A_751 = arith.constant 208 : index
      %get3A_752 = tpu.vector_load %arg18[%get3A_751] {strides = array<i32>} : memref<512xf32, #tpu.memory_space<vmem>>, vector<16xf32>,
      %min3A_753 = arith.minimumf %get3A_752, %add3A_750 : vector<16xf32>
      %swap3A_754 = arith.constant 208 : index
      %swap3A_755 = tpu.vector_load %arg18[%swap3A_754] {strides = array<i32>} : memref<512xf32, #tpu.memory_space<vmem>>, vector<16xf32>,
      tpu.vector_store %arg18[%swap3A_754], %min3A_753 {strides = array<i32>} : memref<512xf32, #tpu.memory_space<vmem>>, vector<16xf32>,
      %gt3A_756 = arith.cmpf ogt, %min3A_753, %select_n3A_732 : vector<16xf32>
      %select_n3A_757 = arith.select %gt3A_756, %min3A_753, %select_n3A_732 : vector<16xi1>, vector<16xf32>
      %add3A_758 = arith.constant 208 : i32
      %add3A_759 = vector.broadcast %add3A_758 : i32 to vector<16xi32>
      %add3A_760 = arith.addi %iota3A_266, %add3A_759 : vector<16xi32>
      %select_n3A_761 = arith.select %gt3A_756, %add3A_760, %select_n3A_736 : vector<16xi1>, vector<16xi32>
      %get3A_762 = arith.constant 224 : index
      %get3A_763 = tpu.vector_load %arg15[%get3A_762] {strides = array<i32>} : memref<512xf32, #tpu.memory_space<vmem>>, vector<16xf32>,
      %sub3A_764 = arith.subf %get3A_763, %scan3A_410 : vector<16xf32>
      %get3A_765 = arith.constant 224 : index
      %get3A_766 = tpu.vector_load %arg16[%get3A_765] {strides = array<i32>} : memref<512xf32, #tpu.memory_space<vmem>>, vector<16xf32>,
      %sub3A_767 = arith.subf %get3A_766, %scan3A_411 : vector<16xf32>
      %get3A_768 = arith.constant 224 : index
      %get3A_769 = tpu.vector_load %arg17[%get3A_768] {strides = array<i32>} : memref<512xf32, #tpu.memory_space<vmem>>, vector<16xf32>,
      %sub3A_770 = arith.subf %get3A_769, %scan3A_412 : vector<16xf32>
      %mul3A_771 = arith.mulf %sub3A_764, %sub3A_764 : vector<16xf32>
      %mul3A_772 = arith.mulf %sub3A_767, %sub3A_767 : vector<16xf32>
      %add3A_773 = arith.addf %mul3A_771, %mul3A_772 : vector<16xf32>
      %mul3A_774 = arith.mulf %sub3A_770, %sub3A_770 : vector<16xf32>
      %add3A_775 = arith.addf %add3A_773, %mul3A_774 : vector<16xf32>
      %get3A_776 = arith.constant 224 : index
      %get3A_777 = tpu.vector_load %arg18[%get3A_776] {strides = array<i32>} : memref<512xf32, #tpu.memory_space<vmem>>, vector<16xf32>,
      %min3A_778 = arith.minimumf %get3A_777, %add3A_775 : vector<16xf32>
      %swap3A_779 = arith.constant 224 : index
      %swap3A_780 = tpu.vector_load %arg18[%swap3A_779] {strides = array<i32>} : memref<512xf32, #tpu.memory_space<vmem>>, vector<16xf32>,
      tpu.vector_store %arg18[%swap3A_779], %min3A_778 {strides = array<i32>} : memref<512xf32, #tpu.memory_space<vmem>>, vector<16xf32>,
      %gt3A_781 = arith.cmpf ogt, %min3A_778, %select_n3A_757 : vector<16xf32>
      %select_n3A_782 = arith.select %gt3A_781, %min3A_778, %select_n3A_757 : vector<16xi1>, vector<16xf32>
      %add3A_783 = arith.constant 224 : i32
      %add3A_784 = vector.broadcast %add3A_783 : i32 to vector<16xi32>
      %add3A_785 = arith.addi %iota3A_266, %add3A_784 : vector<16xi32>
      %select_n3A_786 = arith.select %gt3A_781, %add3A_785, %select_n3A_761 : vector<16xi1>, vector<16xi32>
      %get3A_787 = arith.constant 240 : index
      %get3A_788 = tpu.vector_load %arg15[%get3A_787] {strides = array<i32>} : memref<512xf32, #tpu.memory_space<vmem>>, vector<16xf32>,
      %sub3A_789 = arith.subf %get3A_788, %scan3A_410 : vector<16xf32>
      %get3A_790 = arith.constant 240 : index
      %get3A_791 = tpu.vector_load %arg16[%get3A_790] {strides = array<i32>} : memref<512xf32, #tpu.memory_space<vmem>>, vector<16xf32>,
      %sub3A_792 = arith.subf %get3A_791, %scan3A_411 : vector<16xf32>
      %get3A_793 = arith.constant 240 : index
      %get3A_794 = tpu.vector_load %arg17[%get3A_793] {strides = array<i32>} : memref<512xf32, #tpu.memory_space<vmem>>, vector<16xf32>,
      %sub3A_795 = arith.subf %get3A_794, %scan3A_412 : vector<16xf32>
      %mul3A_796 = arith.mulf %sub3A_789, %sub3A_789 : vector<16xf32>
      %mul3A_797 = arith.mulf %sub3A_792, %sub3A_792 : vector<16xf32>
      %add3A_798 = arith.addf %mul3A_796, %mul3A_797 : vector<16xf32>
      %mul3A_799 = arith.mulf %sub3A_795, %sub3A_795 : vector<16xf32>
      %add3A_800 = arith.addf %add3A_798, %mul3A_799 : vector<16xf32>
      %get3A_801 = arith.constant 240 : index
      %get3A_802 = tpu.vector_load %arg18[%get3A_801] {strides = array<i32>} : memref<512xf32, #tpu.memory_space<vmem>>, vector<16xf32>,
      %min3A_803 = arith.minimumf %get3A_802, %add3A_800 : vector<16xf32>
      %swap3A_804 = arith.constant 240 : index
      %swap3A_805 = tpu.vector_load %arg18[%swap3A_804] {strides = array<i32>} : memref<512xf32, #tpu.memory_space<vmem>>, vector<16xf32>,
      tpu.vector_store %arg18[%swap3A_804], %min3A_803 {strides = array<i32>} : memref<512xf32, #tpu.memory_space<vmem>>, vector<16xf32>,
      %gt3A_806 = arith.cmpf ogt, %min3A_803, %select_n3A_782 : vector<16xf32>
      %select_n3A_807 = arith.select %gt3A_806, %min3A_803, %select_n3A_782 : vector<16xi1>, vector<16xf32>
      %add3A_808 = arith.constant 240 : i32
      %add3A_809 = vector.broadcast %add3A_808 : i32 to vector<16xi32>
      %add3A_810 = arith.addi %iota3A_266, %add3A_809 : vector<16xi32>
      %select_n3A_811 = arith.select %gt3A_806, %add3A_810, %select_n3A_786 : vector<16xi1>, vector<16xi32>
      %get3A_812 = arith.constant 256 : index
      %get3A_813 = tpu.vector_load %arg15[%get3A_812] {strides = array<i32>} : memref<512xf32, #tpu.memory_space<vmem>>, vector<16xf32>,
      %sub3A_814 = arith.subf %get3A_813, %scan3A_410 : vector<16xf32>
      %get3A_815 = arith.constant 256 : index
      %get3A_816 = tpu.vector_load %arg16[%get3A_815] {strides = array<i32>} : memref<512xf32, #tpu.memory_space<vmem>>, vector<16xf32>,
      %sub3A_817 = arith.subf %get3A_816, %scan3A_411 : vector<16xf32>
      %get3A_818 = arith.constant 256 : index
      %get3A_819 = tpu.vector_load %arg17[%get3A_818] {strides = array<i32>} : memref<512xf32, #tpu.memory_space<vmem>>, vector<16xf32>,
      %sub3A_820 = arith.subf %get3A_819, %scan3A_412 : vector<16xf32>
      %mul3A_821 = arith.mulf %sub3A_814, %sub3A_814 : vector<16xf32>
      %mul3A_822 = arith.mulf %sub3A_817, %sub3A_817 : vector<16xf32>
      %add3A_823 = arith.addf %mul3A_821, %mul3A_822 : vector<16xf32>
      %mul3A_824 = arith.mulf %sub3A_820, %sub3A_820 : vector<16xf32>
      %add3A_825 = arith.addf %add3A_823, %mul3A_824 : vector<16xf32>
      %get3A_826 = arith.constant 256 : index
      %get3A_827 = tpu.vector_load %arg18[%get3A_826] {strides = array<i32>} : memref<512xf32, #tpu.memory_space<vmem>>, vector<16xf32>,
      %min3A_828 = arith.minimumf %get3A_827, %add3A_825 : vector<16xf32>
      %swap3A_829 = arith.constant 256 : index
      %swap3A_830 = tpu.vector_load %arg18[%swap3A_829] {strides = array<i32>} : memref<512xf32, #tpu.memory_space<vmem>>, vector<16xf32>,
      tpu.vector_store %arg18[%swap3A_829], %min3A_828 {strides = array<i32>} : memref<512xf32, #tpu.memory_space<vmem>>, vector<16xf32>,
      %gt3A_831 = arith.cmpf ogt, %min3A_828, %select_n3A_807 : vector<16xf32>
      %select_n3A_832 = arith.select %gt3A_831, %min3A_828, %select_n3A_807 : vector<16xi1>, vector<16xf32>
      %add3A_833 = arith.constant 256 : i32
      %add3A_834 = vector.broadcast %add3A_833 : i32 to vector<16xi32>
      %add3A_835 = arith.addi %iota3A_266, %add3A_834 : vector<16xi32>
      %select_n3A_836 = arith.select %gt3A_831, %add3A_835, %select_n3A_811 : vector<16xi1>, vector<16xi32>
      %get3A_837 = arith.constant 272 : index
      %get3A_838 = tpu.vector_load %arg15[%get3A_837] {strides = array<i32>} : memref<512xf32, #tpu.memory_space<vmem>>, vector<16xf32>,
      %sub3A_839 = arith.subf %get3A_838, %scan3A_410 : vector<16xf32>
      %get3A_840 = arith.constant 272 : index
      %get3A_841 = tpu.vector_load %arg16[%get3A_840] {strides = array<i32>} : memref<512xf32, #tpu.memory_space<vmem>>, vector<16xf32>,
      %sub3A_842 = arith.subf %get3A_841, %scan3A_411 : vector<16xf32>
      %get3A_843 = arith.constant 272 : index
      %get3A_844 = tpu.vector_load %arg17[%get3A_843] {strides = array<i32>} : memref<512xf32, #tpu.memory_space<vmem>>, vector<16xf32>,
      %sub3A_845 = arith.subf %get3A_844, %scan3A_412 : vector<16xf32>
      %mul3A_846 = arith.mulf %sub3A_839, %sub3A_839 : vector<16xf32>
      %mul3A_847 = arith.mulf %sub3A_842, %sub3A_842 : vector<16xf32>
      %add3A_848 = arith.addf %mul3A_846, %mul3A_847 : vector<16xf32>
      %mul3A_849 = arith.mulf %sub3A_845, %sub3A_845 : vector<16xf32>
      %add3A_850 = arith.addf %add3A_848, %mul3A_849 : vector<16xf32>
      %get3A_851 = arith.constant 272 : index
      %get3A_852 = tpu.vector_load %arg18[%get3A_851] {strides = array<i32>} : memref<512xf32, #tpu.memory_space<vmem>>, vector<16xf32>,
      %min3A_853 = arith.minimumf %get3A_852, %add3A_850 : vector<16xf32>
      %swap3A_854 = arith.constant 272 : index
      %swap3A_855 = tpu.vector_load %arg18[%swap3A_854] {strides = array<i32>} : memref<512xf32, #tpu.memory_space<vmem>>, vector<16xf32>,
      tpu.vector_store %arg18[%swap3A_854], %min3A_853 {strides = array<i32>} : memref<512xf32, #tpu.memory_space<vmem>>, vector<16xf32>,
      %gt3A_856 = arith.cmpf ogt, %min3A_853, %select_n3A_832 : vector<16xf32>
      %select_n3A_857 = arith.select %gt3A_856, %min3A_853, %select_n3A_832 : vector<16xi1>, vector<16xf32>
      %add3A_858 = arith.constant 272 : i32
      %add3A_859 = vector.broadcast %add3A_858 : i32 to vector<16xi32>
      %add3A_860 = arith.addi %iota3A_266, %add3A_859 : vector<16xi32>
      %select_n3A_861 = arith.select %gt3A_856, %add3A_860, %select_n3A_836 : vector<16xi1>, vector<16xi32>
      %get3A_862 = arith.constant 288 : index
      %get3A_863 = tpu.vector_load %arg15[%get3A_862] {strides = array<i32>} : memref<512xf32, #tpu.memory_space<vmem>>, vector<16xf32>,
      %sub3A_864 = arith.subf %get3A_863, %scan3A_410 : vector<16xf32>
      %get3A_865 = arith.constant 288 : index
      %get3A_866 = tpu.vector_load %arg16[%get3A_865] {strides = array<i32>} : memref<512xf32, #tpu.memory_space<vmem>>, vector<16xf32>,
      %sub3A_867 = arith.subf %get3A_866, %scan3A_411 : vector<16xf32>
      %get3A_868 = arith.constant 288 : index
      %get3A_869 = tpu.vector_load %arg17[%get3A_868] {strides = array<i32>} : memref<512xf32, #tpu.memory_space<vmem>>, vector<16xf32>,
      %sub3A_870 = arith.subf %get3A_869, %scan3A_412 : vector<16xf32>
      %mul3A_871 = arith.mulf %sub3A_864, %sub3A_864 : vector<16xf32>
      %mul3A_872 = arith.mulf %sub3A_867, %sub3A_867 : vector<16xf32>
      %add3A_873 = arith.addf %mul3A_871, %mul3A_872 : vector<16xf32>
      %mul3A_874 = arith.mulf %sub3A_870, %sub3A_870 : vector<16xf32>
      %add3A_875 = arith.addf %add3A_873, %mul3A_874 : vector<16xf32>
      %get3A_876 = arith.constant 288 : index
      %get3A_877 = tpu.vector_load %arg18[%get3A_876] {strides = array<i32>} : memref<512xf32, #tpu.memory_space<vmem>>, vector<16xf32>,
      %min3A_878 = arith.minimumf %get3A_877, %add3A_875 : vector<16xf32>
      %swap3A_879 = arith.constant 288 : index
      %swap3A_880 = tpu.vector_load %arg18[%swap3A_879] {strides = array<i32>} : memref<512xf32, #tpu.memory_space<vmem>>, vector<16xf32>,
      tpu.vector_store %arg18[%swap3A_879], %min3A_878 {strides = array<i32>} : memref<512xf32, #tpu.memory_space<vmem>>, vector<16xf32>,
      %gt3A_881 = arith.cmpf ogt, %min3A_878, %select_n3A_857 : vector<16xf32>
      %select_n3A_882 = arith.select %gt3A_881, %min3A_878, %select_n3A_857 : vector<16xi1>, vector<16xf32>
      %add3A_883 = arith.constant 288 : i32
      %add3A_884 = vector.broadcast %add3A_883 : i32 to vector<16xi32>
      %add3A_885 = arith.addi %iota3A_266, %add3A_884 : vector<16xi32>
      %select_n3A_886 = arith.select %gt3A_881, %add3A_885, %select_n3A_861 : vector<16xi1>, vector<16xi32>
      %get3A_887 = arith.constant 304 : index
      %get3A_888 = tpu.vector_load %arg15[%get3A_887] {strides = array<i32>} : memref<512xf32, #tpu.memory_space<vmem>>, vector<16xf32>,
      %sub3A_889 = arith.subf %get3A_888, %scan3A_410 : vector<16xf32>
      %get3A_890 = arith.constant 304 : index
      %get3A_891 = tpu.vector_load %arg16[%get3A_890] {strides = array<i32>} : memref<512xf32, #tpu.memory_space<vmem>>, vector<16xf32>,
      %sub3A_892 = arith.subf %get3A_891, %scan3A_411 : vector<16xf32>
      %get3A_893 = arith.constant 304 : index
      %get3A_894 = tpu.vector_load %arg17[%get3A_893] {strides = array<i32>} : memref<512xf32, #tpu.memory_space<vmem>>, vector<16xf32>,
      %sub3A_895 = arith.subf %get3A_894, %scan3A_412 : vector<16xf32>
      %mul3A_896 = arith.mulf %sub3A_889, %sub3A_889 : vector<16xf32>
      %mul3A_897 = arith.mulf %sub3A_892, %sub3A_892 : vector<16xf32>
      %add3A_898 = arith.addf %mul3A_896, %mul3A_897 : vector<16xf32>
      %mul3A_899 = arith.mulf %sub3A_895, %sub3A_895 : vector<16xf32>
      %add3A_900 = arith.addf %add3A_898, %mul3A_899 : vector<16xf32>
      %get3A_901 = arith.constant 304 : index
      %get3A_902 = tpu.vector_load %arg18[%get3A_901] {strides = array<i32>} : memref<512xf32, #tpu.memory_space<vmem>>, vector<16xf32>,
      %min3A_903 = arith.minimumf %get3A_902, %add3A_900 : vector<16xf32>
      %swap3A_904 = arith.constant 304 : index
      %swap3A_905 = tpu.vector_load %arg18[%swap3A_904] {strides = array<i32>} : memref<512xf32, #tpu.memory_space<vmem>>, vector<16xf32>,
      tpu.vector_store %arg18[%swap3A_904], %min3A_903 {strides = array<i32>} : memref<512xf32, #tpu.memory_space<vmem>>, vector<16xf32>,
      %gt3A_906 = arith.cmpf ogt, %min3A_903, %select_n3A_882 : vector<16xf32>
      %select_n3A_907 = arith.select %gt3A_906, %min3A_903, %select_n3A_882 : vector<16xi1>, vector<16xf32>
      %add3A_908 = arith.constant 304 : i32
      %add3A_909 = vector.broadcast %add3A_908 : i32 to vector<16xi32>
      %add3A_910 = arith.addi %iota3A_266, %add3A_909 : vector<16xi32>
      %select_n3A_911 = arith.select %gt3A_906, %add3A_910, %select_n3A_886 : vector<16xi1>, vector<16xi32>
      %get3A_912 = arith.constant 320 : index
      %get3A_913 = tpu.vector_load %arg15[%get3A_912] {strides = array<i32>} : memref<512xf32, #tpu.memory_space<vmem>>, vector<16xf32>,
      %sub3A_914 = arith.subf %get3A_913, %scan3A_410 : vector<16xf32>
      %get3A_915 = arith.constant 320 : index
      %get3A_916 = tpu.vector_load %arg16[%get3A_915] {strides = array<i32>} : memref<512xf32, #tpu.memory_space<vmem>>, vector<16xf32>,
      %sub3A_917 = arith.subf %get3A_916, %scan3A_411 : vector<16xf32>
      %get3A_918 = arith.constant 320 : index
      %get3A_919 = tpu.vector_load %arg17[%get3A_918] {strides = array<i32>} : memref<512xf32, #tpu.memory_space<vmem>>, vector<16xf32>,
      %sub3A_920 = arith.subf %get3A_919, %scan3A_412 : vector<16xf32>
      %mul3A_921 = arith.mulf %sub3A_914, %sub3A_914 : vector<16xf32>
      %mul3A_922 = arith.mulf %sub3A_917, %sub3A_917 : vector<16xf32>
      %add3A_923 = arith.addf %mul3A_921, %mul3A_922 : vector<16xf32>
      %mul3A_924 = arith.mulf %sub3A_920, %sub3A_920 : vector<16xf32>
      %add3A_925 = arith.addf %add3A_923, %mul3A_924 : vector<16xf32>
      %get3A_926 = arith.constant 320 : index
      %get3A_927 = tpu.vector_load %arg18[%get3A_926] {strides = array<i32>} : memref<512xf32, #tpu.memory_space<vmem>>, vector<16xf32>,
      %min3A_928 = arith.minimumf %get3A_927, %add3A_925 : vector<16xf32>
      %swap3A_929 = arith.constant 320 : index
      %swap3A_930 = tpu.vector_load %arg18[%swap3A_929] {strides = array<i32>} : memref<512xf32, #tpu.memory_space<vmem>>, vector<16xf32>,
      tpu.vector_store %arg18[%swap3A_929], %min3A_928 {strides = array<i32>} : memref<512xf32, #tpu.memory_space<vmem>>, vector<16xf32>,
      %gt3A_931 = arith.cmpf ogt, %min3A_928, %select_n3A_907 : vector<16xf32>
      %select_n3A_932 = arith.select %gt3A_931, %min3A_928, %select_n3A_907 : vector<16xi1>, vector<16xf32>
      %add3A_933 = arith.constant 320 : i32
      %add3A_934 = vector.broadcast %add3A_933 : i32 to vector<16xi32>
      %add3A_935 = arith.addi %iota3A_266, %add3A_934 : vector<16xi32>
      %select_n3A_936 = arith.select %gt3A_931, %add3A_935, %select_n3A_911 : vector<16xi1>, vector<16xi32>
      %get3A_937 = arith.constant 336 : index
      %get3A_938 = tpu.vector_load %arg15[%get3A_937] {strides = array<i32>} : memref<512xf32, #tpu.memory_space<vmem>>, vector<16xf32>,
      %sub3A_939 = arith.subf %get3A_938, %scan3A_410 : vector<16xf32>
      %get3A_940 = arith.constant 336 : index
      %get3A_941 = tpu.vector_load %arg16[%get3A_940] {strides = array<i32>} : memref<512xf32, #tpu.memory_space<vmem>>, vector<16xf32>,
      %sub3A_942 = arith.subf %get3A_941, %scan3A_411 : vector<16xf32>
      %get3A_943 = arith.constant 336 : index
      %get3A_944 = tpu.vector_load %arg17[%get3A_943] {strides = array<i32>} : memref<512xf32, #tpu.memory_space<vmem>>, vector<16xf32>,
      %sub3A_945 = arith.subf %get3A_944, %scan3A_412 : vector<16xf32>
      %mul3A_946 = arith.mulf %sub3A_939, %sub3A_939 : vector<16xf32>
      %mul3A_947 = arith.mulf %sub3A_942, %sub3A_942 : vector<16xf32>
      %add3A_948 = arith.addf %mul3A_946, %mul3A_947 : vector<16xf32>
      %mul3A_949 = arith.mulf %sub3A_945, %sub3A_945 : vector<16xf32>
      %add3A_950 = arith.addf %add3A_948, %mul3A_949 : vector<16xf32>
      %get3A_951 = arith.constant 336 : index
      %get3A_952 = tpu.vector_load %arg18[%get3A_951] {strides = array<i32>} : memref<512xf32, #tpu.memory_space<vmem>>, vector<16xf32>,
      %min3A_953 = arith.minimumf %get3A_952, %add3A_950 : vector<16xf32>
      %swap3A_954 = arith.constant 336 : index
      %swap3A_955 = tpu.vector_load %arg18[%swap3A_954] {strides = array<i32>} : memref<512xf32, #tpu.memory_space<vmem>>, vector<16xf32>,
      tpu.vector_store %arg18[%swap3A_954], %min3A_953 {strides = array<i32>} : memref<512xf32, #tpu.memory_space<vmem>>, vector<16xf32>,
      %gt3A_956 = arith.cmpf ogt, %min3A_953, %select_n3A_932 : vector<16xf32>
      %select_n3A_957 = arith.select %gt3A_956, %min3A_953, %select_n3A_932 : vector<16xi1>, vector<16xf32>
      %add3A_958 = arith.constant 336 : i32
      %add3A_959 = vector.broadcast %add3A_958 : i32 to vector<16xi32>
      %add3A_960 = arith.addi %iota3A_266, %add3A_959 : vector<16xi32>
      %select_n3A_961 = arith.select %gt3A_956, %add3A_960, %select_n3A_936 : vector<16xi1>, vector<16xi32>
      %get3A_962 = arith.constant 352 : index
      %get3A_963 = tpu.vector_load %arg15[%get3A_962] {strides = array<i32>} : memref<512xf32, #tpu.memory_space<vmem>>, vector<16xf32>,
      %sub3A_964 = arith.subf %get3A_963, %scan3A_410 : vector<16xf32>
      %get3A_965 = arith.constant 352 : index
      %get3A_966 = tpu.vector_load %arg16[%get3A_965] {strides = array<i32>} : memref<512xf32, #tpu.memory_space<vmem>>, vector<16xf32>,
      %sub3A_967 = arith.subf %get3A_966, %scan3A_411 : vector<16xf32>
      %get3A_968 = arith.constant 352 : index
      %get3A_969 = tpu.vector_load %arg17[%get3A_968] {strides = array<i32>} : memref<512xf32, #tpu.memory_space<vmem>>, vector<16xf32>,
      %sub3A_970 = arith.subf %get3A_969, %scan3A_412 : vector<16xf32>
      %mul3A_971 = arith.mulf %sub3A_964, %sub3A_964 : vector<16xf32>
      %mul3A_972 = arith.mulf %sub3A_967, %sub3A_967 : vector<16xf32>
      %add3A_973 = arith.addf %mul3A_971, %mul3A_972 : vector<16xf32>
      %mul3A_974 = arith.mulf %sub3A_970, %sub3A_970 : vector<16xf32>
      %add3A_975 = arith.addf %add3A_973, %mul3A_974 : vector<16xf32>
      %get3A_976 = arith.constant 352 : index
      %get3A_977 = tpu.vector_load %arg18[%get3A_976] {strides = array<i32>} : memref<512xf32, #tpu.memory_space<vmem>>, vector<16xf32>,
      %min3A_978 = arith.minimumf %get3A_977, %add3A_975 : vector<16xf32>
      %swap3A_979 = arith.constant 352 : index
      %swap3A_980 = tpu.vector_load %arg18[%swap3A_979] {strides = array<i32>} : memref<512xf32, #tpu.memory_space<vmem>>, vector<16xf32>,
      tpu.vector_store %arg18[%swap3A_979], %min3A_978 {strides = array<i32>} : memref<512xf32, #tpu.memory_space<vmem>>, vector<16xf32>,
      %gt3A_981 = arith.cmpf ogt, %min3A_978, %select_n3A_957 : vector<16xf32>
      %select_n3A_982 = arith.select %gt3A_981, %min3A_978, %select_n3A_957 : vector<16xi1>, vector<16xf32>
      %add3A_983 = arith.constant 352 : i32
      %add3A_984 = vector.broadcast %add3A_983 : i32 to vector<16xi32>
      %add3A_985 = arith.addi %iota3A_266, %add3A_984 : vector<16xi32>
      %select_n3A_986 = arith.select %gt3A_981, %add3A_985, %select_n3A_961 : vector<16xi1>, vector<16xi32>
      %get3A_987 = arith.constant 368 : index
      %get3A_988 = tpu.vector_load %arg15[%get3A_987] {strides = array<i32>} : memref<512xf32, #tpu.memory_space<vmem>>, vector<16xf32>,
      %sub3A_989 = arith.subf %get3A_988, %scan3A_410 : vector<16xf32>
      %get3A_990 = arith.constant 368 : index
      %get3A_991 = tpu.vector_load %arg16[%get3A_990] {strides = array<i32>} : memref<512xf32, #tpu.memory_space<vmem>>, vector<16xf32>,
      %sub3A_992 = arith.subf %get3A_991, %scan3A_411 : vector<16xf32>
      %get3A_993 = arith.constant 368 : index
      %get3A_994 = tpu.vector_load %arg17[%get3A_993] {strides = array<i32>} : memref<512xf32, #tpu.memory_space<vmem>>, vector<16xf32>,
      %sub3A_995 = arith.subf %get3A_994, %scan3A_412 : vector<16xf32>
      %mul3A_996 = arith.mulf %sub3A_989, %sub3A_989 : vector<16xf32>
      %mul3A_997 = arith.mulf %sub3A_992, %sub3A_992 : vector<16xf32>
      %add3A_998 = arith.addf %mul3A_996, %mul3A_997 : vector<16xf32>
      %mul3A_999 = arith.mulf %sub3A_995, %sub3A_995 : vector<16xf32>
      %add3A_1000 = arith.addf %add3A_998, %mul3A_999 : vector<16xf32>
      %get3A_1001 = arith.constant 368 : index
      %get3A_1002 = tpu.vector_load %arg18[%get3A_1001] {strides = array<i32>} : memref<512xf32, #tpu.memory_space<vmem>>, vector<16xf32>,
      %min3A_1003 = arith.minimumf %get3A_1002, %add3A_1000 : vector<16xf32>
      %swap3A_1004 = arith.constant 368 : index
      %swap3A_1005 = tpu.vector_load %arg18[%swap3A_1004] {strides = array<i32>} : memref<512xf32, #tpu.memory_space<vmem>>, vector<16xf32>,
      tpu.vector_store %arg18[%swap3A_1004], %min3A_1003 {strides = array<i32>} : memref<512xf32, #tpu.memory_space<vmem>>, vector<16xf32>,
      %gt3A_1006 = arith.cmpf ogt, %min3A_1003, %select_n3A_982 : vector<16xf32>
      %select_n3A_1007 = arith.select %gt3A_1006, %min3A_1003, %select_n3A_982 : vector<16xi1>, vector<16xf32>
      %add3A_1008 = arith.constant 368 : i32
      %add3A_1009 = vector.broadcast %add3A_1008 : i32 to vector<16xi32>
      %add3A_1010 = arith.addi %iota3A_266, %add3A_1009 : vector<16xi32>
      %select_n3A_1011 = arith.select %gt3A_1006, %add3A_1010, %select_n3A_986 : vector<16xi1>, vector<16xi32>
      %get3A_1012 = arith.constant 384 : index
      %get3A_1013 = tpu.vector_load %arg15[%get3A_1012] {strides = array<i32>} : memref<512xf32, #tpu.memory_space<vmem>>, vector<16xf32>,
      %sub3A_1014 = arith.subf %get3A_1013, %scan3A_410 : vector<16xf32>
      %get3A_1015 = arith.constant 384 : index
      %get3A_1016 = tpu.vector_load %arg16[%get3A_1015] {strides = array<i32>} : memref<512xf32, #tpu.memory_space<vmem>>, vector<16xf32>,
      %sub3A_1017 = arith.subf %get3A_1016, %scan3A_411 : vector<16xf32>
      %get3A_1018 = arith.constant 384 : index
      %get3A_1019 = tpu.vector_load %arg17[%get3A_1018] {strides = array<i32>} : memref<512xf32, #tpu.memory_space<vmem>>, vector<16xf32>,
      %sub3A_1020 = arith.subf %get3A_1019, %scan3A_412 : vector<16xf32>
      %mul3A_1021 = arith.mulf %sub3A_1014, %sub3A_1014 : vector<16xf32>
      %mul3A_1022 = arith.mulf %sub3A_1017, %sub3A_1017 : vector<16xf32>
      %add3A_1023 = arith.addf %mul3A_1021, %mul3A_1022 : vector<16xf32>
      %mul3A_1024 = arith.mulf %sub3A_1020, %sub3A_1020 : vector<16xf32>
      %add3A_1025 = arith.addf %add3A_1023, %mul3A_1024 : vector<16xf32>
      %get3A_1026 = arith.constant 384 : index
      %get3A_1027 = tpu.vector_load %arg18[%get3A_1026] {strides = array<i32>} : memref<512xf32, #tpu.memory_space<vmem>>, vector<16xf32>,
      %min3A_1028 = arith.minimumf %get3A_1027, %add3A_1025 : vector<16xf32>
      %swap3A_1029 = arith.constant 384 : index
      %swap3A_1030 = tpu.vector_load %arg18[%swap3A_1029] {strides = array<i32>} : memref<512xf32, #tpu.memory_space<vmem>>, vector<16xf32>,
      tpu.vector_store %arg18[%swap3A_1029], %min3A_1028 {strides = array<i32>} : memref<512xf32, #tpu.memory_space<vmem>>, vector<16xf32>,
      %gt3A_1031 = arith.cmpf ogt, %min3A_1028, %select_n3A_1007 : vector<16xf32>
      %select_n3A_1032 = arith.select %gt3A_1031, %min3A_1028, %select_n3A_1007 : vector<16xi1>, vector<16xf32>
      %add3A_1033 = arith.constant 384 : i32
      %add3A_1034 = vector.broadcast %add3A_1033 : i32 to vector<16xi32>
      %add3A_1035 = arith.addi %iota3A_266, %add3A_1034 : vector<16xi32>
      %select_n3A_1036 = arith.select %gt3A_1031, %add3A_1035, %select_n3A_1011 : vector<16xi1>, vector<16xi32>
      %get3A_1037 = arith.constant 400 : index
      %get3A_1038 = tpu.vector_load %arg15[%get3A_1037] {strides = array<i32>} : memref<512xf32, #tpu.memory_space<vmem>>, vector<16xf32>,
      %sub3A_1039 = arith.subf %get3A_1038, %scan3A_410 : vector<16xf32>
      %get3A_1040 = arith.constant 400 : index
      %get3A_1041 = tpu.vector_load %arg16[%get3A_1040] {strides = array<i32>} : memref<512xf32, #tpu.memory_space<vmem>>, vector<16xf32>,
      %sub3A_1042 = arith.subf %get3A_1041, %scan3A_411 : vector<16xf32>
      %get3A_1043 = arith.constant 400 : index
      %get3A_1044 = tpu.vector_load %arg17[%get3A_1043] {strides = array<i32>} : memref<512xf32, #tpu.memory_space<vmem>>, vector<16xf32>,
      %sub3A_1045 = arith.subf %get3A_1044, %scan3A_412 : vector<16xf32>
      %mul3A_1046 = arith.mulf %sub3A_1039, %sub3A_1039 : vector<16xf32>
      %mul3A_1047 = arith.mulf %sub3A_1042, %sub3A_1042 : vector<16xf32>
      %add3A_1048 = arith.addf %mul3A_1046, %mul3A_1047 : vector<16xf32>
      %mul3A_1049 = arith.mulf %sub3A_1045, %sub3A_1045 : vector<16xf32>
      %add3A_1050 = arith.addf %add3A_1048, %mul3A_1049 : vector<16xf32>
      %get3A_1051 = arith.constant 400 : index
      %get3A_1052 = tpu.vector_load %arg18[%get3A_1051] {strides = array<i32>} : memref<512xf32, #tpu.memory_space<vmem>>, vector<16xf32>,
      %min3A_1053 = arith.minimumf %get3A_1052, %add3A_1050 : vector<16xf32>
      %swap3A_1054 = arith.constant 400 : index
      %swap3A_1055 = tpu.vector_load %arg18[%swap3A_1054] {strides = array<i32>} : memref<512xf32, #tpu.memory_space<vmem>>, vector<16xf32>,
      tpu.vector_store %arg18[%swap3A_1054], %min3A_1053 {strides = array<i32>} : memref<512xf32, #tpu.memory_space<vmem>>, vector<16xf32>,
      %gt3A_1056 = arith.cmpf ogt, %min3A_1053, %select_n3A_1032 : vector<16xf32>
      %select_n3A_1057 = arith.select %gt3A_1056, %min3A_1053, %select_n3A_1032 : vector<16xi1>, vector<16xf32>
      %add3A_1058 = arith.constant 400 : i32
      %add3A_1059 = vector.broadcast %add3A_1058 : i32 to vector<16xi32>
      %add3A_1060 = arith.addi %iota3A_266, %add3A_1059 : vector<16xi32>
      %select_n3A_1061 = arith.select %gt3A_1056, %add3A_1060, %select_n3A_1036 : vector<16xi1>, vector<16xi32>
      %get3A_1062 = arith.constant 416 : index
      %get3A_1063 = tpu.vector_load %arg15[%get3A_1062] {strides = array<i32>} : memref<512xf32, #tpu.memory_space<vmem>>, vector<16xf32>,
      %sub3A_1064 = arith.subf %get3A_1063, %scan3A_410 : vector<16xf32>
      %get3A_1065 = arith.constant 416 : index
      %get3A_1066 = tpu.vector_load %arg16[%get3A_1065] {strides = array<i32>} : memref<512xf32, #tpu.memory_space<vmem>>, vector<16xf32>,
      %sub3A_1067 = arith.subf %get3A_1066, %scan3A_411 : vector<16xf32>
      %get3A_1068 = arith.constant 416 : index
      %get3A_1069 = tpu.vector_load %arg17[%get3A_1068] {strides = array<i32>} : memref<512xf32, #tpu.memory_space<vmem>>, vector<16xf32>,
      %sub3A_1070 = arith.subf %get3A_1069, %scan3A_412 : vector<16xf32>
      %mul3A_1071 = arith.mulf %sub3A_1064, %sub3A_1064 : vector<16xf32>
      %mul3A_1072 = arith.mulf %sub3A_1067, %sub3A_1067 : vector<16xf32>
      %add3A_1073 = arith.addf %mul3A_1071, %mul3A_1072 : vector<16xf32>
      %mul3A_1074 = arith.mulf %sub3A_1070, %sub3A_1070 : vector<16xf32>
      %add3A_1075 = arith.addf %add3A_1073, %mul3A_1074 : vector<16xf32>
      %get3A_1076 = arith.constant 416 : index
      %get3A_1077 = tpu.vector_load %arg18[%get3A_1076] {strides = array<i32>} : memref<512xf32, #tpu.memory_space<vmem>>, vector<16xf32>,
      %min3A_1078 = arith.minimumf %get3A_1077, %add3A_1075 : vector<16xf32>
      %swap3A_1079 = arith.constant 416 : index
      %swap3A_1080 = tpu.vector_load %arg18[%swap3A_1079] {strides = array<i32>} : memref<512xf32, #tpu.memory_space<vmem>>, vector<16xf32>,
      tpu.vector_store %arg18[%swap3A_1079], %min3A_1078 {strides = array<i32>} : memref<512xf32, #tpu.memory_space<vmem>>, vector<16xf32>,
      %gt3A_1081 = arith.cmpf ogt, %min3A_1078, %select_n3A_1057 : vector<16xf32>
      %select_n3A_1082 = arith.select %gt3A_1081, %min3A_1078, %select_n3A_1057 : vector<16xi1>, vector<16xf32>
      %add3A_1083 = arith.constant 416 : i32
      %add3A_1084 = vector.broadcast %add3A_1083 : i32 to vector<16xi32>
      %add3A_1085 = arith.addi %iota3A_266, %add3A_1084 : vector<16xi32>
      %select_n3A_1086 = arith.select %gt3A_1081, %add3A_1085, %select_n3A_1061 : vector<16xi1>, vector<16xi32>
      %get3A_1087 = arith.constant 432 : index
      %get3A_1088 = tpu.vector_load %arg15[%get3A_1087] {strides = array<i32>} : memref<512xf32, #tpu.memory_space<vmem>>, vector<16xf32>,
      %sub3A_1089 = arith.subf %get3A_1088, %scan3A_410 : vector<16xf32>
      %get3A_1090 = arith.constant 432 : index
      %get3A_1091 = tpu.vector_load %arg16[%get3A_1090] {strides = array<i32>} : memref<512xf32, #tpu.memory_space<vmem>>, vector<16xf32>,
      %sub3A_1092 = arith.subf %get3A_1091, %scan3A_411 : vector<16xf32>
      %get3A_1093 = arith.constant 432 : index
      %get3A_1094 = tpu.vector_load %arg17[%get3A_1093] {strides = array<i32>} : memref<512xf32, #tpu.memory_space<vmem>>, vector<16xf32>,
      %sub3A_1095 = arith.subf %get3A_1094, %scan3A_412 : vector<16xf32>
      %mul3A_1096 = arith.mulf %sub3A_1089, %sub3A_1089 : vector<16xf32>
      %mul3A_1097 = arith.mulf %sub3A_1092, %sub3A_1092 : vector<16xf32>
      %add3A_1098 = arith.addf %mul3A_1096, %mul3A_1097 : vector<16xf32>
      %mul3A_1099 = arith.mulf %sub3A_1095, %sub3A_1095 : vector<16xf32>
      %add3A_1100 = arith.addf %add3A_1098, %mul3A_1099 : vector<16xf32>
      %get3A_1101 = arith.constant 432 : index
      %get3A_1102 = tpu.vector_load %arg18[%get3A_1101] {strides = array<i32>} : memref<512xf32, #tpu.memory_space<vmem>>, vector<16xf32>,
      %min3A_1103 = arith.minimumf %get3A_1102, %add3A_1100 : vector<16xf32>
      %swap3A_1104 = arith.constant 432 : index
      %swap3A_1105 = tpu.vector_load %arg18[%swap3A_1104] {strides = array<i32>} : memref<512xf32, #tpu.memory_space<vmem>>, vector<16xf32>,
      tpu.vector_store %arg18[%swap3A_1104], %min3A_1103 {strides = array<i32>} : memref<512xf32, #tpu.memory_space<vmem>>, vector<16xf32>,
      %gt3A_1106 = arith.cmpf ogt, %min3A_1103, %select_n3A_1082 : vector<16xf32>
      %select_n3A_1107 = arith.select %gt3A_1106, %min3A_1103, %select_n3A_1082 : vector<16xi1>, vector<16xf32>
      %add3A_1108 = arith.constant 432 : i32
      %add3A_1109 = vector.broadcast %add3A_1108 : i32 to vector<16xi32>
      %add3A_1110 = arith.addi %iota3A_266, %add3A_1109 : vector<16xi32>
      %select_n3A_1111 = arith.select %gt3A_1106, %add3A_1110, %select_n3A_1086 : vector<16xi1>, vector<16xi32>
      %get3A_1112 = arith.constant 448 : index
      %get3A_1113 = tpu.vector_load %arg15[%get3A_1112] {strides = array<i32>} : memref<512xf32, #tpu.memory_space<vmem>>, vector<16xf32>,
      %sub3A_1114 = arith.subf %get3A_1113, %scan3A_410 : vector<16xf32>
      %get3A_1115 = arith.constant 448 : index
      %get3A_1116 = tpu.vector_load %arg16[%get3A_1115] {strides = array<i32>} : memref<512xf32, #tpu.memory_space<vmem>>, vector<16xf32>,
      %sub3A_1117 = arith.subf %get3A_1116, %scan3A_411 : vector<16xf32>
      %get3A_1118 = arith.constant 448 : index
      %get3A_1119 = tpu.vector_load %arg17[%get3A_1118] {strides = array<i32>} : memref<512xf32, #tpu.memory_space<vmem>>, vector<16xf32>,
      %sub3A_1120 = arith.subf %get3A_1119, %scan3A_412 : vector<16xf32>
      %mul3A_1121 = arith.mulf %sub3A_1114, %sub3A_1114 : vector<16xf32>
      %mul3A_1122 = arith.mulf %sub3A_1117, %sub3A_1117 : vector<16xf32>
      %add3A_1123 = arith.addf %mul3A_1121, %mul3A_1122 : vector<16xf32>
      %mul3A_1124 = arith.mulf %sub3A_1120, %sub3A_1120 : vector<16xf32>
      %add3A_1125 = arith.addf %add3A_1123, %mul3A_1124 : vector<16xf32>
      %get3A_1126 = arith.constant 448 : index
      %get3A_1127 = tpu.vector_load %arg18[%get3A_1126] {strides = array<i32>} : memref<512xf32, #tpu.memory_space<vmem>>, vector<16xf32>,
      %min3A_1128 = arith.minimumf %get3A_1127, %add3A_1125 : vector<16xf32>
      %swap3A_1129 = arith.constant 448 : index
      %swap3A_1130 = tpu.vector_load %arg18[%swap3A_1129] {strides = array<i32>} : memref<512xf32, #tpu.memory_space<vmem>>, vector<16xf32>,
      tpu.vector_store %arg18[%swap3A_1129], %min3A_1128 {strides = array<i32>} : memref<512xf32, #tpu.memory_space<vmem>>, vector<16xf32>,
      %gt3A_1131 = arith.cmpf ogt, %min3A_1128, %select_n3A_1107 : vector<16xf32>
      %select_n3A_1132 = arith.select %gt3A_1131, %min3A_1128, %select_n3A_1107 : vector<16xi1>, vector<16xf32>
      %add3A_1133 = arith.constant 448 : i32
      %add3A_1134 = vector.broadcast %add3A_1133 : i32 to vector<16xi32>
      %add3A_1135 = arith.addi %iota3A_266, %add3A_1134 : vector<16xi32>
      %select_n3A_1136 = arith.select %gt3A_1131, %add3A_1135, %select_n3A_1111 : vector<16xi1>, vector<16xi32>
      %get3A_1137 = arith.constant 464 : index
      %get3A_1138 = tpu.vector_load %arg15[%get3A_1137] {strides = array<i32>} : memref<512xf32, #tpu.memory_space<vmem>>, vector<16xf32>,
      %sub3A_1139 = arith.subf %get3A_1138, %scan3A_410 : vector<16xf32>
      %get3A_1140 = arith.constant 464 : index
      %get3A_1141 = tpu.vector_load %arg16[%get3A_1140] {strides = array<i32>} : memref<512xf32, #tpu.memory_space<vmem>>, vector<16xf32>,
      %sub3A_1142 = arith.subf %get3A_1141, %scan3A_411 : vector<16xf32>
      %get3A_1143 = arith.constant 464 : index
      %get3A_1144 = tpu.vector_load %arg17[%get3A_1143] {strides = array<i32>} : memref<512xf32, #tpu.memory_space<vmem>>, vector<16xf32>,
      %sub3A_1145 = arith.subf %get3A_1144, %scan3A_412 : vector<16xf32>
      %mul3A_1146 = arith.mulf %sub3A_1139, %sub3A_1139 : vector<16xf32>
      %mul3A_1147 = arith.mulf %sub3A_1142, %sub3A_1142 : vector<16xf32>
      %add3A_1148 = arith.addf %mul3A_1146, %mul3A_1147 : vector<16xf32>
      %mul3A_1149 = arith.mulf %sub3A_1145, %sub3A_1145 : vector<16xf32>
      %add3A_1150 = arith.addf %add3A_1148, %mul3A_1149 : vector<16xf32>
      %get3A_1151 = arith.constant 464 : index
      %get3A_1152 = tpu.vector_load %arg18[%get3A_1151] {strides = array<i32>} : memref<512xf32, #tpu.memory_space<vmem>>, vector<16xf32>,
      %min3A_1153 = arith.minimumf %get3A_1152, %add3A_1150 : vector<16xf32>
      %swap3A_1154 = arith.constant 464 : index
      %swap3A_1155 = tpu.vector_load %arg18[%swap3A_1154] {strides = array<i32>} : memref<512xf32, #tpu.memory_space<vmem>>, vector<16xf32>,
      tpu.vector_store %arg18[%swap3A_1154], %min3A_1153 {strides = array<i32>} : memref<512xf32, #tpu.memory_space<vmem>>, vector<16xf32>,
      %gt3A_1156 = arith.cmpf ogt, %min3A_1153, %select_n3A_1132 : vector<16xf32>
      %select_n3A_1157 = arith.select %gt3A_1156, %min3A_1153, %select_n3A_1132 : vector<16xi1>, vector<16xf32>
      %add3A_1158 = arith.constant 464 : i32
      %add3A_1159 = vector.broadcast %add3A_1158 : i32 to vector<16xi32>
      %add3A_1160 = arith.addi %iota3A_266, %add3A_1159 : vector<16xi32>
      %select_n3A_1161 = arith.select %gt3A_1156, %add3A_1160, %select_n3A_1136 : vector<16xi1>, vector<16xi32>
      %get3A_1162 = arith.constant 480 : index
      %get3A_1163 = tpu.vector_load %arg15[%get3A_1162] {strides = array<i32>} : memref<512xf32, #tpu.memory_space<vmem>>, vector<16xf32>,
      %sub3A_1164 = arith.subf %get3A_1163, %scan3A_410 : vector<16xf32>
      %get3A_1165 = arith.constant 480 : index
      %get3A_1166 = tpu.vector_load %arg16[%get3A_1165] {strides = array<i32>} : memref<512xf32, #tpu.memory_space<vmem>>, vector<16xf32>,
      %sub3A_1167 = arith.subf %get3A_1166, %scan3A_411 : vector<16xf32>
      %get3A_1168 = arith.constant 480 : index
      %get3A_1169 = tpu.vector_load %arg17[%get3A_1168] {strides = array<i32>} : memref<512xf32, #tpu.memory_space<vmem>>, vector<16xf32>,
      %sub3A_1170 = arith.subf %get3A_1169, %scan3A_412 : vector<16xf32>
      %mul3A_1171 = arith.mulf %sub3A_1164, %sub3A_1164 : vector<16xf32>
      %mul3A_1172 = arith.mulf %sub3A_1167, %sub3A_1167 : vector<16xf32>
      %add3A_1173 = arith.addf %mul3A_1171, %mul3A_1172 : vector<16xf32>
      %mul3A_1174 = arith.mulf %sub3A_1170, %sub3A_1170 : vector<16xf32>
      %add3A_1175 = arith.addf %add3A_1173, %mul3A_1174 : vector<16xf32>
      %get3A_1176 = arith.constant 480 : index
      %get3A_1177 = tpu.vector_load %arg18[%get3A_1176] {strides = array<i32>} : memref<512xf32, #tpu.memory_space<vmem>>, vector<16xf32>,
      %min3A_1178 = arith.minimumf %get3A_1177, %add3A_1175 : vector<16xf32>
      %swap3A_1179 = arith.constant 480 : index
      %swap3A_1180 = tpu.vector_load %arg18[%swap3A_1179] {strides = array<i32>} : memref<512xf32, #tpu.memory_space<vmem>>, vector<16xf32>,
      tpu.vector_store %arg18[%swap3A_1179], %min3A_1178 {strides = array<i32>} : memref<512xf32, #tpu.memory_space<vmem>>, vector<16xf32>,
      %gt3A_1181 = arith.cmpf ogt, %min3A_1178, %select_n3A_1157 : vector<16xf32>
      %select_n3A_1182 = arith.select %gt3A_1181, %min3A_1178, %select_n3A_1157 : vector<16xi1>, vector<16xf32>
      %add3A_1183 = arith.constant 480 : i32
      %add3A_1184 = vector.broadcast %add3A_1183 : i32 to vector<16xi32>
      %add3A_1185 = arith.addi %iota3A_266, %add3A_1184 : vector<16xi32>
      %select_n3A_1186 = arith.select %gt3A_1181, %add3A_1185, %select_n3A_1161 : vector<16xi1>, vector<16xi32>
      %get3A_1187 = arith.constant 496 : index
      %get3A_1188 = tpu.vector_load %arg15[%get3A_1187] {strides = array<i32>} : memref<512xf32, #tpu.memory_space<vmem>>, vector<16xf32>,
      %sub3A_1189 = arith.subf %get3A_1188, %scan3A_410 : vector<16xf32>
      %get3A_1190 = arith.constant 496 : index
      %get3A_1191 = tpu.vector_load %arg16[%get3A_1190] {strides = array<i32>} : memref<512xf32, #tpu.memory_space<vmem>>, vector<16xf32>,
      %sub3A_1192 = arith.subf %get3A_1191, %scan3A_411 : vector<16xf32>
      %get3A_1193 = arith.constant 496 : index
      %get3A_1194 = tpu.vector_load %arg17[%get3A_1193] {strides = array<i32>} : memref<512xf32, #tpu.memory_space<vmem>>, vector<16xf32>,
      %sub3A_1195 = arith.subf %get3A_1194, %scan3A_412 : vector<16xf32>
      %mul3A_1196 = arith.mulf %sub3A_1189, %sub3A_1189 : vector<16xf32>
      %mul3A_1197 = arith.mulf %sub3A_1192, %sub3A_1192 : vector<16xf32>
      %add3A_1198 = arith.addf %mul3A_1196, %mul3A_1197 : vector<16xf32>
      %mul3A_1199 = arith.mulf %sub3A_1195, %sub3A_1195 : vector<16xf32>
      %add3A_1200 = arith.addf %add3A_1198, %mul3A_1199 : vector<16xf32>
      %get3A_1201 = arith.constant 496 : index
      %get3A_1202 = tpu.vector_load %arg18[%get3A_1201] {strides = array<i32>} : memref<512xf32, #tpu.memory_space<vmem>>, vector<16xf32>,
      %min3A_1203 = arith.minimumf %get3A_1202, %add3A_1200 : vector<16xf32>
      %swap3A_1204 = arith.constant 496 : index
      %swap3A_1205 = tpu.vector_load %arg18[%swap3A_1204] {strides = array<i32>} : memref<512xf32, #tpu.memory_space<vmem>>, vector<16xf32>,
      tpu.vector_store %arg18[%swap3A_1204], %min3A_1203 {strides = array<i32>} : memref<512xf32, #tpu.memory_space<vmem>>, vector<16xf32>,
      %gt3A_1206 = arith.cmpf ogt, %min3A_1203, %select_n3A_1182 : vector<16xf32>
      %select_n3A_1207 = arith.select %gt3A_1206, %min3A_1203, %select_n3A_1182 : vector<16xi1>, vector<16xf32>
      %add3A_1208 = arith.constant 496 : i32
      %add3A_1209 = vector.broadcast %add3A_1208 : i32 to vector<16xi32>
      %add3A_1210 = arith.addi %iota3A_266, %add3A_1209 : vector<16xi32>
      %select_n3A_1211 = arith.select %gt3A_1206, %add3A_1210, %select_n3A_1186 : vector<16xi1>, vector<16xi32>
      %reduce_max3A = arith.constant true
      %reduce_max3A_1212 = vector.broadcast %reduce_max3A : i1 to vector<16xi1>
      %reduce_max3A_1213 = tpu.scan <max>, %select_n3A_1207 masked %reduce_max3A_1212 : vector<16xf32>, vector<16xi1> -> vector<16xf32>
      %reduce_max3A_1214 = vector.extract %reduce_max3A_1213[15] : f32 from vector<16xf32>
      %eq3A_1215 = vector.broadcast %reduce_max3A_1214 : f32 to vector<16xf32>
      %eq3A_1216 = arith.cmpf oeq, %select_n3A_1207, %eq3A_1215 : vector<16xf32>
      %jit3A = arith.constant 512 : i32
      %broadcast_in_dim3A_1217 = vector.broadcast %jit3A : i32 to vector<16xi32>
      %select_n3A_1218 = arith.select %eq3A_1216, %select_n3A_1211, %broadcast_in_dim3A_1217 : vector<16xi1>, vector<16xi32>
      %reduce_min3A = arith.constant true
      %reduce_min3A_1219 = vector.broadcast %reduce_min3A : i1 to vector<16xi1>
      %reduce_min3A_1220 = arith.constant -2147483648 : i32
      %reduce_min3A_1221 = vector.broadcast %reduce_min3A_1220 : i32 to vector<16xi32>
      %reduce_min3A_1222 = arith.xori %select_n3A_1218, %reduce_min3A_1221 : vector<16xi32>
      %reduce_min3A_1223 = tpu.scan <min>, %reduce_min3A_1222 masked %reduce_min3A_1219 : vector<16xi32>, vector<16xi1> -> vector<16xi32>
      %reduce_min3A_1224 = arith.xori %reduce_min3A_1223, %reduce_min3A_1221 : vector<16xi32>
      %reduce_min3A_1225 = vector.extract %reduce_min3A_1224[15] : i32 from vector<16xi32>
      %broadcast_in_dim3A_1226 = vector.broadcast %reduce_min3A_1225 : i32 to vector<16xi32>
      %gather3A_1227 = tpu.vector_load_idx %arg15[%broadcast_in_dim3A_1226] : memref<512xf32, #tpu.memory_space<vmem>>[vector<16xi32>], vector<16xf32>,
      %gather3A_1228 = tpu.vector_load_idx %arg16[%broadcast_in_dim3A_1226] : memref<512xf32, #tpu.memory_space<vmem>>[vector<16xi32>], vector<16xf32>,
      %gather3A_1229 = tpu.vector_load_idx %arg17[%broadcast_in_dim3A_1226] : memref<512xf32, #tpu.memory_space<vmem>>[vector<16xi32>], vector<16xf32>,
      %broadcast_in_dim3A_1230 = vector.broadcast %scan3A_409 : i32 to vector<16xi32>
      tpu.vector_store_idx %arg19[%broadcast_in_dim3A_1230], %gather3A_1227 masked %eq3A_269 : memref<128xf32, #tpu.memory_space<vmem>>[vector<16xi32>], vector<16xf32>, vector<16xi1>
      tpu.vector_store_idx %arg20[%broadcast_in_dim3A_1230], %gather3A_1228 masked %eq3A_269 : memref<128xf32, #tpu.memory_space<vmem>>[vector<16xi32>], vector<16xf32>, vector<16xi1>
      tpu.vector_store_idx %arg21[%broadcast_in_dim3A_1230], %gather3A_1229 masked %eq3A_269 : memref<128xf32, #tpu.memory_space<vmem>>[vector<16xi32>], vector<16xf32>, vector<16xi1>
      scf.yield %gather3A_1227, %gather3A_1228, %gather3A_1229 : vector<16xf32>, vector<16xf32>, vector<16xf32>
    }
    %scan3A_408 = arith.constant 127 : i32
    "tpu.region"() ({
      %run_scoped3A = tpu.sem_alloc : memref<!tpu.dma_semaphore, #tpu.memory_space<semaphore_mem>>
      %dma_start3A = arith.constant 0 : i32
      %dma_start3A_409 = tpu.memref_slice %arg5[%add3A, %dma_start3A] : memref<32x512xf32, #tpu.memory_space<hbm>> -> memref<1x512xf32, #tpu.memory_space<hbm>>
      %dma_start3A_410 = tpu.memref_squeeze %dma_start3A_409 : memref<1x512xf32, #tpu.memory_space<hbm>> -> memref<512xf32, #tpu.memory_space<hbm>>
      %dma_start3A_411 = arith.constant 0 : i32
      %dma_start3A_412 = tpu.memref_slice %arg5[%add3A, %dma_start3A_411] : memref<32x512xf32, #tpu.memory_space<hbm>> -> memref<1x512xf32, #tpu.memory_space<hbm>>
      %dma_start3A_413 = tpu.memref_squeeze %dma_start3A_412 : memref<1x512xf32, #tpu.memory_space<hbm>> -> memref<512xf32, #tpu.memory_space<hbm>>
      tpu.enqueue_dma source(%arg15 : memref<512xf32, #tpu.memory_space<vmem>>) target(%dma_start3A_413 : memref<512xf32, #tpu.memory_space<hbm>>) target_semaphore(%run_scoped3A : memref<!tpu.dma_semaphore, #tpu.memory_space<semaphore_mem>>)
      %dma_wait3A = arith.constant 0 : i32
      %dma_wait3A_414 = tpu.memref_slice %arg5[%add3A, %dma_wait3A] : memref<32x512xf32, #tpu.memory_space<hbm>> -> memref<1x512xf32, #tpu.memory_space<hbm>>
      %dma_wait3A_415 = tpu.memref_squeeze %dma_wait3A_414 : memref<1x512xf32, #tpu.memory_space<hbm>> -> memref<512xf32, #tpu.memory_space<hbm>>
      %dma_wait3A_416 = arith.constant 0 : i32
      %dma_wait3A_417 = tpu.memref_slice %arg5[%add3A, %dma_wait3A_416] : memref<32x512xf32, #tpu.memory_space<hbm>> -> memref<1x512xf32, #tpu.memory_space<hbm>>
      %dma_wait3A_418 = tpu.memref_squeeze %dma_wait3A_417 : memref<1x512xf32, #tpu.memory_space<hbm>> -> memref<512xf32, #tpu.memory_space<hbm>>
      tpu.wait_dma2 semaphore(%run_scoped3A : memref<!tpu.dma_semaphore, #tpu.memory_space<semaphore_mem>>) src(%arg15 : memref<512xf32, #tpu.memory_space<vmem>>) dst(%dma_wait3A_418 : memref<512xf32, #tpu.memory_space<hbm>>)
      tpu.yield
    }) : () -> ()
    "tpu.region"() ({
      %run_scoped3A = tpu.sem_alloc : memref<!tpu.dma_semaphore, #tpu.memory_space<semaphore_mem>>
      %dma_start3A = arith.constant 0 : i32
      %dma_start3A_409 = tpu.memref_slice %arg6[%add3A, %dma_start3A] : memref<32x512xf32, #tpu.memory_space<hbm>> -> memref<1x512xf32, #tpu.memory_space<hbm>>
      %dma_start3A_410 = tpu.memref_squeeze %dma_start3A_409 : memref<1x512xf32, #tpu.memory_space<hbm>> -> memref<512xf32, #tpu.memory_space<hbm>>
      %dma_start3A_411 = arith.constant 0 : i32
      %dma_start3A_412 = tpu.memref_slice %arg6[%add3A, %dma_start3A_411] : memref<32x512xf32, #tpu.memory_space<hbm>> -> memref<1x512xf32, #tpu.memory_space<hbm>>
      %dma_start3A_413 = tpu.memref_squeeze %dma_start3A_412 : memref<1x512xf32, #tpu.memory_space<hbm>> -> memref<512xf32, #tpu.memory_space<hbm>>
      tpu.enqueue_dma source(%arg16 : memref<512xf32, #tpu.memory_space<vmem>>) target(%dma_start3A_413 : memref<512xf32, #tpu.memory_space<hbm>>) target_semaphore(%run_scoped3A : memref<!tpu.dma_semaphore, #tpu.memory_space<semaphore_mem>>)
      %dma_wait3A = arith.constant 0 : i32
      %dma_wait3A_414 = tpu.memref_slice %arg6[%add3A, %dma_wait3A] : memref<32x512xf32, #tpu.memory_space<hbm>> -> memref<1x512xf32, #tpu.memory_space<hbm>>
      %dma_wait3A_415 = tpu.memref_squeeze %dma_wait3A_414 : memref<1x512xf32, #tpu.memory_space<hbm>> -> memref<512xf32, #tpu.memory_space<hbm>>
      %dma_wait3A_416 = arith.constant 0 : i32
      %dma_wait3A_417 = tpu.memref_slice %arg6[%add3A, %dma_wait3A_416] : memref<32x512xf32, #tpu.memory_space<hbm>> -> memref<1x512xf32, #tpu.memory_space<hbm>>
      %dma_wait3A_418 = tpu.memref_squeeze %dma_wait3A_417 : memref<1x512xf32, #tpu.memory_space<hbm>> -> memref<512xf32, #tpu.memory_space<hbm>>
      tpu.wait_dma2 semaphore(%run_scoped3A : memref<!tpu.dma_semaphore, #tpu.memory_space<semaphore_mem>>) src(%arg16 : memref<512xf32, #tpu.memory_space<vmem>>) dst(%dma_wait3A_418 : memref<512xf32, #tpu.memory_space<hbm>>)
      tpu.yield
    }) : () -> ()
    "tpu.region"() ({
      %run_scoped3A = tpu.sem_alloc : memref<!tpu.dma_semaphore, #tpu.memory_space<semaphore_mem>>
      %dma_start3A = arith.constant 0 : i32
      %dma_start3A_409 = tpu.memref_slice %arg7[%add3A, %dma_start3A] : memref<32x512xf32, #tpu.memory_space<hbm>> -> memref<1x512xf32, #tpu.memory_space<hbm>>
      %dma_start3A_410 = tpu.memref_squeeze %dma_start3A_409 : memref<1x512xf32, #tpu.memory_space<hbm>> -> memref<512xf32, #tpu.memory_space<hbm>>
      %dma_start3A_411 = arith.constant 0 : i32
      %dma_start3A_412 = tpu.memref_slice %arg7[%add3A, %dma_start3A_411] : memref<32x512xf32, #tpu.memory_space<hbm>> -> memref<1x512xf32, #tpu.memory_space<hbm>>
      %dma_start3A_413 = tpu.memref_squeeze %dma_start3A_412 : memref<1x512xf32, #tpu.memory_space<hbm>> -> memref<512xf32, #tpu.memory_space<hbm>>
      tpu.enqueue_dma source(%arg17 : memref<512xf32, #tpu.memory_space<vmem>>) target(%dma_start3A_413 : memref<512xf32, #tpu.memory_space<hbm>>) target_semaphore(%run_scoped3A : memref<!tpu.dma_semaphore, #tpu.memory_space<semaphore_mem>>)
      %dma_wait3A = arith.constant 0 : i32
      %dma_wait3A_414 = tpu.memref_slice %arg7[%add3A, %dma_wait3A] : memref<32x512xf32, #tpu.memory_space<hbm>> -> memref<1x512xf32, #tpu.memory_space<hbm>>
      %dma_wait3A_415 = tpu.memref_squeeze %dma_wait3A_414 : memref<1x512xf32, #tpu.memory_space<hbm>> -> memref<512xf32, #tpu.memory_space<hbm>>
      %dma_wait3A_416 = arith.constant 0 : i32
      %dma_wait3A_417 = tpu.memref_slice %arg7[%add3A, %dma_wait3A_416] : memref<32x512xf32, #tpu.memory_space<hbm>> -> memref<1x512xf32, #tpu.memory_space<hbm>>
      %dma_wait3A_418 = tpu.memref_squeeze %dma_wait3A_417 : memref<1x512xf32, #tpu.memory_space<hbm>> -> memref<512xf32, #tpu.memory_space<hbm>>
      tpu.wait_dma2 semaphore(%run_scoped3A : memref<!tpu.dma_semaphore, #tpu.memory_space<semaphore_mem>>) src(%arg17 : memref<512xf32, #tpu.memory_space<vmem>>) dst(%dma_wait3A_418 : memref<512xf32, #tpu.memory_space<hbm>>)
      tpu.yield
    }) : () -> ()
    "tpu.region"() ({
      %run_scoped3A = tpu.sem_alloc : memref<!tpu.dma_semaphore, #tpu.memory_space<semaphore_mem>>
      %dma_start3A = arith.constant 0 : i32
      %dma_start3A_409 = tpu.memref_slice %arg8[%add3A, %dma_start3A] : memref<32x128xf32, #tpu.memory_space<hbm>> -> memref<1x128xf32, #tpu.memory_space<hbm>>
      %dma_start3A_410 = tpu.memref_squeeze %dma_start3A_409 : memref<1x128xf32, #tpu.memory_space<hbm>> -> memref<128xf32, #tpu.memory_space<hbm>>
      %dma_start3A_411 = arith.constant 0 : i32
      %dma_start3A_412 = tpu.memref_slice %arg8[%add3A, %dma_start3A_411] : memref<32x128xf32, #tpu.memory_space<hbm>> -> memref<1x128xf32, #tpu.memory_space<hbm>>
      %dma_start3A_413 = tpu.memref_squeeze %dma_start3A_412 : memref<1x128xf32, #tpu.memory_space<hbm>> -> memref<128xf32, #tpu.memory_space<hbm>>
      tpu.enqueue_dma source(%arg19 : memref<128xf32, #tpu.memory_space<vmem>>) target(%dma_start3A_413 : memref<128xf32, #tpu.memory_space<hbm>>) target_semaphore(%run_scoped3A : memref<!tpu.dma_semaphore, #tpu.memory_space<semaphore_mem>>)
      %dma_wait3A = arith.constant 0 : i32
      %dma_wait3A_414 = tpu.memref_slice %arg8[%add3A, %dma_wait3A] : memref<32x128xf32, #tpu.memory_space<hbm>> -> memref<1x128xf32, #tpu.memory_space<hbm>>
      %dma_wait3A_415 = tpu.memref_squeeze %dma_wait3A_414 : memref<1x128xf32, #tpu.memory_space<hbm>> -> memref<128xf32, #tpu.memory_space<hbm>>
      %dma_wait3A_416 = arith.constant 0 : i32
      %dma_wait3A_417 = tpu.memref_slice %arg8[%add3A, %dma_wait3A_416] : memref<32x128xf32, #tpu.memory_space<hbm>> -> memref<1x128xf32, #tpu.memory_space<hbm>>
      %dma_wait3A_418 = tpu.memref_squeeze %dma_wait3A_417 : memref<1x128xf32, #tpu.memory_space<hbm>> -> memref<128xf32, #tpu.memory_space<hbm>>
      tpu.wait_dma2 semaphore(%run_scoped3A : memref<!tpu.dma_semaphore, #tpu.memory_space<semaphore_mem>>) src(%arg19 : memref<128xf32, #tpu.memory_space<vmem>>) dst(%dma_wait3A_418 : memref<128xf32, #tpu.memory_space<hbm>>)
      tpu.yield
    }) : () -> ()
    "tpu.region"() ({
      %run_scoped3A = tpu.sem_alloc : memref<!tpu.dma_semaphore, #tpu.memory_space<semaphore_mem>>
      %dma_start3A = arith.constant 0 : i32
      %dma_start3A_409 = tpu.memref_slice %arg9[%add3A, %dma_start3A] : memref<32x128xf32, #tpu.memory_space<hbm>> -> memref<1x128xf32, #tpu.memory_space<hbm>>
      %dma_start3A_410 = tpu.memref_squeeze %dma_start3A_409 : memref<1x128xf32, #tpu.memory_space<hbm>> -> memref<128xf32, #tpu.memory_space<hbm>>
      %dma_start3A_411 = arith.constant 0 : i32
      %dma_start3A_412 = tpu.memref_slice %arg9[%add3A, %dma_start3A_411] : memref<32x128xf32, #tpu.memory_space<hbm>> -> memref<1x128xf32, #tpu.memory_space<hbm>>
      %dma_start3A_413 = tpu.memref_squeeze %dma_start3A_412 : memref<1x128xf32, #tpu.memory_space<hbm>> -> memref<128xf32, #tpu.memory_space<hbm>>
      tpu.enqueue_dma source(%arg20 : memref<128xf32, #tpu.memory_space<vmem>>) target(%dma_start3A_413 : memref<128xf32, #tpu.memory_space<hbm>>) target_semaphore(%run_scoped3A : memref<!tpu.dma_semaphore, #tpu.memory_space<semaphore_mem>>)
      %dma_wait3A = arith.constant 0 : i32
      %dma_wait3A_414 = tpu.memref_slice %arg9[%add3A, %dma_wait3A] : memref<32x128xf32, #tpu.memory_space<hbm>> -> memref<1x128xf32, #tpu.memory_space<hbm>>
      %dma_wait3A_415 = tpu.memref_squeeze %dma_wait3A_414 : memref<1x128xf32, #tpu.memory_space<hbm>> -> memref<128xf32, #tpu.memory_space<hbm>>
      %dma_wait3A_416 = arith.constant 0 : i32
      %dma_wait3A_417 = tpu.memref_slice %arg9[%add3A, %dma_wait3A_416] : memref<32x128xf32, #tpu.memory_space<hbm>> -> memref<1x128xf32, #tpu.memory_space<hbm>>
      %dma_wait3A_418 = tpu.memref_squeeze %dma_wait3A_417 : memref<1x128xf32, #tpu.memory_space<hbm>> -> memref<128xf32, #tpu.memory_space<hbm>>
      tpu.wait_dma2 semaphore(%run_scoped3A : memref<!tpu.dma_semaphore, #tpu.memory_space<semaphore_mem>>) src(%arg20 : memref<128xf32, #tpu.memory_space<vmem>>) dst(%dma_wait3A_418 : memref<128xf32, #tpu.memory_space<hbm>>)
      tpu.yield
    }) : () -> ()
    "tpu.region"() ({
      %run_scoped3A = tpu.sem_alloc : memref<!tpu.dma_semaphore, #tpu.memory_space<semaphore_mem>>
      %dma_start3A = arith.constant 0 : i32
      %dma_start3A_409 = tpu.memref_slice %arg10[%add3A, %dma_start3A] : memref<32x128xf32, #tpu.memory_space<hbm>> -> memref<1x128xf32, #tpu.memory_space<hbm>>
      %dma_start3A_410 = tpu.memref_squeeze %dma_start3A_409 : memref<1x128xf32, #tpu.memory_space<hbm>> -> memref<128xf32, #tpu.memory_space<hbm>>
      %dma_start3A_411 = arith.constant 0 : i32
      %dma_start3A_412 = tpu.memref_slice %arg10[%add3A, %dma_start3A_411] : memref<32x128xf32, #tpu.memory_space<hbm>> -> memref<1x128xf32, #tpu.memory_space<hbm>>
      %dma_start3A_413 = tpu.memref_squeeze %dma_start3A_412 : memref<1x128xf32, #tpu.memory_space<hbm>> -> memref<128xf32, #tpu.memory_space<hbm>>
      tpu.enqueue_dma source(%arg21 : memref<128xf32, #tpu.memory_space<vmem>>) target(%dma_start3A_413 : memref<128xf32, #tpu.memory_space<hbm>>) target_semaphore(%run_scoped3A : memref<!tpu.dma_semaphore, #tpu.memory_space<semaphore_mem>>)
      %dma_wait3A = arith.constant 0 : i32
      %dma_wait3A_414 = tpu.memref_slice %arg10[%add3A, %dma_wait3A] : memref<32x128xf32, #tpu.memory_space<hbm>> -> memref<1x128xf32, #tpu.memory_space<hbm>>
      %dma_wait3A_415 = tpu.memref_squeeze %dma_wait3A_414 : memref<1x128xf32, #tpu.memory_space<hbm>> -> memref<128xf32, #tpu.memory_space<hbm>>
      %dma_wait3A_416 = arith.constant 0 : i32
      %dma_wait3A_417 = tpu.memref_slice %arg10[%add3A, %dma_wait3A_416] : memref<32x128xf32, #tpu.memory_space<hbm>> -> memref<1x128xf32, #tpu.memory_space<hbm>>
      %dma_wait3A_418 = tpu.memref_squeeze %dma_wait3A_417 : memref<1x128xf32, #tpu.memory_space<hbm>> -> memref<128xf32, #tpu.memory_space<hbm>>
      tpu.wait_dma2 semaphore(%run_scoped3A : memref<!tpu.dma_semaphore, #tpu.memory_space<semaphore_mem>>) src(%arg21 : memref<128xf32, #tpu.memory_space<vmem>>) dst(%dma_wait3A_418 : memref<128xf32, #tpu.memory_space<hbm>>)
      tpu.yield
    }) : () -> ()
    return
  }
}

module attributes {stable_mosaic.version = 14 : i64} {
  func.func @_sa_body(%arg0: i32, %arg1: i32, %arg2: memref<1x3x1024xf32, #tpu.memory_space<vmem>>, %arg3: memref<1x1024x8xf32, #tpu.memory_space<vmem>>, %arg4: memref<1x512x8xf32, #tpu.memory_space<vmem>>, %arg5: memref<1024x1024xf32, #tpu.memory_space<vmem>>, %arg6: memref<8x64xf32, #tpu.memory_space<vmem>>, %arg7: memref<8x64xf32, #tpu.memory_space<vmem>>, %arg8: memref<1x64xf32, #tpu.memory_space<vmem>>, %arg9: memref<64x64xf32, #tpu.memory_space<vmem>>, %arg10: memref<1x64xf32, #tpu.memory_space<vmem>>, %arg11: memref<64x128xf32, #tpu.memory_space<vmem>>, %arg12: memref<1x128xf32, #tpu.memory_space<vmem>>, %arg13: memref<1x512x128xf32, #tpu.memory_space<vmem>>) attributes {dimension_semantics = [#tpu.dimension_semantics<arbitrary>, #tpu.dimension_semantics<arbitrary>], iteration_bounds = array<i64: 32, 1>, scalar_prefetch = 0 : i64, scratch_operands = 0 : i64, tpu.core_type = #tpu.core_type<tc>, window_params = [{transform_indices = @transform_0, window_bounds = array<i64: 1, 3, 1024>}, {transform_indices = @transform_1, window_bounds = array<i64: 1, 1024, 8>}, {transform_indices = @transform_2, window_bounds = array<i64: 1, 512, 8>}, {pipeline_mode = #tpu.pipeline_mode<synchronous>, transform_indices = @transform_3, window_bounds = array<i64: 1024, 1024>}, {pipeline_mode = #tpu.pipeline_mode<synchronous>, transform_indices = @transform_4, window_bounds = array<i64: 8, 64>}, {pipeline_mode = #tpu.pipeline_mode<synchronous>, transform_indices = @transform_5, window_bounds = array<i64: 8, 64>}, {pipeline_mode = #tpu.pipeline_mode<synchronous>, transform_indices = @transform_6, window_bounds = array<i64: 1, 64>}, {pipeline_mode = #tpu.pipeline_mode<synchronous>, transform_indices = @transform_7, window_bounds = array<i64: 64, 64>}, {pipeline_mode = #tpu.pipeline_mode<synchronous>, transform_indices = @transform_8, window_bounds = array<i64: 1, 64>}, {pipeline_mode = #tpu.pipeline_mode<synchronous>, transform_indices = @transform_9, window_bounds = array<i64: 64, 128>}, {pipeline_mode = #tpu.pipeline_mode<synchronous>, transform_indices = @transform_10, window_bounds = array<i64: 1, 128>}, {transform_indices = @transform_11, window_bounds = array<i64: 1, 512, 128>}]} {
    %get3A = arith.constant 0 : index
    %get3A_0 = arith.constant 0 : index
    %get3A_1 = arith.constant 0 : index
    %get3A_2 = vector.load %arg2[%get3A, %get3A_0, %get3A_1] : memref<1x3x1024xf32, #tpu.memory_space<vmem>>, vector<1x1x1024xf32>
    %get3A_3 = vector.shape_cast %get3A_2 : vector<1x1x1024xf32> to vector<1x1024xf32>
    %get3A_4 = arith.constant 0 : index
    %get3A_5 = arith.constant 1 : index
    %get3A_6 = arith.constant 0 : index
    %get3A_7 = vector.load %arg2[%get3A_4, %get3A_5, %get3A_6] : memref<1x3x1024xf32, #tpu.memory_space<vmem>>, vector<1x1x1024xf32>
    %get3A_8 = vector.shape_cast %get3A_7 : vector<1x1x1024xf32> to vector<1x1024xf32>
    %get3A_9 = arith.constant 0 : index
    %get3A_10 = arith.constant 2 : index
    %get3A_11 = arith.constant 0 : index
    %get3A_12 = vector.load %arg2[%get3A_9, %get3A_10, %get3A_11] : memref<1x3x1024xf32, #tpu.memory_space<vmem>>, vector<1x1x1024xf32>
    %get3A_13 = vector.shape_cast %get3A_12 : vector<1x1x1024xf32> to vector<1x1024xf32>
    %get3A_14 = arith.constant 0 : index
    %get3A_15 = arith.constant 0 : index
    %get3A_16 = arith.constant 0 : index
    %get3A_17 = vector.load %arg4[%get3A_14, %get3A_15, %get3A_16] : memref<1x512x8xf32, #tpu.memory_space<vmem>>, vector<1x512x8xf32>
    %get3A_18 = vector.shape_cast %get3A_17 : vector<1x512x8xf32> to vector<512x8xf32>
    %slice3A = vector.extract_strided_slice %get3A_18 {offsets = [0, 0], sizes = [512, 1], strides = [1, 1]} : vector<512x8xf32> to vector<512x1xf32>
    %slice3A_19 = vector.extract_strided_slice %get3A_18 {offsets = [0, 1], sizes = [512, 1], strides = [1, 1]} : vector<512x8xf32> to vector<512x1xf32>
    %slice3A_20 = vector.extract_strided_slice %get3A_18 {offsets = [0, 2], sizes = [512, 1], strides = [1, 1]} : vector<512x8xf32> to vector<512x1xf32>
    %sub3A = vector.broadcast %slice3A : vector<512x1xf32> to vector<512x1024xf32>
    %sub3A_21 = vector.broadcast %get3A_3 : vector<1x1024xf32> to vector<512x1024xf32>
    %sub3A_22 = arith.subf %sub3A, %sub3A_21 : vector<512x1024xf32>
    %integer_pow3A = arith.mulf %sub3A_22, %sub3A_22 : vector<512x1024xf32>
    %sub3A_23 = vector.broadcast %slice3A_19 : vector<512x1xf32> to vector<512x1024xf32>
    %sub3A_24 = vector.broadcast %get3A_8 : vector<1x1024xf32> to vector<512x1024xf32>
    %sub3A_25 = arith.subf %sub3A_23, %sub3A_24 : vector<512x1024xf32>
    %integer_pow3A_26 = arith.mulf %sub3A_25, %sub3A_25 : vector<512x1024xf32>
    %add3A = arith.addf %integer_pow3A, %integer_pow3A_26 : vector<512x1024xf32>
    %sub3A_27 = vector.broadcast %slice3A_20 : vector<512x1xf32> to vector<512x1024xf32>
    %sub3A_28 = vector.broadcast %get3A_13 : vector<1x1024xf32> to vector<512x1024xf32>
    %sub3A_29 = arith.subf %sub3A_27, %sub3A_28 : vector<512x1024xf32>
    %integer_pow3A_30 = arith.mulf %sub3A_29, %sub3A_29 : vector<512x1024xf32>
    %add3A_31 = arith.addf %add3A, %integer_pow3A_30 : vector<512x1024xf32>
    %le3A = arith.constant 4.000000e-02 : f32
    %le3A_32 = vector.broadcast %le3A : f32 to vector<512x1024xf32>
    %le3A_33 = arith.cmpf ole, %add3A_31, %le3A_32 : vector<512x1024xf32>
    %jit3A = arith.constant 1.000000e+00 : f32
    %jit3A_34 = arith.constant 0.000000e+00 : f32
    %broadcast_in_dim3A = vector.broadcast %jit3A : f32 to vector<512x1024xf32>
    %broadcast_in_dim3A_35 = vector.broadcast %jit3A_34 : f32 to vector<512x1024xf32>
    %select_n3A = arith.select %le3A_33, %broadcast_in_dim3A, %broadcast_in_dim3A_35 : vector<512x1024xi1>, vector<512x1024xf32>
    %get3A_36 = arith.constant 0 : index
    %get3A_37 = arith.constant 0 : index
    %get3A_38 = vector.load %arg5[%get3A_36, %get3A_37] : memref<1024x1024xf32, #tpu.memory_space<vmem>>, vector<1024x1024xf32>
    %dot_general3A = arith.constant dense<0.000000e+00> : vector<512x1024xf32>
    %dot_general3A_39 = tpu.matmul %select_n3A, %get3A_38, %dot_general3A {dimension_numbers = #tpu.dot_dimension_numbers<[1], [0], [0], [1], [0, 0, 1, 1], [], []>, transpose_lhs_hint = false} : vector<512x1024xf32>, vector<1024x1024xf32>, vector<512x1024xf32> -> vector<512x1024xf32>
    %mul3A = arith.mulf %dot_general3A_39, %select_n3A : vector<512x1024xf32>
    %slice3A_40 = vector.extract_strided_slice %dot_general3A_39 {offsets = [0, 1023], sizes = [512, 1], strides = [1, 1]} : vector<512x1024xf32> to vector<512x1xf32>
    %get3A_41 = arith.constant 0 : index
    %get3A_42 = arith.constant 0 : index
    %get3A_43 = arith.constant 0 : index
    %get3A_44 = vector.load %arg3[%get3A_41, %get3A_42, %get3A_43] : memref<1x1024x8xf32, #tpu.memory_space<vmem>>, vector<1x1024x8xf32>
    %get3A_45 = vector.shape_cast %get3A_44 : vector<1x1024x8xf32> to vector<1024x8xf32>
    %get3A_46 = arith.constant 0 : index
    %get3A_47 = arith.constant 0 : index
    %get3A_48 = vector.load %arg6[%get3A_46, %get3A_47] : memref<8x64xf32, #tpu.memory_space<vmem>>, vector<8x64xf32>
    %dot_general3A_49 = arith.constant dense<0.000000e+00> : vector<1024x64xf32>
    %dot_general3A_50 = tpu.matmul %get3A_45, %get3A_48, %dot_general3A_49 {dimension_numbers = #tpu.dot_dimension_numbers<[1], [0], [0], [1], [0, 0, 1, 1], [], []>, transpose_lhs_hint = false} : vector<1024x8xf32>, vector<8x64xf32>, vector<1024x64xf32> -> vector<1024x64xf32>
    %iota3A = tpu.iota {dimensions = array<i32: 1>} : vector<1x32x1xi32>
    %convert_element_type3A = arith.sitofp %iota3A : vector<1x32x1xi32> to vector<1x32x1xf32>
    %add3A_51 = arith.constant 1.000000e+00 : f32
    %add3A_52 = vector.broadcast %add3A_51 : f32 to vector<1x32x1xf32>
    %add3A_53 = arith.addf %convert_element_type3A, %add3A_52 : vector<1x32x1xf32>
    %broadcast_in_dim3A_54 = vector.shape_cast %mul3A : vector<512x1024xf32> to vector<512x1x1024xf32>
    %eq3A = vector.broadcast %broadcast_in_dim3A_54 : vector<512x1x1024xf32> to vector<512x32x1024xf32>
    %eq3A_55 = vector.broadcast %add3A_53 : vector<1x32x1xf32> to vector<512x32x1024xf32>
    %eq3A_56 = arith.cmpf oeq, %eq3A, %eq3A_55 : vector<512x32x1024xf32>
    %jit3A_57 = arith.constant 1.000000e+00 : f32
    %jit3A_58 = arith.constant 0.000000e+00 : f32
    %broadcast_in_dim3A_59 = vector.broadcast %jit3A_57 : f32 to vector<512x32x1024xf32>
    %broadcast_in_dim3A_60 = vector.broadcast %jit3A_58 : f32 to vector<512x32x1024xf32>
    %select_n3A_61 = arith.select %eq3A_56, %broadcast_in_dim3A_59, %broadcast_in_dim3A_60 : vector<512x32x1024xi1>, vector<512x32x1024xf32>
    %reshape3A = vector.shape_cast %select_n3A_61 : vector<512x32x1024xf32> to vector<16384x1024xf32>
    %dot_general3A_62 = arith.constant dense<0.000000e+00> : vector<16384x64xf32>
    %dot_general3A_63 = tpu.matmul %reshape3A, %dot_general3A_50, %dot_general3A_62 {dimension_numbers = #tpu.dot_dimension_numbers<[1], [0], [0], [1], [0, 0, 1, 1], [], []>, transpose_lhs_hint = false} : vector<16384x1024xf32>, vector<1024x64xf32>, vector<16384x64xf32> -> vector<16384x64xf32>
    %reshape3A_64 = vector.shape_cast %dot_general3A_63 : vector<16384x64xf32> to vector<512x32x64xf32>
    %iota3A_65 = tpu.iota {dimensions = array<i32: 1>} : vector<512x32x1xi32>
    %convert_element_type3A_66 = arith.sitofp %iota3A_65 : vector<512x32x1xi32> to vector<512x32x1xf32>
    %broadcast_in_dim3A_67 = vector.shape_cast %slice3A_40 : vector<512x1xf32> to vector<512x1x1xf32>
    %lt3A = vector.broadcast %broadcast_in_dim3A_67 : vector<512x1x1xf32> to vector<512x32x1xf32>
    %lt3A_68 = arith.cmpf olt, %convert_element_type3A_66, %lt3A : vector<512x32x1xf32>
    %slice3A_69 = vector.extract_strided_slice %reshape3A_64 {offsets = [0, 0, 0], sizes = [512, 1, 64], strides = [1, 1, 1]} : vector<512x32x64xf32> to vector<512x1x64xf32>
    %broadcast_in_dim3A_70 = vector.shape_cast %lt3A_68 : vector<512x32x1xi1> to vector<512x32x1xi1>
    %broadcast_in_dim3A_71 = vector.broadcast %broadcast_in_dim3A_70 : vector<512x32x1xi1> to vector<512x32x64xi1>
    %broadcast_in_dim3A_72 = vector.shape_cast %slice3A_69 : vector<512x1x64xf32> to vector<512x1x64xf32>
    %broadcast_in_dim3A_73 = vector.broadcast %broadcast_in_dim3A_72 : vector<512x1x64xf32> to vector<512x32x64xf32>
    %select_n3A_74 = arith.select %broadcast_in_dim3A_71, %reshape3A_64, %broadcast_in_dim3A_73 : vector<512x32x64xi1>, vector<512x32x64xf32>
    %get3A_75 = arith.constant 0 : index
    %get3A_76 = arith.constant 0 : index
    %get3A_77 = vector.load %arg7[%get3A_75, %get3A_76] : memref<8x64xf32, #tpu.memory_space<vmem>>, vector<8x64xf32>
    %dot_general3A_78 = arith.constant dense<0.000000e+00> : vector<512x64xf32>
    %dot_general3A_79 = tpu.matmul %get3A_18, %get3A_77, %dot_general3A_78 {dimension_numbers = #tpu.dot_dimension_numbers<[1], [0], [0], [1], [0, 0, 1, 1], [], []>, transpose_lhs_hint = false} : vector<512x8xf32>, vector<8x64xf32>, vector<512x64xf32> -> vector<512x64xf32>
    %broadcast_in_dim3A_80 = vector.shape_cast %dot_general3A_79 : vector<512x64xf32> to vector<512x1x64xf32>
    %sub3A_81 = vector.broadcast %broadcast_in_dim3A_80 : vector<512x1x64xf32> to vector<512x32x64xf32>
    %sub3A_82 = arith.subf %select_n3A_74, %sub3A_81 : vector<512x32x64xf32>
    %get3A_83 = arith.constant 0 : index
    %get3A_84 = arith.constant 0 : index
    %get3A_85 = vector.load %arg8[%get3A_83, %get3A_84] : memref<1x64xf32, #tpu.memory_space<vmem>>, vector<1x64xf32>
    %broadcast_in_dim3A_86 = vector.shape_cast %get3A_85 : vector<1x64xf32> to vector<1x1x64xf32>
    %add3A_87 = vector.broadcast %broadcast_in_dim3A_86 : vector<1x1x64xf32> to vector<512x32x64xf32>
    %add3A_88 = arith.addf %sub3A_82, %add3A_87 : vector<512x32x64xf32>
    %max3A = arith.constant 0.000000e+00 : f32
    %max3A_89 = vector.broadcast %max3A : f32 to vector<512x32x64xf32>
    %max3A_90 = arith.maximumf %add3A_88, %max3A_89 : vector<512x32x64xf32>
    %mul3A_91 = arith.constant 0.999994993 : f32
    %mul3A_92 = vector.broadcast %mul3A_91 : f32 to vector<512x32x64xf32>
    %mul3A_93 = arith.mulf %max3A_90, %mul3A_92 : vector<512x32x64xf32>
    %reshape3A_94 = vector.shape_cast %mul3A_93 : vector<512x32x64xf32> to vector<16384x64xf32>
    %get3A_95 = arith.constant 0 : index
    %get3A_96 = arith.constant 0 : index
    %get3A_97 = vector.load %arg9[%get3A_95, %get3A_96] : memref<64x64xf32, #tpu.memory_space<vmem>>, vector<64x64xf32>
    %dot_general3A_98 = arith.constant dense<0.000000e+00> : vector<16384x64xf32>
    %dot_general3A_99 = tpu.matmul %reshape3A_94, %get3A_97, %dot_general3A_98 {dimension_numbers = #tpu.dot_dimension_numbers<[1], [0], [0], [1], [0, 0, 1, 1], [], []>, transpose_lhs_hint = false} : vector<16384x64xf32>, vector<64x64xf32>, vector<16384x64xf32> -> vector<16384x64xf32>
    %get3A_100 = arith.constant 0 : index
    %get3A_101 = arith.constant 0 : index
    %get3A_102 = vector.load %arg10[%get3A_100, %get3A_101] : memref<1x64xf32, #tpu.memory_space<vmem>>, vector<1x64xf32>
    %add3A_103 = vector.broadcast %get3A_102 : vector<1x64xf32> to vector<16384x64xf32>
    %add3A_104 = arith.addf %dot_general3A_99, %add3A_103 : vector<16384x64xf32>
    %max3A_105 = arith.constant 0.000000e+00 : f32
    %max3A_106 = vector.broadcast %max3A_105 : f32 to vector<16384x64xf32>
    %max3A_107 = arith.maximumf %add3A_104, %max3A_106 : vector<16384x64xf32>
    %mul3A_108 = arith.constant 0.999994993 : f32
    %mul3A_109 = vector.broadcast %mul3A_108 : f32 to vector<16384x64xf32>
    %mul3A_110 = arith.mulf %max3A_107, %mul3A_109 : vector<16384x64xf32>
    %get3A_111 = arith.constant 0 : index
    %get3A_112 = arith.constant 0 : index
    %get3A_113 = vector.load %arg11[%get3A_111, %get3A_112] : memref<64x128xf32, #tpu.memory_space<vmem>>, vector<64x128xf32>
    %dot_general3A_114 = arith.constant dense<0.000000e+00> : vector<16384x128xf32>
    %dot_general3A_115 = tpu.matmul %mul3A_110, %get3A_113, %dot_general3A_114 {dimension_numbers = #tpu.dot_dimension_numbers<[1], [0], [0], [1], [0, 0, 1, 1], [], []>, transpose_lhs_hint = false} : vector<16384x64xf32>, vector<64x128xf32>, vector<16384x128xf32> -> vector<16384x128xf32>
    %get3A_116 = arith.constant 0 : index
    %get3A_117 = arith.constant 0 : index
    %get3A_118 = vector.load %arg12[%get3A_116, %get3A_117] : memref<1x128xf32, #tpu.memory_space<vmem>>, vector<1x128xf32>
    %add3A_119 = vector.broadcast %get3A_118 : vector<1x128xf32> to vector<16384x128xf32>
    %add3A_120 = arith.addf %dot_general3A_115, %add3A_119 : vector<16384x128xf32>
    %max3A_121 = arith.constant 0.000000e+00 : f32
    %max3A_122 = vector.broadcast %max3A_121 : f32 to vector<16384x128xf32>
    %max3A_123 = arith.maximumf %add3A_120, %max3A_122 : vector<16384x128xf32>
    %mul3A_124 = arith.constant 0.999994993 : f32
    %mul3A_125 = vector.broadcast %mul3A_124 : f32 to vector<16384x128xf32>
    %mul3A_126 = arith.mulf %max3A_123, %mul3A_125 : vector<16384x128xf32>
    %reshape3A_127 = vector.shape_cast %mul3A_126 : vector<16384x128xf32> to vector<512x32x128xf32>
    %reduce_max3A = arith.constant dense<0xFF800000> : vector<512x128xf32>
    %reduce_max3A_128 = vector.multi_reduction <maximumf>, %reshape3A_127, %reduce_max3A [1] : vector<512x32x128xf32> to vector<512x128xf32>
    %swap3A = arith.constant 0 : index
    %swap3A_129 = arith.constant 0 : index
    %swap3A_130 = arith.constant 0 : index
    %swap3A_131 = vector.load %arg13[%swap3A, %swap3A_129, %swap3A_130] : memref<1x512x128xf32, #tpu.memory_space<vmem>>, vector<1x512x128xf32>
    %swap3A_132 = vector.shape_cast %swap3A_131 : vector<1x512x128xf32> to vector<512x128xf32>
    %swap3A_133 = vector.shape_cast %reduce_max3A_128 : vector<512x128xf32> to vector<1x512x128xf32>
    tpu.vector_store %arg13[%swap3A, %swap3A_129, %swap3A_130], %swap3A_133 {strides = array<i32>} : memref<1x512x128xf32, #tpu.memory_space<vmem>>, vector<1x512x128xf32>,
    return
  }
  func.func @transform_0(%arg0: i32, %arg1: i32) -> (i32, i32, i32) {
    %c0_i32 = arith.constant 0 : i32
    %c0_i32_0 = arith.constant 0 : i32
    %c0_i32_1 = arith.constant 0 : i32
    return %arg0, %c0_i32, %c0_i32_0 : i32, i32, i32
  }
  func.func @transform_1(%arg0: i32, %arg1: i32) -> (i32, i32, i32) {
    %c0_i32 = arith.constant 0 : i32
    %c0_i32_0 = arith.constant 0 : i32
    %c0_i32_1 = arith.constant 0 : i32
    return %arg0, %c0_i32, %c0_i32_0 : i32, i32, i32
  }
  func.func @transform_2(%arg0: i32, %arg1: i32) -> (i32, i32, i32) {
    %c0_i32 = arith.constant 0 : i32
    %c0_i32_0 = arith.constant 0 : i32
    return %arg0, %arg1, %c0_i32 : i32, i32, i32
  }
  func.func @transform_3(%arg0: i32, %arg1: i32) -> (i32, i32) {
    %c0_i32 = arith.constant 0 : i32
    %c0_i32_0 = arith.constant 0 : i32
    %c0_i32_1 = arith.constant 0 : i32
    return %c0_i32, %c0_i32_0 : i32, i32
  }
  func.func @transform_4(%arg0: i32, %arg1: i32) -> (i32, i32) {
    %c0_i32 = arith.constant 0 : i32
    %c0_i32_0 = arith.constant 0 : i32
    %c0_i32_1 = arith.constant 0 : i32
    return %c0_i32, %c0_i32_0 : i32, i32
  }
  func.func @transform_5(%arg0: i32, %arg1: i32) -> (i32, i32) {
    %c0_i32 = arith.constant 0 : i32
    %c0_i32_0 = arith.constant 0 : i32
    %c0_i32_1 = arith.constant 0 : i32
    return %c0_i32, %c0_i32_0 : i32, i32
  }
  func.func @transform_6(%arg0: i32, %arg1: i32) -> (i32, i32) {
    %c0_i32 = arith.constant 0 : i32
    %c0_i32_0 = arith.constant 0 : i32
    %c0_i32_1 = arith.constant 0 : i32
    return %c0_i32, %c0_i32_0 : i32, i32
  }
  func.func @transform_7(%arg0: i32, %arg1: i32) -> (i32, i32) {
    %c0_i32 = arith.constant 0 : i32
    %c0_i32_0 = arith.constant 0 : i32
    %c0_i32_1 = arith.constant 0 : i32
    return %c0_i32, %c0_i32_0 : i32, i32
  }
  func.func @transform_8(%arg0: i32, %arg1: i32) -> (i32, i32) {
    %c0_i32 = arith.constant 0 : i32
    %c0_i32_0 = arith.constant 0 : i32
    %c0_i32_1 = arith.constant 0 : i32
    return %c0_i32, %c0_i32_0 : i32, i32
  }
  func.func @transform_9(%arg0: i32, %arg1: i32) -> (i32, i32) {
    %c0_i32 = arith.constant 0 : i32
    %c0_i32_0 = arith.constant 0 : i32
    %c0_i32_1 = arith.constant 0 : i32
    return %c0_i32, %c0_i32_0 : i32, i32
  }
  func.func @transform_10(%arg0: i32, %arg1: i32) -> (i32, i32) {
    %c0_i32 = arith.constant 0 : i32
    %c0_i32_0 = arith.constant 0 : i32
    %c0_i32_1 = arith.constant 0 : i32
    return %c0_i32, %c0_i32_0 : i32, i32
  }
  func.func @transform_11(%arg0: i32, %arg1: i32) -> (i32, i32, i32) {
    %c0_i32 = arith.constant 0 : i32
    %c0_i32_0 = arith.constant 0 : i32
    return %arg0, %arg1, %c0_i32 : i32, i32, i32
  }
}

module attributes {stable_mosaic.version = 14 : i64} {
  func.func @_sa_body(%arg0: i32, %arg1: i32, %arg2: memref<1x3x512xf32, #tpu.memory_space<vmem>>, %arg3: memref<1x512x136xf32, #tpu.memory_space<vmem>>, %arg4: memref<1x128x8xf32, #tpu.memory_space<vmem>>, %arg5: memref<512x512xf32, #tpu.memory_space<vmem>>, %arg6: memref<136x128xf32, #tpu.memory_space<vmem>>, %arg7: memref<8x128xf32, #tpu.memory_space<vmem>>, %arg8: memref<1x128xf32, #tpu.memory_space<vmem>>, %arg9: memref<128x128xf32, #tpu.memory_space<vmem>>, %arg10: memref<1x128xf32, #tpu.memory_space<vmem>>, %arg11: memref<128x256xf32, #tpu.memory_space<vmem>>, %arg12: memref<1x256xf32, #tpu.memory_space<vmem>>, %arg13: memref<1x128x256xf32, #tpu.memory_space<vmem>>) attributes {dimension_semantics = [#tpu.dimension_semantics<arbitrary>, #tpu.dimension_semantics<arbitrary>], iteration_bounds = array<i64: 32, 1>, scalar_prefetch = 0 : i64, scratch_operands = 0 : i64, tpu.core_type = #tpu.core_type<tc>, window_params = [{transform_indices = @transform_0, window_bounds = array<i64: 1, 3, 512>}, {transform_indices = @transform_1, window_bounds = array<i64: 1, 512, 136>}, {transform_indices = @transform_2, window_bounds = array<i64: 1, 128, 8>}, {pipeline_mode = #tpu.pipeline_mode<synchronous>, transform_indices = @transform_3, window_bounds = array<i64: 512, 512>}, {pipeline_mode = #tpu.pipeline_mode<synchronous>, transform_indices = @transform_4, window_bounds = array<i64: 136, 128>}, {pipeline_mode = #tpu.pipeline_mode<synchronous>, transform_indices = @transform_5, window_bounds = array<i64: 8, 128>}, {pipeline_mode = #tpu.pipeline_mode<synchronous>, transform_indices = @transform_6, window_bounds = array<i64: 1, 128>}, {pipeline_mode = #tpu.pipeline_mode<synchronous>, transform_indices = @transform_7, window_bounds = array<i64: 128, 128>}, {pipeline_mode = #tpu.pipeline_mode<synchronous>, transform_indices = @transform_8, window_bounds = array<i64: 1, 128>}, {pipeline_mode = #tpu.pipeline_mode<synchronous>, transform_indices = @transform_9, window_bounds = array<i64: 128, 256>}, {pipeline_mode = #tpu.pipeline_mode<synchronous>, transform_indices = @transform_10, window_bounds = array<i64: 1, 256>}, {transform_indices = @transform_11, window_bounds = array<i64: 1, 128, 256>}]} {
    %get3A = arith.constant 0 : index
    %get3A_0 = arith.constant 0 : index
    %get3A_1 = arith.constant 0 : index
    %get3A_2 = vector.load %arg2[%get3A, %get3A_0, %get3A_1] : memref<1x3x512xf32, #tpu.memory_space<vmem>>, vector<1x1x512xf32>
    %get3A_3 = vector.shape_cast %get3A_2 : vector<1x1x512xf32> to vector<1x512xf32>
    %get3A_4 = arith.constant 0 : index
    %get3A_5 = arith.constant 1 : index
    %get3A_6 = arith.constant 0 : index
    %get3A_7 = vector.load %arg2[%get3A_4, %get3A_5, %get3A_6] : memref<1x3x512xf32, #tpu.memory_space<vmem>>, vector<1x1x512xf32>
    %get3A_8 = vector.shape_cast %get3A_7 : vector<1x1x512xf32> to vector<1x512xf32>
    %get3A_9 = arith.constant 0 : index
    %get3A_10 = arith.constant 2 : index
    %get3A_11 = arith.constant 0 : index
    %get3A_12 = vector.load %arg2[%get3A_9, %get3A_10, %get3A_11] : memref<1x3x512xf32, #tpu.memory_space<vmem>>, vector<1x1x512xf32>
    %get3A_13 = vector.shape_cast %get3A_12 : vector<1x1x512xf32> to vector<1x512xf32>
    %get3A_14 = arith.constant 0 : index
    %get3A_15 = arith.constant 0 : index
    %get3A_16 = arith.constant 0 : index
    %get3A_17 = vector.load %arg4[%get3A_14, %get3A_15, %get3A_16] : memref<1x128x8xf32, #tpu.memory_space<vmem>>, vector<1x128x8xf32>
    %get3A_18 = vector.shape_cast %get3A_17 : vector<1x128x8xf32> to vector<128x8xf32>
    %slice3A = vector.extract_strided_slice %get3A_18 {offsets = [0, 0], sizes = [128, 1], strides = [1, 1]} : vector<128x8xf32> to vector<128x1xf32>
    %slice3A_19 = vector.extract_strided_slice %get3A_18 {offsets = [0, 1], sizes = [128, 1], strides = [1, 1]} : vector<128x8xf32> to vector<128x1xf32>
    %slice3A_20 = vector.extract_strided_slice %get3A_18 {offsets = [0, 2], sizes = [128, 1], strides = [1, 1]} : vector<128x8xf32> to vector<128x1xf32>
    %sub3A = vector.broadcast %slice3A : vector<128x1xf32> to vector<128x512xf32>
    %sub3A_21 = vector.broadcast %get3A_3 : vector<1x512xf32> to vector<128x512xf32>
    %sub3A_22 = arith.subf %sub3A, %sub3A_21 : vector<128x512xf32>
    %integer_pow3A = arith.mulf %sub3A_22, %sub3A_22 : vector<128x512xf32>
    %sub3A_23 = vector.broadcast %slice3A_19 : vector<128x1xf32> to vector<128x512xf32>
    %sub3A_24 = vector.broadcast %get3A_8 : vector<1x512xf32> to vector<128x512xf32>
    %sub3A_25 = arith.subf %sub3A_23, %sub3A_24 : vector<128x512xf32>
    %integer_pow3A_26 = arith.mulf %sub3A_25, %sub3A_25 : vector<128x512xf32>
    %add3A = arith.addf %integer_pow3A, %integer_pow3A_26 : vector<128x512xf32>
    %sub3A_27 = vector.broadcast %slice3A_20 : vector<128x1xf32> to vector<128x512xf32>
    %sub3A_28 = vector.broadcast %get3A_13 : vector<1x512xf32> to vector<128x512xf32>
    %sub3A_29 = arith.subf %sub3A_27, %sub3A_28 : vector<128x512xf32>
    %integer_pow3A_30 = arith.mulf %sub3A_29, %sub3A_29 : vector<128x512xf32>
    %add3A_31 = arith.addf %add3A, %integer_pow3A_30 : vector<128x512xf32>
    %le3A = arith.constant 1.600000e-01 : f32
    %le3A_32 = vector.broadcast %le3A : f32 to vector<128x512xf32>
    %le3A_33 = arith.cmpf ole, %add3A_31, %le3A_32 : vector<128x512xf32>
    %jit3A = arith.constant 1.000000e+00 : f32
    %jit3A_34 = arith.constant 0.000000e+00 : f32
    %broadcast_in_dim3A = vector.broadcast %jit3A : f32 to vector<128x512xf32>
    %broadcast_in_dim3A_35 = vector.broadcast %jit3A_34 : f32 to vector<128x512xf32>
    %select_n3A = arith.select %le3A_33, %broadcast_in_dim3A, %broadcast_in_dim3A_35 : vector<128x512xi1>, vector<128x512xf32>
    %get3A_36 = arith.constant 0 : index
    %get3A_37 = arith.constant 0 : index
    %get3A_38 = vector.load %arg5[%get3A_36, %get3A_37] : memref<512x512xf32, #tpu.memory_space<vmem>>, vector<512x512xf32>
    %dot_general3A = arith.constant dense<0.000000e+00> : vector<128x512xf32>
    %dot_general3A_39 = tpu.matmul %select_n3A, %get3A_38, %dot_general3A {dimension_numbers = #tpu.dot_dimension_numbers<[1], [0], [0], [1], [0, 0, 1, 1], [], []>, transpose_lhs_hint = false} : vector<128x512xf32>, vector<512x512xf32>, vector<128x512xf32> -> vector<128x512xf32>
    %mul3A = arith.mulf %dot_general3A_39, %select_n3A : vector<128x512xf32>
    %slice3A_40 = vector.extract_strided_slice %dot_general3A_39 {offsets = [0, 511], sizes = [128, 1], strides = [1, 1]} : vector<128x512xf32> to vector<128x1xf32>
    %get3A_41 = arith.constant 0 : index
    %get3A_42 = arith.constant 0 : index
    %get3A_43 = arith.constant 0 : index
    %get3A_44 = vector.load %arg3[%get3A_41, %get3A_42, %get3A_43] : memref<1x512x136xf32, #tpu.memory_space<vmem>>, vector<1x512x136xf32>
    %get3A_45 = vector.shape_cast %get3A_44 : vector<1x512x136xf32> to vector<512x136xf32>
    %get3A_46 = arith.constant 0 : index
    %get3A_47 = arith.constant 0 : index
    %get3A_48 = vector.load %arg6[%get3A_46, %get3A_47] : memref<136x128xf32, #tpu.memory_space<vmem>>, vector<136x128xf32>
    %dot_general3A_49 = arith.constant dense<0.000000e+00> : vector<512x128xf32>
    %dot_general3A_50 = tpu.matmul %get3A_45, %get3A_48, %dot_general3A_49 {dimension_numbers = #tpu.dot_dimension_numbers<[1], [0], [0], [1], [0, 0, 1, 1], [], []>, transpose_lhs_hint = false} : vector<512x136xf32>, vector<136x128xf32>, vector<512x128xf32> -> vector<512x128xf32>
    %iota3A = tpu.iota {dimensions = array<i32: 1>} : vector<1x64x1xi32>
    %convert_element_type3A = arith.sitofp %iota3A : vector<1x64x1xi32> to vector<1x64x1xf32>
    %add3A_51 = arith.constant 1.000000e+00 : f32
    %add3A_52 = vector.broadcast %add3A_51 : f32 to vector<1x64x1xf32>
    %add3A_53 = arith.addf %convert_element_type3A, %add3A_52 : vector<1x64x1xf32>
    %broadcast_in_dim3A_54 = vector.shape_cast %mul3A : vector<128x512xf32> to vector<128x1x512xf32>
    %eq3A = vector.broadcast %broadcast_in_dim3A_54 : vector<128x1x512xf32> to vector<128x64x512xf32>
    %eq3A_55 = vector.broadcast %add3A_53 : vector<1x64x1xf32> to vector<128x64x512xf32>
    %eq3A_56 = arith.cmpf oeq, %eq3A, %eq3A_55 : vector<128x64x512xf32>
    %jit3A_57 = arith.constant 1.000000e+00 : f32
    %jit3A_58 = arith.constant 0.000000e+00 : f32
    %broadcast_in_dim3A_59 = vector.broadcast %jit3A_57 : f32 to vector<128x64x512xf32>
    %broadcast_in_dim3A_60 = vector.broadcast %jit3A_58 : f32 to vector<128x64x512xf32>
    %select_n3A_61 = arith.select %eq3A_56, %broadcast_in_dim3A_59, %broadcast_in_dim3A_60 : vector<128x64x512xi1>, vector<128x64x512xf32>
    %reshape3A = vector.shape_cast %select_n3A_61 : vector<128x64x512xf32> to vector<8192x512xf32>
    %dot_general3A_62 = arith.constant dense<0.000000e+00> : vector<8192x128xf32>
    %dot_general3A_63 = tpu.matmul %reshape3A, %dot_general3A_50, %dot_general3A_62 {dimension_numbers = #tpu.dot_dimension_numbers<[1], [0], [0], [1], [0, 0, 1, 1], [], []>, transpose_lhs_hint = false} : vector<8192x512xf32>, vector<512x128xf32>, vector<8192x128xf32> -> vector<8192x128xf32>
    %reshape3A_64 = vector.shape_cast %dot_general3A_63 : vector<8192x128xf32> to vector<128x64x128xf32>
    %iota3A_65 = tpu.iota {dimensions = array<i32: 1>} : vector<128x64x1xi32>
    %convert_element_type3A_66 = arith.sitofp %iota3A_65 : vector<128x64x1xi32> to vector<128x64x1xf32>
    %broadcast_in_dim3A_67 = vector.shape_cast %slice3A_40 : vector<128x1xf32> to vector<128x1x1xf32>
    %lt3A = vector.broadcast %broadcast_in_dim3A_67 : vector<128x1x1xf32> to vector<128x64x1xf32>
    %lt3A_68 = arith.cmpf olt, %convert_element_type3A_66, %lt3A : vector<128x64x1xf32>
    %slice3A_69 = vector.extract_strided_slice %reshape3A_64 {offsets = [0, 0, 0], sizes = [128, 1, 128], strides = [1, 1, 1]} : vector<128x64x128xf32> to vector<128x1x128xf32>
    %broadcast_in_dim3A_70 = vector.shape_cast %lt3A_68 : vector<128x64x1xi1> to vector<128x64x1xi1>
    %broadcast_in_dim3A_71 = vector.broadcast %broadcast_in_dim3A_70 : vector<128x64x1xi1> to vector<128x64x128xi1>
    %broadcast_in_dim3A_72 = vector.shape_cast %slice3A_69 : vector<128x1x128xf32> to vector<128x1x128xf32>
    %broadcast_in_dim3A_73 = vector.broadcast %broadcast_in_dim3A_72 : vector<128x1x128xf32> to vector<128x64x128xf32>
    %select_n3A_74 = arith.select %broadcast_in_dim3A_71, %reshape3A_64, %broadcast_in_dim3A_73 : vector<128x64x128xi1>, vector<128x64x128xf32>
    %get3A_75 = arith.constant 0 : index
    %get3A_76 = arith.constant 0 : index
    %get3A_77 = vector.load %arg7[%get3A_75, %get3A_76] : memref<8x128xf32, #tpu.memory_space<vmem>>, vector<8x128xf32>
    %dot_general3A_78 = arith.constant dense<0.000000e+00> : vector<128x128xf32>
    %dot_general3A_79 = tpu.matmul %get3A_18, %get3A_77, %dot_general3A_78 {dimension_numbers = #tpu.dot_dimension_numbers<[1], [0], [0], [1], [0, 0, 1, 1], [], []>, transpose_lhs_hint = false} : vector<128x8xf32>, vector<8x128xf32>, vector<128x128xf32> -> vector<128x128xf32>
    %broadcast_in_dim3A_80 = vector.shape_cast %dot_general3A_79 : vector<128x128xf32> to vector<128x1x128xf32>
    %sub3A_81 = vector.broadcast %broadcast_in_dim3A_80 : vector<128x1x128xf32> to vector<128x64x128xf32>
    %sub3A_82 = arith.subf %select_n3A_74, %sub3A_81 : vector<128x64x128xf32>
    %get3A_83 = arith.constant 0 : index
    %get3A_84 = arith.constant 0 : index
    %get3A_85 = vector.load %arg8[%get3A_83, %get3A_84] : memref<1x128xf32, #tpu.memory_space<vmem>>, vector<1x128xf32>
    %broadcast_in_dim3A_86 = vector.shape_cast %get3A_85 : vector<1x128xf32> to vector<1x1x128xf32>
    %add3A_87 = vector.broadcast %broadcast_in_dim3A_86 : vector<1x1x128xf32> to vector<128x64x128xf32>
    %add3A_88 = arith.addf %sub3A_82, %add3A_87 : vector<128x64x128xf32>
    %max3A = arith.constant 0.000000e+00 : f32
    %max3A_89 = vector.broadcast %max3A : f32 to vector<128x64x128xf32>
    %max3A_90 = arith.maximumf %add3A_88, %max3A_89 : vector<128x64x128xf32>
    %mul3A_91 = arith.constant 0.999994993 : f32
    %mul3A_92 = vector.broadcast %mul3A_91 : f32 to vector<128x64x128xf32>
    %mul3A_93 = arith.mulf %max3A_90, %mul3A_92 : vector<128x64x128xf32>
    %reshape3A_94 = vector.shape_cast %mul3A_93 : vector<128x64x128xf32> to vector<8192x128xf32>
    %get3A_95 = arith.constant 0 : index
    %get3A_96 = arith.constant 0 : index
    %get3A_97 = vector.load %arg9[%get3A_95, %get3A_96] : memref<128x128xf32, #tpu.memory_space<vmem>>, vector<128x128xf32>
    %dot_general3A_98 = arith.constant dense<0.000000e+00> : vector<8192x128xf32>
    %dot_general3A_99 = tpu.matmul %reshape3A_94, %get3A_97, %dot_general3A_98 {dimension_numbers = #tpu.dot_dimension_numbers<[1], [0], [0], [1], [0, 0, 1, 1], [], []>, transpose_lhs_hint = false} : vector<8192x128xf32>, vector<128x128xf32>, vector<8192x128xf32> -> vector<8192x128xf32>
    %get3A_100 = arith.constant 0 : index
    %get3A_101 = arith.constant 0 : index
    %get3A_102 = vector.load %arg10[%get3A_100, %get3A_101] : memref<1x128xf32, #tpu.memory_space<vmem>>, vector<1x128xf32>
    %add3A_103 = vector.broadcast %get3A_102 : vector<1x128xf32> to vector<8192x128xf32>
    %add3A_104 = arith.addf %dot_general3A_99, %add3A_103 : vector<8192x128xf32>
    %max3A_105 = arith.constant 0.000000e+00 : f32
    %max3A_106 = vector.broadcast %max3A_105 : f32 to vector<8192x128xf32>
    %max3A_107 = arith.maximumf %add3A_104, %max3A_106 : vector<8192x128xf32>
    %mul3A_108 = arith.constant 0.999994993 : f32
    %mul3A_109 = vector.broadcast %mul3A_108 : f32 to vector<8192x128xf32>
    %mul3A_110 = arith.mulf %max3A_107, %mul3A_109 : vector<8192x128xf32>
    %get3A_111 = arith.constant 0 : index
    %get3A_112 = arith.constant 0 : index
    %get3A_113 = vector.load %arg11[%get3A_111, %get3A_112] : memref<128x256xf32, #tpu.memory_space<vmem>>, vector<128x256xf32>
    %dot_general3A_114 = arith.constant dense<0.000000e+00> : vector<8192x256xf32>
    %dot_general3A_115 = tpu.matmul %mul3A_110, %get3A_113, %dot_general3A_114 {dimension_numbers = #tpu.dot_dimension_numbers<[1], [0], [0], [1], [0, 0, 1, 1], [], []>, transpose_lhs_hint = false} : vector<8192x128xf32>, vector<128x256xf32>, vector<8192x256xf32> -> vector<8192x256xf32>
    %get3A_116 = arith.constant 0 : index
    %get3A_117 = arith.constant 0 : index
    %get3A_118 = vector.load %arg12[%get3A_116, %get3A_117] : memref<1x256xf32, #tpu.memory_space<vmem>>, vector<1x256xf32>
    %add3A_119 = vector.broadcast %get3A_118 : vector<1x256xf32> to vector<8192x256xf32>
    %add3A_120 = arith.addf %dot_general3A_115, %add3A_119 : vector<8192x256xf32>
    %max3A_121 = arith.constant 0.000000e+00 : f32
    %max3A_122 = vector.broadcast %max3A_121 : f32 to vector<8192x256xf32>
    %max3A_123 = arith.maximumf %add3A_120, %max3A_122 : vector<8192x256xf32>
    %mul3A_124 = arith.constant 0.999994993 : f32
    %mul3A_125 = vector.broadcast %mul3A_124 : f32 to vector<8192x256xf32>
    %mul3A_126 = arith.mulf %max3A_123, %mul3A_125 : vector<8192x256xf32>
    %reshape3A_127 = vector.shape_cast %mul3A_126 : vector<8192x256xf32> to vector<128x64x256xf32>
    %reduce_max3A = arith.constant dense<0xFF800000> : vector<128x256xf32>
    %reduce_max3A_128 = vector.multi_reduction <maximumf>, %reshape3A_127, %reduce_max3A [1] : vector<128x64x256xf32> to vector<128x256xf32>
    %swap3A = arith.constant 0 : index
    %swap3A_129 = arith.constant 0 : index
    %swap3A_130 = arith.constant 0 : index
    %swap3A_131 = vector.load %arg13[%swap3A, %swap3A_129, %swap3A_130] : memref<1x128x256xf32, #tpu.memory_space<vmem>>, vector<1x128x256xf32>
    %swap3A_132 = vector.shape_cast %swap3A_131 : vector<1x128x256xf32> to vector<128x256xf32>
    %swap3A_133 = vector.shape_cast %reduce_max3A_128 : vector<128x256xf32> to vector<1x128x256xf32>
    tpu.vector_store %arg13[%swap3A, %swap3A_129, %swap3A_130], %swap3A_133 {strides = array<i32>} : memref<1x128x256xf32, #tpu.memory_space<vmem>>, vector<1x128x256xf32>,
    return
  }
  func.func @transform_0(%arg0: i32, %arg1: i32) -> (i32, i32, i32) {
    %c0_i32 = arith.constant 0 : i32
    %c0_i32_0 = arith.constant 0 : i32
    %c0_i32_1 = arith.constant 0 : i32
    return %arg0, %c0_i32, %c0_i32_0 : i32, i32, i32
  }
  func.func @transform_1(%arg0: i32, %arg1: i32) -> (i32, i32, i32) {
    %c0_i32 = arith.constant 0 : i32
    %c0_i32_0 = arith.constant 0 : i32
    %c0_i32_1 = arith.constant 0 : i32
    return %arg0, %c0_i32, %c0_i32_0 : i32, i32, i32
  }
  func.func @transform_2(%arg0: i32, %arg1: i32) -> (i32, i32, i32) {
    %c0_i32 = arith.constant 0 : i32
    %c0_i32_0 = arith.constant 0 : i32
    return %arg0, %arg1, %c0_i32 : i32, i32, i32
  }
  func.func @transform_3(%arg0: i32, %arg1: i32) -> (i32, i32) {
    %c0_i32 = arith.constant 0 : i32
    %c0_i32_0 = arith.constant 0 : i32
    %c0_i32_1 = arith.constant 0 : i32
    return %c0_i32, %c0_i32_0 : i32, i32
  }
  func.func @transform_4(%arg0: i32, %arg1: i32) -> (i32, i32) {
    %c0_i32 = arith.constant 0 : i32
    %c0_i32_0 = arith.constant 0 : i32
    %c0_i32_1 = arith.constant 0 : i32
    return %c0_i32, %c0_i32_0 : i32, i32
  }
  func.func @transform_5(%arg0: i32, %arg1: i32) -> (i32, i32) {
    %c0_i32 = arith.constant 0 : i32
    %c0_i32_0 = arith.constant 0 : i32
    %c0_i32_1 = arith.constant 0 : i32
    return %c0_i32, %c0_i32_0 : i32, i32
  }
  func.func @transform_6(%arg0: i32, %arg1: i32) -> (i32, i32) {
    %c0_i32 = arith.constant 0 : i32
    %c0_i32_0 = arith.constant 0 : i32
    %c0_i32_1 = arith.constant 0 : i32
    return %c0_i32, %c0_i32_0 : i32, i32
  }
  func.func @transform_7(%arg0: i32, %arg1: i32) -> (i32, i32) {
    %c0_i32 = arith.constant 0 : i32
    %c0_i32_0 = arith.constant 0 : i32
    %c0_i32_1 = arith.constant 0 : i32
    return %c0_i32, %c0_i32_0 : i32, i32
  }
  func.func @transform_8(%arg0: i32, %arg1: i32) -> (i32, i32) {
    %c0_i32 = arith.constant 0 : i32
    %c0_i32_0 = arith.constant 0 : i32
    %c0_i32_1 = arith.constant 0 : i32
    return %c0_i32, %c0_i32_0 : i32, i32
  }
  func.func @transform_9(%arg0: i32, %arg1: i32) -> (i32, i32) {
    %c0_i32 = arith.constant 0 : i32
    %c0_i32_0 = arith.constant 0 : i32
    %c0_i32_1 = arith.constant 0 : i32
    return %c0_i32, %c0_i32_0 : i32, i32
  }
  func.func @transform_10(%arg0: i32, %arg1: i32) -> (i32, i32) {
    %c0_i32 = arith.constant 0 : i32
    %c0_i32_0 = arith.constant 0 : i32
    %c0_i32_1 = arith.constant 0 : i32
    return %c0_i32, %c0_i32_0 : i32, i32
  }
  func.func @transform_11(%arg0: i32, %arg1: i32) -> (i32, i32, i32) {
    %c0_i32 = arith.constant 0 : i32
    %c0_i32_0 = arith.constant 0 : i32
    return %arg0, %arg1, %c0_i32 : i32, i32, i32
  }
}

module attributes {stable_mosaic.version = 14 : i64} {
  func.func @_sa3_body(%arg0: i32, %arg1: memref<256x256xf32, #tpu.memory_space<vmem>>, %arg2: memref<8x256xf32, #tpu.memory_space<vmem>>, %arg3: memref<1x256xf32, #tpu.memory_space<vmem>>, %arg4: memref<256x512xf32, #tpu.memory_space<vmem>>, %arg5: memref<1x512xf32, #tpu.memory_space<vmem>>, %arg6: memref<512x1024xf32, #tpu.memory_space<vmem>>, %arg7: memref<1x1024xf32, #tpu.memory_space<vmem>>, %arg8: memref<1x128x256xf32, #tpu.memory_space<vmem>>, %arg9: memref<1x128x8xf32, #tpu.memory_space<vmem>>, %arg10: memref<1x1x1024xf32, #tpu.memory_space<vmem>>) attributes {dimension_semantics = [#tpu.dimension_semantics<arbitrary>], iteration_bounds = array<i64: 32>, scalar_prefetch = 0 : i64, scratch_operands = 0 : i64, tpu.core_type = #tpu.core_type<tc>, window_params = [{pipeline_mode = #tpu.pipeline_mode<synchronous>, transform_indices = @transform_0, window_bounds = array<i64: 256, 256>}, {pipeline_mode = #tpu.pipeline_mode<synchronous>, transform_indices = @transform_1, window_bounds = array<i64: 8, 256>}, {pipeline_mode = #tpu.pipeline_mode<synchronous>, transform_indices = @transform_2, window_bounds = array<i64: 1, 256>}, {pipeline_mode = #tpu.pipeline_mode<synchronous>, transform_indices = @transform_3, window_bounds = array<i64: 256, 512>}, {pipeline_mode = #tpu.pipeline_mode<synchronous>, transform_indices = @transform_4, window_bounds = array<i64: 1, 512>}, {pipeline_mode = #tpu.pipeline_mode<synchronous>, transform_indices = @transform_5, window_bounds = array<i64: 512, 1024>}, {pipeline_mode = #tpu.pipeline_mode<synchronous>, transform_indices = @transform_6, window_bounds = array<i64: 1, 1024>}, {transform_indices = @transform_7, window_bounds = array<i64: 1, 128, 256>}, {transform_indices = @transform_8, window_bounds = array<i64: 1, 128, 8>}, {transform_indices = @transform_9, window_bounds = array<i64: 1, 1, 1024>}]} {
    %get3A = arith.constant 0 : index
    %get3A_0 = arith.constant 0 : index
    %get3A_1 = arith.constant 0 : index
    %get3A_2 = vector.load %arg8[%get3A, %get3A_0, %get3A_1] : memref<1x128x256xf32, #tpu.memory_space<vmem>>, vector<1x128x256xf32>
    %get3A_3 = vector.shape_cast %get3A_2 : vector<1x128x256xf32> to vector<128x256xf32>
    %get3A_4 = arith.constant 0 : index
    %get3A_5 = arith.constant 0 : index
    %get3A_6 = vector.load %arg1[%get3A_4, %get3A_5] : memref<256x256xf32, #tpu.memory_space<vmem>>, vector<256x256xf32>
    %dot_general3A = arith.constant dense<0.000000e+00> : vector<128x256xf32>
    %dot_general3A_7 = tpu.matmul %get3A_3, %get3A_6, %dot_general3A {dimension_numbers = #tpu.dot_dimension_numbers<[1], [0], [0], [1], [0, 0, 1, 1], [], []>, transpose_lhs_hint = false} : vector<128x256xf32>, vector<256x256xf32>, vector<128x256xf32> -> vector<128x256xf32>
    %get3A_8 = arith.constant 0 : index
    %get3A_9 = arith.constant 0 : index
    %get3A_10 = arith.constant 0 : index
    %get3A_11 = vector.load %arg9[%get3A_8, %get3A_9, %get3A_10] : memref<1x128x8xf32, #tpu.memory_space<vmem>>, vector<1x128x8xf32>
    %get3A_12 = vector.shape_cast %get3A_11 : vector<1x128x8xf32> to vector<128x8xf32>
    %get3A_13 = arith.constant 0 : index
    %get3A_14 = arith.constant 0 : index
    %get3A_15 = vector.load %arg2[%get3A_13, %get3A_14] : memref<8x256xf32, #tpu.memory_space<vmem>>, vector<8x256xf32>
    %dot_general3A_16 = arith.constant dense<0.000000e+00> : vector<128x256xf32>
    %dot_general3A_17 = tpu.matmul %get3A_12, %get3A_15, %dot_general3A_16 {dimension_numbers = #tpu.dot_dimension_numbers<[1], [0], [0], [1], [0, 0, 1, 1], [], []>, transpose_lhs_hint = false} : vector<128x8xf32>, vector<8x256xf32>, vector<128x256xf32> -> vector<128x256xf32>
    %add3A = arith.addf %dot_general3A_7, %dot_general3A_17 : vector<128x256xf32>
    %get3A_18 = arith.constant 0 : index
    %get3A_19 = arith.constant 0 : index
    %get3A_20 = vector.load %arg3[%get3A_18, %get3A_19] : memref<1x256xf32, #tpu.memory_space<vmem>>, vector<1x256xf32>
    %add3A_21 = vector.broadcast %get3A_20 : vector<1x256xf32> to vector<128x256xf32>
    %add3A_22 = arith.addf %add3A, %add3A_21 : vector<128x256xf32>
    %max3A = arith.constant 0.000000e+00 : f32
    %max3A_23 = vector.broadcast %max3A : f32 to vector<128x256xf32>
    %max3A_24 = arith.maximumf %add3A_22, %max3A_23 : vector<128x256xf32>
    %mul3A = arith.constant 0.999994993 : f32
    %mul3A_25 = vector.broadcast %mul3A : f32 to vector<128x256xf32>
    %mul3A_26 = arith.mulf %max3A_24, %mul3A_25 : vector<128x256xf32>
    %get3A_27 = arith.constant 0 : index
    %get3A_28 = arith.constant 0 : index
    %get3A_29 = vector.load %arg4[%get3A_27, %get3A_28] : memref<256x512xf32, #tpu.memory_space<vmem>>, vector<256x512xf32>
    %dot_general3A_30 = arith.constant dense<0.000000e+00> : vector<128x512xf32>
    %dot_general3A_31 = tpu.matmul %mul3A_26, %get3A_29, %dot_general3A_30 {dimension_numbers = #tpu.dot_dimension_numbers<[1], [0], [0], [1], [0, 0, 1, 1], [], []>, transpose_lhs_hint = false} : vector<128x256xf32>, vector<256x512xf32>, vector<128x512xf32> -> vector<128x512xf32>
    %get3A_32 = arith.constant 0 : index
    %get3A_33 = arith.constant 0 : index
    %get3A_34 = vector.load %arg5[%get3A_32, %get3A_33] : memref<1x512xf32, #tpu.memory_space<vmem>>, vector<1x512xf32>
    %add3A_35 = vector.broadcast %get3A_34 : vector<1x512xf32> to vector<128x512xf32>
    %add3A_36 = arith.addf %dot_general3A_31, %add3A_35 : vector<128x512xf32>
    %max3A_37 = arith.constant 0.000000e+00 : f32
    %max3A_38 = vector.broadcast %max3A_37 : f32 to vector<128x512xf32>
    %max3A_39 = arith.maximumf %add3A_36, %max3A_38 : vector<128x512xf32>
    %mul3A_40 = arith.constant 0.999994993 : f32
    %mul3A_41 = vector.broadcast %mul3A_40 : f32 to vector<128x512xf32>
    %mul3A_42 = arith.mulf %max3A_39, %mul3A_41 : vector<128x512xf32>
    %get3A_43 = arith.constant 0 : index
    %get3A_44 = arith.constant 0 : index
    %get3A_45 = vector.load %arg6[%get3A_43, %get3A_44] : memref<512x1024xf32, #tpu.memory_space<vmem>>, vector<512x1024xf32>
    %dot_general3A_46 = arith.constant dense<0.000000e+00> : vector<128x1024xf32>
    %dot_general3A_47 = tpu.matmul %mul3A_42, %get3A_45, %dot_general3A_46 {dimension_numbers = #tpu.dot_dimension_numbers<[1], [0], [0], [1], [0, 0, 1, 1], [], []>, transpose_lhs_hint = false} : vector<128x512xf32>, vector<512x1024xf32>, vector<128x1024xf32> -> vector<128x1024xf32>
    %get3A_48 = arith.constant 0 : index
    %get3A_49 = arith.constant 0 : index
    %get3A_50 = vector.load %arg7[%get3A_48, %get3A_49] : memref<1x1024xf32, #tpu.memory_space<vmem>>, vector<1x1024xf32>
    %add3A_51 = vector.broadcast %get3A_50 : vector<1x1024xf32> to vector<128x1024xf32>
    %add3A_52 = arith.addf %dot_general3A_47, %add3A_51 : vector<128x1024xf32>
    %max3A_53 = arith.constant 0.000000e+00 : f32
    %max3A_54 = vector.broadcast %max3A_53 : f32 to vector<128x1024xf32>
    %max3A_55 = arith.maximumf %add3A_52, %max3A_54 : vector<128x1024xf32>
    %mul3A_56 = arith.constant 0.999994993 : f32
    %mul3A_57 = vector.broadcast %mul3A_56 : f32 to vector<128x1024xf32>
    %mul3A_58 = arith.mulf %max3A_55, %mul3A_57 : vector<128x1024xf32>
    %reduce_max3A = arith.constant dense<0xFF800000> : vector<1024xf32>
    %reduce_max3A_59 = vector.multi_reduction <maximumf>, %mul3A_58, %reduce_max3A [0] : vector<128x1024xf32> to vector<1024xf32>
    %broadcast_in_dim3A = vector.shape_cast %reduce_max3A_59 : vector<1024xf32> to vector<1x1024xf32>
    %swap3A = arith.constant 0 : index
    %swap3A_60 = arith.constant 0 : index
    %swap3A_61 = arith.constant 0 : index
    %swap3A_62 = vector.load %arg10[%swap3A, %swap3A_60, %swap3A_61] : memref<1x1x1024xf32, #tpu.memory_space<vmem>>, vector<1x1x1024xf32>
    %swap3A_63 = vector.shape_cast %swap3A_62 : vector<1x1x1024xf32> to vector<1x1024xf32>
    %swap3A_64 = vector.shape_cast %broadcast_in_dim3A : vector<1x1024xf32> to vector<1x1x1024xf32>
    tpu.vector_store %arg10[%swap3A, %swap3A_60, %swap3A_61], %swap3A_64 {strides = array<i32>} : memref<1x1x1024xf32, #tpu.memory_space<vmem>>, vector<1x1x1024xf32>,
    return
  }
  func.func @transform_0(%arg0: i32) -> (i32, i32) {
    %c0_i32 = arith.constant 0 : i32
    %c0_i32_0 = arith.constant 0 : i32
    %c0_i32_1 = arith.constant 0 : i32
    return %c0_i32, %c0_i32_0 : i32, i32
  }
  func.func @transform_1(%arg0: i32) -> (i32, i32) {
    %c0_i32 = arith.constant 0 : i32
    %c0_i32_0 = arith.constant 0 : i32
    %c0_i32_1 = arith.constant 0 : i32
    return %c0_i32, %c0_i32_0 : i32, i32
  }
  func.func @transform_2(%arg0: i32) -> (i32, i32) {
    %c0_i32 = arith.constant 0 : i32
    %c0_i32_0 = arith.constant 0 : i32
    %c0_i32_1 = arith.constant 0 : i32
    return %c0_i32, %c0_i32_0 : i32, i32
  }
  func.func @transform_3(%arg0: i32) -> (i32, i32) {
    %c0_i32 = arith.constant 0 : i32
    %c0_i32_0 = arith.constant 0 : i32
    %c0_i32_1 = arith.constant 0 : i32
    return %c0_i32, %c0_i32_0 : i32, i32
  }
  func.func @transform_4(%arg0: i32) -> (i32, i32) {
    %c0_i32 = arith.constant 0 : i32
    %c0_i32_0 = arith.constant 0 : i32
    %c0_i32_1 = arith.constant 0 : i32
    return %c0_i32, %c0_i32_0 : i32, i32
  }
  func.func @transform_5(%arg0: i32) -> (i32, i32) {
    %c0_i32 = arith.constant 0 : i32
    %c0_i32_0 = arith.constant 0 : i32
    %c0_i32_1 = arith.constant 0 : i32
    return %c0_i32, %c0_i32_0 : i32, i32
  }
  func.func @transform_6(%arg0: i32) -> (i32, i32) {
    %c0_i32 = arith.constant 0 : i32
    %c0_i32_0 = arith.constant 0 : i32
    %c0_i32_1 = arith.constant 0 : i32
    return %c0_i32, %c0_i32_0 : i32, i32
  }
  func.func @transform_7(%arg0: i32) -> (i32, i32, i32) {
    %c0_i32 = arith.constant 0 : i32
    %c0_i32_0 = arith.constant 0 : i32
    %c0_i32_1 = arith.constant 0 : i32
    return %arg0, %c0_i32, %c0_i32_0 : i32, i32, i32
  }
  func.func @transform_8(%arg0: i32) -> (i32, i32, i32) {
    %c0_i32 = arith.constant 0 : i32
    %c0_i32_0 = arith.constant 0 : i32
    %c0_i32_1 = arith.constant 0 : i32
    return %arg0, %c0_i32, %c0_i32_0 : i32, i32, i32
  }
  func.func @transform_9(%arg0: i32) -> (i32, i32, i32) {
    %c0_i32 = arith.constant 0 : i32
    %c0_i32_0 = arith.constant 0 : i32
    %c0_i32_1 = arith.constant 0 : i32
    return %arg0, %c0_i32, %c0_i32_0 : i32, i32, i32
  }
}

module attributes {stable_mosaic.version = 14 : i64} {
  func.func @_head_body(%arg0: memref<32x1024xf32, #tpu.memory_space<vmem>>, %arg1: memref<1024x512xf32, #tpu.memory_space<vmem>>, %arg2: memref<1x512xf32, #tpu.memory_space<vmem>>, %arg3: memref<512x256xf32, #tpu.memory_space<vmem>>, %arg4: memref<1x256xf32, #tpu.memory_space<vmem>>, %arg5: memref<256x40xf32, #tpu.memory_space<vmem>>, %arg6: memref<1x40xf32, #tpu.memory_space<vmem>>, %arg7: memref<32x40xf32, #tpu.memory_space<vmem>>) attributes {dimension_semantics = [], scalar_prefetch = 0 : i64, scratch_operands = 0 : i64, tpu.core_type = #tpu.core_type<tc>} {
    %get3A = arith.constant 0 : index
    %get3A_0 = arith.constant 0 : index
    %get3A_1 = vector.load %arg0[%get3A, %get3A_0] : memref<32x1024xf32, #tpu.memory_space<vmem>>, vector<32x1024xf32>
    %get3A_2 = arith.constant 0 : index
    %get3A_3 = arith.constant 0 : index
    %get3A_4 = vector.load %arg1[%get3A_2, %get3A_3] : memref<1024x512xf32, #tpu.memory_space<vmem>>, vector<1024x512xf32>
    %dot_general3A = arith.constant dense<0.000000e+00> : vector<32x512xf32>
    %dot_general3A_5 = tpu.matmul %get3A_1, %get3A_4, %dot_general3A {dimension_numbers = #tpu.dot_dimension_numbers<[1], [0], [0], [1], [0, 0, 1, 1], [], []>, transpose_lhs_hint = false} : vector<32x1024xf32>, vector<1024x512xf32>, vector<32x512xf32> -> vector<32x512xf32>
    %get3A_6 = arith.constant 0 : index
    %get3A_7 = arith.constant 0 : index
    %get3A_8 = vector.load %arg2[%get3A_6, %get3A_7] : memref<1x512xf32, #tpu.memory_space<vmem>>, vector<1x512xf32>
    %add3A = vector.broadcast %get3A_8 : vector<1x512xf32> to vector<32x512xf32>
    %add3A_9 = arith.addf %dot_general3A_5, %add3A : vector<32x512xf32>
    %mul3A = arith.constant 0.999994993 : f32
    %mul3A_10 = vector.broadcast %mul3A : f32 to vector<32x512xf32>
    %mul3A_11 = arith.mulf %add3A_9, %mul3A_10 : vector<32x512xf32>
    %max3A = arith.constant 0.000000e+00 : f32
    %max3A_12 = vector.broadcast %max3A : f32 to vector<32x512xf32>
    %max3A_13 = arith.maximumf %mul3A_11, %max3A_12 : vector<32x512xf32>
    %get3A_14 = arith.constant 0 : index
    %get3A_15 = arith.constant 0 : index
    %get3A_16 = vector.load %arg3[%get3A_14, %get3A_15] : memref<512x256xf32, #tpu.memory_space<vmem>>, vector<512x256xf32>
    %dot_general3A_17 = arith.constant dense<0.000000e+00> : vector<32x256xf32>
    %dot_general3A_18 = tpu.matmul %max3A_13, %get3A_16, %dot_general3A_17 {dimension_numbers = #tpu.dot_dimension_numbers<[1], [0], [0], [1], [0, 0, 1, 1], [], []>, transpose_lhs_hint = false} : vector<32x512xf32>, vector<512x256xf32>, vector<32x256xf32> -> vector<32x256xf32>
    %get3A_19 = arith.constant 0 : index
    %get3A_20 = arith.constant 0 : index
    %get3A_21 = vector.load %arg4[%get3A_19, %get3A_20] : memref<1x256xf32, #tpu.memory_space<vmem>>, vector<1x256xf32>
    %add3A_22 = vector.broadcast %get3A_21 : vector<1x256xf32> to vector<32x256xf32>
    %add3A_23 = arith.addf %dot_general3A_18, %add3A_22 : vector<32x256xf32>
    %mul3A_24 = arith.constant 0.999994993 : f32
    %mul3A_25 = vector.broadcast %mul3A_24 : f32 to vector<32x256xf32>
    %mul3A_26 = arith.mulf %add3A_23, %mul3A_25 : vector<32x256xf32>
    %max3A_27 = arith.constant 0.000000e+00 : f32
    %max3A_28 = vector.broadcast %max3A_27 : f32 to vector<32x256xf32>
    %max3A_29 = arith.maximumf %mul3A_26, %max3A_28 : vector<32x256xf32>
    %get3A_30 = arith.constant 0 : index
    %get3A_31 = arith.constant 0 : index
    %get3A_32 = vector.load %arg5[%get3A_30, %get3A_31] : memref<256x40xf32, #tpu.memory_space<vmem>>, vector<256x40xf32>
    %dot_general3A_33 = arith.constant dense<0.000000e+00> : vector<32x40xf32>
    %dot_general3A_34 = tpu.matmul %max3A_29, %get3A_32, %dot_general3A_33 {dimension_numbers = #tpu.dot_dimension_numbers<[1], [0], [0], [1], [0, 0, 1, 1], [], []>, transpose_lhs_hint = false} : vector<32x256xf32>, vector<256x40xf32>, vector<32x40xf32> -> vector<32x40xf32>
    %get3A_35 = arith.constant 0 : index
    %get3A_36 = arith.constant 0 : index
    %get3A_37 = vector.load %arg6[%get3A_35, %get3A_36] : memref<1x40xf32, #tpu.memory_space<vmem>>, vector<1x40xf32>
    %add3A_38 = vector.broadcast %get3A_37 : vector<1x40xf32> to vector<32x40xf32>
    %add3A_39 = arith.addf %dot_general3A_34, %add3A_38 : vector<32x40xf32>
    %reduce_max3A = arith.constant dense<0xFF800000> : vector<32xf32>
    %reduce_max3A_40 = vector.multi_reduction <maximumf>, %add3A_39, %reduce_max3A [1] : vector<32x40xf32> to vector<32xf32>
    %broadcast_in_dim3A = vector.shape_cast %reduce_max3A_40 : vector<32xf32> to vector<32x1xf32>
    %sub3A = vector.broadcast %broadcast_in_dim3A : vector<32x1xf32> to vector<32x40xf32>
    %sub3A_41 = arith.subf %add3A_39, %sub3A : vector<32x40xf32>
    %exp3A = math.exp %sub3A_41 : vector<32x40xf32>
    %reduce_sum3A = arith.constant dense<0.000000e+00> : vector<32xf32>
    %reduce_sum3A_42 = vector.multi_reduction <add>, %exp3A, %reduce_sum3A [1] : vector<32x40xf32> to vector<32xf32>
    %broadcast_in_dim3A_43 = vector.shape_cast %reduce_sum3A_42 : vector<32xf32> to vector<32x1xf32>
    %log3A = math.log %broadcast_in_dim3A_43 : vector<32x1xf32>
    %sub3A_44 = vector.broadcast %log3A : vector<32x1xf32> to vector<32x40xf32>
    %sub3A_45 = arith.subf %sub3A_41, %sub3A_44 : vector<32x40xf32>
    %swap3A = arith.constant 0 : index
    %swap3A_46 = arith.constant 0 : index
    %swap3A_47 = vector.load %arg7[%swap3A, %swap3A_46] : memref<32x40xf32, #tpu.memory_space<vmem>>, vector<32x40xf32>
    tpu.vector_store %arg7[%swap3A, %swap3A_46], %sub3A_45 {strides = array<i32>} : memref<32x40xf32, #tpu.memory_space<vmem>>, vector<32x40xf32>,
    return
  }
}

</mosaic_0001>

<sc_bundles>
// kernel: kernel.7.cloned.1.call-start
scs
__scs_entry_jumppad:
0x0: {  	(pc) =	sbr.rel $0x88, $3  }
0x1: {  	(tag) =	ssettag $0x0;
	lr =	simm.s32 $0x1  }
0x2: {  	[smem:$0x3F88] =	sst lr;
	_ =	strace $0xD0000000  }
0x3: {  	_ = 	snop  }
0x4: {  	_ = 	snop  }
0x5: {  	_ = 	snop  }
0x6: {  	_ = 	snop  }
0x7: {  	_ = 	snop  }
__scs_overlays_trampoline_lowered:
0x8: {  	[smem:$0x3F97] =	sst s0  }
0x9: {  	[smem:$0x3F98] =	sst s1  }
0xa: {  	[smem:$0x3F99] =	sst s2  }
0xb: {  	[smem:$0x3F9A] =	sst s3  }
0xc: {  	[smem:$0x3F9B] =	sst s4  }
0xd: {  	[smem:$0x3F9C] =	sst s5  }
0xe: {  	[smem:$0x3F9D] =	sst s6  }
0xf: {  	[smem:$0x3F9E] =	sst s7  }
0x10: {  	[smem:$0x3F9F] =	sst s8  }
0x11: {  	[smem:$0x3FA0] =	sst s9;
	s0 =	simm.s32 @!p0 $0x0  }
0x12: {  	s1 =	sld [smem:$0x3F86];
	s0 =	simm.s32 @p0 $0x1  }
0x13: {  	[smem:$0x3FA1] =	sst s0;
	s0 =	simm.s32 @!p1 $0x0  }
0x14: {  	s2 =	sld [smem:$0x3F85];
	s0 =	simm.s32 @p1 $0x1  }
0x15: {  	[smem:$0x3FA2] =	sst s0;
	s0 =	simm.s32 @!p2 $0x0  }
0x16: {  	s3 =	sld [smem:$0x3FDB];
	s0 =	simm.s32 @p2 $0x1  }
0x17: {  	s4 =	simm.s32 $0x1BF5;
	[smem:$0x3FA4] =	sst s0  }
0x18: {  	s0 =	sld [smem:$0x3F87];
	_ =	swait.ge [sflag:s4], $0x0  }
0x19: {  	s7 =	sld [smem:$0x3F88]  }
0x1a: {  	s8 =	sadd.s32 $0xFFFFE003, lr  }
0x1b: {  	s9 =	sadd.s32 $0xFFFFFEF7, lr;
	s5 =	simm.s32 $0xFFFFFFFF;
	p2 =	slt.u32 s8, $0xFFFFF086  }
0x1c: {  	p1 =	slt.u32 s9, $0xF7A;
	s5 =	simm.s32 @!p2 $0x0  }
0x1d: {  	s5 =	simm.s32 @p1 $0x1;
	p0 =	seq.s32 s7, s2  }
0x1e: {  	s7 =	smul.u32 @!p0 $0xF7A, s2;
	p2 =	seq.s32 @!p0 s5, $0x0  }
0x1f: {  	s9 =	smul.u32 $0xF7A, s1;
	s8 =	simm.s32 @!p0 $0x1BF5;
	p2 =	por !p2, p0  }
0x20: {  	[sflag:s8] =	ssyncset.s32 @!p0 $0xFFFFF086;
	s6 =	sadd.s32 @!p0 s3, s7;
	s7 =	simm.s32 @!p0 $0x108  }
0x21: {  	s3 =	sadd.s32 s3, s9;
	s6 =	sadd.s32 @!p0 $0x88, s6;
	s7 =	simm.s32 @p2 $0x1082  }
0x22: {  	[simem:s7], [sflag:s8] =	dma.local @!p0 [hbm:s6], $0xF7A  }
0x23: {  	s9 =	sor.u32 $0xD0000000, s2;
	s6 =	simm.s32 $0x108;
	_ =	swait.ge @!p0 [sflag:s8], $0x0  }
0x24: {  	s3 =	sadd.s32 $0x88, s3;
	s6 =	simm.s32 @!p1 $0x1082;
	[sflag:s4] =	ssyncset.s32 $0xFFFFF086  }
0x25: {  	[simem:s6], [sflag:s4] =	dma.local [hbm:s3], $0xF7A  }
0x26: {  	[smem:$0x3F88] =	sst s1;
	(tag) =	ssettag s2;
	_ =	strace s9  }
0x27: {  	s1 =	sld [smem:$0x3F98]  }
0x28: {  	s2 =	sld [smem:$0x3F99]  }
0x29: {  	s4 =	sld [smem:$0x3F9B]  }
0x2a: {  	p0 =	seq.s32 s5, $0x0;
	s5 =	sld [smem:$0x3F9C]  }
0x2b: {  	s6 =	sld [smem:$0x3F9D]  }
0x2c: {  	s7 =	sld [smem:$0x3F9E]  }
0x2d: {  	s3 =	simm.s32 $0x108;
	s8 =	sld [smem:$0x3F9F]  }
0x2e: {  	s3 =	simm.s32 @!p0 $0x1082;
	s9 =	sld [smem:$0x3FA0]  }
0x2f: {  	lr =	sadd.s32 s0, s3;
	s0 =	sld [smem:$0x3F97]  }
0x30: {  	s3 =	sld [smem:$0x3F9A]  }
0x31: {  	[smem:$0x3FA3] =	sst s10  }
0x32: {  	s10 =	sld [smem:$0x3FA1];
	_ =	sdelay $0x3  }
0x33: {  	p0 =	seq.s32 s10, $0x1;
	s10 =	sld [smem:$0x3FA3];
	_ =	sdelay $0x3  }
0x34: {  	[smem:$0x3FA3] =	sst s10  }
0x35: {  	s10 =	sld [smem:$0x3FA2];
	_ =	sdelay $0x3  }
0x36: {  	p1 =	seq.s32 s10, $0x1;
	s10 =	sld [smem:$0x3FA3];
	_ =	sdelay $0x3  }
0x37: {  	[smem:$0x3FA3] =	sst s10  }
0x38: {  	s10 =	sld [smem:$0x3FA4]  }
0x39: {  	_ = 	snop;
	(pc) =	sbr.ind lr, $3  }
0x3a: {  	_ = 	snop  }
0x3b: {  	_ = 	snop  }
0x3c: {  	p2 =	seq.s32 s10, $0x1;
	s10 =	sld [smem:$0x3FA3]  }
0x3d: {  	_ =	shalt  }
0x3e: {  	_ =	shalt  }
0x3f: {  	_ =	shalt  }
0x40: {  	_ =	shalt  }
0x41: {  	_ =	shalt  }
0x42: {  	_ =	shalt  }
0x43: {  	_ =	shalt  }
0x44: {  	_ =	shalt  }
0x45: {  	_ =	shalt  }
0x46: {  	_ =	shalt  }
0x47: {  	_ =	shalt  }
0x48: {  	_ =	shalt  }
0x49: {  	_ =	shalt  }
0x4a: {  	_ =	shalt  }
0x4b: {  	_ =	shalt  }
0x4c: {  	_ =	shalt  }
0x4d: {  	_ =	shalt  }
0x4e: {  	_ =	shalt  }
0x4f: {  	_ =	shalt  }
0x50: {  	_ =	shalt  }
0x51: {  	_ =	shalt  }
0x52: {  	_ =	shalt  }
0x53: {  	_ =	shalt  }
0x54: {  	_ =	shalt  }
0x55: {  	_ =	shalt  }
0x56: {  	_ =	shalt  }
0x57: {  	_ =	shalt  }
0x58: {  	_ =	shalt  }
0x59: {  	_ =	shalt  }
0x5a: {  	_ =	shalt  }
0x5b: {  	_ =	shalt  }
0x5c: {  	_ =	shalt  }
0x5d: {  	_ =	shalt  }
0x5e: {  	_ =	shalt  }
0x5f: {  	_ =	shalt  }
0x60: {  	_ =	shalt  }
0x61: {  	_ =	shalt  }
0x62: {  	_ =	shalt  }
0x63: {  	_ =	shalt  }
0x64: {  	_ =	shalt  }
0x65: {  	_ =	shalt  }
0x66: {  	_ =	shalt  }
0x67: {  	_ =	shalt  }
0x68: {  	_ =	shalt  }
0x69: {  	_ =	shalt  }
0x6a: {  	_ =	shalt  }
0x6b: {  	_ =	shalt  }
0x6c: {  	_ =	shalt  }
0x6d: {  	_ =	shalt  }
0x6e: {  	_ =	shalt  }
0x6f: {  	_ =	shalt  }
0x70: {  	_ =	shalt  }
0x71: {  	_ =	shalt  }
0x72: {  	_ =	shalt  }
0x73: {  	_ =	shalt  }
0x74: {  	_ =	shalt  }
0x75: {  	_ =	shalt  }
0x76: {  	_ =	shalt  }
0x77: {  	_ =	shalt  }
0x78: {  	_ =	shalt  }
0x79: {  	_ =	shalt  }
0x7a: {  	_ =	shalt  }
0x7b: {  	_ =	shalt  }
0x7c: {  	_ =	shalt  }
0x7d: {  	_ =	shalt  }
0x7e: {  	_ =	shalt  }
0x7f: {  	_ =	shalt  }
0x80: {  	_ =	shalt  }
0x81: {  	_ =	shalt  }
0x82: {  	_ =	shalt  }
0x83: {  	_ =	shalt  }
0x84: {  	_ =	shalt  }
0x85: {  	_ =	shalt  }
0x86: {  	_ =	shalt  }
0x87: {  	_ =	shalt  }
.Lfunc_end0:
.L_simem_size_0:
called_computation_lowered:
.L_overlay_start_0:
0x88: {  	s2 =	sld [smem:$0x3FD9]  }
0x89: {  	s3 =	sld [smem:$0x3FFE];
	_ =	sdelay $0x1  }
0x8a: {  	s1 =	srdreg.scid  }
0x8b: {  	s0 =	sand.u32 $0x1, s1  }
0x8c: {  	s17 =	sshll.u32 s0, $0xA;
	s2 =	sadd.s32 s3, s2  }
0x8d: {  	s2 =	sadd.s32 s2, s17  }
0x8e: {  	[smem:$0x3FAF] =	sst s2  }
0x8f: {  	_ = 	snop  }
0x90: {  	s2 =	sld [smem:$0x3FD0];
	(tm) =	ssettm $0x1  }
0x91: {  	s18 =	sld [smem:$0x3FFB];
	_ =	sdelay $0x3  }
0x92: {  	_ =	strace s18  }
0x93: {  	s3 =	sld [smem:$0x3FFC];
	_ =	sdelay $0x3  }
0x94: {  	_ =	strace s3  }
0x95: {  	s3 =	sld [smem:$0x3FFD];
	_ =	sdelay $0x3  }
0x96: {  	_ =	strace s3  }
0x97: {  	_ =	strace $0x8FFFFFFF  }
0x98: {  	s19 =	sld [smem:$0x3FDB];
	_ =	sdelay $0x1  }
0x99: {  	s4 =	simm.s32 $_scs_section_size  }
0x9a: {  	s5 =	simm.s32 $_size__tile_overlayer_lowered;
	s6 =	simm.s32 $_tile_overlayer_lowered  }
0x9b: {  	s22 =	simm.s32 $0x1BFF;
	s21 =	sshll.u32 s6, $0x1;
	s3 =	sadd.s32 s4, s19  }
0x9c: {  	s7 =	simm.s32 $0x0;
	s20 =	sshll.u32 s5, $0x1;
	s5 =	sadd.s32 s21, s3  }
0x9d: {  	[timem:s7], [sflag:s22] =	dma.local [hbm:s5], s20  }
0x9e: {  	_ =	swait.ge [sflag:s22], s20  }
0x9f: {  	s4 =	ssub.s32 $0x0, s20;
	[sflag:s22] =	ssyncset.done $0x0  }
0xa0: {  	[sflag:s22] =	ssyncadd.s32 s4;
	_ =	sdelay $0x1  }
0xa1: {  	s23 =	simm.s32 $0x1B8B  }
0xa2: {  	_ =	swait.ge [sflag:s23], $0x1  }
0xa3: {  	[sflag:s23] =	ssyncset.done $0x0  }
0xa4: {  	s25 =	simm.s32 $0x1B8E;
	s24 =	sld [smem:$0x3FFE];
	[sflag:s23] =	ssyncadd.s32 $0xFFFFFFFF  }
0xa5: {  	s26 =	simm.s32 $execute0_lowered;
	[smem:$0x3FD2] =	sst s25  }
0xa6: {  	s5 =	sshll.u32 s26, $0x1;
	_ =	strace $0x80000046;
	[dreg:$0x1] =	wrdreg $0xFFFFFFFF  }
0xa7: {  	s28 =	simm.s32 $_size_execute0_lowered;
	s3 =	sadd.s32 s3, s5;
	[dreg:$0x0] =	wrdreg $0x0  }
0xa8: {  	s5 =	sshll.u32 s28, $0x1;
	[dreg:$0x2] =	wrdreg s3  }
0xa9: {  	[dreg:$0x3] =	wrdreg s5  }
0xaa: {  	[dreg:$0x4] =	wrdreg $0xC0  }
0xab: {  	_ =	task [dreg:s7], $0x5FFFF  }
0xac: {  	[dreg:$0x1] =	wrdreg $0xFFFFFFFF  }
0xad: {  	[dreg:$0x0] =	wrdreg $0x60  }
0xae: {  	[dreg:$0x2] =	wrdreg s24  }
0xaf: {  	[dreg:$0x3] =	wrdreg s2  }
0xb0: {  	[dreg:$0x4] =	wrdreg $0x9  }
0xb1: {  	_ =	task.clear_ibuf [dreg:s7], $0x5FFFF;
	_ =	strace $0x90000046  }
0xb2: {  	s29 =	simm.s32 $0x9;
	_ =	strace $0x80000048  }
0xb3: {  	_ =	swait.ge [sflag:s29], $0x1  }
0xb4: {  	[sflag:s29] =	ssyncadd.s32 $0xFFFFFFFF  }
0xb5: {  	_ =	strace $0x90000048  }
0xb6: {  	_ =	sfence  }
0xb7: {  	s30 =	sld [smem:$0x0];
	_ =	sdelay $0x2  }
0xb8: {  	s31 =	sshll.u32 s1, $0xD;
	s1 =	sshrl.u32 s1, $0x2  }
0xb9: {  	s3 =	sand.u32 $0x4000, s31;
	s1 =	sadd.s32 s1, s30  }
0xba: {  	s0 =	sor.u32 s3, s0;
	s1 =	sshll.u32 s1, $0x11  }
0xbb: {  	s0 =	sor.u32 s1, s0  }
0xbc: {  	s0 =	sadd.s32 $0x8F2B, s0  }
0xbd: {  	[sflag:s0] =	ssyncadd.remote.s32 $0x1  }
0xbe: {  	_ =	sfence.sel $0xFFFF  }
0xbf: {  	[dreg:$0x0] =	wrdreg $0xFFFFFFFF;
	(pc) =	sbr.abs _section_cstart, $3  }
0xc0: {  	[dreg:$0x1] =	wrdreg $0xFFFFFFFF  }
0xc1: {  	_ =	task.clear_ibuf [dreg:s7], $0x2FFFF;
	_ =	strace $0x9FFFFFFF  }
0xc2: {  	(tm) =	ssettm $0x7FFFFFFF  }
0xc3: {  	_ =	shalt  }
tec
execute0_lowered:
.L_overlay_start_1:
0x0: {  	(tag) =	ssettag $0x1  }
0x1: {  	s3 =	rddreg [dreg:$0x0]  }
0x2: {  	s16 =	rddreg [dreg:$0x1];
	s2 =	simm.s32 $0x0;
	v0 =	vlaneseq.u32  }
0x3: {  	[smem:$0x7FF] =	sst s2;
	v1 =	vor.u32 $0x80000140, v0  }
0x4: {  	s0 =	rddreg [dreg:$0x2];
	v8 =	vor.u32 $0x80000150, v0;
	_ =	strace $0x80000047;
	[tilespmem:$0x1FC60] =	vst v1  }
0x5: {  	v9 =	vor.u32 $0x80000160, v0;
	[tilespmem:$0x1FC70] =	vst v8  }
0x6: {  	v10 =	vor.u32 $0x80000170, v0;
	[tilespmem:$0x1FC80] =	vst v9  }
0x7: {  	v11 =	vor.u32 $0x80000180, v0;
	[tilespmem:$0x1FC90] =	vst v10  }
0x8: {  	v12 =	vor.u32 $0x80000190, v0;
	[tilespmem:$0x1FCA0] =	vst v11  }
0x9: {  	v13 =	vor.u32 $0x800001A0, v0;
	[tilespmem:$0x1FCB0] =	vst v12  }
0xa: {  	v14 =	vor.u32 $0x800001B0, v0;
	[tilespmem:$0x1FCC0] =	vst v13  }
0xb: {  	v15 =	vor.u32 $0x800001C0, v0;
	[tilespmem:$0x1FCD0] =	vst v14  }
0xc: {  	v16 =	vor.u32 $0x800001D0, v0;
	[tilespmem:$0x1FCE0] =	vst v15  }
0xd: {  	v17 =	vor.u32 $0x800001E0, v0;
	[tilespmem:$0x1FCF0] =	vst v16  }
0xe: {  	v18 =	vor.u32 $0x800001F0, v0;
	[tilespmem:$0x1FD00] =	vst v17  }
0xf: {  	v19 =	vor.u32 $0x80000200, v0;
	[tilespmem:$0x1FD10] =	vst v18  }
0x10: {  	v20 =	vor.u32 $0x80000210, v0;
	[tilespmem:$0x1FD20] =	vst v19  }
0x11: {  	v21 =	vor.u32 $0x80000220, v0;
	[tilespmem:$0x1FD30] =	vst v20  }
0x12: {  	v22 =	vor.u32 $0x80000230, v0;
	[tilespmem:$0x1FD40] =	vst v21  }
0x13: {  	v23 =	vor.u32 $0x80000240, v0;
	[tilespmem:$0x1FD50] =	vst v22  }
0x14: {  	v24 =	vor.u32 $0x80000250, v0;
	[tilespmem:$0x1FD60] =	vst v23  }
0x15: {  	v25 =	vor.u32 $0x80000260, v0;
	[tilespmem:$0x1FD70] =	vst v24  }
0x16: {  	v26 =	vor.u32 $0x80000270, v0;
	[tilespmem:$0x1FD80] =	vst v25  }
0x17: {  	v27 =	vor.u32 $0x80000280, v0;
	[tilespmem:$0x1FD90] =	vst v26  }
0x18: {  	v28 =	vor.u32 $0x80000290, v0;
	[tilespmem:$0x1FDA0] =	vst v27  }
0x19: {  	v29 =	vor.u32 $0x800002A0, v0;
	[tilespmem:$0x1FDB0] =	vst v28  }
0x1a: {  	v30 =	vor.u32 $0x800002B0, v0;
	[tilespmem:$0x1FDC0] =	vst v29  }
0x1b: {  	v31 =	vor.u32 $0x800002C0, v0;
	[tilespmem:$0x1FDD0] =	vst v30  }
0x1c: {  	v32 =	vor.u32 $0x800002D0, v0;
	[tilespmem:$0x1FDE0] =	vst v31  }
0x1d: {  	v33 =	vor.u32 $0x800002E0, v0;
	[tilespmem:$0x1FDF0] =	vst v32  }
0x1e: {  	v34 =	vor.u32 $0x800002F0, v0;
	[tilespmem:$0x1FE00] =	vst v33  }
0x1f: {  	v35 =	vor.u32 $0x80000300, v0;
	[tilespmem:$0x1FE10] =	vst v34  }
0x20: {  	v36 =	vor.u32 $0x80000310, v0;
	[tilespmem:$0x1FE20] =	vst v35  }
0x21: {  	v37 =	vor.u32 $0x80000320, v0;
	[tilespmem:$0x1FE30] =	vst v36  }
0x22: {  	v38 =	vor.u32 $0x80000330, v0;
	[tilespmem:$0x1FE40] =	vst v37  }
0x23: {  	v39 =	vor.u32 $0x80000340, v0;
	[tilespmem:$0x1FE50] =	vst v38  }
0x24: {  	v40 =	vor.u32 $0x80000350, v0;
	[tilespmem:$0x1FE60] =	vst v39  }
0x25: {  	v41 =	vor.u32 $0x80000360, v0;
	[tilespmem:$0x1FE70] =	vst v40  }
0x26: {  	v42 =	vor.u32 $0x80000370, v0;
	[tilespmem:$0x1FE80] =	vst v41  }
0x27: {  	v43 =	vor.u32 $0x80000380, v0;
	[tilespmem:$0x1FE90] =	vst v42  }
0x28: {  	v52 =	vor.u32 $0x80000010, v0;
	[tilespmem:$0x1FEA0] =	vst v43  }
0x29: {  	v53 =	vor.u32 $0x80000020, v0;
	[tilespmem:$0x1FEC0] =	vst v52  }
0x2a: {  	v63 =	vor.u32 $0x80000130, v0;
	[tilespmem:$0x1FED0] =	vst v53  }
0x2b: {  	v62 =	vor.u32 $0x80000120, v0;
	[tilespmem:$0x1FEF0] =	vst v63  }
0x2c: {  	v61 =	vor.u32 $0x80000110, v0;
	[tilespmem:$0x1FF00] =	vst v62  }
0x2d: {  	v45 =	vor.u32 $0x80000030, v0;
	[tilespmem:$0x1FF10] =	vst v61  }
0x2e: {  	v46 =	vor.u32 $0x80000040, v0;
	[tilespmem:$0x1FF20] =	vst v45  }
0x2f: {  	s11 =	simm.s32 $0x400;
	s12 =	simm.s32 $0x800;
	v47 =	vor.u32 $0x80000050, v0;
	[tilespmem:$0x1FF30] =	vst v46  }
0x30: {  	s4 =	srdreg.scid;
	s13 =	simm.s32 $0x1000;
	s14 =	simm.s32 $0x1200;
	v48 =	vor.u32 $0x80000060, v0;
	[tilespmem:$0x1FF40] =	vst v47  }
0x31: {  	s1 =	stileid.u32;
	s15 =	simm.s32 $0x1400;
	s20 =	simm.s32 $0x1880;
	v49 =	vor.u32 $0x80000070, v0;
	[tilespmem:$0x1FF50] =	vst v48  }
0x32: {  	s21 =	simm.s32 $0x1900;
	s22 =	simm.s32 $0x1;
	s23 =	simm.s32 $0x0;
	v50 =	vor.u32 $0x80000080, v0;
	[tilespmem:$0x1FF60] =	vst v49  }
0x33: {  	s17 =	sand.u32 $0x1, s4;
	s29 =	sshll.u32 s1, $0x8;
	s5 =	sshrl.u32 s1, $0x2;
	v51 =	vor.u32 $0x80000090, v0;
	[tilespmem:$0x1FF70] =	vst v50  }
0x34: {  	v54 =	vor.u32 $0x800000A0, v0;
	s6 =	sshll.u32 s17, $0x7;
	s4 =	sand.u32 $0x300, s29;
	s30 =	sshll.u32 s5, $0xD;
	[tilespmem:$0x1FF80] =	vst v51  }
0x35: {  	v55 =	vor.u32 $0x800000B0, v0;
	s7 =	sshll.u32 s5, $0xC;
	s17 =	ssub.s32 $0x2, s17;
	[tilespmem:$0x1FF90] =	vst v54;
	s4 =	sor.u32 s6, s4  }
0x36: {  	v56 =	vor.u32 $0x800000C0, v0;
	s5 =	sshll.u32 s5, $0xA;
	[tilespmem:$0x1FFA0] =	vst v55;
	s19 =	sshrl.u32 s17, $0x1;
	s6 =	sor.u32 s30, s4  }
0x37: {  	v57 =	vor.u32 $0x800000D0, v0;
	[tilespmem:$0x1FFB0] =	vst v56;
	s7 =	sor.u32 s7, s4;
	s4 =	sor.u32 s5, s4;
	s17 =	ssub.s32 s17, s19  }
0x38: {  	v58 =	vor.u32 $0x800000E0, v0;
	[tilespmem:$0x1FFC0] =	vst v57;
	s19 =	simm.s32 $0x1800;
	s6 =	sshrl.u32 s6, $0x3;
	s7 =	sshrl.u32 s7, $0x3  }
0x39: {  	v59 =	vor.u32 $0x800000F0, v0;
	[tilespmem:$0x1FFD0] =	vst v58;
	s18 =	sshrl.u32 s4, $0x3;
	s17 =	smax.u32 s17, $0x1;
	s31 =	sadd.s32 s6, s3  }
0x3a: {  	v44 =	vimm.f32 $1.000000000e+10;
	v60 =	vor.u32 $0x80000100, v0;
	[tilespmem:$0x1FFE0] =	vst v59;
	s8 =	sadd.s32 s7, s3;
	s10 =	sadd.s32 s18, s3;
	s16 =	sadd.s32 s16, s18  }
0x3b: {  	v33 =	vor.u32 $0x80000000, v0;
	v0 =	vor.u32 $0x80000390, v0;
	[tilespmem:$0x1FFF0] =	vst v60;
	s18 =	simm.s32 $0x80;
	s3 =	sadd.s32 $0x5E00, s31;
	s4 =	sadd.s32 $0x4E00, s31  }
0x3c: {  	[tilespmem:$0x1FEB0] =	vst v0;
	s5 =	sadd.s32 $0x3E00, s31;
	s6 =	sadd.s32 $0x7E00, s8;
	s7 =	sadd.s32 $0x7600, s8  }
0x3d: {  	[tilespmem:$0x1FEE0] =	vst v33;
	s8 =	sadd.s32 $0x6E00, s8;
	s9 =	sadd.s32 $0x8800, s10;
	s10 =	sadd.s32 $0x8600, s10  }
.LBB2_1:
0x3e: {  	[tilespmem:s2], [sflag:$0x1] =	stream.strided.gather [hbm4b:s3+s18], $0x400, s11, s18, $0x38;
	[tilespmem:$0x1980] =	vst v63  }
0x3f: {  	_ =	swait.ge [sflag:s22], $0x400  }
0x40: {  	[sflag:s22] =	ssyncset.done $0x0  }
0x41: {  	[sflag:s22] =	ssyncadd.s32 $0xFFFFFC00  }
0x42: {  	[tilespmem:s11], [sflag:$0x1] =	stream.strided.gather [hbm4b:s4+s18], $0x400, s11, s18, $0x38;
	[tilespmem:$0x1980] =	vst v63  }
0x43: {  	_ =	swait.ge [sflag:s22], $0x400  }
0x44: {  	[sflag:s22] =	ssyncset.done $0x0  }
0x45: {  	[sflag:s22] =	ssyncadd.s32 $0xFFFFFC00  }
0x46: {  	[tilespmem:s12], [sflag:$0x1] =	stream.strided.gather [hbm4b:s5+s18], $0x400, s11, s18, $0x38;
	[tilespmem:$0x1980] =	vst v63  }
0x47: {  	_ =	swait.ge [sflag:s22], $0x400  }
0x48: {  	[sflag:s22] =	ssyncset.done $0x0  }
0x49: {  	[sflag:s22] =	ssyncadd.s32 $0xFFFFFC00  }
0x4a: {  	[tilespmem:$0xC00] =	vst v44  }
0x4b: {  	[tilespmem:$0xC10] =	vst v44  }
0x4c: {  	[tilespmem:$0xC20] =	vst v44  }
0x4d: {  	[tilespmem:$0xC30] =	vst v44  }
0x4e: {  	[tilespmem:$0xC40] =	vst v44  }
0x4f: {  	[tilespmem:$0xC50] =	vst v44  }
0x50: {  	[tilespmem:$0xC60] =	vst v44  }
0x51: {  	[tilespmem:$0xC70] =	vst v44  }
0x52: {  	[tilespmem:$0xC80] =	vst v44  }
0x53: {  	[tilespmem:$0xC90] =	vst v44  }
0x54: {  	[tilespmem:$0xCA0] =	vst v44  }
0x55: {  	[tilespmem:$0xCB0] =	vst v44  }
0x56: {  	[tilespmem:$0xCC0] =	vst v44  }
0x57: {  	[tilespmem:$0xCD0] =	vst v44  }
0x58: {  	[tilespmem:$0xCE0] =	vst v44  }
0x59: {  	[tilespmem:$0xCF0] =	vst v44  }
0x5a: {  	[tilespmem:$0xD00] =	vst v44  }
0x5b: {  	[tilespmem:$0xD10] =	vst v44  }
0x5c: {  	[tilespmem:$0xD20] =	vst v44  }
0x5d: {  	[tilespmem:$0xD30] =	vst v44  }
0x5e: {  	[tilespmem:$0xD40] =	vst v44  }
0x5f: {  	[tilespmem:$0xD50] =	vst v44  }
0x60: {  	[tilespmem:$0xD60] =	vst v44  }
0x61: {  	[tilespmem:$0xD70] =	vst v44  }
0x62: {  	[tilespmem:$0xD80] =	vst v44  }
0x63: {  	[tilespmem:$0xD90] =	vst v44  }
0x64: {  	[tilespmem:$0xDA0] =	vst v44  }
0x65: {  	[tilespmem:$0xDB0] =	vst v44  }
0x66: {  	[tilespmem:$0xDC0] =	vst v44  }
0x67: {  	[tilespmem:$0xDD0] =	vst v44  }
0x68: {  	[tilespmem:$0xDE0] =	vst v44  }
0x69: {  	[tilespmem:$0xDF0] =	vst v44  }
0x6a: {  	[tilespmem:$0xE00] =	vst v44  }
0x6b: {  	[tilespmem:$0xE10] =	vst v44  }
0x6c: {  	[tilespmem:$0xE20] =	vst v44  }
0x6d: {  	[tilespmem:$0xE30] =	vst v44  }
0x6e: {  	[tilespmem:$0xE40] =	vst v44  }
0x6f: {  	[tilespmem:$0xE50] =	vst v44  }
0x70: {  	[tilespmem:$0xE60] =	vst v44  }
0x71: {  	[tilespmem:$0xE70] =	vst v44  }
0x72: {  	[tilespmem:$0xE80] =	vst v44  }
0x73: {  	[tilespmem:$0xE90] =	vst v44  }
0x74: {  	[tilespmem:$0xEA0] =	vst v44  }
0x75: {  	[tilespmem:$0xEB0] =	vst v44  }
0x76: {  	[tilespmem:$0xEC0] =	vst v44  }
0x77: {  	[tilespmem:$0xED0] =	vst v44  }
0x78: {  	[tilespmem:$0xEE0] =	vst v44  }
0x79: {  	[tilespmem:$0xEF0] =	vst v44  }
0x7a: {  	[tilespmem:$0xF00] =	vst v44  }
0x7b: {  	[tilespmem:$0xF10] =	vst v44  }
0x7c: {  	[tilespmem:$0xF20] =	vst v44  }
0x7d: {  	[tilespmem:$0xF30] =	vst v44  }
0x7e: {  	[tilespmem:$0xF40] =	vst v44  }
0x7f: {  	[tilespmem:$0xF50] =	vst v44  }
0x80: {  	[tilespmem:$0xF60] =	vst v44  }
0x81: {  	[tilespmem:$0xF70] =	vst v44  }
0x82: {  	[tilespmem:$0xF80] =	vst v44  }
0x83: {  	[tilespmem:$0xF90] =	vst v44  }
0x84: {  	[tilespmem:$0xFA0] =	vst v44  }
0x85: {  	[tilespmem:$0xFB0] =	vst v44  }
0x86: {  	[tilespmem:$0xFC0] =	vst v44  }
0x87: {  	[tilespmem:$0xFD0] =	vst v44  }
0x88: {  	[tilespmem:$0xFE0] =	vst v44  }
0x89: {  	[tilespmem:$0xFF0] =	vst v44  }
0x8a: {  	v0 =	vimm.s32 $0x0;
	v63 =	vld.msk [tilespmem:s2+$0x0], $0xffff  }
0x8b: {  	v62 =	vld.msk [tilespmem:s11+$0x0], $0xffff  }
0x8c: {  	v61 =	vld.msk [tilespmem:s12+$0x0], $0xffff;
	_ =	sdelay $0x2  }
0x8d: {  	[tilespmem:v0+s13+$0x0] =	vst.idx.msk $0x1, v63  }
0x8e: {  	[tilespmem:v0+s14+$0x0] =	vst.idx.msk $0x1, v62  }
0x8f: {  	s24 =	simm.s32 $0x1;
	[tilespmem:v0+s15+$0x0] =	vst.idx.msk $0x1, v61  }
.LBB2_2:
0x90: {  	v0 =	vld [tilespmem:$0x0]  }
0x91: {  	v2 =	vld [tilespmem:$0x400]  }
0x92: {  	v3 =	vld [tilespmem:$0x800]  }
0x93: {  	v4 =	vld [tilespmem:$0xC00]  }
0x94: {  	v5 =	vld [tilespmem:$0x10]  }
0x95: {  	v6 =	vld [tilespmem:$0x410]  }
0x96: {  	v7 =	vld [tilespmem:$0x810]  }
0x97: {  	v8 =	vld [tilespmem:$0xC10]  }
0x98: {  	v9 =	vld [tilespmem:$0x20]  }
0x99: {  	v10 =	vld [tilespmem:$0x420]  }
0x9a: {  	v11 =	vld [tilespmem:$0x820]  }
0x9b: {  	v12 =	vld [tilespmem:$0xC20]  }
0x9c: {  	v13 =	vld [tilespmem:$0x30]  }
0x9d: {  	v14 =	vld [tilespmem:$0x430]  }
0x9e: {  	v15 =	vld [tilespmem:$0x830]  }
0x9f: {  	v16 =	vld [tilespmem:$0xC30]  }
0xa0: {  	v17 =	vld [tilespmem:$0x40]  }
0xa1: {  	v18 =	vld [tilespmem:$0x440]  }
0xa2: {  	v19 =	vld [tilespmem:$0x840]  }
0xa3: {  	v20 =	vld [tilespmem:$0xC40]  }
0xa4: {  	v21 =	vld [tilespmem:$0x50]  }
0xa5: {  	v22 =	vld [tilespmem:$0x450]  }
0xa6: {  	v23 =	vld [tilespmem:$0x850]  }
0xa7: {  	v24 =	vld [tilespmem:$0xC50]  }
0xa8: {  	v25 =	vld [tilespmem:$0x60]  }
0xa9: {  	v26 =	vld [tilespmem:$0x460]  }
0xaa: {  	v27 =	vld [tilespmem:$0x860]  }
0xab: {  	v28 =	vld [tilespmem:$0xC60]  }
0xac: {  	v29 =	vld [tilespmem:$0x70]  }
0xad: {  	v30 =	vld [tilespmem:$0x470]  }
0xae: {  	v31 =	vld [tilespmem:$0x870]  }
0xaf: {  	v32 =	vld [tilespmem:$0x80]  }
0xb0: {  	v39 =	vld [tilespmem:$0x880]  }
0xb1: {  	v40 =	vld [tilespmem:$0xC80]  }
0xb2: {  	v42 =	vld [tilespmem:$0xCA0]  }
0xb3: {  	v0 =	vsub.f32 v0, v63;
	v51 =	vsub.f32 v13, v63;
	v13 =	vld [tilespmem:$0xA0]  }
0xb4: {  	v2 =	vsub.f32 v2, v62;
	v55 =	vsub.f32 v15, v61;
	v15 =	vld [tilespmem:$0x8A0]  }
0xb5: {  	v3 =	vsub.f32 v3, v61;
	v58 =	vsub.f32 v19, v61;
	v19 =	vld [tilespmem:$0xC0]  }
0xb6: {  	v5 =	vsub.f32 v5, v63;
	v36 =	vsub.f32 v22, v62;
	v22 =	vld [tilespmem:$0x8C0]  }
0xb7: {  	v6 =	vsub.f32 v6, v62;
	v41 =	vsub.f32 v26, v62;
	v26 =	vld [tilespmem:$0xCC0]  }
0xb8: {  	v7 =	vsub.f32 v7, v61;
	v38 =	vsub.f32 v25, v63;
	v25 =	vld [tilespmem:$0x4D0]  }
0xb9: {  	v10 =	vsub.f32 v10, v62;
	v37 =	vsub.f32 v23, v61;
	v23 =	vld [tilespmem:$0xCD0]  }
0xba: {  	v9 =	vsub.f32 v9, v63;
	v0 =	vmul.f32 v0, v0;
	v43 =	vmul.f32 v3, v3;
	v3 =	vld [tilespmem:$0xC70]  }
0xbb: {  	v18 =	vsub.f32 v18, v62;
	v2 =	vmul.f32 v2, v2;
	v48 =	vmul.f32 v10, v10;
	v10 =	vld [tilespmem:$0x490]  }
0xbc: {  	v17 =	vsub.f32 v17, v63;
	v5 =	vmul.f32 v5, v5;
	v47 =	vmul.f32 v9, v9;
	v9 =	vld [tilespmem:$0xC90]  }
0xbd: {  	v46 =	vsub.f32 v11, v61;
	v6 =	vmul.f32 v6, v6;
	v60 =	vmul.f32 v18, v18;
	v18 =	vld [tilespmem:$0x4B0]  }
0xbe: {  	v45 =	vmul.f32 v7, v7;
	v59 =	vmul.f32 v17, v17;
	v17 =	vld [tilespmem:$0xCB0];
	v0 =	vadd.f32 v2, v0  }
0xbf: {  	v2 =	vld [tilespmem:$0x480];
	v44 =	vadd.f32 v6, v5;
	v7 =	vadd.f32 v48, v47;
	v6 =	vmul.f32 v46, v46  }
0xc0: {  	v35 =	vsub.f32 v21, v63;
	v5 =	vld [tilespmem:$0x90];
	v46 =	vmul.f32 v38, v38;
	v47 =	vmul.f32 v41, v41  }
0xc1: {  	v0 =	vadd.f32 v43, v0;
	v6 =	vadd.f32 v6, v7;
	v7 =	vld [tilespmem:$0x4A0]  }
0xc2: {  	v21 =	vadd.f32 v47, v46;
	v46 =	vsub.f32 v22, v61;
	v22 =	vld [tilespmem:$0x530]  }
0xc3: {  	v54 =	vsub.f32 v14, v62;
	v13 =	vsub.f32 v13, v63;
	v1 =	vmin.f32 v4, v0;
	v4 =	vld [tilespmem:$0x890]  }
0xc4: {  	v57 =	vmul.f32 v55, v55;
	v14 =	vadd.f32 v60, v59;
	v56 =	vmin.f32 v12, v6;
	v6 =	vld [tilespmem:$0x8B0]  }
0xc5: {  	v13 =	vmul.f32 v13, v13;
	v0 =	vadd.f32 v45, v44;
	v45 =	vsub.f32 v27, v61;
	v27 =	vld [tilespmem:$0xE0]  }
0xc6: {  	v12 =	vmul.f32 v58, v58;
	v44 =	vmul.f32 v37, v37;
	v37 =	vsub.f32 v15, v61;
	v15 =	vld [tilespmem:$0x510]  }
0xc7: {  	vm9 =	vgt.f32 v1, $-1.000000000e+00;
	v2 =	vsub.f32 v2, v62;
	v60 =	vsub.f32 v5, v63;
	v5 =	vld [tilespmem:$0x100]  }
0xc8: {  	v49 =	vnsel vm9, $0xBF800000, v1;
	v50 =	vmin.f32 v8, v0;
	v12 =	vadd.f32 v12, v14;
	v14 =	vld [tilespmem:$0x4C0]  }
0xc9: {  	v0 =	vmul.f32 v51, v51;
	v8 =	vmul.f32 v54, v54;
	v54 =	vsub.f32 v32, v63;
	v32 =	vld [tilespmem:$0xCE0]  }
0xca: {  	v41 =	vsub.f32 v18, v62;
	v51 =	vsub.f32 v31, v61;
	v31 =	vld [tilespmem:$0x4F0];
	vm10 =	vgt.f32 v50, v49  }
0xcb: {  	v2 =	vmul.f32 v2, v2;
	v7 =	vsub.f32 v7, v62;
	v0 =	vadd.f32 v8, v0;
	v8 =	vld [tilespmem:$0xB0]  }
0xcc: {  	v11 =	vsel vm10, v50, v49;
	v43 =	vmin.f32 v20, v12;
	v12 =	vld [tilespmem:$0x8D0];
	v20 =	vmul.f32 v45, v45  }
0xcd: {  	[tilespmem:$0x1FBC0] =	vst v50;
	v49 =	vsub.f32 v29, v63;
	v50 =	vsub.f32 v30, v62;
	v30 =	vld [tilespmem:$0x8E0];
	v58 =	vmul.f32 v54, v54  }
0xce: {  	v29 =	vld [tilespmem:$0xCF0];
	v54 =	vsub.f32 v25, v62;
	v7 =	vmul.f32 v7, v7;
	v6 =	vsub.f32 v6, v61  }
0xcf: {  	vm12 =	vgt.f32 v56, v11;
	v0 =	vadd.f32 v57, v0;
	v20 =	vadd.f32 v20, v21;
	v21 =	vld [tilespmem:$0x4E0]  }
0xd0: {  	v4 =	vsub.f32 v4, v61;
	v11 =	vsel vm12, v56, v11;
	v7 =	vadd.f32 v7, v13;
	v13 =	vld [tilespmem:$0x920]  }
0xd1: {  	v57 =	vsub.f32 v39, v61;
	v45 =	vmul.f32 v6, v6;
	v6 =	vld [tilespmem:$0x130];
	v34 =	vmin.f32 v16, v0  }
0xd2: {  	v0 =	vmul.f32 v35, v35;
	v16 =	vmul.f32 v36, v36;
	v55 =	vmin.f32 v28, v20;
	v20 =	vld [tilespmem:$0x8F0]  }
0xd3: {  	v2 =	vadd.f32 v2, v58;
	v28 =	vmul.f32 v57, v57;
	v58 =	vsub.f32 v30, v61;
	v30 =	vld [tilespmem:$0x950]  }
0xd4: {  	v36 =	vmul.f32 v4, v4;
	vm14 =	vgt.f32 v34, v11;
	v0 =	vadd.f32 v16, v0;
	v16 =	vld [tilespmem:$0xD0]  }
0xd5: {  	v4 =	vmul.f32 v37, v37;
	[tilespmem:$0x1FBE0] =	vst v34;
	v11 =	vsel vm14, v34, v11;
	v34 =	vsub.f32 v10, v62;
	v10 =	vld [tilespmem:$0x500]  }
0xd6: {  	v12 =	vsub.f32 v12, v61;
	v2 =	vadd.f32 v28, v2;
	v28 =	vld [tilespmem:$0x900]  }
0xd7: {  	[tilespmem:$0x1FBD0] =	vst v56;
	v56 =	vmul.f32 v51, v51;
	v5 =	vsub.f32 v5, v63;
	v4 =	vadd.f32 v4, v7;
	v7 =	vld [tilespmem:$0x520]  }
0xd8: {  	vm0 =	vgt.f32 v43, v11;
	v57 =	vmul.f32 v12, v12;
	v12 =	vld [tilespmem:$0x150];
	v0 =	vadd.f32 v44, v0  }
0xd9: {  	[tilespmem:$0x1FBF0] =	vst v43;
	v14 =	vsub.f32 v14, v62;
	v11 =	vsel vm0, v43, v11;
	v43 =	vsub.f32 v19, v63;
	v19 =	vld [tilespmem:$0xD20]  }
0xda: {  	v5 =	vmul.f32 v5, v5;
	v48 =	vmin.f32 v24, v0;
	v0 =	vmul.f32 v49, v49;
	v49 =	vld [tilespmem:$0x910]  }
0xdb: {  	v31 =	vsub.f32 v31, v62;
	v14 =	vmul.f32 v14, v14;
	v24 =	vmul.f32 v50, v50;
	v50 =	vld [tilespmem:$0x930]  }
0xdc: {  	v21 =	vsub.f32 v21, v62;
	v35 =	vmin.f32 v40, v2;
	v37 =	vsub.f32 v28, v61;
	v28 =	vld [tilespmem:$0x570]  }
0xdd: {  	v51 =	vsub.f32 v16, v63;
	v16 =	vmul.f32 v54, v54;
	v54 =	vld [tilespmem:$0x980];
	v0 =	vadd.f32 v24, v0  }
0xde: {  	v18 =	vmul.f32 v43, v43;
	vm15 =	vgt.f32 v48, v11;
	v10 =	vsub.f32 v10, v62;
	v24 =	vld [tilespmem:$0xF0]  }
0xdf: {  	v40 =	vsub.f32 v8, v63;
	[tilespmem:$0x1FC00] =	vst v48;
	v11 =	vsel vm15, v48, v11;
	v48 =	vld [tilespmem:$0xD00];
	v0 =	vadd.f32 v56, v0  }
0xe0: {  	v8 =	vmul.f32 v41, v41;
	v47 =	vadd.f32 v14, v18;
	v14 =	vld [tilespmem:$0xD30];
	v10 =	vmul.f32 v10, v10  }
0xe1: {  	v18 =	vld [tilespmem:$0x940];
	v59 =	vmin.f32 v3, v0;
	v0 =	vmul.f32 v60, v60;
	v3 =	vmul.f32 v34, v34  }
0xe2: {  	v44 =	vmin.f32 v42, v4;
	v13 =	vsub.f32 v13, v61;
	v56 =	vsub.f32 v27, v63;
	v27 =	vld [tilespmem:$0xD40]  }
0xe3: {  	vm11 =	vgt.f32 v55, v11;
	v5 =	vadd.f32 v10, v5;
	v10 =	vld [tilespmem:$0x580];
	v0 =	vadd.f32 v3, v0  }
0xe4: {  	v21 =	vmul.f32 v21, v21;
	v11 =	vsel vm11, v55, v11;
	v25 =	vmul.f32 v56, v56;
	v56 =	vld [tilespmem:$0x990]  }
0xe5: {  	vm5 =	vgt.f32 v59, v11;
	v60 =	vsub.f32 v24, v63;
	v24 =	vld [tilespmem:$0x160];
	v0 =	vadd.f32 v36, v0  }
0xe6: {  	v20 =	vsub.f32 v20, v61;
	v7 =	vsub.f32 v7, v62;
	v11 =	vsel vm5, v59, v11;
	v3 =	vld [tilespmem:$0x110]  }
0xe7: {  	[tilespmem:$0x1FC20] =	vst v59;
	v59 =	vadd.f32 v21, v25;
	v21 =	vld [tilespmem:$0xD50];
	v39 =	vmin.f32 v9, v0;
	v0 =	vmul.f32 v40, v40  }
0xe8: {  	v20 =	vmul.f32 v20, v20;
	v12 =	vsub.f32 v12, v63;
	v7 =	vmul.f32 v7, v7;
	v9 =	vld [tilespmem:$0x120]  }
0xe9: {  	[tilespmem:$0x1FC10] =	vst v55;
	v55 =	vimm.s32 $0x0;
	v40 =	vsub.f32 v15, v62;
	v15 =	vld [tilespmem:$0x180];
	v0 =	vadd.f32 v8, v0  }
0xea: {  	v12 =	vmul.f32 v12, v12;
	v25 =	vld [tilespmem:$0x190];
	vm4 =	vgt.f32 v35, v11;
	v8 =	vmul.f32 v46, v46  }
0xeb: {  	[tilespmem:$0x1FC30] =	vst v35;
	v38 =	vsel vm4, v35, v11;
	v11 =	vld [tilespmem:$0xD10];
	v35 =	vmul.f32 v60, v60;
	v0 =	vadd.f32 v45, v0  }
0xec: {  	v60 =	vld [tilespmem:$0xD70];
	vm2 =	vgt.f32 v39, v38;
	v3 =	vsub.f32 v3, v63;
	v4 =	vadd.f32 v8, v47  }
0xed: {  	v8 =	vld [tilespmem:$0x540];
	v9 =	vsub.f32 v9, v63;
	v43 =	vmin.f32 v17, v0;
	v0 =	vmul.f32 v51, v51  }
0xee: {  	v2 =	vsel vm2, v39, v38;
	v42 =	vmul.f32 v3, v3;
	v3 =	vsub.f32 v15, v63;
	v15 =	vld [tilespmem:$0xDE0]  }
0xef: {  	vm1 =	vgt.f32 v44, v2;
	v17 =	vld [tilespmem:$0x140];
	v9 =	vmul.f32 v9, v9;
	v0 =	vadd.f32 v16, v0  }
0xf0: {  	[tilespmem:$0x1FC50] =	vst v44;
	v2 =	vsel vm1, v44, v2;
	v44 =	vmin.f32 v26, v4;
	v26 =	vld [tilespmem:$0x550];
	v16 =	vmul.f32 v58, v58  }
0xf1: {  	vm3 =	vgt.f32 v43, v2;
	v7 =	vadd.f32 v7, v9;
	v9 =	vld [tilespmem:$0x5A0];
	v0 =	vadd.f32 v57, v0  }
0xf2: {  	v34 =	vimm.s32 $0x0;
	v2 =	vsel vm3, v43, v2;
	v4 =	vadd.f32 v16, v59;
	v16 =	vld [tilespmem:$0x560]  }
0xf3: {  	vm6 =	vgt.f32 v44, v2;
	v59 =	vld [tilespmem:$0xD60];
	v45 =	vmin.f32 v23, v0;
	v23 =	vmul.f32 v31, v31  }
0xf4: {  	[tilespmem:$0x1FBB0] =	vst v1;
	v38 =	vimm.s32 $0x0;
	v1 =	vsel vm3, $0xFFFFFFFF, v55;
	v2 =	vsel vm6, v44, v2;
	v31 =	vld [tilespmem:$0x960]  }
0xf5: {  	v8 =	vsub.f32 v8, v62;
	vm7 =	vgt.f32 v45, v2;
	v36 =	vadd.f32 v23, v35;
	v23 =	vld [tilespmem:$0x170]  }
0xf6: {  	v51 =	vnsel vm9, $0x80000000, v33;
	v33 =	vsub.f32 v6, v63;
	[tilespmem:$0x1FB70] =	vst v1;
	v1 =	vsel vm7, $0xFFFFFFFF, v34;
	v34 =	vld [tilespmem:$0xD80]  }
0xf7: {  	v17 =	vsub.f32 v17, v63;
	v8 =	vmul.f32 v8, v8;
	v35 =	vsub.f32 v22, v62;
	v22 =	vld [tilespmem:$0x5B0]  }
0xf8: {  	v26 =	vsub.f32 v26, v62;
	v46 =	vmin.f32 v32, v4;
	v2 =	vsel vm7, v45, v2;
	[tilespmem:$0x1FB80] =	vst v1;
	v1 =	vld [tilespmem:$0x5F0]  }
0xf9: {  	v17 =	vmul.f32 v17, v17;
	vm3 =	vgt.f32 v46, v2;
	v4 =	vadd.f32 v20, v36;
	v20 =	vld [tilespmem:$0x970]  }
0xfa: {  	v0 =	vsel vm3, $0xFFFFFFFF, v38;
	v6 =	vmul.f32 v35, v35;
	v35 =	vmul.f32 v26, v26;
	v26 =	vld [tilespmem:$0x9C0]  }
0xfb: {  	v36 =	vsel vm10, v52, v51;
	v38 =	vmul.f32 v33, v33;
	v33 =	vsub.f32 v30, v61;
	v30 =	vld [tilespmem:$0xDC0]  }
0xfc: {  	v32 =	vsel vm3, v46, v2;
	v2 =	vmul.f32 v13, v13;
	v13 =	vsel vm12, v53, v36;
	v36 =	vld [tilespmem:$0x1FF20]  }
0xfd: {  	v41 =	vsub.f32 v49, v61;
	[tilespmem:$0x1FC40] =	vst v39;
	v39 =	vmul.f32 v37, v37;
	v47 =	vmin.f32 v29, v4;
	v29 =	vld [tilespmem:$0x590]  }
0xfe: {  	v37 =	vsub.f32 v50, v61;
	v4 =	vmul.f32 v40, v40;
	v40 =	vadd.f32 v8, v17;
	v17 =	vld [tilespmem:$0xDB0]  }
0xff: {  	v18 =	vsub.f32 v18, v61;
	v5 =	vadd.f32 v39, v5;
	v8 =	vld [tilespmem:$0x5C0]  }
0x100: {  	v39 =	vmul.f32 v37, v37;
	v7 =	vadd.f32 v2, v7;
	v37 =	vadd.f32 v35, v12;
	v12 =	vld [tilespmem:$0x1D0]  }
0x101: {  	v6 =	vadd.f32 v6, v38;
	v38 =	vsub.f32 v24, v63;
	v24 =	vld [tilespmem:$0x5D0]  }
0x102: {  	v2 =	vld [tilespmem:$0x9F0]  }
0x103: {  	v57 =	vmul.f32 v41, v41;
	v41 =	vmul.f32 v18, v18;
	v50 =	vmin.f32 v19, v7;
	v19 =	vld [tilespmem:$0x1B0]  }
0x104: {  	v10 =	vsub.f32 v10, v62;
	v6 =	vadd.f32 v39, v6;
	v39 =	vld [tilespmem:$0x1FF30]  }
0x105: {  	v55 =	vadd.f32 v41, v40;
	v40 =	vsub.f32 v31, v61;
	v31 =	vld [tilespmem:$0xDD0]  }
0x106: {  	v4 =	vadd.f32 v4, v42;
	v41 =	vsub.f32 v23, v63;
	v23 =	vld [tilespmem:$0x1E0]  }
0x107: {  	v25 =	vsub.f32 v25, v63;
	vm7 =	vgt.f32 v47, v32;
	v7 =	vmul.f32 v33, v33;
	v33 =	vld [tilespmem:$0x9E0]  }
0x108: {  	v48 =	vmin.f32 v48, v5;
	v32 =	vsel vm7, v47, v32;
	v5 =	vadd.f32 v57, v4;
	v4 =	vld [tilespmem:$0xD90]  }
0x109: {  	v10 =	vmul.f32 v10, v10;
	v58 =	vimm.s32 $0x0;
	vm8 =	vgt.f32 v48, v32;
	v57 =	vld [tilespmem:$0x9A0]  }
0x10a: {  	v25 =	vmul.f32 v25, v25;
	v16 =	vsub.f32 v16, v62;
	[tilespmem:$0x1FB90] =	vst v0;
	v0 =	vsel vm8, $0xFFFFFFFF, v58;
	v58 =	vld [tilespmem:$0x9B0]  }
0x10b: {  	v9 =	vsub.f32 v9, v62;
	v51 =	vmin.f32 v14, v6;
	v6 =	vadd.f32 v7, v37;
	v7 =	vld [tilespmem:$0x9D0]  }
0x10c: {  	v16 =	vmul.f32 v16, v16;
	v52 =	vmin.f32 v27, v55;
	v14 =	vmul.f32 v38, v38;
	v55 =	vld [tilespmem:$0x1FF40]  }
0x10d: {  	v9 =	vmul.f32 v9, v9;
	v35 =	vsub.f32 v54, v61;
	v27 =	vmul.f32 v40, v40;
	[tilespmem:$0x1FBA0] =	vst v0;
	v0 =	vld [tilespmem:$0x200]  }
0x10e: {  	v29 =	vsub.f32 v29, v62;
	v49 =	vmin.f32 v11, v5;
	v11 =	vld [tilespmem:$0x1A0];
	v16 =	vadd.f32 v16, v14  }
0x10f: {  	v1 =	vsub.f32 v1, v62;
	v32 =	vsel vm8, v48, v32;
	v13 =	vsel vm14, v36, v13;
	v5 =	vld [tilespmem:$0xDA0]  }
0x110: {  	v13 =	vsel vm0, v39, v13;
	v29 =	vmul.f32 v29, v29;
	v16 =	vadd.f32 v27, v16;
	v27 =	vld [tilespmem:$0xA00]  }
0x111: {  	vm8 =	vgt.f32 v49, v32;
	v14 =	vsel vm15, v55, v13;
	v13 =	vmul.f32 v3, v3;
	v3 =	vld [tilespmem:$0xE00]  }
0x112: {  	v37 =	vsub.f32 v56, v61;
	v32 =	vsel vm8, v49, v32;
	v38 =	vadd.f32 v29, v25;
	v25 =	vld [tilespmem:$0x610]  }
0x113: {  	v20 =	vsub.f32 v20, v61;
	v26 =	vsub.f32 v26, v61;
	vm12 =	vgt.f32 v50, v32;
	v29 =	vld [tilespmem:$0x620]  }
0x114: {  	v8 =	vsub.f32 v8, v62;
	v39 =	vmul.f32 v37, v37;
	v42 =	vsel vm12, v50, v32;
	v32 =	vld [tilespmem:$0x1C0]  }
0x115: {  	v40 =	vsub.f32 v57, v61;
	v54 =	vmin.f32 v59, v16;
	v16 =	vld [tilespmem:$0x600];
	v10 =	vadd.f32 v10, v13  }
0x116: {  	v36 =	vmul.f32 v35, v35;
	v13 =	vadd.f32 v39, v38;
	v39 =	vsub.f32 v24, v62;
	v24 =	vld [tilespmem:$0x230]  }
0x117: {  	vm13 =	vgt.f32 v51, v42;
	v55 =	vmul.f32 v40, v40;
	v40 =	vmul.f32 v26, v26;
	v26 =	vld [tilespmem:$0xE30]  }
0x118: {  	v11 =	vsub.f32 v11, v63;
	v18 =	vsel vm13, v51, v42;
	v42 =	vsub.f32 v28, v62;
	v28 =	vld [tilespmem:$0x5E0]  }
0x119: {  	v53 =	vmin.f32 v21, v6;
	v38 =	vsub.f32 v12, v63;
	v59 =	vmin.f32 v4, v13;
	v13 =	vld [tilespmem:$0xA20]  }
0x11a: {  	v11 =	vmul.f32 v11, v11;
	v21 =	vmul.f32 v42, v42;
	v42 =	vsub.f32 v22, v62;
	v22 =	vld [tilespmem:$0x210]  }
0x11b: {  	v6 =	vmul.f32 v41, v41;
	v10 =	vadd.f32 v36, v10;
	v36 =	vsub.f32 v32, v63;
	v32 =	vld [tilespmem:$0xE10]  }
0x11c: {  	v4 =	vmul.f32 v38, v38;
	v12 =	vmul.f32 v39, v39;
	v9 =	vadd.f32 v9, v11;
	v11 =	vld [tilespmem:$0xE20]  }
0x11d: {  	v20 =	vmul.f32 v20, v20;
	v7 =	vsub.f32 v7, v61;
	v35 =	vsub.f32 v16, v62;
	v16 =	vld [tilespmem:$0xE40]  }
0x11e: {  	v8 =	vmul.f32 v8, v8;
	v4 =	vadd.f32 v12, v4;
	v12 =	vld [tilespmem:$0x250];
	v6 =	vadd.f32 v21, v6  }
0x11f: {  	v57 =	vmin.f32 v34, v10;
	v21 =	vld [tilespmem:$0x1F0];
	v9 =	vadd.f32 v55, v9;
	v10 =	vmul.f32 v36, v36  }
0x120: {  	v55 =	vsub.f32 v33, v61;
	v6 =	vadd.f32 v20, v6;
	v20 =	vld [tilespmem:$0xDF0]  }
0x121: {  	v1 =	vmul.f32 v1, v1;
	v41 =	vsub.f32 v19, v63;
	v8 =	vadd.f32 v8, v10;
	v10 =	vld [tilespmem:$0xA30]  }
0x122: {  	v7 =	vmul.f32 v7, v7;
	v33 =	vmul.f32 v55, v55;
	v55 =	vsub.f32 v25, v62;
	v25 =	vld [tilespmem:$0xA50]  }
0x123: {  	v0 =	vsub.f32 v0, v63;
	v56 =	vmin.f32 v60, v6;
	v60 =	vsub.f32 v58, v61;
	v58 =	vld [tilespmem:$0xA10]  }
0x124: {  	v4 =	vadd.f32 v7, v4;
	v6 =	vmul.f32 v41, v41;
	v41 =	vsub.f32 v23, v63;
	v23 =	vld [tilespmem:$0x630]  }
0x125: {  	v19 =	vmul.f32 v42, v42;
	v42 =	vsub.f32 v28, v62;
	v28 =	vsub.f32 v21, v63;
	v21 =	vld [tilespmem:$0xA40]  }
0x126: {  	vm14 =	vgt.f32 v52, v18;
	v8 =	vadd.f32 v40, v8;
	v40 =	vmin.f32 v31, v4;
	v31 =	vld [tilespmem:$0x260]  }
0x127: {  	v39 =	vsub.f32 v22, v63;
	v4 =	vld [tilespmem:$0x1FF50];
	v6 =	vadd.f32 v19, v6;
	v37 =	vmul.f32 v60, v60  }
0x128: {  	v19 =	vld [tilespmem:$0x220];
	v60 =	vmin.f32 v5, v9;
	v5 =	vmul.f32 v41, v41;
	v9 =	vmul.f32 v42, v42  }
0x129: {  	v34 =	vsub.f32 v2, v61;
	v22 =	vmul.f32 v55, v55;
	v41 =	vmin.f32 v30, v8;
	v30 =	vld [tilespmem:$0xE60]  }
0x12a: {  	v8 =	vmul.f32 v35, v35;
	v35 =	vmul.f32 v39, v39;
	v5 =	vadd.f32 v9, v5;
	v9 =	vld [tilespmem:$0x640]  }
0x12b: {  	v38 =	vmul.f32 v0, v0;
	v6 =	vadd.f32 v37, v6;
	v37 =	vsub.f32 v27, v61;
	v27 =	vld [tilespmem:$0xE50]  }
0x12c: {  	v36 =	vmul.f32 v34, v34;
	v13 =	vsub.f32 v13, v61;
	v55 =	vadd.f32 v22, v35;
	v22 =	vld [tilespmem:$0xA60]  }
0x12d: {  	v12 =	vsub.f32 v12, v63;
	v34 =	vsub.f32 v58, v61;
	v42 =	vmin.f32 v17, v6;
	v17 =	vld [tilespmem:$0x240]  }
0x12e: {  	v6 =	vmul.f32 v28, v28;
	v5 =	vadd.f32 v33, v5;
	v28 =	vld [tilespmem:$0x650];
	v33 =	vadd.f32 v8, v38  }
0x12f: {  	v7 =	vmul.f32 v37, v37;
	v38 =	vsub.f32 v29, v62;
	v29 =	vld [tilespmem:$0xA80];
	v37 =	vsub.f32 v19, v63  }
0x130: {  	v19 =	vld [tilespmem:$0x660];
	v8 =	vmul.f32 v34, v34;
	v34 =	vsub.f32 v23, v62;
	v1 =	vadd.f32 v1, v6  }
0x131: {  	v23 =	vld [tilespmem:$0x270];
	v39 =	vmin.f32 v15, v5;
	v15 =	vmul.f32 v38, v38;
	v58 =	vmul.f32 v37, v37  }
0x132: {  	v18 =	vsel vm14, v52, v18;
	v6 =	vadd.f32 v7, v33;
	v33 =	vsub.f32 v24, v63;
	v24 =	vld [tilespmem:$0xA70]  }
0x133: {  	v13 =	vmul.f32 v13, v13;
	v10 =	vsub.f32 v10, v61;
	v35 =	vadd.f32 v15, v58;
	v15 =	vld [tilespmem:$0x670]  }
0x134: {  	v12 =	vmul.f32 v12, v12;
	v7 =	vadd.f32 v8, v55;
	v55 =	vsub.f32 v17, v63;
	v17 =	vld [tilespmem:$0xE70]  }
0x135: {  	v10 =	vmul.f32 v10, v10;
	v1 =	vadd.f32 v36, v1;
	v58 =	vsub.f32 v21, v61;
	v21 =	vld [tilespmem:$0x680]  }
0x136: {  	v9 =	vsub.f32 v9, v62;
	v36 =	vmin.f32 v32, v7;
	v7 =	vsub.f32 v25, v61;
	v25 =	vld [tilespmem:$0xA90]  }
0x137: {  	v37 =	vmin.f32 v3, v6;
	v28 =	vsub.f32 v28, v62;
	v32 =	vld [tilespmem:$0xE90];
	v38 =	vmin.f32 v20, v1  }
0x138: {  	v1 =	vmul.f32 v33, v33;
	v20 =	vmul.f32 v34, v34;
	v8 =	vadd.f32 v13, v35;
	v13 =	vld [tilespmem:$0x280]  }
0x139: {  	v22 =	vsub.f32 v22, v61;
	v3 =	vmul.f32 v55, v55;
	v55 =	vmul.f32 v28, v28;
	v28 =	vld [tilespmem:$0x290]  }
0x13a: {  	v19 =	vsub.f32 v19, v62;
	v6 =	vmul.f32 v58, v58;
	v58 =	vsub.f32 v31, v63;
	v31 =	vld [tilespmem:$0x690]  }
0x13b: {  	v9 =	vmul.f32 v9, v9;
	v24 =	vsub.f32 v24, v61;
	v1 =	vadd.f32 v20, v1;
	v20 =	vld [tilespmem:$0xE80]  }
0x13c: {  	v19 =	vmul.f32 v19, v19;
	v12 =	vadd.f32 v55, v12;
	v55 =	vsub.f32 v29, v61;
	v29 =	vld [tilespmem:$0x6B0]  }
0x13d: {  	v3 =	vadd.f32 v9, v3;
	v35 =	vmin.f32 v11, v8;
	v34 =	vmul.f32 v24, v24;
	v24 =	vld [tilespmem:$0xEB0]  }
0x13e: {  	v1 =	vadd.f32 v10, v1;
	v10 =	vmul.f32 v7, v7;
	v7 =	vmul.f32 v22, v22;
	v22 =	vld [tilespmem:$0x6A0]  }
0x13f: {  	v11 =	vmul.f32 v58, v58;
	v15 =	vsub.f32 v15, v62;
	v9 =	vsub.f32 v21, v62;
	v21 =	vld [tilespmem:$0x2B0]  }
0x140: {  	vm15 =	vgt.f32 v53, v18;
	v3 =	vadd.f32 v6, v3;
	v6 =	vsub.f32 v23, v63;
	v23 =	vld [tilespmem:$0x2A0]  }
0x141: {  	v11 =	vadd.f32 v19, v11;
	v33 =	vmin.f32 v26, v1;
	v12 =	vadd.f32 v10, v12;
	v26 =	vld [tilespmem:$0xAA0]  }
0x142: {  	v15 =	vmul.f32 v15, v15;
	v8 =	vsub.f32 v13, v63;
	v58 =	vsub.f32 v28, v63;
	v28 =	vld [tilespmem:$0xAB0]  }
0x143: {  	v13 =	vmul.f32 v9, v9;
	v1 =	vmul.f32 v6, v6;
	v10 =	vmin.f32 v16, v3;
	v16 =	vld [tilespmem:$0xEA0]  }
0x144: {  	v19 =	vadd.f32 v7, v11;
	v6 =	vsub.f32 v31, v62;
	v31 =	vld [tilespmem:$0x300];
	v3 =	vmul.f32 v8, v8  }
0x145: {  	v11 =	vmin.f32 v27, v12;
	v8 =	vsub.f32 v25, v61;
	v9 =	vmul.f32 v58, v58;
	v58 =	vld [tilespmem:$0x6C0]  }
0x146: {  	v1 =	vadd.f32 v15, v1;
	v12 =	vmin.f32 v30, v19;
	v22 =	vsub.f32 v22, v62;
	v30 =	vld [tilespmem:$0xEC0]  }
0x147: {  	v27 =	vmul.f32 v6, v6;
	v6 =	vsub.f32 v21, v63;
	v21 =	vld [tilespmem:$0x2D0];
	v3 =	vadd.f32 v13, v3  }
0x148: {  	v7 =	vmul.f32 v55, v55;
	v55 =	vsub.f32 v23, v63;
	v1 =	vadd.f32 v34, v1;
	v34 =	vld [tilespmem:$0x2C0]  }
0x149: {  	v15 =	vmul.f32 v8, v8;
	v25 =	vadd.f32 v27, v9;
	v27 =	vld [tilespmem:$0xAC0];
	v26 =	vsub.f32 v26, v61  }
0x14a: {  	v22 =	vmul.f32 v22, v22;
	v9 =	vsub.f32 v28, v61;
	v28 =	vld [tilespmem:$0xAD0];
	v3 =	vadd.f32 v7, v3  }
0x14b: {  	v19 =	vmul.f32 v55, v55;
	v7 =	vsub.f32 v29, v62;
	v29 =	vld [tilespmem:$0xED0];
	v13 =	vmin.f32 v17, v1  }
0x14c: {  	v15 =	vadd.f32 v15, v25;
	v8 =	vmul.f32 v26, v26;
	v25 =	vld [tilespmem:$0x6D0];
	v1 =	vmul.f32 v6, v6  }
0x14d: {  	v23 =	vsub.f32 v58, v62;
	v58 =	vld [tilespmem:$0x2E0];
	v5 =	vmul.f32 v9, v9;
	v17 =	vmul.f32 v7, v7  }
0x14e: {  	v6 =	vld [tilespmem:$0x6E0];
	v19 =	vadd.f32 v22, v19;
	v15 =	vmin.f32 v32, v15;
	v32 =	vsub.f32 v21, v63  }
0x14f: {  	v26 =	vld [tilespmem:$0x310];
	v23 =	vmul.f32 v23, v23;
	v55 =	vsub.f32 v34, v63;
	v1 =	vadd.f32 v17, v1  }
0x150: {  	v22 =	vld [tilespmem:$0xEE0];
	v34 =	vsel vm11, v4, v14;
	v19 =	vadd.f32 v8, v19;
	v14 =	vmin.f32 v20, v3  }
0x151: {  	v3 =	vld [tilespmem:$0xAE0];
	v8 =	vsub.f32 v27, v61;
	v7 =	vmul.f32 v55, v55;
	v1 =	vadd.f32 v5, v1  }
0x152: {  	v4 =	vld [tilespmem:$0x1FB70];
	v16 =	vmin.f32 v16, v19;
	v55 =	vsub.f32 v25, v62;
	v58 =	vsub.f32 v58, v63  }
0x153: {  	v19 =	vmul.f32 v8, v8;
	v6 =	vsub.f32 v6, v62;
	v8 =	vsub.f32 v28, v61;
	v28 =	vld [tilespmem:$0xAF0]  }
0x154: {  	v9 =	vadd.f32 v23, v7;
	v17 =	vmin.f32 v24, v1;
	v23 =	vld [tilespmem:$0x2F0];
	v1 =	vmul.f32 v32, v32  }
0x155: {  	v18 =	vsel vm15, v53, v18;
	v7 =	vld [tilespmem:$0x6F0];
	v21 =	vmul.f32 v55, v55;
	v24 =	vmul.f32 v58, v58  }
0x156: {  	v25 =	vmul.f32 v6, v6;
	v55 =	vmul.f32 v8, v8;
	v8 =	vld [tilespmem:$0x710];
	v3 =	vsub.f32 v3, v61  }
0x157: {  	vm3 =	vgt.f32 v54, v18;
	v9 =	vadd.f32 v19, v9;
	v1 =	vadd.f32 v21, v1;
	v21 =	vld [tilespmem:$0x700]  }
0x158: {  	v26 =	vsub.f32 v26, v63;
	v32 =	vsel vm3, v54, v18;
	v58 =	vadd.f32 v25, v24;
	v24 =	vld [tilespmem:$0xB00]  }
0x159: {  	v3 =	vmul.f32 v3, v3;
	v18 =	vmin.f32 v30, v9;
	v1 =	vadd.f32 v55, v1;
	v30 =	vld [tilespmem:$0x320]  }
0x15a: {  	v9 =	vsub.f32 v28, v61;
	v28 =	vld [tilespmem:$0xB20];
	v23 =	vsub.f32 v23, v63  }
0x15b: {  	v6 =	vsub.f32 v7, v62;
	v7 =	vld [tilespmem:$0x1FF60];
	v3 =	vadd.f32 v3, v58  }
0x15c: {  	v55 =	vsub.f32 v31, v63;
	v19 =	vmin.f32 v29, v1;
	v29 =	vld [tilespmem:$0xF00];
	v23 =	vmul.f32 v23, v23  }
0x15d: {  	v25 =	vmul.f32 v6, v6;
	v20 =	vmin.f32 v22, v3;
	v21 =	vsub.f32 v21, v62;
	v22 =	vld [tilespmem:$0xB10]  }
0x15e: {  	v5 =	vsub.f32 v24, v61;
	v6 =	vmul.f32 v55, v55;
	v55 =	vmul.f32 v26, v26;
	v26 =	vld [tilespmem:$0x730]  }
0x15f: {  	vm0 =	vgt.f32 v56, v32;
	v1 =	vmul.f32 v9, v9;
	v58 =	vadd.f32 v25, v23;
	v25 =	vld [tilespmem:$0xF10]  }
0x160: {  	v21 =	vmul.f32 v21, v21;
	v9 =	vmul.f32 v5, v5;
	v23 =	vld [tilespmem:$0x720];
	v28 =	vsub.f32 v28, v61  }
0x161: {  	v27 =	vsel vm5, v7, v34;
	v34 =	vld [tilespmem:$0xEF0];
	v7 =	vsub.f32 v8, v62;
	v8 =	vsel vm0, v56, v32  }
0x162: {  	v1 =	vadd.f32 v1, v58;
	v21 =	vadd.f32 v21, v6;
	v6 =	vld [tilespmem:$0x1FF70];
	vm5 =	vgt.f32 v57, v8  }
0x163: {  	v58 =	vmul.f32 v7, v7;
	v22 =	vsub.f32 v22, v61;
	v31 =	vsel vm5, v57, v8;
	v8 =	vld [tilespmem:$0x1FF80]  }
0x164: {  	v28 =	vmul.f32 v28, v28;
	v7 =	vld [tilespmem:$0x330]  }
0x165: {  	v3 =	vadd.f32 v9, v21;
	v24 =	vadd.f32 v58, v55;
	v9 =	vmul.f32 v22, v22;
	v58 =	vld [tilespmem:$0xB30]  }
0x166: {  	v32 =	vld [tilespmem:$0x1FF90];
	v23 =	vsub.f32 v23, v62;
	v21 =	vmin.f32 v34, v1;
	v34 =	vsub.f32 v30, v63  }
0x167: {  	v30 =	vld [tilespmem:$0xF20];
	v22 =	vmin.f32 v29, v3;
	v27 =	vsel vm4, v6, v27;
	vm4 =	vgt.f32 v59, v31  }
0x168: {  	v29 =	vld [tilespmem:$0x740];
	v55 =	vadd.f32 v9, v24;
	v6 =	vmul.f32 v23, v23;
	v27 =	vsel vm2, v8, v27  }
0x169: {  	v9 =	vld [tilespmem:$0x340];
	v31 =	vsel vm4, v59, v31;
	v1 =	vmul.f32 v34, v34;
	v7 =	vsub.f32 v7, v63  }
0x16a: {  	v8 =	vsub.f32 v26, v62;
	v23 =	vmin.f32 v25, v55;
	v24 =	vsub.f32 v58, v61;
	v58 =	vld [tilespmem:$0x1FFA0]  }
0x16b: {  	v34 =	vld [tilespmem:$0xF30];
	v27 =	vsel vm1, v32, v27;
	vm1 =	vgt.f32 v60, v31;
	v1 =	vadd.f32 v6, v1  }
0x16c: {  	v3 =	vmul.f32 v7, v7;
	v25 =	vmul.f32 v8, v8;
	v55 =	vsel vm1, v60, v31;
	v8 =	vld [tilespmem:$0x1FFB0]  }
0x16d: {  	vm9 =	vnez.u8 v4;
	v32 =	vld [tilespmem:$0xB40];
	vm2 =	vgt.f32 v42, v55;
	v1 =	vadd.f32 v28, v1  }
0x16e: {  	v31 =	vld [tilespmem:$0x350];
	v3 =	vadd.f32 v25, v3;
	v28 =	vsel vm2, v42, v55;
	v7 =	vmul.f32 v24, v24  }
0x16f: {  	v9 =	vsub.f32 v9, v63;
	v55 =	vsub.f32 v29, v62;
	v5 =	vsel vm9, v58, v27;
	v58 =	vld [tilespmem:$0xB50]  }
0x170: {  	v6 =	vld [tilespmem:$0x750];
	v3 =	vadd.f32 v7, v3  }
0x171: {  	v26 =	vmul.f32 v55, v55;
	v55 =	vld [tilespmem:$0x1FB80];
	v0 =	vsel vm6, v8, v5;
	v8 =	vmul.f32 v9, v9  }
0x172: {  	v25 =	vmin.f32 v34, v3;
	v34 =	vld [tilespmem:$0x1FFC0]  }
0x173: {  	vm11 =	vgt.f32 v41, v28;
	v26 =	vadd.f32 v26, v8;
	v8 =	vld [tilespmem:$0x1FB90]  }
0x174: {  	v24 =	vmin.f32 v30, v1;
	v1 =	vsel vm11, v41, v28;
	v28 =	vsub.f32 v58, v61;
	v58 =	vld [tilespmem:$0x1FFD0]  }
0x175: {  	v30 =	vld [tilespmem:$0x760]  }
0x176: {  	v7 =	vsub.f32 v32, v61;
	v32 =	vld [tilespmem:$0xB60]  }
0x177: {  	v9 =	vsub.f32 v31, v63;
	v31 =	vld [tilespmem:$0x360];
	vm10 =	vnez.u8 v55  }
0x178: {  	v0 =	vsel vm10, v34, v0;
	v34 =	vld [tilespmem:$0x1FFE0];
	vm9 =	vnez.u8 v8  }
0x179: {  	v0 =	vsel vm9, v58, v0;
	v58 =	vld [tilespmem:$0x1FBA0]  }
0x17a: {  	v27 =	vsub.f32 v6, v62;
	v29 =	vmul.f32 v7, v7;
	v55 =	vld [tilespmem:$0x1FFF0]  }
0x17b: {  	v7 =	vld [tilespmem:$0x770]  }
0x17c: {  	v27 =	vmul.f32 v27, v27;
	v3 =	vmul.f32 v9, v9;
	v26 =	vadd.f32 v29, v26;
	v29 =	vld [tilespmem:$0xF40]  }
0x17d: {  	v0 =	vsel vm7, v34, v0;
	v34 =	vld [tilespmem:$0x370]  }
0x17e: {  	v9 =	vld [tilespmem:$0xF50];
	v30 =	vsub.f32 v30, v62;
	v3 =	vadd.f32 v27, v3;
	vm10 =	vnez.u8 v58  }
0x17f: {  	v31 =	vsub.f32 v31, v63;
	v28 =	vmul.f32 v28, v28;
	v0 =	vsel vm10, v55, v0;
	v55 =	vld [tilespmem:$0xB70];
	_ =	sdelay $0x1  }
0x180: {  	v4 =	vld [tilespmem:$0x1FF00];
	v30 =	vmul.f32 v30, v30;
	v31 =	vmul.f32 v31, v31;
	v3 =	vadd.f32 v28, v3  }
0x181: {  	v6 =	vld [tilespmem:$0x1FEF0];
	v28 =	vsub.f32 v7, v62;
	v26 =	vmin.f32 v29, v26;
	v5 =	vsub.f32 v34, v63  }
0x182: {  	v8 =	vld [tilespmem:$0x1FF10];
	v27 =	vmin.f32 v9, v3;
	v9 =	vadd.f32 v30, v31;
	v58 =	vsub.f32 v32, v61  }
0x183: {  	v7 =	vld [tilespmem:$0x780];
	v28 =	vmul.f32 v28, v28;
	v31 =	vmul.f32 v5, v5;
	v29 =	vsub.f32 v55, v61  }
0x184: {  	v32 =	vld [tilespmem:$0x380];
	v30 =	vmul.f32 v58, v58  }
0x185: {  	v28 =	vadd.f32 v28, v31;
	v31 =	vld [tilespmem:$0x1FC60];
	v29 =	vmul.f32 v29, v29  }
0x186: {  	v3 =	vadd.f32 v30, v9;
	v9 =	vld [tilespmem:$0x1FC70]  }
0x187: {  	v0 =	vsel vm8, v8, v0;
	v29 =	vadd.f32 v29, v28;
	v28 =	vld [tilespmem:$0x1FC80]  }
0x188: {  	v2 =	vld [tilespmem:$0x390];
	v0 =	vsel vm12, v4, v0  }
0x189: {  	v34 =	vsub.f32 v7, v62;
	v0 =	vsel vm13, v6, v0;
	v32 =	vsub.f32 v32, v63;
	v55 =	vld [tilespmem:$0xF70]  }
0x18a: {  	v8 =	vld [tilespmem:$0xF60];
	v0 =	vsel vm14, v31, v0  }
0x18b: {  	v58 =	vld [tilespmem:$0xB80];
	v34 =	vmul.f32 v34, v34;
	v32 =	vmul.f32 v32, v32;
	v0 =	vsel vm15, v9, v0  }
0x18c: {  	v0 =	vsel vm3, v28, v0;
	v28 =	vld [tilespmem:$0x790]  }
0x18d: {  	v30 =	vadd.f32 v34, v32;
	v34 =	vld [tilespmem:$0x1FC90]  }
0x18e: {  	v29 =	vmin.f32 v55, v29;
	v55 =	vld [tilespmem:$0xB90]  }
0x18f: {  	v7 =	vld [tilespmem:$0x1FCA0]  }
0x190: {  	v6 =	vsub.f32 v58, v61;
	v58 =	vld [tilespmem:$0x7A0]  }
0x191: {  	v2 =	vsub.f32 v2, v63;
	v9 =	vmin.f32 v8, v3;
	v8 =	vld [tilespmem:$0x1FCB0];
	v28 =	vsub.f32 v28, v62  }
0x192: {  	v0 =	vsel vm0, v34, v0;
	v34 =	vld [tilespmem:$0x3A0]  }
0x193: {  	v2 =	vmul.f32 v2, v2;
	v31 =	vsub.f32 v55, v61;
	v28 =	vmul.f32 v28, v28;
	_ =	sdelay $0x1  }
0x194: {  	v0 =	vsel vm5, v7, v0;
	v31 =	vmul.f32 v31, v31;
	v2 =	vadd.f32 v28, v2;
	v28 =	vld [tilespmem:$0x1FCC0]  }
0x195: {  	v58 =	vsub.f32 v58, v62;
	v0 =	vsel vm4, v8, v0;
	v8 =	vld [tilespmem:$0x1FCD0]  }
0x196: {  	v34 =	vsub.f32 v34, v63;
	v2 =	vadd.f32 v31, v2;
	v31 =	vld [tilespmem:$0x1FCE0];
	_ =	sdelay $0x1  }
0x197: {  	v58 =	vmul.f32 v58, v58;
	v34 =	vmul.f32 v34, v34  }
0x198: {  	v3 =	vld [tilespmem:$0x3B0];
	v0 =	vsel vm1, v28, v0  }
0x199: {  	v28 =	vadd.f32 v58, v34;
	v34 =	vld [tilespmem:$0x1FCF0];
	v0 =	vsel vm2, v8, v0  }
0x19a: {  	v32 =	vmul.f32 v6, v6;
	v0 =	vsel vm11, v31, v0;
	v31 =	vld [tilespmem:$0x7B0]  }
0x19b: {  	v4 =	vld [tilespmem:$0xBA0]  }
0x19c: {  	vm6 =	vgt.f32 v40, v1;
	v30 =	vadd.f32 v32, v30;
	v32 =	vld [tilespmem:$0xF80]  }
0x19d: {  	v1 =	vsel vm6, v40, v1;
	v55 =	vld [tilespmem:$0xF90]  }
0x19e: {  	vm9 =	vgt.f32 v39, v1;
	v7 =	vld [tilespmem:$0x1FD00]  }
0x19f: {  	v3 =	vsub.f32 v3, v63;
	v0 =	vsel vm6, v34, v0;
	v34 =	vld [tilespmem:$0x1FD10];
	v31 =	vsub.f32 v31, v62  }
0x1a0: {  	v1 =	vsel vm9, v39, v1  }
0x1a1: {  	v30 =	vmin.f32 v32, v30;
	v32 =	vld [tilespmem:$0x1FD30];
	v3 =	vmul.f32 v3, v3;
	v31 =	vmul.f32 v31, v31  }
0x1a2: {  	vm7 =	vgt.f32 v38, v1;
	v8 =	vmin.f32 v55, v2;
	v55 =	vld [tilespmem:$0xBB0]  }
0x1a3: {  	v4 =	vsub.f32 v4, v61;
	v0 =	vsel vm9, v7, v0;
	v3 =	vadd.f32 v31, v3;
	v31 =	vld [tilespmem:$0x1FD20]  }
0x1a4: {  	v0 =	vsel vm7, v34, v0;
	v34 =	vld [tilespmem:$0xFA0]  }
0x1a5: {  	v1 =	vsel vm7, v38, v1;
	v4 =	vmul.f32 v4, v4  }
0x1a6: {  	vm10 =	vgt.f32 v37, v1;
	v58 =	vld [tilespmem:$0x3C0]  }
0x1a7: {  	v1 =	vsel vm10, v37, v1;
	v2 =	vld [tilespmem:$0x7C0];
	v4 =	vadd.f32 v4, v28  }
0x1a8: {  	vm8 =	vgt.f32 v36, v1;
	v55 =	vsub.f32 v55, v61;
	v0 =	vsel vm10, v31, v0;
	v31 =	vld [tilespmem:$0xFB0]  }
0x1a9: {  	v0 =	vsel vm8, v32, v0;
	v32 =	vmin.f32 v34, v4;
	v34 =	vld [tilespmem:$0x1FD40]  }
0x1aa: {  	v1 =	vsel vm8, v36, v1;
	v28 =	vmul.f32 v55, v55;
	v55 =	vld [tilespmem:$0x1FD50]  }
0x1ab: {  	vm12 =	vgt.f32 v35, v1  }
0x1ac: {  	v1 =	vsel vm12, v35, v1;
	v3 =	vadd.f32 v28, v3  }
0x1ad: {  	vm13 =	vgt.f32 v33, v1  }
0x1ae: {  	v7 =	vsub.f32 v58, v63;
	v58 =	vmin.f32 v31, v3;
	v31 =	vld [tilespmem:$0x1FD60];
	v0 =	vsel vm12, v34, v0  }
0x1af: {  	v2 =	vsub.f32 v2, v62;
	v0 =	vsel vm13, v55, v0;
	v55 =	vld [tilespmem:$0x1FD70]  }
0x1b0: {  	v1 =	vsel vm13, v33, v1  }
0x1b1: {  	vm14 =	vgt.f32 v10, v1;
	v2 =	vmul.f32 v2, v2;
	v28 =	vmul.f32 v7, v7  }
0x1b2: {  	v1 =	vsel vm14, v10, v1  }
0x1b3: {  	vm15 =	vgt.f32 v11, v1;
	v2 =	vadd.f32 v2, v28;
	v28 =	vld [tilespmem:$0x1FD80];
	v0 =	vsel vm14, v31, v0  }
0x1b4: {  	v0 =	vsel vm15, v55, v0;
	v55 =	vld [tilespmem:$0x1FD90]  }
0x1b5: {  	v1 =	vsel vm15, v11, v1  }
0x1b6: {  	vm3 =	vgt.f32 v12, v1  }
0x1b7: {  	v1 =	vsel vm3, v12, v1  }
0x1b8: {  	vm0 =	vgt.f32 v13, v1;
	v0 =	vsel vm3, v28, v0  }
0x1b9: {  	v0 =	vsel vm0, v55, v0;
	v55 =	vld [tilespmem:$0x1FBD0];
	_ =	sdelay $0x3  }
0x1ba: {  	v31 =	vld [tilespmem:$0x1FBB0]  }
0x1bb: {  	[tilespmem:$0xC20] =	vst v55;
	v55 =	vld [tilespmem:$0x1FBE0];
	_ =	sdelay $0x1  }
0x1bc: {  	v3 =	vld [tilespmem:$0x7D0]  }
0x1bd: {  	v34 =	vld [tilespmem:$0x3D0]  }
0x1be: {  	[tilespmem:$0xC00] =	vst v31;
	v31 =	vld [tilespmem:$0x1FBC0]  }
0x1bf: {  	[tilespmem:$0xC30] =	vst v55;
	v55 =	vld [tilespmem:$0x1FC00];
	_ =	sdelay $0x2  }
0x1c0: {  	v6 =	vld [tilespmem:$0x1FDA0]  }
0x1c1: {  	[tilespmem:$0xC10] =	vst v31  }
0x1c2: {  	v3 =	vsub.f32 v3, v62;
	v31 =	vsub.f32 v34, v63;
	[tilespmem:$0xC50] =	vst v55;
	v55 =	vld [tilespmem:$0x1FC10]  }
0x1c3: {  	v1 =	vsel vm0, v13, v1  }
0x1c4: {  	vm5 =	vgt.f32 v14, v1;
	v3 =	vmul.f32 v3, v3;
	v31 =	vmul.f32 v31, v31  }
0x1c5: {  	v0 =	vsel vm5, v6, v0;
	v6 =	vld [tilespmem:$0x1FDB0]  }
0x1c6: {  	v1 =	vsel vm5, v14, v1;
	v3 =	vadd.f32 v3, v31;
	v31 =	vld [tilespmem:$0x1FDC0]  }
0x1c7: {  	vm4 =	vgt.f32 v15, v1;
	[tilespmem:$0xC60] =	vst v55;
	v55 =	vld [tilespmem:$0x1FDD0]  }
0x1c8: {  	v1 =	vsel vm4, v15, v1  }
0x1c9: {  	vm1 =	vgt.f32 v16, v1  }
0x1ca: {  	v1 =	vsel vm1, v16, v1;
	v0 =	vsel vm4, v6, v0  }
0x1cb: {  	vm2 =	vgt.f32 v17, v1;
	v0 =	vsel vm1, v31, v0  }
0x1cc: {  	v0 =	vsel vm2, v55, v0;
	v55 =	vld [tilespmem:$0x1FC20];
	_ =	sdelay $0x4  }
0x1cd: {  	[tilespmem:$0xC70] =	vst v55;
	v55 =	vld [tilespmem:$0x1FC30]  }
0x1ce: {  	v1 =	vsel vm2, v17, v1  }
0x1cf: {  	vm11 =	vgt.f32 v18, v1  }
0x1d0: {  	v1 =	vsel vm11, v18, v1  }
0x1d1: {  	vm6 =	vgt.f32 v19, v1  }
0x1d2: {  	v1 =	vsel vm6, v19, v1;
	[tilespmem:$0xC80] =	vst v55;
	v55 =	vld [tilespmem:$0x1FDE0]  }
0x1d3: {  	vm9 =	vgt.f32 v20, v1  }
0x1d4: {  	v1 =	vsel vm9, v20, v1  }
0x1d5: {  	vm7 =	vgt.f32 v21, v1;
	v4 =	vld [tilespmem:$0xBC0]  }
0x1d6: {  	v1 =	vsel vm7, v21, v1  }
0x1d7: {  	vm10 =	vgt.f32 v22, v1;
	v0 =	vsel vm11, v55, v0;
	v55 =	vld [tilespmem:$0x1FC40]  }
0x1d8: {  	v1 =	vsel vm10, v22, v1  }
0x1d9: {  	vm12 =	vgt.f32 v23, v1  }
0x1da: {  	v4 =	vsub.f32 v4, v61;
	v1 =	vsel vm12, v23, v1  }
0x1db: {  	vm13 =	vgt.f32 v24, v1;
	v28 =	vld [tilespmem:$0xBD0]  }
0x1dc: {  	v4 =	vmul.f32 v4, v4;
	v1 =	vsel vm13, v24, v1;
	[tilespmem:$0xC90] =	vst v55;
	v55 =	vld [tilespmem:$0x1FC50]  }
0x1dd: {  	vm8 =	vgt.f32 v25, v1  }
0x1de: {  	v7 =	vadd.f32 v4, v2;
	v4 =	vld [tilespmem:$0x1FBF0];
	v1 =	vsel vm8, v25, v1  }
0x1df: {  	v5 =	vld [tilespmem:$0x7E0];
	vm14 =	vgt.f32 v26, v1  }
0x1e0: {  	v1 =	vsel vm14, v26, v1;
	v34 =	vld [tilespmem:$0x3E0]  }
0x1e1: {  	vm0 =	vgt.f32 v27, v1;
	v28 =	vsub.f32 v28, v61;
	[tilespmem:$0xCA0] =	vst v55;
	v55 =	vld [tilespmem:$0x1FDF0]  }
0x1e2: {  	v2 =	vld [tilespmem:$0xFC0];
	v1 =	vsel vm0, v27, v1  }
0x1e3: {  	[tilespmem:$0xC40] =	vst v4;
	v4 =	vld [tilespmem:$0x3F0];
	vm5 =	vgt.f32 v9, v1;
	v28 =	vmul.f32 v28, v28  }
0x1e4: {  	v1 =	vsel vm5, v9, v1;
	v6 =	vld [tilespmem:$0xBE0]  }
0x1e5: {  	v3 =	vadd.f32 v28, v3;
	v28 =	vld [tilespmem:$0x7F0];
	vm1 =	vgt.f32 v29, v1  }
0x1e6: {  	v34 =	vsub.f32 v34, v63;
	v1 =	vsel vm1, v29, v1;
	v0 =	vsel vm6, v55, v0;
	v55 =	vld [tilespmem:$0x1FE00]  }
0x1e7: {  	[tilespmem:$0xCC0] =	vst v44;
	v44 =	vld [tilespmem:$0x1FE10];
	v5 =	vsub.f32 v5, v62;
	vm2 =	vgt.f32 v30, v1  }
0x1e8: {  	v2 =	vmin.f32 v2, v7;
	v7 =	vmul.f32 v34, v34;
	v34 =	vld [tilespmem:$0xBF0];
	v1 =	vsel vm2, v30, v1  }
0x1e9: {  	[tilespmem:$0xCE0] =	vst v46;
	v46 =	vld [tilespmem:$0xFE0];
	v5 =	vmul.f32 v5, v5;
	v4 =	vsub.f32 v4, v63;
	vm4 =	vgt.f32 v8, v1  }
0x1ea: {  	v6 =	vsub.f32 v6, v61;
	v31 =	vld [tilespmem:$0xFD0];
	v63 =	vsub.f32 v28, v62;
	v1 =	vsel vm4, v8, v1  }
0x1eb: {  	v5 =	vadd.f32 v5, v7;
	vm6 =	vgt.f32 v32, v1;
	v0 =	vsel vm9, v55, v0;
	v55 =	vld [tilespmem:$0x1FE20]  }
0x1ec: {  	[tilespmem:$0xCB0] =	vst v43;
	v6 =	vmul.f32 v6, v6;
	v7 =	vmul.f32 v63, v63;
	v63 =	vld [tilespmem:$0x1FE30];
	v1 =	vsel vm6, v32, v1  }
0x1ed: {  	[tilespmem:$0xCD0] =	vst v45;
	v28 =	vld [tilespmem:$0x1FE40];
	v45 =	vsub.f32 v34, v61;
	v0 =	vsel vm7, v44, v0;
	vm7 =	vgt.f32 v58, v1  }
0x1ee: {  	[tilespmem:$0xD00] =	vst v48;
	v4 =	vmul.f32 v4, v4;
	v5 =	vadd.f32 v6, v5;
	v61 =	vld [tilespmem:$0xFF0];
	v1 =	vsel vm7, v58, v1  }
0x1ef: {  	[tilespmem:$0xCF0] =	vst v47;
	v3 =	vmin.f32 v31, v3;
	v62 =	vmul.f32 v45, v45;
	v31 =	vld [tilespmem:$0x1FE50];
	vm15 =	vgt.f32 v2, v1  }
0x1f0: {  	[tilespmem:$0xD20] =	vst v50;
	v34 =	vld [tilespmem:$0x1FE60];
	v4 =	vadd.f32 v7, v4;
	v1 =	vsel vm15, v2, v1;
	v0 =	vsel vm10, v55, v0  }
0x1f1: {  	[tilespmem:$0xD30] =	vst v51;
	v44 =	vld [tilespmem:$0x1FE70];
	v0 =	vsel vm12, v63, v0;
	vm12 =	vgt.f32 v3, v1  }
0x1f2: {  	[tilespmem:$0xD40] =	vst v52;
	v5 =	vmin.f32 v46, v5;
	v45 =	vld [tilespmem:$0x1FE80];
	v4 =	vadd.f32 v62, v4;
	v1 =	vsel vm12, v3, v1  }
0x1f3: {  	[tilespmem:$0xD10] =	vst v49;
	v46 =	vld [tilespmem:$0x1FE90];
	v0 =	vsel vm13, v28, v0;
	vm13 =	vgt.f32 v5, v1  }
0x1f4: {  	v47 =	vld [tilespmem:$0x1FEA0];
	[tilespmem:$0xD50] =	vst v53;
	v4 =	vmin.f32 v61, v4;
	v0 =	vsel vm8, v31, v0;
	v1 =	vsel vm13, v5, v1  }
0x1f5: {  	v48 =	vld [tilespmem:$0x1FEB0];
	[tilespmem:$0xD60] =	vst v54;
	v0 =	vsel vm14, v34, v0;
	vm14 =	vgt.f32 v4, v1  }
0x1f6: {  	[tilespmem:$0xD90] =	vst v59;
	v0 =	vsel vm0, v44, v0;
	v1 =	vsel vm14, v4, v1  }
0x1f7: {  	[tilespmem:$0xD80] =	vst v57;
	v0 =	vsel vm5, v45, v0;
	(xrf0) =	vmax.scan.msk.f32 $0xffff, v1  }
0x1f8: {  	[tilespmem:$0xD70] =	vst v56;
	v0 =	vsel vm1, v46, v0  }
0x1f9: {  	v43 =	vlaneseq.u32;
	[tilespmem:$0xDD0] =	vst v40;
	v0 =	vsel vm2, v47, v0  }
0x1fa: {  	v49 =	vor.u32 $0x800003A0, v43;
	[tilespmem:$0xDA0] =	vst v60;
	v0 =	vsel vm4, v48, v0  }
0x1fb: {  	v50 =	vor.u32 $0x800003B0, v43;
	[tilespmem:$0xDC0] =	vst v41;
	v0 =	vsel vm6, v49, v0  }
0x1fc: {  	v51 =	vor.u32 $0x800003C0, v43;
	[tilespmem:$0xDB0] =	vst v42;
	v0 =	vsel vm7, v50, v0  }
0x1fd: {  	[tilespmem:$0xDE0] =	vst v39;
	v55 =	vor.u32 $0x800003D0, v43;
	v0 =	vsel vm15, v51, v0;
	v54, _, _ =	vpop (xrf0)  }
0x1fe: {  	[tilespmem:$0xE00] =	vst v37;
	v56 =	vor.u32 $0x800003E0, v43;
	v0 =	vsel vm12, v55, v0;
	v6 =	vbroadcast v54, $0xF  }
0x1ff: {  	[tilespmem:$0xE10] =	vst v36;
	v57 =	vor.u32 $0x800003F0, v43;
	v0 =	vsel vm13, v56, v0  }
0x200: {  	[tilespmem:$0xDF0] =	vst v38;
	v0 =	vsel vm14, v57, v0;
	vm15 =	veq.f32 v1, v6  }
0x201: {  	[tilespmem:$0xE20] =	vst v35;
	v0 =	vnsel vm15, $0x80000400, v0  }
0x202: {  	[tilespmem:$0xE30] =	vst v33;
	(xrf0) =	vmin.scan.msk.u32 $0xffff, v0  }
0x203: {  	[tilespmem:$0xE40] =	vst v10  }
0x204: {  	[tilespmem:$0xE50] =	vst v11  }
0x205: {  	[tilespmem:$0xE60] =	vst v12  }
0x206: {  	[tilespmem:$0xE70] =	vst v13  }
0x207: {  	[tilespmem:$0xE90] =	vst v15  }
0x208: {  	[tilespmem:$0xE80] =	vst v14;
	v0, _, _ =	vpop (xrf0)  }
0x209: {  	[tilespmem:$0xEA0] =	vst v16;
	(v2sf) =	vpush v0, $0xF  }
0x20a: {  	[tilespmem:$0xEB0] =	vst v17  }
0x20b: {  	[tilespmem:$0xEC0] =	vst v18  }
0x20c: {  	[tilespmem:$0xED0] =	vst v19  }
0x20d: {  	[tilespmem:$0xEE0] =	vst v20  }
0x20e: {  	[tilespmem:$0xEF0] =	vst v21  }
0x20f: {  	[tilespmem:$0xF00] =	vst v22  }
0x210: {  	[tilespmem:$0xF10] =	vst v23  }
0x211: {  	[tilespmem:$0xF20] =	vst v24  }
0x212: {  	[tilespmem:$0xF30] =	vst v25  }
0x213: {  	[tilespmem:$0xF40] =	vst v26  }
0x214: {  	[tilespmem:$0xF50] =	vst v27  }
0x215: {  	[tilespmem:$0xF60] =	vst v9  }
0x216: {  	[tilespmem:$0xF70] =	vst v29  }
0x217: {  	[tilespmem:$0xF80] =	vst v30  }
0x218: {  	[tilespmem:$0xF90] =	vst v8;
	s25 =	spop (v2sf)  }
0x219: {  	[tilespmem:$0xFA0] =	vst v32;
	s25 =	sxor.u32 $0x80000000, s25  }
0x21a: {  	[tilespmem:$0xFB0] =	vst v58;
	v58 =	vmov s25  }
0x21b: {  	[tilespmem:$0xFC0] =	vst v2  }
0x21c: {  	[tilespmem:$0xFD0] =	vst v3  }
0x21d: {  	[tilespmem:$0xFE0] =	vst v5  }
0x21e: {  	[tilespmem:$0xFF0] =	vst v4  }
0x21f: {  	v59 =	vmov s24;
	v63 =	vld.idx.msk [tilespmem:v58+s2+$0x0], $0xffff  }
0x220: {  	v62 =	vld.idx.msk [tilespmem:v58+s11+$0x0], $0xffff  }
0x221: {  	p0 =	sne.s32 s24, $0x1FF;
	v61 =	vld.idx.msk [tilespmem:v58+s12+$0x0], $0xffff  }
.Ltmp0:
0x222: {  	_ = 	snop;
	(pc) =	sbr.rel @p0 .LBB2_2-.Ltmp0, $4  }
0x223: {  	_ = 	snop  }
0x224: {  	v52 =	vld [tilespmem:$0x1FEC0];
	[tilespmem:v59+s13+$0x0] =	vst.idx.msk $0x1, v63  }
0x225: {  	v53 =	vld [tilespmem:$0x1FED0];
	[tilespmem:v59+s14+$0x0] =	vst.idx.msk $0x1, v62  }
0x226: {  	s24 =	sadd.s32 $0x1, s24;
	v33 =	vld [tilespmem:$0x1FEE0];
	[tilespmem:v59+s15+$0x0] =	vst.idx.msk $0x1, v61  }
0x227: {  	v44 =	vimm.f32 $1.000000000e+10  }
0x228: {  	[tilespmem:$0x1600] =	vst v44  }
0x229: {  	[tilespmem:$0x1610] =	vst v44  }
0x22a: {  	[tilespmem:$0x1620] =	vst v44  }
0x22b: {  	[tilespmem:$0x1630] =	vst v44  }
0x22c: {  	[tilespmem:$0x1640] =	vst v44  }
0x22d: {  	[tilespmem:$0x1650] =	vst v44  }
0x22e: {  	[tilespmem:$0x1660] =	vst v44  }
0x22f: {  	[tilespmem:$0x1670] =	vst v44  }
0x230: {  	[tilespmem:$0x1680] =	vst v44  }
0x231: {  	[tilespmem:$0x1690] =	vst v44  }
0x232: {  	[tilespmem:$0x16A0] =	vst v44  }
0x233: {  	[tilespmem:$0x16B0] =	vst v44  }
0x234: {  	[tilespmem:$0x16C0] =	vst v44  }
0x235: {  	[tilespmem:$0x16D0] =	vst v44  }
0x236: {  	[tilespmem:$0x16E0] =	vst v44  }
0x237: {  	[tilespmem:$0x16F0] =	vst v44  }
0x238: {  	[tilespmem:$0x1700] =	vst v44  }
0x239: {  	[tilespmem:$0x1710] =	vst v44  }
0x23a: {  	[tilespmem:$0x1720] =	vst v44  }
0x23b: {  	[tilespmem:$0x1730] =	vst v44  }
0x23c: {  	v45 =	vld [tilespmem:$0x1FF20];
	[tilespmem:$0x1740] =	vst v44  }
0x23d: {  	v46 =	vld [tilespmem:$0x1FF30];
	[tilespmem:$0x1750] =	vst v44  }
0x23e: {  	v47 =	vld [tilespmem:$0x1FF40];
	[tilespmem:$0x1760] =	vst v44  }
0x23f: {  	v48 =	vld [tilespmem:$0x1FF50];
	[tilespmem:$0x1770] =	vst v44  }
0x240: {  	v49 =	vld [tilespmem:$0x1FF60];
	[tilespmem:$0x1780] =	vst v44  }
0x241: {  	v50 =	vld [tilespmem:$0x1FF70];
	[tilespmem:$0x1790] =	vst v44  }
0x242: {  	v51 =	vld [tilespmem:$0x1FF80];
	[tilespmem:$0x17A0] =	vst v44  }
0x243: {  	v54 =	vld [tilespmem:$0x1FF90];
	[tilespmem:$0x17B0] =	vst v44  }
0x244: {  	v55 =	vld [tilespmem:$0x1FFA0];
	[tilespmem:$0x17C0] =	vst v44  }
0x245: {  	v56 =	vld [tilespmem:$0x1FFB0];
	[tilespmem:$0x17D0] =	vst v44  }
0x246: {  	v57 =	vld [tilespmem:$0x1FFC0];
	[tilespmem:$0x17E0] =	vst v44  }
0x247: {  	v58 =	vld [tilespmem:$0x1FFD0];
	[tilespmem:$0x17F0] =	vst v44  }
0x248: {  	v1 =	vimm.s32 $0x0;
	v3 =	vld.msk [tilespmem:s13+$0x0], $0xffff  }
0x249: {  	v2 =	vld.msk [tilespmem:s14+$0x0], $0xffff  }
0x24a: {  	v0 =	vld.msk [tilespmem:s15+$0x0], $0xffff  }
0x24b: {  	v59 =	vld [tilespmem:$0x1FFE0]  }
0x24c: {  	v60 =	vld [tilespmem:$0x1FFF0]  }
0x24d: {  	v61 =	vld [tilespmem:$0x1FF10];
	[tilespmem:v1+s19+$0x0] =	vst.idx.msk $0x1, v3  }
0x24e: {  	v62 =	vld [tilespmem:$0x1FF00];
	[tilespmem:v1+s20+$0x0] =	vst.idx.msk $0x1, v2  }
0x24f: {  	s24 =	simm.s32 $0x1;
	v63 =	vld [tilespmem:$0x1FEF0];
	[tilespmem:v1+s21+$0x0] =	vst.idx.msk $0x1, v0  }
.LBB2_4:
0x250: {  	v1 =	vld [tilespmem:$0x1000]  }
0x251: {  	v4 =	vld [tilespmem:$0x1200]  }
0x252: {  	v5 =	vld [tilespmem:$0x1400]  }
0x253: {  	v6 =	vld [tilespmem:$0x1600]  }
0x254: {  	v7 =	vld [tilespmem:$0x1010]  }
0x255: {  	v8 =	vld [tilespmem:$0x1210]  }
0x256: {  	v9 =	vld [tilespmem:$0x1410]  }
0x257: {  	v10 =	vld [tilespmem:$0x1610]  }
0x258: {  	v11 =	vld [tilespmem:$0x1020]  }
0x259: {  	v12 =	vld [tilespmem:$0x1220];
	v1 =	vsub.f32 v1, v3;
	v4 =	vsub.f32 v4, v2  }
0x25a: {  	v13 =	vld [tilespmem:$0x1420]  }
0x25b: {  	v14 =	vld [tilespmem:$0x1620];
	v5 =	vsub.f32 v5, v0;
	v1 =	vmul.f32 v1, v1;
	v4 =	vmul.f32 v4, v4  }
0x25c: {  	v15 =	vld [tilespmem:$0x1230]  }
0x25d: {  	v16 =	vld [tilespmem:$0x1430];
	v1 =	vadd.f32 v4, v1;
	v4 =	vmul.f32 v5, v5  }
0x25e: {  	v43 =	vld [tilespmem:$0x1630]  }
0x25f: {  	v25 =	vld [tilespmem:$0x1440];
	v1 =	vadd.f32 v4, v1  }
0x260: {  	v27 =	vld [tilespmem:$0x1050];
	v7 =	vsub.f32 v7, v3;
	v8 =	vsub.f32 v8, v2  }
0x261: {  	v30 =	vld [tilespmem:$0x1250];
	v21 =	vsub.f32 v12, v2;
	v4 =	vmin.f32 v6, v1;
	v1 =	vsub.f32 v11, v3  }
0x262: {  	v31 =	vld [tilespmem:$0x1450];
	v9 =	vsub.f32 v9, v0;
	v24 =	vsub.f32 v13, v0  }
0x263: {  	v22 =	vld [tilespmem:$0x1040];
	v15 =	vsub.f32 v15, v2;
	v6 =	vmul.f32 v21, v21;
	v1 =	vmul.f32 v1, v1  }
0x264: {  	v23 =	vld [tilespmem:$0x1240];
	v28 =	vsub.f32 v16, v0;
	v13 =	vsub.f32 v25, v0  }
0x265: {  	v35 =	vld [tilespmem:$0x1260];
	v20 =	vsub.f32 v27, v3;
	v26 =	vmul.f32 v24, v24;
	v1 =	vadd.f32 v6, v1  }
0x266: {  	v16 =	vsub.f32 v30, v2;
	v30 =	vld [tilespmem:$0x1090];
	v7 =	vmul.f32 v7, v7;
	v8 =	vmul.f32 v8, v8  }
0x267: {  	v39 =	vsub.f32 v31, v0;
	v5 =	vld [tilespmem:$0x1030];
	v1 =	vadd.f32 v26, v1  }
0x268: {  	v19 =	vld [tilespmem:$0x1640];
	v40 =	vmul.f32 v20, v20;
	v16 =	vmul.f32 v16, v16;
	v7 =	vadd.f32 v8, v7  }
0x269: {  	v32 =	vld [tilespmem:$0x1650];
	v8 =	vsub.f32 v23, v2;
	v6 =	vmin.f32 v14, v1;
	v1 =	vsub.f32 v22, v3  }
0x26a: {  	v34 =	vld [tilespmem:$0x1060];
	v25 =	vsub.f32 v35, v2;
	v42 =	vmul.f32 v9, v9;
	v37 =	vmul.f32 v13, v13  }
0x26b: {  	v36 =	vld [tilespmem:$0x1460];
	v13 =	vadd.f32 v16, v40;
	v8 =	vmul.f32 v8, v8;
	v1 =	vmul.f32 v1, v1  }
0x26c: {  	v41 =	vld [tilespmem:$0x1270];
	v24 =	vsub.f32 v30, v3;
	v18 =	vsub.f32 v5, v3  }
0x26d: {  	v15 =	vmul.f32 v15, v15;
	v7 =	vadd.f32 v42, v7;
	v42 =	vld [tilespmem:$0x1470];
	v1 =	vadd.f32 v8, v1  }
0x26e: {  	v38 =	vld [tilespmem:$0x1070];
	v11 =	vmul.f32 v25, v25;
	vm0 =	vgt.f32 v4, $-1.000000000e+00;
	v29 =	vmul.f32 v18, v18  }
0x26f: {  	v27 =	vld [tilespmem:$0x1280];
	v5 =	vmin.f32 v10, v7;
	v17 =	vnsel vm0, $0xBF800000, v4;
	v1 =	vadd.f32 v37, v1  }
0x270: {  	v35 =	vld [tilespmem:$0x1490];
	v10 =	vmul.f32 v28, v28;
	vm1 =	vgt.f32 v5, v17;
	v12 =	vadd.f32 v15, v29  }
0x271: {  	v23 =	vld [tilespmem:$0x1680];
	v18 =	vsub.f32 v41, v2;
	v8 =	vmin.f32 v19, v1;
	v1 =	vsub.f32 v34, v3  }
0x272: {  	v21 =	vld [tilespmem:$0x1660];
	v31 =	vsub.f32 v42, v0;
	v17 =	vsel vm1, v5, v17;
	v10 =	vadd.f32 v10, v12  }
0x273: {  	v18 =	vmul.f32 v18, v18;
	v26 =	vld [tilespmem:$0x1080];
	v14 =	vsub.f32 v36, v0;
	v1 =	vmul.f32 v1, v1  }
0x274: {  	vm2 =	vgt.f32 v6, v17;
	v7 =	vmin.f32 v43, v10;
	v10 =	vmul.f32 v39, v39;
	v39 =	vld [tilespmem:$0x12A0]  }
0x275: {  	v28 =	vld [tilespmem:$0x1480];
	v17 =	vsel vm2, v6, v17;
	v29 =	vmul.f32 v14, v14;
	v1 =	vadd.f32 v11, v1  }
0x276: {  	v40 =	vld [tilespmem:$0x14A0];
	v22 =	vsub.f32 v38, v3;
	vm4 =	vgt.f32 v7, v17;
	v10 =	vadd.f32 v10, v13  }
0x277: {  	v14 =	vmul.f32 v31, v31;
	v17 =	vsel vm4, v7, v17;
	v34 =	vld [tilespmem:$0x1290];
	v1 =	vadd.f32 v29, v1  }
0x278: {  	v30 =	vld [tilespmem:$0x14B0];
	v9 =	vmin.f32 v32, v10;
	v32 =	vmul.f32 v22, v22;
	v37 =	vsub.f32 v27, v2  }
0x279: {  	v43 =	vld [tilespmem:$0x1670];
	v31 =	vsub.f32 v39, v2;
	v10 =	vmin.f32 v21, v1;
	v1 =	vsub.f32 v26, v3  }
0x27a: {  	v42 =	vld [tilespmem:$0x10B0];
	v15 =	vadd.f32 v18, v32;
	v19 =	vsub.f32 v28, v0;
	v12 =	vmul.f32 v37, v37  }
0x27b: {  	v38 =	vld [tilespmem:$0x10A0];
	v28 =	vmul.f32 v24, v24;
	vm6 =	vgt.f32 v8, v17;
	v1 =	vmul.f32 v1, v1  }
0x27c: {  	v37 =	vld [tilespmem:$0x10D0];
	v14 =	vadd.f32 v14, v15;
	v17 =	vsel vm6, v8, v17;
	v20 =	vsub.f32 v34, v2  }
0x27d: {  	v36 =	vld [tilespmem:$0x1690];
	v41 =	vmul.f32 v19, v19;
	vm9 =	vgt.f32 v9, v17;
	v1 =	vadd.f32 v12, v1  }
0x27e: {  	v11 =	vmin.f32 v43, v14;
	v43 =	vsub.f32 v35, v0;
	v34 =	vld [tilespmem:$0x12C0];
	v20 =	vmul.f32 v20, v20  }
0x27f: {  	v17 =	vsel vm9, v9, v17;
	v14 =	vsub.f32 v42, v3;
	v29 =	vld [tilespmem:$0x12B0];
	v1 =	vadd.f32 v41, v1  }
0x280: {  	v16 =	vmul.f32 v43, v43;
	v21 =	vsub.f32 v40, v0;
	v40 =	vld [tilespmem:$0x14D0];
	v19 =	vadd.f32 v20, v28  }
0x281: {  	v18 =	vsub.f32 v37, v3;
	v43 =	vld [tilespmem:$0x12E0];
	v12 =	vmin.f32 v23, v1;
	v1 =	vsub.f32 v38, v3  }
0x282: {  	v35 =	vmul.f32 v31, v31;
	v14 =	vmul.f32 v14, v14;
	v28 =	vld [tilespmem:$0x14E0];
	v16 =	vadd.f32 v16, v19  }
0x283: {  	v25 =	vld [tilespmem:$0x16A0];
	v18 =	vmul.f32 v18, v18;
	vm11 =	vgt.f32 v10, v17;
	v1 =	vmul.f32 v1, v1  }
0x284: {  	v32 =	vld [tilespmem:$0x10C0];
	v17 =	vsel vm11, v10, v17;
	v22 =	vsub.f32 v29, v2;
	v13 =	vmin.f32 v36, v16  }
0x285: {  	v39 =	vld [tilespmem:$0x12D0];
	v36 =	vmul.f32 v21, v21;
	v16 =	vsub.f32 v40, v0;
	v1 =	vadd.f32 v35, v1  }
0x286: {  	v26 =	vld [tilespmem:$0x14C0];
	v22 =	vmul.f32 v22, v22;
	v40 =	vsub.f32 v43, v2;
	v41 =	vsub.f32 v34, v2  }
0x287: {  	v27 =	vld [tilespmem:$0x16C0];
	vm10 =	vgt.f32 v11, v17;
	v28 =	vsub.f32 v28, v0;
	v1 =	vadd.f32 v36, v1  }
0x288: {  	v20 =	vld [tilespmem:$0x16B0];
	v17 =	vsel vm10, v11, v17;
	v22 =	vadd.f32 v22, v14;
	v38 =	vsub.f32 v30, v0  }
0x289: {  	v43 =	vld [tilespmem:$0x1300];
	v19 =	vmul.f32 v40, v40;
	v14 =	vmin.f32 v25, v1;
	v1 =	vsub.f32 v32, v3  }
0x28a: {  	v34 =	vmul.f32 v41, v41;
	v23 =	vsub.f32 v39, v2;
	v21 =	vmul.f32 v38, v38;
	v38 =	vld [tilespmem:$0x14F0]  }
0x28b: {  	v42 =	vld [tilespmem:$0x10E0];
	vm7 =	vgt.f32 v12, v17;
	v32 =	vsub.f32 v26, v0;
	v1 =	vmul.f32 v1, v1  }
0x28c: {  	v37 =	vld [tilespmem:$0x12F0];
	v39 =	vmul.f32 v16, v16;
	v17 =	vsel vm7, v12, v17;
	v23 =	vmul.f32 v23, v23  }
0x28d: {  	v21 =	vadd.f32 v21, v22;
	v36 =	vld [tilespmem:$0x10F0];
	v35 =	vmul.f32 v32, v32;
	v1 =	vadd.f32 v34, v1  }
0x28e: {  	v40 =	vsub.f32 v43, v2;
	vm8 =	vgt.f32 v13, v17;
	v18 =	vadd.f32 v23, v18  }
0x28f: {  	v15 =	vmin.f32 v20, v21;
	v20 =	vsub.f32 v38, v0;
	v38 =	vld [tilespmem:$0x1310];
	v1 =	vadd.f32 v35, v1  }
0x290: {  	v24 =	vld [tilespmem:$0x16D0];
	v17 =	vsel vm8, v13, v17;
	v22 =	vmul.f32 v40, v40;
	v18 =	vadd.f32 v39, v18  }
0x291: {  	v39 =	vld [tilespmem:$0x1510];
	v25 =	vsub.f32 v37, v2;
	v16 =	vmin.f32 v27, v1;
	v1 =	vsub.f32 v42, v3  }
0x292: {  	v29 =	vld [tilespmem:$0x16E0];
	vm5 =	vgt.f32 v14, v17;
	v20 =	vmul.f32 v20, v20;
	v21 =	vsub.f32 v36, v3  }
0x293: {  	v17 =	vsel vm5, v14, v17;
	v37 =	vmul.f32 v25, v25;
	v36 =	vld [tilespmem:$0x1110];
	v1 =	vmul.f32 v1, v1  }
0x294: {  	v41 =	vld [tilespmem:$0x1100];
	vm3 =	vgt.f32 v15, v17;
	v25 =	vsub.f32 v38, v2;
	v21 =	vmul.f32 v21, v21  }
0x295: {  	v30 =	vld [tilespmem:$0x1500];
	v17 =	vsel vm3, v15, v17;
	v35 =	vmul.f32 v28, v28;
	v1 =	vadd.f32 v19, v1  }
0x296: {  	v23 =	vld [tilespmem:$0x1120];
	v25 =	vmul.f32 v25, v25;
	v21 =	vadd.f32 v37, v21;
	v37 =	vsub.f32 v39, v0  }
0x297: {  	v26 =	vld [tilespmem:$0x16F0];
	v42 =	vnsel vm0, $0x80000000, v33;
	vm0 =	vgt.f32 v16, v17;
	v1 =	vadd.f32 v35, v1  }
0x298: {  	v40 =	vld [tilespmem:$0x1530];
	v43 =	vsub.f32 v36, v3;
	v27 =	vsel vm1, v52, v42;
	v31 =	vsel vm0, v16, v17  }
0x299: {  	v32 =	vld [tilespmem:$0x1700];
	v17 =	vmin.f32 v24, v18;
	v18 =	vmin.f32 v29, v1;
	v1 =	vsub.f32 v41, v3  }
0x29a: {  	v39 =	vld [tilespmem:$0x1330];
	v20 =	vadd.f32 v20, v21;
	v42 =	vsub.f32 v30, v0;
	v38 =	vmul.f32 v43, v43  }
0x29b: {  	v30 =	vld [tilespmem:$0x1520];
	v27 =	vsel vm2, v53, v27;
	vm1 =	vgt.f32 v17, v31;
	v1 =	vmul.f32 v1, v1  }
0x29c: {  	v27 =	vsel vm4, v45, v27;
	v19 =	vmin.f32 v26, v20;
	v25 =	vadd.f32 v25, v38;
	v41 =	vld [tilespmem:$0x1320]  }
0x29d: {  	v36 =	vld [tilespmem:$0x1130];
	v26 =	vmul.f32 v37, v37;
	v35 =	vmul.f32 v42, v42;
	v1 =	vadd.f32 v22, v1  }
0x29e: {  	v34 =	vld [tilespmem:$0x1720];
	v31 =	vsel vm1, v17, v31;
	v27 =	vsel vm6, v46, v27  }
0x29f: {  	v24 =	vld [tilespmem:$0x1710];
	v27 =	vsel vm9, v47, v27;
	v25 =	vadd.f32 v26, v25;
	v1 =	vadd.f32 v35, v1  }
0x2a0: {  	v28 =	vld [tilespmem:$0x1730];
	v30 =	vsub.f32 v30, v0;
	v27 =	vsel vm11, v48, v27;
	v29 =	vsub.f32 v39, v2  }
0x2a1: {  	v42 =	vld [tilespmem:$0x1340];
	v21 =	vsub.f32 v41, v2;
	v20 =	vmin.f32 v32, v1;
	v1 =	vsub.f32 v23, v3  }
0x2a2: {  	v27 =	vsel vm10, v49, v27;
	v39 =	vsub.f32 v40, v0;
	v40 =	vld [tilespmem:$0x1550];
	v22 =	vsub.f32 v36, v3  }
0x2a3: {  	vm2 =	vgt.f32 v18, v31;
	v41 =	vld [tilespmem:$0x1140];
	v43 =	vmul.f32 v21, v21;
	v1 =	vmul.f32 v1, v1  }
0x2a4: {  	v29 =	vmul.f32 v29, v29;
	v22 =	vmul.f32 v22, v22;
	v21 =	vmin.f32 v24, v25;
	v25 =	vld [tilespmem:$0x1150]  }
0x2a5: {  	v38 =	vmul.f32 v30, v30;
	v31 =	vsel vm2, v18, v31;
	v32 =	vld [tilespmem:$0x1350];
	v1 =	vadd.f32 v43, v1  }
0x2a6: {  	v30 =	vmul.f32 v39, v39;
	vm4 =	vgt.f32 v19, v31;
	v35 =	vld [tilespmem:$0x1540];
	v29 =	vadd.f32 v29, v22  }
0x2a7: {  	v26 =	vld [tilespmem:$0x1160];
	v27 =	vsel vm7, v50, v27;
	v31 =	vsel vm4, v19, v31;
	v1 =	vadd.f32 v38, v1  }
0x2a8: {  	v36 =	vld [tilespmem:$0x1740];
	v24 =	vsub.f32 v40, v0;
	vm15 =	vgt.f32 v20, v31;
	v29 =	vadd.f32 v30, v29  }
0x2a9: {  	v40 =	vld [tilespmem:$0x1370];
	v22 =	vmin.f32 v34, v1;
	v1 =	vsub.f32 v41, v3;
	v41 =	vsub.f32 v42, v2  }
0x2aa: {  	v25 =	vsub.f32 v25, v3;
	v23 =	vmin.f32 v28, v29;
	v29 =	vld [tilespmem:$0x1170];
	v32 =	vsub.f32 v32, v2  }
0x2ab: {  	v28 =	vld [tilespmem:$0x1570];
	v42 =	vsub.f32 v35, v0;
	v1 =	vmul.f32 v1, v1;
	v43 =	vmul.f32 v41, v41  }
0x2ac: {  	v31 =	vsel vm15, v20, v31;
	v30 =	vld [tilespmem:$0x1360];
	v25 =	vmul.f32 v25, v25;
	v32 =	vmul.f32 v32, v32  }
0x2ad: {  	v33 =	vld [tilespmem:$0x1750];
	vm12 =	vgt.f32 v21, v31;
	v39 =	vmul.f32 v42, v42;
	v1 =	vadd.f32 v43, v1  }
0x2ae: {  	v37 =	vld [tilespmem:$0x1560];
	v31 =	vsel vm12, v21, v31;
	v34 =	vsub.f32 v40, v2;
	v25 =	vadd.f32 v32, v25  }
0x2af: {  	v38 =	vld [tilespmem:$0x1760];
	vm13 =	vgt.f32 v22, v31;
	v29 =	vsub.f32 v29, v3;
	v1 =	vadd.f32 v39, v1  }
0x2b0: {  	v35 =	vld [tilespmem:$0x1770];
	v28 =	vsub.f32 v28, v0;
	v31 =	vsel vm13, v22, v31;
	v41 =	vmul.f32 v24, v24  }
0x2b1: {  	v42 =	vsub.f32 v30, v2;
	v30 =	vld [tilespmem:$0x1180];
	v24 =	vmin.f32 v36, v1;
	v1 =	vsub.f32 v26, v3  }
0x2b2: {  	v32 =	vld [tilespmem:$0x1380];
	v34 =	vmul.f32 v34, v34;
	v29 =	vmul.f32 v29, v29;
	v25 =	vadd.f32 v41, v25  }
0x2b3: {  	v43 =	vsub.f32 v37, v0;
	v37 =	vld [tilespmem:$0x1580];
	v26 =	vmul.f32 v42, v42;
	v1 =	vmul.f32 v1, v1  }
0x2b4: {  	vm10 =	vgt.f32 v23, v31;
	v28 =	vmul.f32 v28, v28;
	v29 =	vadd.f32 v34, v29;
	v39 =	vld [tilespmem:$0x1190]  }
0x2b5: {  	v25 =	vmin.f32 v33, v25;
	v33 =	vld [tilespmem:$0x1390];
	v42 =	vmul.f32 v43, v43;
	v1 =	vadd.f32 v26, v1  }
0x2b6: {  	v27 =	vsel vm8, v51, v27;
	v31 =	vsel vm10, v23, v31;
	v30 =	vsub.f32 v30, v3;
	v36 =	vld [tilespmem:$0x1590]  }
0x2b7: {  	v43 =	vsel vm5, v54, v27;
	v27 =	vadd.f32 v28, v29;
	v28 =	vld [tilespmem:$0x13B0];
	v1 =	vadd.f32 v42, v1  }
0x2b8: {  	vm14 =	vgt.f32 v24, v31;
	v30 =	vmul.f32 v30, v30;
	v42 =	vld [tilespmem:$0x11B0]  }
0x2b9: {  	v26 =	vmin.f32 v38, v1;
	v1 =	vsub.f32 v32, v2;
	v32 =	vsub.f32 v37, v0;
	v37 =	vld [tilespmem:$0x11A0]  }
0x2ba: {  	v31 =	vsel vm14, v24, v31;
	v33 =	vsub.f32 v33, v2;
	v38 =	vsub.f32 v39, v3;
	v39 =	vld [tilespmem:$0x13A0]  }
0x2bb: {  	v40 =	vld [tilespmem:$0x1780];
	v27 =	vmin.f32 v35, v27;
	vm8 =	vgt.f32 v25, v31;
	v1 =	vmul.f32 v1, v1  }
0x2bc: {  	v41 =	vld [tilespmem:$0x15A0];
	v36 =	vsub.f32 v36, v0;
	v33 =	vmul.f32 v33, v33;
	v38 =	vmul.f32 v38, v38  }
0x2bd: {  	v34 =	vld [tilespmem:$0x1790];
	v28 =	vsub.f32 v28, v2;
	v29 =	vmul.f32 v32, v32;
	v1 =	vadd.f32 v1, v30  }
0x2be: {  	v32 =	vmul.f32 v36, v36;
	v30 =	vadd.f32 v33, v38;
	v33 =	vld [tilespmem:$0x15B0];
	v36 =	vsub.f32 v37, v3  }
0x2bf: {  	v31 =	vsel vm8, v25, v31;
	v38 =	vld [tilespmem:$0x11C0];
	v37 =	vsub.f32 v39, v2;
	v39 =	vsub.f32 v42, v3  }
0x2c0: {  	vm5 =	vgt.f32 v26, v31;
	v1 =	vadd.f32 v29, v1;
	v29 =	vadd.f32 v32, v30;
	v30 =	vld [tilespmem:$0x13C0]  }
0x2c1: {  	v32 =	vsub.f32 v41, v0;
	v41 =	vld [tilespmem:$0x11D0];
	v35 =	vmul.f32 v36, v36;
	v36 =	vmul.f32 v37, v37  }
0x2c2: {  	v28 =	vmul.f32 v28, v28;
	v31 =	vsel vm5, v26, v31;
	v37 =	vld [tilespmem:$0x15C0]  }
0x2c3: {  	v42 =	vsel vm3, v55, v43;
	v39 =	vmul.f32 v39, v39;
	v35 =	vadd.f32 v36, v35;
	v36 =	vld [tilespmem:$0x13D0]  }
0x2c4: {  	v32 =	vmul.f32 v32, v32;
	v1 =	vmin.f32 v40, v1;
	v40 =	vld [tilespmem:$0x15D0];
	v33 =	vsub.f32 v33, v0  }
0x2c5: {  	vm3 =	vgt.f32 v27, v31;
	v38 =	vsub.f32 v38, v3;
	v28 =	vadd.f32 v28, v39  }
0x2c6: {  	v29 =	vmin.f32 v34, v29;
	v30 =	vsub.f32 v30, v2;
	v32 =	vadd.f32 v32, v35  }
0x2c7: {  	v39 =	vld [tilespmem:$0x11E0];
	v33 =	vmul.f32 v33, v33;
	v38 =	vmul.f32 v38, v38;
	v34 =	vsub.f32 v41, v3  }
0x2c8: {  	v35 =	vld [tilespmem:$0x17A0];
	v37 =	vsub.f32 v37, v0;
	v30 =	vmul.f32 v30, v30;
	v36 =	vsub.f32 v36, v2  }
0x2c9: {  	v41 =	vld [tilespmem:$0x13E0];
	v28 =	vadd.f32 v33, v28;
	v40 =	vsub.f32 v40, v0;
	v34 =	vmul.f32 v34, v34  }
0x2ca: {  	v33 =	vld [tilespmem:$0x17B0];
	v37 =	vmul.f32 v37, v37;
	v30 =	vadd.f32 v30, v38;
	v36 =	vmul.f32 v36, v36  }
0x2cb: {  	v31 =	vsel vm3, v27, v31;
	v38 =	vld [tilespmem:$0x17C0]  }
0x2cc: {  	v30 =	vadd.f32 v37, v30;
	v37 =	vld [tilespmem:$0x17D0];
	v34 =	vadd.f32 v36, v34;
	v36 =	vmul.f32 v40, v40  }
0x2cd: {  	v42 =	vsel vm0, v56, v42;
	vm0 =	vgt.f32 v1, v31;
	v40 =	vld [tilespmem:$0x11F0]  }
0x2ce: {  	v32 =	vmin.f32 v35, v32;
	v35 =	vsub.f32 v39, v3;
	v43 =	vadd.f32 v36, v34;
	v34 =	vld [tilespmem:$0x13F0]  }
0x2cf: {  	v31 =	vsel vm0, v1, v31;
	v39 =	vsub.f32 v41, v2;
	v41 =	vld [tilespmem:$0x15E0]  }
0x2d0: {  	v28 =	vmin.f32 v33, v28;
	v35 =	vmul.f32 v35, v35;
	v30 =	vmin.f32 v38, v30;
	v38 =	vld [tilespmem:$0x15F0]  }
0x2d1: {  	v33 =	vmin.f32 v37, v43;
	v43 =	vsel vm1, v57, v42;
	vm1 =	vgt.f32 v29, v31  }
0x2d2: {  	v36 =	vmul.f32 v39, v39;
	v3 =	vsub.f32 v40, v3;
	v31 =	vsel vm1, v29, v31  }
0x2d3: {  	v42 =	vsel vm2, v58, v43;
	vm2 =	vgt.f32 v32, v31;
	v2 =	vsub.f32 v34, v2  }
0x2d4: {  	v43 =	vsub.f32 v41, v0;
	v40 =	vsel vm4, v59, v42;
	v31 =	vsel vm2, v32, v31  }
0x2d5: {  	v42 =	vld [tilespmem:$0x17E0];
	v0 =	vsub.f32 v38, v0;
	v3 =	vmul.f32 v3, v3;
	v2 =	vmul.f32 v2, v2  }
0x2d6: {  	v35 =	vadd.f32 v36, v35;
	v41 =	vmul.f32 v43, v43;
	v43 =	vld [tilespmem:$0x17F0];
	vm4 =	vgt.f32 v28, v31  }
0x2d7: {  	v31 =	vsel vm4, v28, v31;
	v0 =	vmul.f32 v0, v0;
	v2 =	vadd.f32 v2, v3  }
0x2d8: {  	v34 =	vsel vm15, v60, v40;
	v35 =	vadd.f32 v41, v35;
	vm15 =	vgt.f32 v30, v31  }
0x2d9: {  	v41 =	vld [tilespmem:$0x1FC60];
	v3 =	vsel vm15, v30, v31;
	v0 =	vadd.f32 v0, v2  }
0x2da: {  	v40 =	vsel vm12, v61, v34;
	v34 =	vmin.f32 v42, v35;
	v42 =	vld [tilespmem:$0x1FC70];
	vm12 =	vgt.f32 v33, v3  }
0x2db: {  	v2 =	vsel vm12, v33, v3;
	v0 =	vmin.f32 v43, v0;
	v43 =	vld [tilespmem:$0x1FC80]  }
0x2dc: {  	v35 =	vld [tilespmem:$0x1FC90];
	v3 =	vsel vm13, v62, v40;
	vm13 =	vgt.f32 v34, v2  }
0x2dd: {  	v36 =	vld [tilespmem:$0x1FCA0];
	v3 =	vsel vm10, v63, v3;
	v2 =	vsel vm13, v34, v2  }
0x2de: {  	v37 =	vld [tilespmem:$0x1FCB0];
	v3 =	vsel vm14, v41, v3;
	vm14 =	vgt.f32 v0, v2  }
0x2df: {  	v38 =	vld [tilespmem:$0x1FCC0];
	v3 =	vsel vm8, v42, v3;
	v2 =	vsel vm14, v0, v2  }
0x2e0: {  	v39 =	vld [tilespmem:$0x1FCD0];
	(xrf0) =	vmax.scan.msk.f32 $0xffff, v2;
	v3 =	vsel vm5, v43, v3  }
0x2e1: {  	v40 =	vld [tilespmem:$0x1FCE0];
	v3 =	vsel vm3, v35, v3  }
0x2e2: {  	v42 =	vld [tilespmem:$0x1FCF0];
	v3 =	vsel vm0, v36, v3  }
0x2e3: {  	v43 =	vld [tilespmem:$0x1FD00];
	v3 =	vsel vm1, v37, v3  }
0x2e4: {  	[tilespmem:$0x1600] =	vst v4;
	v4 =	vld [tilespmem:$0x1FD10];
	v3 =	vsel vm2, v38, v3  }
0x2e5: {  	v3 =	vsel vm4, v39, v3  }
0x2e6: {  	v41, _, _ =	vpop (xrf0);
	v3 =	vsel vm15, v40, v3  }
0x2e7: {  	v31 =	vbroadcast v41, $0xF;
	v3 =	vsel vm12, v42, v3  }
0x2e8: {  	v3 =	vsel vm13, v43, v3  }
0x2e9: {  	[tilespmem:$0x1610] =	vst v5;
	vm15 =	veq.f32 v2, v31;
	v3 =	vsel vm14, v4, v3  }
0x2ea: {  	[tilespmem:$0x1620] =	vst v6;
	v2 =	vnsel vm15, $0x80000200, v3  }
0x2eb: {  	[tilespmem:$0x1630] =	vst v7;
	(xrf0) =	vmin.scan.msk.u32 $0xffff, v2  }
0x2ec: {  	[tilespmem:$0x1650] =	vst v9  }
0x2ed: {  	[tilespmem:$0x1640] =	vst v8  }
0x2ee: {  	[tilespmem:$0x1670] =	vst v11  }
0x2ef: {  	[tilespmem:$0x1660] =	vst v10  }
0x2f0: {  	[tilespmem:$0x1690] =	vst v13  }
0x2f1: {  	[tilespmem:$0x1680] =	vst v12;
	v2, _, _ =	vpop (xrf0)  }
0x2f2: {  	[tilespmem:$0x16B0] =	vst v15;
	(v2sf) =	vpush v2, $0xF  }
0x2f3: {  	[tilespmem:$0x16A0] =	vst v14  }
0x2f4: {  	[tilespmem:$0x16C0] =	vst v16  }
0x2f5: {  	[tilespmem:$0x16D0] =	vst v17  }
0x2f6: {  	[tilespmem:$0x16F0] =	vst v19  }
0x2f7: {  	[tilespmem:$0x16E0] =	vst v18  }
0x2f8: {  	[tilespmem:$0x1710] =	vst v21  }
0x2f9: {  	[tilespmem:$0x1700] =	vst v20  }
0x2fa: {  	[tilespmem:$0x1730] =	vst v23  }
0x2fb: {  	[tilespmem:$0x1720] =	vst v22  }
0x2fc: {  	[tilespmem:$0x1750] =	vst v25  }
0x2fd: {  	[tilespmem:$0x1740] =	vst v24  }
0x2fe: {  	[tilespmem:$0x1770] =	vst v27  }
0x2ff: {  	[tilespmem:$0x1760] =	vst v26  }
0x300: {  	[tilespmem:$0x1780] =	vst v1  }
0x301: {  	[tilespmem:$0x1790] =	vst v29;
	s25 =	spop (v2sf)  }
0x302: {  	[tilespmem:$0x17A0] =	vst v32;
	s25 =	sxor.u32 $0x80000000, s25  }
0x303: {  	[tilespmem:$0x17B0] =	vst v28;
	v1 =	vmov s25  }
0x304: {  	[tilespmem:$0x17C0] =	vst v30  }
0x305: {  	[tilespmem:$0x17D0] =	vst v33  }
0x306: {  	[tilespmem:$0x17E0] =	vst v34  }
0x307: {  	[tilespmem:$0x17F0] =	vst v0  }
0x308: {  	v4 =	vmov s24;
	v3 =	vld.idx.msk [tilespmem:v1+s13+$0x0], $0xffff  }
0x309: {  	v2 =	vld.idx.msk [tilespmem:v1+s14+$0x0], $0xffff  }
0x30a: {  	p0 =	sne.s32 s24, $0x7F;
	v0 =	vld.idx.msk [tilespmem:v1+s15+$0x0], $0xffff  }
.Ltmp1:
0x30b: {  	_ = 	snop;
	(pc) =	sbr.rel @p0 .LBB2_4-.Ltmp1, $4  }
0x30c: {  	_ = 	snop  }
0x30d: {  	[tilespmem:v4+s19+$0x0] =	vst.idx.msk $0x1, v3  }
0x30e: {  	[tilespmem:v4+s20+$0x0] =	vst.idx.msk $0x1, v2  }
0x30f: {  	v33 =	vld [tilespmem:$0x1FEE0];
	s24 =	sadd.s32 $0x1, s24;
	[tilespmem:v4+s21+$0x0] =	vst.idx.msk $0x1, v0  }
0x310: {  	[hbm4b:s6+s18] =	stream.strided.scatter [tilespmem:s13], [sflag:$0x1], $0x200, s11, s18, $0x38;
	[tilespmem:$0x1980] =	vst v63  }
0x311: {  	_ =	swait.ge [sflag:s22], $0x200  }
0x312: {  	[sflag:s22] =	ssyncset.done $0x0  }
0x313: {  	[sflag:s22] =	ssyncadd.s32 $0xFFFFFE00  }
0x314: {  	[hbm4b:s7+s18] =	stream.strided.scatter [tilespmem:s14], [sflag:$0x1], $0x200, s11, s18, $0x38;
	[tilespmem:$0x1980] =	vst v63  }
0x315: {  	_ =	swait.ge [sflag:s22], $0x200  }
0x316: {  	[sflag:s22] =	ssyncset.done $0x0  }
0x317: {  	[sflag:s22] =	ssyncadd.s32 $0xFFFFFE00  }
0x318: {  	[hbm4b:s8+s18] =	stream.strided.scatter [tilespmem:s15], [sflag:$0x1], $0x200, s11, s18, $0x38;
	[tilespmem:$0x1980] =	vst v63  }
0x319: {  	_ =	swait.ge [sflag:s22], $0x200  }
0x31a: {  	[sflag:s22] =	ssyncset.done $0x0  }
0x31b: {  	[sflag:s22] =	ssyncadd.s32 $0xFFFFFE00  }
0x31c: {  	[hbm4b:s16+s2] =	stream.linear.scatter [tilespmem:s19], [sflag:$0x1], $0x80, $0x38;
	[tilespmem:$0x1980] =	vst v63  }
0x31d: {  	_ =	swait.ge [sflag:s22], $0x80  }
0x31e: {  	[sflag:s22] =	ssyncset.done $0x0  }
0x31f: {  	[sflag:s22] =	ssyncadd.s32 $0xFFFFFF80  }
0x320: {  	[hbm4b:s9+s2] =	stream.linear.scatter [tilespmem:s20], [sflag:$0x1], $0x80, $0x38;
	[tilespmem:$0x1980] =	vst v63  }
0x321: {  	s23 =	sadd.s32 $0x1, s23;
	_ =	swait.ge [sflag:s22], $0x80  }
0x322: {  	p0 =	sne.s32 s23, s17;
	[sflag:s22] =	ssyncset.done $0x0  }
.Ltmp2:
0x323: {  	[sflag:s22] =	ssyncadd.s32 $0xFFFFFF80;
	(pc) =	sbr.rel @p0 .LBB2_1-.Ltmp2, $4  }
0x324: {  	[hbm4b:s10+s2] =	stream.linear.scatter [tilespmem:s21], [sflag:$0x1], $0x80, $0x38;
	[tilespmem:$0x1980] =	vst v63  }
0x325: {  	_ =	swait.ge [sflag:s22], $0x80  }
0x326: {  	[sflag:s22] =	ssyncset.done $0x0  }
0x327: {  	[sflag:s22] =	ssyncadd.s32 $0xFFFFFF80  }
0x328: {  	_ =	sfence.sel $0x180000  }
0x329: {  	[bflag:$0x0] =	sbarrier.arrive $0xFFFF  }
0x32a: {  	p0 =	sne.s32 s1, $0x0;
	_ =	strace $0x90000047  }
0x32b: {  	s0 =	sadd.s32 @!p0 $0x100000, s0;
	[bflag:$0x2] =	sbarrier.arrive $0xFFFF  }
0x32c: {  	[sflag:s0] =	ssyncadd.tile.s32 @!p0 $0x1;
	_ =	shalt  }
.Lfunc_end2:
_tile_overlayer_lowered:
.L_overlay_start_2:
0x32d: {  	(tag) =	ssettag $0x2  }
0x32e: {  	s0 =	rddreg [dreg:$0x0];
	s2 =	stileid.u32  }
0x32f: {  	s1 =	rddreg [dreg:$0x1];
	p0 =	sne.s32 s2, $0x0  }
0x330: {  	s3 =	rddreg [dreg:$0x2];
	[bflag:$0x3] =	sbarrier.arrive $0xFFFF;
	s2 =	simm.s32 @!p0 $0x1C01  }
0x331: {  	[timem:s3], [sflag:s2] =	dma.local @!p0 [hbm:s0], s1  }
0x332: {  	s0 =	simm.s32 @!p0 $0x1  }
0x333: {  	_ =	swait.ge @!p0 [sflag:s0], s1  }
0x334: {  	s1 =	ssub.s32 @!p0 $0x0, s1;
	[sflag:s0] =	ssyncset.done @!p0 $0x0  }
0x335: {  	[sflag:s0] =	ssyncadd.s32 @!p0 s1  }
0x336: {  	[bflag:$0x3] =	sbarrier.arrive $0xFFFF  }
0x337: {  	_ =	shalt  }

</sc_bundles>
